<compile_context>
chip_gen: v7x
topology: tpu7x:2x2x1
jax: 0.10.2.dev20260603
libtpu: 0.0.44.dev20260713+nightly
codegen_flags: <defaults>
</compile_context>

<pallas_src>
import functools

import jax
import jax.numpy as jnp
from jax import lax
from jax.experimental import pallas as pl
from jax.experimental.pallas import tpu as pltpu
from jax.experimental.pallas import tpu_sc as plsc

_B = 2
_N1 = 1024
_N2 = 16384
_C = 128
_K = 50
_NW = 32
_RPW = (_B * _N1) // _NW
_SPB = _N1 // _RPW
_NG = _N2 // 16
_NS = _NG // 16
_RK = _RPW * _K
_INF = 3.0e38
_EPS = 1e-5
_NTOT = float(_B * _N1 * _K)
_ROWBLK = 2048
_NBLK = (_B * _N1 * _K) // _ROWBLK


def _full16(v, dtype=jnp.int32):
    return jnp.full((16,), v, dtype)


def _knn_body(xp, yp, zp, sp, qx, qy, qz, qs, gidx,
              xb, yb, zb, sb, qxb, qyb, qzb, qsb, db, cmb, smb, ixb):
    wid = lax.axis_index("s") * 2 + lax.axis_index("c")
    b = wid // _SPB
    qoff = (wid % _SPB) * _RPW
    pltpu.sync_copy(xp.at[b], xb)
    pltpu.sync_copy(yp.at[b], yb)
    pltpu.sync_copy(zp.at[b], zb)
    pltpu.sync_copy(sp.at[b], sb)
    pltpu.sync_copy(qx.at[b, pl.ds(qoff, _RPW)], qxb)
    pltpu.sync_copy(qy.at[b, pl.ds(qoff, _RPW)], qyb)
    pltpu.sync_copy(qz.at[b, pl.ds(qoff, _RPW)], qzb)
    pltpu.sync_copy(qs.at[b, pl.ds(qoff, _RPW)], qsb)
    iota16 = lax.iota(jnp.int32, 16)
    batch_base = b * _N2

    def qbody(q, _):
        qi = _full16(q)
        qxs = plsc.load_gather(qxb, [qi])
        qys = plsc.load_gather(qyb, [qi])
        qzs = plsc.load_gather(qzb, [qi])
        qss = plsc.load_gather(qsb, [qi])

        for u in range(4):
            def vbody(v2, smacc, u=u):
                base = (u + 4 * v2) * 16
                gm = jnp.full((16,), _INF)
                for m in range(16):
                    off = m * _NG + base
                    xv = xb[pl.ds(off, 16)]
                    yv = yb[pl.ds(off, 16)]
                    zv = zb[pl.ds(off, 16)]
                    sv = sb[pl.ds(off, 16)]
                    d = (qss + sv) - 2.0 * ((qxs * xv + qys * yv)
                                            + qzs * zv)
                    db[pl.ds(off, 16)] = d
                    gm = jnp.minimum(gm, d)
                cmb[pl.ds(base, 16)] = gm
                return jnp.minimum(smacc, gm)
            smacc = lax.fori_loop(0, 16, vbody, jnp.full((16,), _INF))
            smb[pl.ds(u * 16, 16)] = smacc

        rowbase = q * _K
        for vec_i in range(4):
            nr = 16 if vec_i < 3 else 2

            def rbody(r2, outvec):
                rm = jnp.full((16,), _INF)
                ra = jnp.zeros((16,), jnp.int32)
                for i in range(4):
                    smv = smb[pl.ds(i * 16, 16)]
                    msk = smv < rm
                    rm = jnp.where(msk, smv, rm)
                    ra = jnp.where(msk, jnp.full((16,), i, jnp.int32), ra)
                m = jnp.min(rm)
                key = jnp.where(rm == m, ra * 16 + iota16,
                                jnp.full((16,), 1024, jnp.int32))
                s_star = jnp.min(key)
                cmg = plsc.load_gather(cmb, [iota16 * _NS + s_star])
                m2v = plsc.all_reduce_ffs(cmg == m)
                g_star = m2v * _NS + s_star
                dg = plsc.load_gather(db, [iota16 * _NG + g_star])
                mmv = plsc.all_reduce_ffs(dg == m)
                j_loc = mmv * _NG + g_star
                j_cand = s_star * 256 + m2v * 16 + mmv
                outvec = jnp.where(iota16 == r2, j_cand + batch_base, outvec)
                lane0 = iota16 == 0
                plsc.store_scatter(db, [j_loc],
                                   jnp.full((16,), _INF), mask=lane0)
                ncm = jnp.min(jnp.where(iota16 == mmv, _INF, dg))
                plsc.store_scatter(cmb, [g_star],
                                   jnp.full((16,), ncm), mask=lane0)
                nsm = jnp.min(jnp.where(iota16 == m2v, ncm, cmg))
                plsc.store_scatter(smb, [jnp.full((16,), s_star, jnp.int32)],
                                   jnp.full((16,), nsm), mask=lane0)
                return outvec

            outvec = lax.fori_loop(0, nr, rbody, jnp.zeros((16,), jnp.int32))
            if vec_i < 3:
                ixb[pl.ds(rowbase + vec_i * 16, 16)] = outvec
            else:
                plsc.store_compressed(ixb.at[pl.ds(rowbase + 48, 16)],
                                      outvec, mask=iota16 < 2)
        return 0

    lax.fori_loop(0, _RPW, qbody, 0)
    pltpu.sync_copy(ixb.at[pl.ds(0, _RK)], gidx.at[pl.ds(wid * _RK, _RK)])


def _knn_call(xp, yp, zp, sp, qx, qy, qz, qs):
    return pl.kernel(
        _knn_body,
        out_type=jax.ShapeDtypeStruct((_B * _N1 * _K,), jnp.int32),
        mesh=plsc.VectorSubcoreMesh(core_axis_name="c", subcore_axis_name="s"),
        compiler_params=pltpu.CompilerParams(needs_layout_passes=False),
        scratch_types=[
            pltpu.VMEM((_N2,), jnp.float32),
            pltpu.VMEM((_N2,), jnp.float32),
            pltpu.VMEM((_N2,), jnp.float32),
            pltpu.VMEM((_N2,), jnp.float32),
            pltpu.VMEM((_RPW,), jnp.float32),
            pltpu.VMEM((_RPW,), jnp.float32),
            pltpu.VMEM((_RPW,), jnp.float32),
            pltpu.VMEM((_RPW,), jnp.float32),
            pltpu.VMEM((_N2,), jnp.float32),
            pltpu.VMEM((_NG,), jnp.float32),
            pltpu.VMEM((_NS,), jnp.float32),
            pltpu.VMEM((_RK + 16,), jnp.int32),
        ],
    )(xp, yp, zp, sp, qx, qy, qz, qs)


def _gather_body(feat, gidx, out, idxb, rowb0, rowb1, sem0, sem1):
    wid = lax.axis_index("s") * 2 + lax.axis_index("c")
    nchunks = _RK // 128
    pltpu.sync_copy(gidx.at[pl.ds(wid * _RK, _RK)], idxb)
    bufs = (rowb0, rowb1)
    sems = (sem0, sem1)
    pltpu.async_copy(feat.at[idxb.at[pl.ds(0, 128)]], rowb0, sem0)

    def cbody(c, _):
        for par in range(2):
            @pl.when((c % 2) == par)
            def _(par=par):
                nxt = feat.at[idxb.at[pl.ds((c + 1) * 128, 128)]]
                @pl.when(c + 1 < nchunks)
                def _():
                    pltpu.async_copy(nxt, bufs[1 - par], sems[1 - par])
                pltpu.make_async_copy(nxt, bufs[par], sems[par]).wait()
                pltpu.sync_copy(bufs[par],
                                out.at[pl.ds(wid * _RK + c * 128, 128)])
        return 0

    lax.fori_loop(0, nchunks, cbody, 0)


def _gather_call(featflat, gidx):
    return pl.kernel(
        _gather_body,
        out_type=jax.ShapeDtypeStruct((_B * _N1 * _K, _C), jnp.float32),
        mesh=plsc.VectorSubcoreMesh(core_axis_name="c", subcore_axis_name="s"),
        compiler_params=pltpu.CompilerParams(needs_layout_passes=False),
        scratch_types=[
            pltpu.VMEM((_RK,), jnp.int32),
            pltpu.VMEM((128, _C), jnp.float32),
            pltpu.VMEM((128, _C), jnp.float32),
            pltpu.SemaphoreType.DMA,
            pltpu.SemaphoreType.DMA,
        ],
    )(featflat, gidx)


def _fold_stats(s_acc, m_acc, w, wt, bias, gamma, beta):
    mu = s_acc / _NTOT
    mean = jnp.dot(mu, wt, preferred_element_type=jnp.float32) + bias
    t = jnp.dot(w, m_acc / _NTOT, preferred_element_type=jnp.float32)
    ey2 = jnp.sum(t * w, axis=1)[None, :]
    ey2 = ey2 + 2.0 * bias * mean - bias * bias
    var = ey2 - mean * mean
    sc = gamma * lax.rsqrt(var + _EPS)
    at = wt * sc
    c = sc * (bias - mean) + beta
    return at, c


def _passA_body(g_ref, w_ref, wt_ref, b_ref, ga_ref, be_ref,
                at_ref, c_ref, s_acc, m_acc):
    @pl.when(pl.program_id(0) == 0)
    def _():
        s_acc[...] = jnp.zeros_like(s_acc)
        m_acc[...] = jnp.zeros_like(m_acc)

    g = g_ref[...]
    s_acc[...] += jnp.sum(g, axis=0, keepdims=True)
    m_acc[...] += lax.dot_general(g, g, (((0,), (0,)), ((), ())),
                                  preferred_element_type=jnp.float32)

    @pl.when(pl.program_id(0) == _NBLK - 1)
    def _():
        at, c = _fold_stats(s_acc[...], m_acc[...], w_ref[...], wt_ref[...],
                            b_ref[...], ga_ref[...], be_ref[...])
        at_ref[...] = at
        c_ref[...] = c


def _passB_body(g_ref, a1t_ref, c1_ref, w_ref, wt_ref, b_ref, ga_ref, be_ref,
                at_ref, c_ref, s_acc, m_acc):
    @pl.when(pl.program_id(0) == 0)
    def _():
        s_acc[...] = jnp.zeros_like(s_acc)
        m_acc[...] = jnp.zeros_like(m_acc)

    g = g_ref[...]
    r = jnp.maximum(jnp.dot(g, a1t_ref[...],
                            preferred_element_type=jnp.float32)
                    + c1_ref[...], 0.0)
    s_acc[...] += jnp.sum(r, axis=0, keepdims=True)
    m_acc[...] += lax.dot_general(r, r, (((0,), (0,)), ((), ())),
                                  preferred_element_type=jnp.float32)

    @pl.when(pl.program_id(0) == _NBLK - 1)
    def _():
        at, c = _fold_stats(s_acc[...], m_acc[...], w_ref[...], wt_ref[...],
                            b_ref[...], ga_ref[...], be_ref[...])
        at_ref[...] = at
        c_ref[...] = c


def _passC_body(g_ref, a1t_ref, c1_ref, a2t_ref, c2_ref, o_ref):
    g = g_ref[...]
    r = jnp.maximum(jnp.dot(g, a1t_ref[...],
                            preferred_element_type=jnp.float32)
                    + c1_ref[...], 0.0)
    o_ref[...] = (jnp.dot(r, a2t_ref[...], preferred_element_type=jnp.float32)
                  + c2_ref[...])


_full_spec = pl.BlockSpec((128, 128), lambda i: (0, 0))
_vec_spec = pl.BlockSpec((1, 128), lambda i: (0, 0))
_row_spec = pl.BlockSpec((_ROWBLK, 128), lambda i: (i, 0))


def _passA(G, w, wt, bias, gamma, beta):
    return pl.pallas_call(
        _passA_body,
        grid=(_NBLK,),
        in_specs=[_row_spec, _full_spec, _full_spec, _vec_spec, _vec_spec,
                  _vec_spec],
        out_specs=[_full_spec, _vec_spec],
        out_shape=[jax.ShapeDtypeStruct((128, 128), jnp.float32),
                   jax.ShapeDtypeStruct((1, 128), jnp.float32)],
        scratch_shapes=[pltpu.VMEM((1, 128), jnp.float32),
                        pltpu.VMEM((128, 128), jnp.float32)],
    )(G, w, wt, bias, gamma, beta)


def _passB(G, a1t, c1, w, wt, bias, gamma, beta):
    return pl.pallas_call(
        _passB_body,
        grid=(_NBLK,),
        in_specs=[_row_spec, _full_spec, _vec_spec, _full_spec, _full_spec,
                  _vec_spec, _vec_spec, _vec_spec],
        out_specs=[_full_spec, _vec_spec],
        out_shape=[jax.ShapeDtypeStruct((128, 128), jnp.float32),
                   jax.ShapeDtypeStruct((1, 128), jnp.float32)],
        scratch_shapes=[pltpu.VMEM((1, 128), jnp.float32),
                        pltpu.VMEM((128, 128), jnp.float32)],
    )(G, a1t, c1, w, wt, bias, gamma, beta)


def _passC(G, a1t, c1, a2t, c2):
    return pl.pallas_call(
        _passC_body,
        grid=(_NBLK,),
        in_specs=[_row_spec, _full_spec, _vec_spec, _full_spec, _vec_spec],
        out_specs=_row_spec,
        out_shape=jax.ShapeDtypeStruct((_B * _N1 * _K, _C), jnp.float32),
    )(G, a1t, c1, a2t, c2)


def _bf16_round(x):
    u = lax.bitcast_convert_type(x, jnp.uint32)
    u = (u + jnp.uint32(0x7FFF) + ((u >> 16) & jnp.uint32(1))) \
        & jnp.uint32(0xFFFF0000)
    return lax.bitcast_convert_type(u, jnp.float32)


def kernel(xyz, p1, feat, W1, b1, g1, be1, W2, b2, g2, be2):
    xyz_b = _bf16_round(xyz)
    p1_b = _bf16_round(p1)

    def _perm(a):
        return a.reshape(_B, 64, 16, 16).transpose(0, 3, 2, 1).reshape(_B, _N2)

    xp = _perm(xyz_b[:, :, 0])
    yp = _perm(xyz_b[:, :, 1])
    zp = _perm(xyz_b[:, :, 2])
    sp = _perm(jnp.sum(xyz * xyz, axis=-1))
    qx = p1_b[:, :, 0]
    qy = p1_b[:, :, 1]
    qz = p1_b[:, :, 2]
    qs = jnp.sum(p1 * p1, axis=-1)

    gidx = _knn_call(xp, yp, zp, sp, qx, qy, qz, qs)
    featflat = feat.reshape(_B * _N2, _C)
    G = _gather_call(featflat, gidx)

    w1t = W1.T
    w2t = W2.T
    b1r, g1r, be1r = b1[None, :], g1[None, :], be1[None, :]
    b2r, g2r, be2r = b2[None, :], g2[None, :], be2[None, :]
    a1t, c1 = _passA(G, W1, w1t, b1r, g1r, be1r)
    a2t, c2 = _passB(G, a1t, c1, W2, w2t, b2r, g2r, be2r)
    out = _passC(G, a1t, c1, a2t, c2)
    return out.reshape(_B, _N1, _K, _C)

# --- scband reference (transcript-rebuilt; emitter-appended) ---
"""Pipeline reference for scband-feature-grouper-46755013984988 (READ-ONLY COPY).

The authoritative reference and input builder live on the scoring server;
editing this copy changes nothing except your own understanding.
"""

import jax, jax.numpy as jnp
import numpy as np

GROUP_NUM = 50


def _knn_idx(p1, p2, K):
    # squared L2 distances via ||a||^2 + ||b||^2 - 2ab to avoid [B,N1,N2,3] blowup
    p1_sq = jnp.sum(p1 * p1, axis=-1)              # [B, N1]
    p2_sq = jnp.sum(p2 * p2, axis=-1)              # [B, N2]
    inner = jnp.einsum('bnd,bmd->bnm', p1, p2)     # [B, N1, N2]
    dists = p1_sq[:, :, None] + p2_sq[:, None, :] - 2.0 * inner
    _, idx = jax.lax.top_k(-dists, K)              # nearest K -> [B, N1, K]
    return idx


def _bn(x, gamma, beta, eps=1e-5):
    # x: [BN, C, K]; training-mode batchnorm over (batch, length) per channel
    mean = jnp.mean(x, axis=(0, 2), keepdims=True)
    var = jnp.var(x, axis=(0, 2), keepdims=True)
    xhat = (x - mean) / jnp.sqrt(var + eps)
    return xhat * gamma[None, :, None] + beta[None, :, None]


def setup_inputs(seed: int = 0) -> dict:
    key = jax.random.key(seed)
    ks = jax.random.split(key, 6)
    B, N2, N1, C = 2, 16384, 1024, 128
    xyz = jax.random.normal(ks[0], (B, N2, 3), dtype=jnp.float32)
    p1 = jax.random.normal(ks[1], (B, N1, 3), dtype=jnp.float32)
    feat = jax.random.normal(ks[2], (B, N2, C), dtype=jnp.float32)
    W1 = jax.random.normal(ks[3], (C, C), dtype=jnp.float32) * 0.05
    b1 = jnp.zeros((C,), jnp.float32)
    g1 = jnp.ones((C,), jnp.float32)
    be1 = jnp.zeros((C,), jnp.float32)
    W2 = jax.random.normal(ks[4], (C, C), dtype=jnp.float32) * 0.05
    b2 = jnp.zeros((C,), jnp.float32)
    g2 = jnp.ones((C,), jnp.float32)
    be2 = jnp.zeros((C,), jnp.float32)
    return {"xyz": xyz, "p1": p1, "feat": feat,
            "W1": W1, "b1": b1, "g1": g1, "be1": be1,
            "W2": W2, "b2": b2, "g2": g2, "be2": be2}


def reference(xyz, p1, feat, W1, b1, g1, be1, W2, b2, g2, be2):
    K = GROUP_NUM
    idx = _knn_idx(p1, xyz, K)                     # [B, N1, K]
    feat_group = jax.vmap(lambda f, i: f[i])(feat, idx)  # [B, N1, K, C] gather
    B, N, Kk, C = feat_group.shape
    x = feat_group.reshape(-1, Kk, C).transpose(0, 2, 1)  # [B*N, C, K]
    x = jnp.einsum('oc,bck->bok', W1, x) + b1[None, :, None]
    x = _bn(x, g1, be1)
    x = jax.nn.relu(x)
    x = jnp.einsum('oc,bck->bok', W2, x) + b2[None, :, None]
    x = _bn(x, g2, be2)
    out = x.transpose(0, 2, 1).reshape(B, N, Kk, C)
    return out

if __name__ == "__main__":
    import jax
    _d = setup_inputs()
    print(jax.jit(kernel)(*tuple(_d.values())))

</pallas_src>

<mosaic_0001>
#map = affine_map<(d0, d1) -> (0, 0)>
#map1 = affine_map<(d0, d1) -> (0)>
module attributes {stable_mosaic.version = 14 : i64} {
  func.func @_gather_body(%arg0: i32, %arg1: i32, %arg2: memref<32768x128xf32, #tpu.memory_space<hbm>>, %arg3: memref<102400xi32, #tpu.memory_space<hbm>>, %arg4: memref<102400x128xf32, #tpu.memory_space<hbm>>, %arg5: memref<3200xi32, #tpu.memory_space<vmem>>, %arg6: memref<128x128xf32, #tpu.memory_space<vmem>>, %arg7: memref<128x128xf32, #tpu.memory_space<vmem>>, %arg8: memref<!tpu.dma_semaphore, #tpu.memory_space<semaphore_mem>>, %arg9: memref<!tpu.dma_semaphore, #tpu.memory_space<semaphore_mem>>) attributes {dimension_semantics = [#tpu.dimension_semantics<core_parallel>, #tpu.dimension_semantics<subcore_parallel>], iteration_bounds = array<i64: 2, 16>, scalar_prefetch = 0 : i64, scratch_operands = 5 : i64, tpu.core_type = #tpu.core_type<sc_vector_subcore>, window_params = [{transform_indices = #map}, {transform_indices = #map1}, {transform_indices = #map}]} {
    %mul3A = arith.constant 2 : i32
    %mul3A_0 = arith.muli %arg1, %mul3A : i32
    %add3A = arith.addi %mul3A_0, %arg0 : i32
    %mul3A_1 = arith.constant 3200 : i32
    %mul3A_2 = arith.muli %add3A, %mul3A_1 : i32
    "tpu.region"() ({
      %run_scoped3A = tpu.sem_alloc : memref<!tpu.dma_semaphore, #tpu.memory_space<semaphore_mem>>
      %dma_start3A_13 = tpu.memref_slice %arg3[%mul3A_2] : memref<102400xi32, #tpu.memory_space<hbm>> -> memref<3200xi32, #tpu.memory_space<hbm>>
      %dma_start3A_14 = tpu.memref_slice %arg3[%mul3A_2] : memref<102400xi32, #tpu.memory_space<hbm>> -> memref<3200xi32, #tpu.memory_space<hbm>>
      tpu.enqueue_dma source(%dma_start3A_14 : memref<3200xi32, #tpu.memory_space<hbm>>) target(%arg5 : memref<3200xi32, #tpu.memory_space<vmem>>) target_semaphore(%run_scoped3A : memref<!tpu.dma_semaphore, #tpu.memory_space<semaphore_mem>>)
      %dma_wait3A = tpu.memref_slice %arg3[%mul3A_2] : memref<102400xi32, #tpu.memory_space<hbm>> -> memref<3200xi32, #tpu.memory_space<hbm>>
      %dma_wait3A_15 = tpu.memref_slice %arg3[%mul3A_2] : memref<102400xi32, #tpu.memory_space<hbm>> -> memref<3200xi32, #tpu.memory_space<hbm>>
      tpu.wait_dma2 semaphore(%run_scoped3A : memref<!tpu.dma_semaphore, #tpu.memory_space<semaphore_mem>>) src(%dma_wait3A_15 : memref<3200xi32, #tpu.memory_space<hbm>>) dst(%arg5 : memref<3200xi32, #tpu.memory_space<vmem>>)
      tpu.yield
    }) : () -> ()
    %dma_start3A = arith.constant 0 : i32
    %dma_start3A_3 = tpu.memref_slice %arg5[%dma_start3A] : memref<3200xi32, #tpu.memory_space<vmem>> -> memref<128xi32, #tpu.memory_space<vmem>>
    %dma_start3A_4 = arith.constant 0 : i32
    %dma_start3A_5 = arith.constant 0 : i32
    %dma_start3A_6 = tpu.memref_slice %arg2[%dma_start3A_4, %dma_start3A_5] : memref<32768x128xf32, #tpu.memory_space<hbm>> -> memref<32768x128xf32, #tpu.memory_space<hbm>>
    tpu.enqueue_indirect_dma source(%dma_start3A_6 : memref<32768x128xf32, #tpu.memory_space<hbm>>) target(%arg6 : memref<128x128xf32, #tpu.memory_space<vmem>>) offsets(%dma_start3A_3 : memref<128xi32, #tpu.memory_space<vmem>>) semaphore(%arg8 : memref<!tpu.dma_semaphore, #tpu.memory_space<semaphore_mem>>)
    %scan3A = arith.constant 0 : i32
    %scan3A_7 = arith.constant 0 : i32
    %scan3A_8 = arith.constant 25 : i32
    %scan3A_9 = arith.addi %scan3A_7, %scan3A_8 : i32
    %scan3A_10 = arith.constant 1 : i32
    %scan3A_11 = scf.for %scan3A_13 = %scan3A_7 to %scan3A_9 step %scan3A_10 iter_args(%scan3A_14 = %scan3A) -> (i32)  : i32 {
      %jit3A = arith.constant 2 : i32
      %eq3A = arith.constant 0 : i32
      %eq3A_15 = arith.cmpi eq, %jit3A, %eq3A : i32
      %jit3A_16 = arith.constant 1 : i32
      %select_n3A = arith.select %eq3A_15, %jit3A_16, %jit3A : i32
      %rem3A = arith.remsi %scan3A_13, %select_n3A : i32
      %ne3A = arith.constant 0 : i32
      %ne3A_17 = arith.cmpi ne, %rem3A, %ne3A : i32
      %lt3A = arith.constant 0 : i32
      %lt3A_18 = arith.cmpi slt, %rem3A, %lt3A : i32
      %lt3A_19 = arith.constant 0 : i32
      %lt3A_20 = arith.cmpi slt, %select_n3A, %lt3A_19 : i32
      %ne3A_21 = arith.xori %lt3A_18, %lt3A_20 : i1
      %and3A = arith.andi %ne3A_21, %ne3A_17 : i1
      %add3A_22 = arith.addi %rem3A, %select_n3A : i32
      %select_n3A_23 = arith.select %and3A, %add3A_22, %rem3A : i32
      %eq3A_24 = arith.constant 0 : i32
      %eq3A_25 = arith.cmpi eq, %select_n3A_23, %eq3A_24 : i32
      %convert_element_type3A = arith.extui %eq3A_25 : i1 to i32
      %cond3A = arith.constant 0 : i32
      %cond3A_26 = arith.cmpi ne, %convert_element_type3A, %cond3A : i32
      scf.if %cond3A_26 {
        %add3A_49 = arith.constant 1 : i32
        %add3A_50 = arith.addi %scan3A_13, %add3A_49 : i32
        %mul3A_51 = arith.constant 128 : i32
        %mul3A_52 = arith.muli %add3A_50, %mul3A_51 : i32
        %add3A_53 = arith.constant 1 : i32
        %add3A_54 = arith.addi %scan3A_13, %add3A_53 : i32
        %lt3A_55 = arith.constant 25 : i32
        %lt3A_56 = arith.cmpi slt, %add3A_54, %lt3A_55 : i32
        %convert_element_type3A_57 = arith.extui %lt3A_56 : i1 to i32
        %cond3A_58 = arith.constant 0 : i32
        %cond3A_59 = arith.cmpi ne, %convert_element_type3A_57, %cond3A_58 : i32
        scf.if %cond3A_59 {
          %dma_start3A_68 = tpu.memref_slice %arg5[%mul3A_52] : memref<3200xi32, #tpu.memory_space<vmem>> -> memref<128xi32, #tpu.memory_space<vmem>>
          %dma_start3A_69 = arith.constant 0 : i32
          %dma_start3A_70 = arith.constant 0 : i32
          %dma_start3A_71 = tpu.memref_slice %arg2[%dma_start3A_69, %dma_start3A_70] : memref<32768x128xf32, #tpu.memory_space<hbm>> -> memref<32768x128xf32, #tpu.memory_space<hbm>>
          tpu.enqueue_indirect_dma source(%dma_start3A_71 : memref<32768x128xf32, #tpu.memory_space<hbm>>) target(%arg7 : memref<128x128xf32, #tpu.memory_space<vmem>>) offsets(%dma_start3A_68 : memref<128xi32, #tpu.memory_space<vmem>>) semaphore(%arg9 : memref<!tpu.dma_semaphore, #tpu.memory_space<semaphore_mem>>)
        } else {
        }
        %dma_wait3A = tpu.memref_slice %arg5[%mul3A_52] : memref<3200xi32, #tpu.memory_space<vmem>> -> memref<128xi32, #tpu.memory_space<vmem>>
        %dma_wait3A_60 = arith.constant 0 : i32
        %dma_wait3A_61 = arith.constant 0 : i32
        %dma_wait3A_62 = tpu.memref_slice %arg2[%dma_wait3A_60, %dma_wait3A_61] : memref<32768x128xf32, #tpu.memory_space<hbm>> -> memref<32768x128xf32, #tpu.memory_space<hbm>>
        tpu.wait_indirect_dma semaphore(%arg8 : memref<!tpu.dma_semaphore, #tpu.memory_space<semaphore_mem>>) src(%dma_wait3A_62 : memref<32768x128xf32, #tpu.memory_space<hbm>>) dst(%arg6 : memref<128x128xf32, #tpu.memory_space<vmem>>)
        %mul3A_63 = arith.constant 3200 : i32
        %mul3A_64 = arith.muli %add3A, %mul3A_63 : i32
        %mul3A_65 = arith.constant 128 : i32
        %mul3A_66 = arith.muli %scan3A_13, %mul3A_65 : i32
        %add3A_67 = arith.addi %mul3A_64, %mul3A_66 : i32
        "tpu.region"() ({
          %run_scoped3A = tpu.sem_alloc : memref<!tpu.dma_semaphore, #tpu.memory_space<semaphore_mem>>
          %dma_start3A_68 = arith.constant 0 : i32
          %dma_start3A_69 = tpu.memref_slice %arg4[%add3A_67, %dma_start3A_68] : memref<102400x128xf32, #tpu.memory_space<hbm>> -> memref<128x128xf32, #tpu.memory_space<hbm>>
          %dma_start3A_70 = arith.constant 0 : i32
          %dma_start3A_71 = tpu.memref_slice %arg4[%add3A_67, %dma_start3A_70] : memref<102400x128xf32, #tpu.memory_space<hbm>> -> memref<128x128xf32, #tpu.memory_space<hbm>>
          tpu.enqueue_dma source(%arg6 : memref<128x128xf32, #tpu.memory_space<vmem>>) target(%dma_start3A_71 : memref<128x128xf32, #tpu.memory_space<hbm>>) target_semaphore(%run_scoped3A : memref<!tpu.dma_semaphore, #tpu.memory_space<semaphore_mem>>)
          %dma_wait3A_72 = arith.constant 0 : i32
          %dma_wait3A_73 = tpu.memref_slice %arg4[%add3A_67, %dma_wait3A_72] : memref<102400x128xf32, #tpu.memory_space<hbm>> -> memref<128x128xf32, #tpu.memory_space<hbm>>
          %dma_wait3A_74 = arith.constant 0 : i32
          %dma_wait3A_75 = tpu.memref_slice %arg4[%add3A_67, %dma_wait3A_74] : memref<102400x128xf32, #tpu.memory_space<hbm>> -> memref<128x128xf32, #tpu.memory_space<hbm>>
          tpu.wait_dma2 semaphore(%run_scoped3A : memref<!tpu.dma_semaphore, #tpu.memory_space<semaphore_mem>>) src(%arg6 : memref<128x128xf32, #tpu.memory_space<vmem>>) dst(%dma_wait3A_75 : memref<128x128xf32, #tpu.memory_space<hbm>>)
          tpu.yield
        }) : () -> ()
      } else {
      }
      %jit3A_27 = arith.constant 2 : i32
      %eq3A_28 = arith.constant 0 : i32
      %eq3A_29 = arith.cmpi eq, %jit3A_27, %eq3A_28 : i32
      %jit3A_30 = arith.constant 1 : i32
      %select_n3A_31 = arith.select %eq3A_29, %jit3A_30, %jit3A_27 : i32
      %rem3A_32 = arith.remsi %scan3A_13, %select_n3A_31 : i32
      %ne3A_33 = arith.constant 0 : i32
      %ne3A_34 = arith.cmpi ne, %rem3A_32, %ne3A_33 : i32
      %lt3A_35 = arith.constant 0 : i32
      %lt3A_36 = arith.cmpi slt, %rem3A_32, %lt3A_35 : i32
      %lt3A_37 = arith.constant 0 : i32
      %lt3A_38 = arith.cmpi slt, %select_n3A_31, %lt3A_37 : i32
      %ne3A_39 = arith.xori %lt3A_36, %lt3A_38 : i1
      %and3A_40 = arith.andi %ne3A_39, %ne3A_34 : i1
      %add3A_41 = arith.addi %rem3A_32, %select_n3A_31 : i32
      %select_n3A_42 = arith.select %and3A_40, %add3A_41, %rem3A_32 : i32
      %eq3A_43 = arith.constant 1 : i32
      %eq3A_44 = arith.cmpi eq, %select_n3A_42, %eq3A_43 : i32
      %convert_element_type3A_45 = arith.extui %eq3A_44 : i1 to i32
      %cond3A_46 = arith.constant 0 : i32
      %cond3A_47 = arith.cmpi ne, %convert_element_type3A_45, %cond3A_46 : i32
      scf.if %cond3A_47 {
        %add3A_49 = arith.constant 1 : i32
        %add3A_50 = arith.addi %scan3A_13, %add3A_49 : i32
        %mul3A_51 = arith.constant 128 : i32
        %mul3A_52 = arith.muli %add3A_50, %mul3A_51 : i32
        %add3A_53 = arith.constant 1 : i32
        %add3A_54 = arith.addi %scan3A_13, %add3A_53 : i32
        %lt3A_55 = arith.constant 25 : i32
        %lt3A_56 = arith.cmpi slt, %add3A_54, %lt3A_55 : i32
        %convert_element_type3A_57 = arith.extui %lt3A_56 : i1 to i32
        %cond3A_58 = arith.constant 0 : i32
        %cond3A_59 = arith.cmpi ne, %convert_element_type3A_57, %cond3A_58 : i32
        scf.if %cond3A_59 {
          %dma_start3A_68 = tpu.memref_slice %arg5[%mul3A_52] : memref<3200xi32, #tpu.memory_space<vmem>> -> memref<128xi32, #tpu.memory_space<vmem>>
          %dma_start3A_69 = arith.constant 0 : i32
          %dma_start3A_70 = arith.constant 0 : i32
          %dma_start3A_71 = tpu.memref_slice %arg2[%dma_start3A_69, %dma_start3A_70] : memref<32768x128xf32, #tpu.memory_space<hbm>> -> memref<32768x128xf32, #tpu.memory_space<hbm>>
          tpu.enqueue_indirect_dma source(%dma_start3A_71 : memref<32768x128xf32, #tpu.memory_space<hbm>>) target(%arg6 : memref<128x128xf32, #tpu.memory_space<vmem>>) offsets(%dma_start3A_68 : memref<128xi32, #tpu.memory_space<vmem>>) semaphore(%arg8 : memref<!tpu.dma_semaphore, #tpu.memory_space<semaphore_mem>>)
        } else {
        }
        %dma_wait3A = tpu.memref_slice %arg5[%mul3A_52] : memref<3200xi32, #tpu.memory_space<vmem>> -> memref<128xi32, #tpu.memory_space<vmem>>
        %dma_wait3A_60 = arith.constant 0 : i32
        %dma_wait3A_61 = arith.constant 0 : i32
        %dma_wait3A_62 = tpu.memref_slice %arg2[%dma_wait3A_60, %dma_wait3A_61] : memref<32768x128xf32, #tpu.memory_space<hbm>> -> memref<32768x128xf32, #tpu.memory_space<hbm>>
        tpu.wait_indirect_dma semaphore(%arg9 : memref<!tpu.dma_semaphore, #tpu.memory_space<semaphore_mem>>) src(%dma_wait3A_62 : memref<32768x128xf32, #tpu.memory_space<hbm>>) dst(%arg7 : memref<128x128xf32, #tpu.memory_space<vmem>>)
        %mul3A_63 = arith.constant 3200 : i32
        %mul3A_64 = arith.muli %add3A, %mul3A_63 : i32
        %mul3A_65 = arith.constant 128 : i32
        %mul3A_66 = arith.muli %scan3A_13, %mul3A_65 : i32
        %add3A_67 = arith.addi %mul3A_64, %mul3A_66 : i32
        "tpu.region"() ({
          %run_scoped3A = tpu.sem_alloc : memref<!tpu.dma_semaphore, #tpu.memory_space<semaphore_mem>>
          %dma_start3A_68 = arith.constant 0 : i32
          %dma_start3A_69 = tpu.memref_slice %arg4[%add3A_67, %dma_start3A_68] : memref<102400x128xf32, #tpu.memory_space<hbm>> -> memref<128x128xf32, #tpu.memory_space<hbm>>
          %dma_start3A_70 = arith.constant 0 : i32
          %dma_start3A_71 = tpu.memref_slice %arg4[%add3A_67, %dma_start3A_70] : memref<102400x128xf32, #tpu.memory_space<hbm>> -> memref<128x128xf32, #tpu.memory_space<hbm>>
          tpu.enqueue_dma source(%arg7 : memref<128x128xf32, #tpu.memory_space<vmem>>) target(%dma_start3A_71 : memref<128x128xf32, #tpu.memory_space<hbm>>) target_semaphore(%run_scoped3A : memref<!tpu.dma_semaphore, #tpu.memory_space<semaphore_mem>>)
          %dma_wait3A_72 = arith.constant 0 : i32
          %dma_wait3A_73 = tpu.memref_slice %arg4[%add3A_67, %dma_wait3A_72] : memref<102400x128xf32, #tpu.memory_space<hbm>> -> memref<128x128xf32, #tpu.memory_space<hbm>>
          %dma_wait3A_74 = arith.constant 0 : i32
          %dma_wait3A_75 = tpu.memref_slice %arg4[%add3A_67, %dma_wait3A_74] : memref<102400x128xf32, #tpu.memory_space<hbm>> -> memref<128x128xf32, #tpu.memory_space<hbm>>
          tpu.wait_dma2 semaphore(%run_scoped3A : memref<!tpu.dma_semaphore, #tpu.memory_space<semaphore_mem>>) src(%arg7 : memref<128x128xf32, #tpu.memory_space<vmem>>) dst(%dma_wait3A_75 : memref<128x128xf32, #tpu.memory_space<hbm>>)
          tpu.yield
        }) : () -> ()
      } else {
      }
      %scan3A_48 = arith.constant 0 : i32
      scf.yield %scan3A_48 : i32
    }
    %scan3A_12 = arith.constant 25 : i32
    return
  }
}

#map = affine_map<(d0, d1) -> (0, 0)>
#map1 = affine_map<(d0, d1) -> (0)>
module attributes {stable_mosaic.version = 14 : i64} {
  func.func @_knn_body(%arg0: i32, %arg1: i32, %arg2: memref<2x16384xf32, #tpu.memory_space<hbm>>, %arg3: memref<2x16384xf32, #tpu.memory_space<hbm>>, %arg4: memref<2x16384xf32, #tpu.memory_space<hbm>>, %arg5: memref<2x16384xf32, #tpu.memory_space<hbm>>, %arg6: memref<2x1024xf32, #tpu.memory_space<hbm>>, %arg7: memref<2x1024xf32, #tpu.memory_space<hbm>>, %arg8: memref<2x1024xf32, #tpu.memory_space<hbm>>, %arg9: memref<2x1024xf32, #tpu.memory_space<hbm>>, %arg10: memref<102400xi32, #tpu.memory_space<hbm>>, %arg11: memref<16384xf32, #tpu.memory_space<vmem>>, %arg12: memref<16384xf32, #tpu.memory_space<vmem>>, %arg13: memref<16384xf32, #tpu.memory_space<vmem>>, %arg14: memref<16384xf32, #tpu.memory_space<vmem>>, %arg15: memref<64xf32, #tpu.memory_space<vmem>>, %arg16: memref<64xf32, #tpu.memory_space<vmem>>, %arg17: memref<64xf32, #tpu.memory_space<vmem>>, %arg18: memref<64xf32, #tpu.memory_space<vmem>>, %arg19: memref<16384xf32, #tpu.memory_space<vmem>>, %arg20: memref<1024xf32, #tpu.memory_space<vmem>>, %arg21: memref<64xf32, #tpu.memory_space<vmem>>, %arg22: memref<3216xi32, #tpu.memory_space<vmem>>) attributes {dimension_semantics = [#tpu.dimension_semantics<core_parallel>, #tpu.dimension_semantics<subcore_parallel>], iteration_bounds = array<i64: 2, 16>, scalar_prefetch = 0 : i64, scratch_operands = 12 : i64, tpu.core_type = #tpu.core_type<sc_vector_subcore>, window_params = [{transform_indices = #map}, {transform_indices = #map}, {transform_indices = #map}, {transform_indices = #map}, {transform_indices = #map}, {transform_indices = #map}, {transform_indices = #map}, {transform_indices = #map}, {transform_indices = #map1}]} {
    %mul3A = arith.constant 2 : i32
    %mul3A_0 = arith.muli %arg1, %mul3A : i32
    %add3A = arith.addi %mul3A_0, %arg0 : i32
    %jit3A = arith.constant 16 : i32
    %div3A = arith.divsi %add3A, %jit3A : i32
    %sign3A = arith.constant 0 : i32
    %sign3A_1 = arith.cmpi sgt, %add3A, %sign3A : i32
    %sign3A_2 = arith.extui %sign3A_1 : i1 to i32
    %sign3A_3 = arith.constant 0 : i32
    %sign3A_4 = arith.cmpi slt, %add3A, %sign3A_3 : i32
    %sign3A_5 = arith.extui %sign3A_4 : i1 to i32
    %sign3A_6 = arith.subi %sign3A_2, %sign3A_5 : i32
    %sign3A_7 = arith.constant 0 : i32
    %sign3A_8 = arith.cmpi sgt, %jit3A, %sign3A_7 : i32
    %sign3A_9 = arith.extui %sign3A_8 : i1 to i32
    %sign3A_10 = arith.constant 0 : i32
    %sign3A_11 = arith.cmpi slt, %jit3A, %sign3A_10 : i32
    %sign3A_12 = arith.extui %sign3A_11 : i1 to i32
    %sign3A_13 = arith.subi %sign3A_9, %sign3A_12 : i32
    %ne3A = arith.cmpi ne, %sign3A_6, %sign3A_13 : i32
    %rem3A = arith.remsi %add3A, %jit3A : i32
    %ne3A_14 = arith.constant 0 : i32
    %ne3A_15 = arith.cmpi ne, %rem3A, %ne3A_14 : i32
    %and3A = arith.andi %ne3A, %ne3A_15 : i1
    %sub3A = arith.constant 1 : i32
    %sub3A_16 = arith.subi %div3A, %sub3A : i32
    %select_n3A = arith.select %and3A, %sub3A_16, %div3A : i32
    %jit3A_17 = arith.constant 16 : i32
    %eq3A = arith.constant 0 : i32
    %eq3A_18 = arith.cmpi eq, %jit3A_17, %eq3A : i32
    %jit3A_19 = arith.constant 1 : i32
    %select_n3A_20 = arith.select %eq3A_18, %jit3A_19, %jit3A_17 : i32
    %rem3A_21 = arith.remsi %add3A, %select_n3A_20 : i32
    %ne3A_22 = arith.constant 0 : i32
    %ne3A_23 = arith.cmpi ne, %rem3A_21, %ne3A_22 : i32
    %lt3A = arith.constant 0 : i32
    %lt3A_24 = arith.cmpi slt, %rem3A_21, %lt3A : i32
    %lt3A_25 = arith.constant 0 : i32
    %lt3A_26 = arith.cmpi slt, %select_n3A_20, %lt3A_25 : i32
    %ne3A_27 = arith.xori %lt3A_24, %lt3A_26 : i1
    %and3A_28 = arith.andi %ne3A_27, %ne3A_23 : i1
    %add3A_29 = arith.addi %rem3A_21, %select_n3A_20 : i32
    %select_n3A_30 = arith.select %and3A_28, %add3A_29, %rem3A_21 : i32
    %mul3A_31 = arith.constant 64 : i32
    %mul3A_32 = arith.muli %select_n3A_30, %mul3A_31 : i32
    "tpu.region"() ({
      %run_scoped3A = tpu.sem_alloc : memref<!tpu.dma_semaphore, #tpu.memory_space<semaphore_mem>>
      %dma_start3A = arith.constant 0 : i32
      %dma_start3A_43 = tpu.memref_slice %arg2[%select_n3A, %dma_start3A] : memref<2x16384xf32, #tpu.memory_space<hbm>> -> memref<1x16384xf32, #tpu.memory_space<hbm>>
      %dma_start3A_44 = tpu.memref_squeeze %dma_start3A_43 : memref<1x16384xf32, #tpu.memory_space<hbm>> -> memref<16384xf32, #tpu.memory_space<hbm>>
      %dma_start3A_45 = arith.constant 0 : i32
      %dma_start3A_46 = tpu.memref_slice %arg2[%select_n3A, %dma_start3A_45] : memref<2x16384xf32, #tpu.memory_space<hbm>> -> memref<1x16384xf32, #tpu.memory_space<hbm>>
      %dma_start3A_47 = tpu.memref_squeeze %dma_start3A_46 : memref<1x16384xf32, #tpu.memory_space<hbm>> -> memref<16384xf32, #tpu.memory_space<hbm>>
      tpu.enqueue_dma source(%dma_start3A_47 : memref<16384xf32, #tpu.memory_space<hbm>>) target(%arg11 : memref<16384xf32, #tpu.memory_space<vmem>>) target_semaphore(%run_scoped3A : memref<!tpu.dma_semaphore, #tpu.memory_space<semaphore_mem>>)
      %dma_wait3A = arith.constant 0 : i32
      %dma_wait3A_48 = tpu.memref_slice %arg2[%select_n3A, %dma_wait3A] : memref<2x16384xf32, #tpu.memory_space<hbm>> -> memref<1x16384xf32, #tpu.memory_space<hbm>>
      %dma_wait3A_49 = tpu.memref_squeeze %dma_wait3A_48 : memref<1x16384xf32, #tpu.memory_space<hbm>> -> memref<16384xf32, #tpu.memory_space<hbm>>
      %dma_wait3A_50 = arith.constant 0 : i32
      %dma_wait3A_51 = tpu.memref_slice %arg2[%select_n3A, %dma_wait3A_50] : memref<2x16384xf32, #tpu.memory_space<hbm>> -> memref<1x16384xf32, #tpu.memory_space<hbm>>
      %dma_wait3A_52 = tpu.memref_squeeze %dma_wait3A_51 : memref<1x16384xf32, #tpu.memory_space<hbm>> -> memref<16384xf32, #tpu.memory_space<hbm>>
      tpu.wait_dma2 semaphore(%run_scoped3A : memref<!tpu.dma_semaphore, #tpu.memory_space<semaphore_mem>>) src(%dma_wait3A_52 : memref<16384xf32, #tpu.memory_space<hbm>>) dst(%arg11 : memref<16384xf32, #tpu.memory_space<vmem>>)
      tpu.yield
    }) : () -> ()
    "tpu.region"() ({
      %run_scoped3A = tpu.sem_alloc : memref<!tpu.dma_semaphore, #tpu.memory_space<semaphore_mem>>
      %dma_start3A = arith.constant 0 : i32
      %dma_start3A_43 = tpu.memref_slice %arg3[%select_n3A, %dma_start3A] : memref<2x16384xf32, #tpu.memory_space<hbm>> -> memref<1x16384xf32, #tpu.memory_space<hbm>>
      %dma_start3A_44 = tpu.memref_squeeze %dma_start3A_43 : memref<1x16384xf32, #tpu.memory_space<hbm>> -> memref<16384xf32, #tpu.memory_space<hbm>>
      %dma_start3A_45 = arith.constant 0 : i32
      %dma_start3A_46 = tpu.memref_slice %arg3[%select_n3A, %dma_start3A_45] : memref<2x16384xf32, #tpu.memory_space<hbm>> -> memref<1x16384xf32, #tpu.memory_space<hbm>>
      %dma_start3A_47 = tpu.memref_squeeze %dma_start3A_46 : memref<1x16384xf32, #tpu.memory_space<hbm>> -> memref<16384xf32, #tpu.memory_space<hbm>>
      tpu.enqueue_dma source(%dma_start3A_47 : memref<16384xf32, #tpu.memory_space<hbm>>) target(%arg12 : memref<16384xf32, #tpu.memory_space<vmem>>) target_semaphore(%run_scoped3A : memref<!tpu.dma_semaphore, #tpu.memory_space<semaphore_mem>>)
      %dma_wait3A = arith.constant 0 : i32
      %dma_wait3A_48 = tpu.memref_slice %arg3[%select_n3A, %dma_wait3A] : memref<2x16384xf32, #tpu.memory_space<hbm>> -> memref<1x16384xf32, #tpu.memory_space<hbm>>
      %dma_wait3A_49 = tpu.memref_squeeze %dma_wait3A_48 : memref<1x16384xf32, #tpu.memory_space<hbm>> -> memref<16384xf32, #tpu.memory_space<hbm>>
      %dma_wait3A_50 = arith.constant 0 : i32
      %dma_wait3A_51 = tpu.memref_slice %arg3[%select_n3A, %dma_wait3A_50] : memref<2x16384xf32, #tpu.memory_space<hbm>> -> memref<1x16384xf32, #tpu.memory_space<hbm>>
      %dma_wait3A_52 = tpu.memref_squeeze %dma_wait3A_51 : memref<1x16384xf32, #tpu.memory_space<hbm>> -> memref<16384xf32, #tpu.memory_space<hbm>>
      tpu.wait_dma2 semaphore(%run_scoped3A : memref<!tpu.dma_semaphore, #tpu.memory_space<semaphore_mem>>) src(%dma_wait3A_52 : memref<16384xf32, #tpu.memory_space<hbm>>) dst(%arg12 : memref<16384xf32, #tpu.memory_space<vmem>>)
      tpu.yield
    }) : () -> ()
    "tpu.region"() ({
      %run_scoped3A = tpu.sem_alloc : memref<!tpu.dma_semaphore, #tpu.memory_space<semaphore_mem>>
      %dma_start3A = arith.constant 0 : i32
      %dma_start3A_43 = tpu.memref_slice %arg4[%select_n3A, %dma_start3A] : memref<2x16384xf32, #tpu.memory_space<hbm>> -> memref<1x16384xf32, #tpu.memory_space<hbm>>
      %dma_start3A_44 = tpu.memref_squeeze %dma_start3A_43 : memref<1x16384xf32, #tpu.memory_space<hbm>> -> memref<16384xf32, #tpu.memory_space<hbm>>
      %dma_start3A_45 = arith.constant 0 : i32
      %dma_start3A_46 = tpu.memref_slice %arg4[%select_n3A, %dma_start3A_45] : memref<2x16384xf32, #tpu.memory_space<hbm>> -> memref<1x16384xf32, #tpu.memory_space<hbm>>
      %dma_start3A_47 = tpu.memref_squeeze %dma_start3A_46 : memref<1x16384xf32, #tpu.memory_space<hbm>> -> memref<16384xf32, #tpu.memory_space<hbm>>
      tpu.enqueue_dma source(%dma_start3A_47 : memref<16384xf32, #tpu.memory_space<hbm>>) target(%arg13 : memref<16384xf32, #tpu.memory_space<vmem>>) target_semaphore(%run_scoped3A : memref<!tpu.dma_semaphore, #tpu.memory_space<semaphore_mem>>)
      %dma_wait3A = arith.constant 0 : i32
      %dma_wait3A_48 = tpu.memref_slice %arg4[%select_n3A, %dma_wait3A] : memref<2x16384xf32, #tpu.memory_space<hbm>> -> memref<1x16384xf32, #tpu.memory_space<hbm>>
      %dma_wait3A_49 = tpu.memref_squeeze %dma_wait3A_48 : memref<1x16384xf32, #tpu.memory_space<hbm>> -> memref<16384xf32, #tpu.memory_space<hbm>>
      %dma_wait3A_50 = arith.constant 0 : i32
      %dma_wait3A_51 = tpu.memref_slice %arg4[%select_n3A, %dma_wait3A_50] : memref<2x16384xf32, #tpu.memory_space<hbm>> -> memref<1x16384xf32, #tpu.memory_space<hbm>>
      %dma_wait3A_52 = tpu.memref_squeeze %dma_wait3A_51 : memref<1x16384xf32, #tpu.memory_space<hbm>> -> memref<16384xf32, #tpu.memory_space<hbm>>
      tpu.wait_dma2 semaphore(%run_scoped3A : memref<!tpu.dma_semaphore, #tpu.memory_space<semaphore_mem>>) src(%dma_wait3A_52 : memref<16384xf32, #tpu.memory_space<hbm>>) dst(%arg13 : memref<16384xf32, #tpu.memory_space<vmem>>)
      tpu.yield
    }) : () -> ()
    "tpu.region"() ({
      %run_scoped3A = tpu.sem_alloc : memref<!tpu.dma_semaphore, #tpu.memory_space<semaphore_mem>>
      %dma_start3A = arith.constant 0 : i32
      %dma_start3A_43 = tpu.memref_slice %arg5[%select_n3A, %dma_start3A] : memref<2x16384xf32, #tpu.memory_space<hbm>> -> memref<1x16384xf32, #tpu.memory_space<hbm>>
      %dma_start3A_44 = tpu.memref_squeeze %dma_start3A_43 : memref<1x16384xf32, #tpu.memory_space<hbm>> -> memref<16384xf32, #tpu.memory_space<hbm>>
      %dma_start3A_45 = arith.constant 0 : i32
      %dma_start3A_46 = tpu.memref_slice %arg5[%select_n3A, %dma_start3A_45] : memref<2x16384xf32, #tpu.memory_space<hbm>> -> memref<1x16384xf32, #tpu.memory_space<hbm>>
      %dma_start3A_47 = tpu.memref_squeeze %dma_start3A_46 : memref<1x16384xf32, #tpu.memory_space<hbm>> -> memref<16384xf32, #tpu.memory_space<hbm>>
      tpu.enqueue_dma source(%dma_start3A_47 : memref<16384xf32, #tpu.memory_space<hbm>>) target(%arg14 : memref<16384xf32, #tpu.memory_space<vmem>>) target_semaphore(%run_scoped3A : memref<!tpu.dma_semaphore, #tpu.memory_space<semaphore_mem>>)
      %dma_wait3A = arith.constant 0 : i32
      %dma_wait3A_48 = tpu.memref_slice %arg5[%select_n3A, %dma_wait3A] : memref<2x16384xf32, #tpu.memory_space<hbm>> -> memref<1x16384xf32, #tpu.memory_space<hbm>>
      %dma_wait3A_49 = tpu.memref_squeeze %dma_wait3A_48 : memref<1x16384xf32, #tpu.memory_space<hbm>> -> memref<16384xf32, #tpu.memory_space<hbm>>
      %dma_wait3A_50 = arith.constant 0 : i32
      %dma_wait3A_51 = tpu.memref_slice %arg5[%select_n3A, %dma_wait3A_50] : memref<2x16384xf32, #tpu.memory_space<hbm>> -> memref<1x16384xf32, #tpu.memory_space<hbm>>
      %dma_wait3A_52 = tpu.memref_squeeze %dma_wait3A_51 : memref<1x16384xf32, #tpu.memory_space<hbm>> -> memref<16384xf32, #tpu.memory_space<hbm>>
      tpu.wait_dma2 semaphore(%run_scoped3A : memref<!tpu.dma_semaphore, #tpu.memory_space<semaphore_mem>>) src(%dma_wait3A_52 : memref<16384xf32, #tpu.memory_space<hbm>>) dst(%arg14 : memref<16384xf32, #tpu.memory_space<vmem>>)
      tpu.yield
    }) : () -> ()
    "tpu.region"() ({
      %run_scoped3A = tpu.sem_alloc : memref<!tpu.dma_semaphore, #tpu.memory_space<semaphore_mem>>
      %dma_start3A = tpu.memref_slice %arg6[%select_n3A, %mul3A_32] : memref<2x1024xf32, #tpu.memory_space<hbm>> -> memref<1x64xf32, #tpu.memory_space<hbm>>
      %dma_start3A_43 = tpu.memref_squeeze %dma_start3A : memref<1x64xf32, #tpu.memory_space<hbm>> -> memref<64xf32, #tpu.memory_space<hbm>>
      %dma_start3A_44 = tpu.memref_slice %arg6[%select_n3A, %mul3A_32] : memref<2x1024xf32, #tpu.memory_space<hbm>> -> memref<1x64xf32, #tpu.memory_space<hbm>>
      %dma_start3A_45 = tpu.memref_squeeze %dma_start3A_44 : memref<1x64xf32, #tpu.memory_space<hbm>> -> memref<64xf32, #tpu.memory_space<hbm>>
      tpu.enqueue_dma source(%dma_start3A_45 : memref<64xf32, #tpu.memory_space<hbm>>) target(%arg15 : memref<64xf32, #tpu.memory_space<vmem>>) target_semaphore(%run_scoped3A : memref<!tpu.dma_semaphore, #tpu.memory_space<semaphore_mem>>)
      %dma_wait3A = tpu.memref_slice %arg6[%select_n3A, %mul3A_32] : memref<2x1024xf32, #tpu.memory_space<hbm>> -> memref<1x64xf32, #tpu.memory_space<hbm>>
      %dma_wait3A_46 = tpu.memref_squeeze %dma_wait3A : memref<1x64xf32, #tpu.memory_space<hbm>> -> memref<64xf32, #tpu.memory_space<hbm>>
      %dma_wait3A_47 = tpu.memref_slice %arg6[%select_n3A, %mul3A_32] : memref<2x1024xf32, #tpu.memory_space<hbm>> -> memref<1x64xf32, #tpu.memory_space<hbm>>
      %dma_wait3A_48 = tpu.memref_squeeze %dma_wait3A_47 : memref<1x64xf32, #tpu.memory_space<hbm>> -> memref<64xf32, #tpu.memory_space<hbm>>
      tpu.wait_dma2 semaphore(%run_scoped3A : memref<!tpu.dma_semaphore, #tpu.memory_space<semaphore_mem>>) src(%dma_wait3A_48 : memref<64xf32, #tpu.memory_space<hbm>>) dst(%arg15 : memref<64xf32, #tpu.memory_space<vmem>>)
      tpu.yield
    }) : () -> ()
    "tpu.region"() ({
      %run_scoped3A = tpu.sem_alloc : memref<!tpu.dma_semaphore, #tpu.memory_space<semaphore_mem>>
      %dma_start3A = tpu.memref_slice %arg7[%select_n3A, %mul3A_32] : memref<2x1024xf32, #tpu.memory_space<hbm>> -> memref<1x64xf32, #tpu.memory_space<hbm>>
      %dma_start3A_43 = tpu.memref_squeeze %dma_start3A : memref<1x64xf32, #tpu.memory_space<hbm>> -> memref<64xf32, #tpu.memory_space<hbm>>
      %dma_start3A_44 = tpu.memref_slice %arg7[%select_n3A, %mul3A_32] : memref<2x1024xf32, #tpu.memory_space<hbm>> -> memref<1x64xf32, #tpu.memory_space<hbm>>
      %dma_start3A_45 = tpu.memref_squeeze %dma_start3A_44 : memref<1x64xf32, #tpu.memory_space<hbm>> -> memref<64xf32, #tpu.memory_space<hbm>>
      tpu.enqueue_dma source(%dma_start3A_45 : memref<64xf32, #tpu.memory_space<hbm>>) target(%arg16 : memref<64xf32, #tpu.memory_space<vmem>>) target_semaphore(%run_scoped3A : memref<!tpu.dma_semaphore, #tpu.memory_space<semaphore_mem>>)
      %dma_wait3A = tpu.memref_slice %arg7[%select_n3A, %mul3A_32] : memref<2x1024xf32, #tpu.memory_space<hbm>> -> memref<1x64xf32, #tpu.memory_space<hbm>>
      %dma_wait3A_46 = tpu.memref_squeeze %dma_wait3A : memref<1x64xf32, #tpu.memory_space<hbm>> -> memref<64xf32, #tpu.memory_space<hbm>>
      %dma_wait3A_47 = tpu.memref_slice %arg7[%select_n3A, %mul3A_32] : memref<2x1024xf32, #tpu.memory_space<hbm>> -> memref<1x64xf32, #tpu.memory_space<hbm>>
      %dma_wait3A_48 = tpu.memref_squeeze %dma_wait3A_47 : memref<1x64xf32, #tpu.memory_space<hbm>> -> memref<64xf32, #tpu.memory_space<hbm>>
      tpu.wait_dma2 semaphore(%run_scoped3A : memref<!tpu.dma_semaphore, #tpu.memory_space<semaphore_mem>>) src(%dma_wait3A_48 : memref<64xf32, #tpu.memory_space<hbm>>) dst(%arg16 : memref<64xf32, #tpu.memory_space<vmem>>)
      tpu.yield
    }) : () -> ()
    "tpu.region"() ({
      %run_scoped3A = tpu.sem_alloc : memref<!tpu.dma_semaphore, #tpu.memory_space<semaphore_mem>>
      %dma_start3A = tpu.memref_slice %arg8[%select_n3A, %mul3A_32] : memref<2x1024xf32, #tpu.memory_space<hbm>> -> memref<1x64xf32, #tpu.memory_space<hbm>>
      %dma_start3A_43 = tpu.memref_squeeze %dma_start3A : memref<1x64xf32, #tpu.memory_space<hbm>> -> memref<64xf32, #tpu.memory_space<hbm>>
      %dma_start3A_44 = tpu.memref_slice %arg8[%select_n3A, %mul3A_32] : memref<2x1024xf32, #tpu.memory_space<hbm>> -> memref<1x64xf32, #tpu.memory_space<hbm>>
      %dma_start3A_45 = tpu.memref_squeeze %dma_start3A_44 : memref<1x64xf32, #tpu.memory_space<hbm>> -> memref<64xf32, #tpu.memory_space<hbm>>
      tpu.enqueue_dma source(%dma_start3A_45 : memref<64xf32, #tpu.memory_space<hbm>>) target(%arg17 : memref<64xf32, #tpu.memory_space<vmem>>) target_semaphore(%run_scoped3A : memref<!tpu.dma_semaphore, #tpu.memory_space<semaphore_mem>>)
      %dma_wait3A = tpu.memref_slice %arg8[%select_n3A, %mul3A_32] : memref<2x1024xf32, #tpu.memory_space<hbm>> -> memref<1x64xf32, #tpu.memory_space<hbm>>
      %dma_wait3A_46 = tpu.memref_squeeze %dma_wait3A : memref<1x64xf32, #tpu.memory_space<hbm>> -> memref<64xf32, #tpu.memory_space<hbm>>
      %dma_wait3A_47 = tpu.memref_slice %arg8[%select_n3A, %mul3A_32] : memref<2x1024xf32, #tpu.memory_space<hbm>> -> memref<1x64xf32, #tpu.memory_space<hbm>>
      %dma_wait3A_48 = tpu.memref_squeeze %dma_wait3A_47 : memref<1x64xf32, #tpu.memory_space<hbm>> -> memref<64xf32, #tpu.memory_space<hbm>>
      tpu.wait_dma2 semaphore(%run_scoped3A : memref<!tpu.dma_semaphore, #tpu.memory_space<semaphore_mem>>) src(%dma_wait3A_48 : memref<64xf32, #tpu.memory_space<hbm>>) dst(%arg17 : memref<64xf32, #tpu.memory_space<vmem>>)
      tpu.yield
    }) : () -> ()
    "tpu.region"() ({
      %run_scoped3A = tpu.sem_alloc : memref<!tpu.dma_semaphore, #tpu.memory_space<semaphore_mem>>
      %dma_start3A = tpu.memref_slice %arg9[%select_n3A, %mul3A_32] : memref<2x1024xf32, #tpu.memory_space<hbm>> -> memref<1x64xf32, #tpu.memory_space<hbm>>
      %dma_start3A_43 = tpu.memref_squeeze %dma_start3A : memref<1x64xf32, #tpu.memory_space<hbm>> -> memref<64xf32, #tpu.memory_space<hbm>>
      %dma_start3A_44 = tpu.memref_slice %arg9[%select_n3A, %mul3A_32] : memref<2x1024xf32, #tpu.memory_space<hbm>> -> memref<1x64xf32, #tpu.memory_space<hbm>>
      %dma_start3A_45 = tpu.memref_squeeze %dma_start3A_44 : memref<1x64xf32, #tpu.memory_space<hbm>> -> memref<64xf32, #tpu.memory_space<hbm>>
      tpu.enqueue_dma source(%dma_start3A_45 : memref<64xf32, #tpu.memory_space<hbm>>) target(%arg18 : memref<64xf32, #tpu.memory_space<vmem>>) target_semaphore(%run_scoped3A : memref<!tpu.dma_semaphore, #tpu.memory_space<semaphore_mem>>)
      %dma_wait3A = tpu.memref_slice %arg9[%select_n3A, %mul3A_32] : memref<2x1024xf32, #tpu.memory_space<hbm>> -> memref<1x64xf32, #tpu.memory_space<hbm>>
      %dma_wait3A_46 = tpu.memref_squeeze %dma_wait3A : memref<1x64xf32, #tpu.memory_space<hbm>> -> memref<64xf32, #tpu.memory_space<hbm>>
      %dma_wait3A_47 = tpu.memref_slice %arg9[%select_n3A, %mul3A_32] : memref<2x1024xf32, #tpu.memory_space<hbm>> -> memref<1x64xf32, #tpu.memory_space<hbm>>
      %dma_wait3A_48 = tpu.memref_squeeze %dma_wait3A_47 : memref<1x64xf32, #tpu.memory_space<hbm>> -> memref<64xf32, #tpu.memory_space<hbm>>
      tpu.wait_dma2 semaphore(%run_scoped3A : memref<!tpu.dma_semaphore, #tpu.memory_space<semaphore_mem>>) src(%dma_wait3A_48 : memref<64xf32, #tpu.memory_space<hbm>>) dst(%arg18 : memref<64xf32, #tpu.memory_space<vmem>>)
      tpu.yield
    }) : () -> ()
    %iota3A = tpu.iota {dimensions = array<i32: 0>} : vector<16xi32>
    %mul3A_33 = arith.constant 16384 : i32
    %mul3A_34 = arith.muli %select_n3A, %mul3A_33 : i32
    %scan3A = arith.constant 0 : i32
    %scan3A_35 = arith.constant 0 : i32
    %scan3A_36 = arith.constant 64 : i32
    %scan3A_37 = arith.addi %scan3A_35, %scan3A_36 : i32
    %scan3A_38 = arith.constant 1 : i32
    %scan3A_39 = scf.for %scan3A_43 = %scan3A_35 to %scan3A_37 step %scan3A_38 iter_args(%scan3A_44 = %scan3A) -> (i32)  : i32 {
      %broadcast_in_dim3A = vector.broadcast %scan3A_43 : i32 to vector<16xi32>
      %gather3A = tpu.vector_load_idx %arg15[%broadcast_in_dim3A] : memref<64xf32, #tpu.memory_space<vmem>>[vector<16xi32>], vector<16xf32>,
      %gather3A_45 = tpu.vector_load_idx %arg16[%broadcast_in_dim3A] : memref<64xf32, #tpu.memory_space<vmem>>[vector<16xi32>], vector<16xf32>,
      %gather3A_46 = tpu.vector_load_idx %arg17[%broadcast_in_dim3A] : memref<64xf32, #tpu.memory_space<vmem>>[vector<16xi32>], vector<16xf32>,
      %gather3A_47 = tpu.vector_load_idx %arg18[%broadcast_in_dim3A] : memref<64xf32, #tpu.memory_space<vmem>>[vector<16xi32>], vector<16xf32>,
      %broadcast_in_dim3A_48 = arith.constant 3.000000e+38 : f32
      %broadcast_in_dim3A_49 = vector.broadcast %broadcast_in_dim3A_48 : f32 to vector<16xf32>
      %scan3A_50 = arith.constant 0 : i32
      %scan3A_51 = arith.constant 16 : i32
      %scan3A_52 = arith.addi %scan3A_50, %scan3A_51 : i32
      %scan3A_53 = arith.constant 1 : i32
      %scan3A_54 = scf.for %scan3A_141 = %scan3A_50 to %scan3A_52 step %scan3A_53 iter_args(%scan3A_142 = %broadcast_in_dim3A_49) -> (vector<16xf32>)  : i32 {
        %mul3A_143 = arith.constant 4 : i32
        %mul3A_144 = arith.muli %mul3A_143, %scan3A_141 : i32
        %add3A_145 = arith.constant 0 : i32
        %add3A_146 = arith.addi %add3A_145, %mul3A_144 : i32
        %mul3A_147 = arith.constant 16 : i32
        %mul3A_148 = arith.muli %add3A_146, %mul3A_147 : i32
        %broadcast_in_dim3A_149 = arith.constant 3.000000e+38 : f32
        %broadcast_in_dim3A_150 = vector.broadcast %broadcast_in_dim3A_149 : f32 to vector<16xf32>
        %add3A_151 = arith.constant 0 : i32
        %add3A_152 = arith.addi %add3A_151, %mul3A_148 : i32
        %get3A = arith.index_cast %add3A_152 : i32 to index
        %get3A_153 = tpu.vector_load %arg11[%get3A] {strides = array<i32>} : memref<16384xf32, #tpu.memory_space<vmem>>, vector<16xf32>,
        %get3A_154 = arith.index_cast %add3A_152 : i32 to index
        %get3A_155 = tpu.vector_load %arg12[%get3A_154] {strides = array<i32>} : memref<16384xf32, #tpu.memory_space<vmem>>, vector<16xf32>,
        %get3A_156 = arith.index_cast %add3A_152 : i32 to index
        %get3A_157 = tpu.vector_load %arg13[%get3A_156] {strides = array<i32>} : memref<16384xf32, #tpu.memory_space<vmem>>, vector<16xf32>,
        %get3A_158 = arith.index_cast %add3A_152 : i32 to index
        %get3A_159 = tpu.vector_load %arg14[%get3A_158] {strides = array<i32>} : memref<16384xf32, #tpu.memory_space<vmem>>, vector<16xf32>,
        %add3A_160 = arith.addf %gather3A_47, %get3A_159 : vector<16xf32>
        %mul3A_161 = arith.mulf %gather3A, %get3A_153 : vector<16xf32>
        %mul3A_162 = arith.mulf %gather3A_45, %get3A_155 : vector<16xf32>
        %add3A_163 = arith.addf %mul3A_161, %mul3A_162 : vector<16xf32>
        %mul3A_164 = arith.mulf %gather3A_46, %get3A_157 : vector<16xf32>
        %add3A_165 = arith.addf %add3A_163, %mul3A_164 : vector<16xf32>
        %mul3A_166 = arith.constant 2.000000e+00 : f32
        %mul3A_167 = vector.broadcast %mul3A_166 : f32 to vector<16xf32>
        %mul3A_168 = arith.mulf %mul3A_167, %add3A_165 : vector<16xf32>
        %sub3A_169 = arith.subf %add3A_160, %mul3A_168 : vector<16xf32>
        %swap3A_170 = arith.index_cast %add3A_152 : i32 to index
        %swap3A_171 = tpu.vector_load %arg19[%swap3A_170] {strides = array<i32>} : memref<16384xf32, #tpu.memory_space<vmem>>, vector<16xf32>,
        tpu.vector_store %arg19[%swap3A_170], %sub3A_169 {strides = array<i32>} : memref<16384xf32, #tpu.memory_space<vmem>>, vector<16xf32>,
        %min3A = arith.minimumf %broadcast_in_dim3A_150, %sub3A_169 : vector<16xf32>
        %add3A_172 = arith.constant 1024 : i32
        %add3A_173 = arith.addi %add3A_172, %mul3A_148 : i32
        %get3A_174 = arith.index_cast %add3A_173 : i32 to index
        %get3A_175 = tpu.vector_load %arg11[%get3A_174] {strides = array<i32>} : memref<16384xf32, #tpu.memory_space<vmem>>, vector<16xf32>,
        %get3A_176 = arith.index_cast %add3A_173 : i32 to index
        %get3A_177 = tpu.vector_load %arg12[%get3A_176] {strides = array<i32>} : memref<16384xf32, #tpu.memory_space<vmem>>, vector<16xf32>,
        %get3A_178 = arith.index_cast %add3A_173 : i32 to index
        %get3A_179 = tpu.vector_load %arg13[%get3A_178] {strides = array<i32>} : memref<16384xf32, #tpu.memory_space<vmem>>, vector<16xf32>,
        %get3A_180 = arith.index_cast %add3A_173 : i32 to index
        %get3A_181 = tpu.vector_load %arg14[%get3A_180] {strides = array<i32>} : memref<16384xf32, #tpu.memory_space<vmem>>, vector<16xf32>,
        %add3A_182 = arith.addf %gather3A_47, %get3A_181 : vector<16xf32>
        %mul3A_183 = arith.mulf %gather3A, %get3A_175 : vector<16xf32>
        %mul3A_184 = arith.mulf %gather3A_45, %get3A_177 : vector<16xf32>
        %add3A_185 = arith.addf %mul3A_183, %mul3A_184 : vector<16xf32>
        %mul3A_186 = arith.mulf %gather3A_46, %get3A_179 : vector<16xf32>
        %add3A_187 = arith.addf %add3A_185, %mul3A_186 : vector<16xf32>
        %mul3A_188 = arith.constant 2.000000e+00 : f32
        %mul3A_189 = vector.broadcast %mul3A_188 : f32 to vector<16xf32>
        %mul3A_190 = arith.mulf %mul3A_189, %add3A_187 : vector<16xf32>
        %sub3A_191 = arith.subf %add3A_182, %mul3A_190 : vector<16xf32>
        %swap3A_192 = arith.index_cast %add3A_173 : i32 to index
        %swap3A_193 = tpu.vector_load %arg19[%swap3A_192] {strides = array<i32>} : memref<16384xf32, #tpu.memory_space<vmem>>, vector<16xf32>,
        tpu.vector_store %arg19[%swap3A_192], %sub3A_191 {strides = array<i32>} : memref<16384xf32, #tpu.memory_space<vmem>>, vector<16xf32>,
        %min3A_194 = arith.minimumf %min3A, %sub3A_191 : vector<16xf32>
        %add3A_195 = arith.constant 2048 : i32
        %add3A_196 = arith.addi %add3A_195, %mul3A_148 : i32
        %get3A_197 = arith.index_cast %add3A_196 : i32 to index
        %get3A_198 = tpu.vector_load %arg11[%get3A_197] {strides = array<i32>} : memref<16384xf32, #tpu.memory_space<vmem>>, vector<16xf32>,
        %get3A_199 = arith.index_cast %add3A_196 : i32 to index
        %get3A_200 = tpu.vector_load %arg12[%get3A_199] {strides = array<i32>} : memref<16384xf32, #tpu.memory_space<vmem>>, vector<16xf32>,
        %get3A_201 = arith.index_cast %add3A_196 : i32 to index
        %get3A_202 = tpu.vector_load %arg13[%get3A_201] {strides = array<i32>} : memref<16384xf32, #tpu.memory_space<vmem>>, vector<16xf32>,
        %get3A_203 = arith.index_cast %add3A_196 : i32 to index
        %get3A_204 = tpu.vector_load %arg14[%get3A_203] {strides = array<i32>} : memref<16384xf32, #tpu.memory_space<vmem>>, vector<16xf32>,
        %add3A_205 = arith.addf %gather3A_47, %get3A_204 : vector<16xf32>
        %mul3A_206 = arith.mulf %gather3A, %get3A_198 : vector<16xf32>
        %mul3A_207 = arith.mulf %gather3A_45, %get3A_200 : vector<16xf32>
        %add3A_208 = arith.addf %mul3A_206, %mul3A_207 : vector<16xf32>
        %mul3A_209 = arith.mulf %gather3A_46, %get3A_202 : vector<16xf32>
        %add3A_210 = arith.addf %add3A_208, %mul3A_209 : vector<16xf32>
        %mul3A_211 = arith.constant 2.000000e+00 : f32
        %mul3A_212 = vector.broadcast %mul3A_211 : f32 to vector<16xf32>
        %mul3A_213 = arith.mulf %mul3A_212, %add3A_210 : vector<16xf32>
        %sub3A_214 = arith.subf %add3A_205, %mul3A_213 : vector<16xf32>
        %swap3A_215 = arith.index_cast %add3A_196 : i32 to index
        %swap3A_216 = tpu.vector_load %arg19[%swap3A_215] {strides = array<i32>} : memref<16384xf32, #tpu.memory_space<vmem>>, vector<16xf32>,
        tpu.vector_store %arg19[%swap3A_215], %sub3A_214 {strides = array<i32>} : memref<16384xf32, #tpu.memory_space<vmem>>, vector<16xf32>,
        %min3A_217 = arith.minimumf %min3A_194, %sub3A_214 : vector<16xf32>
        %add3A_218 = arith.constant 3072 : i32
        %add3A_219 = arith.addi %add3A_218, %mul3A_148 : i32
        %get3A_220 = arith.index_cast %add3A_219 : i32 to index
        %get3A_221 = tpu.vector_load %arg11[%get3A_220] {strides = array<i32>} : memref<16384xf32, #tpu.memory_space<vmem>>, vector<16xf32>,
        %get3A_222 = arith.index_cast %add3A_219 : i32 to index
        %get3A_223 = tpu.vector_load %arg12[%get3A_222] {strides = array<i32>} : memref<16384xf32, #tpu.memory_space<vmem>>, vector<16xf32>,
        %get3A_224 = arith.index_cast %add3A_219 : i32 to index
        %get3A_225 = tpu.vector_load %arg13[%get3A_224] {strides = array<i32>} : memref<16384xf32, #tpu.memory_space<vmem>>, vector<16xf32>,
        %get3A_226 = arith.index_cast %add3A_219 : i32 to index
        %get3A_227 = tpu.vector_load %arg14[%get3A_226] {strides = array<i32>} : memref<16384xf32, #tpu.memory_space<vmem>>, vector<16xf32>,
        %add3A_228 = arith.addf %gather3A_47, %get3A_227 : vector<16xf32>
        %mul3A_229 = arith.mulf %gather3A, %get3A_221 : vector<16xf32>
        %mul3A_230 = arith.mulf %gather3A_45, %get3A_223 : vector<16xf32>
        %add3A_231 = arith.addf %mul3A_229, %mul3A_230 : vector<16xf32>
        %mul3A_232 = arith.mulf %gather3A_46, %get3A_225 : vector<16xf32>
        %add3A_233 = arith.addf %add3A_231, %mul3A_232 : vector<16xf32>
        %mul3A_234 = arith.constant 2.000000e+00 : f32
        %mul3A_235 = vector.broadcast %mul3A_234 : f32 to vector<16xf32>
        %mul3A_236 = arith.mulf %mul3A_235, %add3A_233 : vector<16xf32>
        %sub3A_237 = arith.subf %add3A_228, %mul3A_236 : vector<16xf32>
        %swap3A_238 = arith.index_cast %add3A_219 : i32 to index
        %swap3A_239 = tpu.vector_load %arg19[%swap3A_238] {strides = array<i32>} : memref<16384xf32, #tpu.memory_space<vmem>>, vector<16xf32>,
        tpu.vector_store %arg19[%swap3A_238], %sub3A_237 {strides = array<i32>} : memref<16384xf32, #tpu.memory_space<vmem>>, vector<16xf32>,
        %min3A_240 = arith.minimumf %min3A_217, %sub3A_237 : vector<16xf32>
        %add3A_241 = arith.constant 4096 : i32
        %add3A_242 = arith.addi %add3A_241, %mul3A_148 : i32
        %get3A_243 = arith.index_cast %add3A_242 : i32 to index
        %get3A_244 = tpu.vector_load %arg11[%get3A_243] {strides = array<i32>} : memref<16384xf32, #tpu.memory_space<vmem>>, vector<16xf32>,
        %get3A_245 = arith.index_cast %add3A_242 : i32 to index
        %get3A_246 = tpu.vector_load %arg12[%get3A_245] {strides = array<i32>} : memref<16384xf32, #tpu.memory_space<vmem>>, vector<16xf32>,
        %get3A_247 = arith.index_cast %add3A_242 : i32 to index
        %get3A_248 = tpu.vector_load %arg13[%get3A_247] {strides = array<i32>} : memref<16384xf32, #tpu.memory_space<vmem>>, vector<16xf32>,
        %get3A_249 = arith.index_cast %add3A_242 : i32 to index
        %get3A_250 = tpu.vector_load %arg14[%get3A_249] {strides = array<i32>} : memref<16384xf32, #tpu.memory_space<vmem>>, vector<16xf32>,
        %add3A_251 = arith.addf %gather3A_47, %get3A_250 : vector<16xf32>
        %mul3A_252 = arith.mulf %gather3A, %get3A_244 : vector<16xf32>
        %mul3A_253 = arith.mulf %gather3A_45, %get3A_246 : vector<16xf32>
        %add3A_254 = arith.addf %mul3A_252, %mul3A_253 : vector<16xf32>
        %mul3A_255 = arith.mulf %gather3A_46, %get3A_248 : vector<16xf32>
        %add3A_256 = arith.addf %add3A_254, %mul3A_255 : vector<16xf32>
        %mul3A_257 = arith.constant 2.000000e+00 : f32
        %mul3A_258 = vector.broadcast %mul3A_257 : f32 to vector<16xf32>
        %mul3A_259 = arith.mulf %mul3A_258, %add3A_256 : vector<16xf32>
        %sub3A_260 = arith.subf %add3A_251, %mul3A_259 : vector<16xf32>
        %swap3A_261 = arith.index_cast %add3A_242 : i32 to index
        %swap3A_262 = tpu.vector_load %arg19[%swap3A_261] {strides = array<i32>} : memref<16384xf32, #tpu.memory_space<vmem>>, vector<16xf32>,
        tpu.vector_store %arg19[%swap3A_261], %sub3A_260 {strides = array<i32>} : memref<16384xf32, #tpu.memory_space<vmem>>, vector<16xf32>,
        %min3A_263 = arith.minimumf %min3A_240, %sub3A_260 : vector<16xf32>
        %add3A_264 = arith.constant 5120 : i32
        %add3A_265 = arith.addi %add3A_264, %mul3A_148 : i32
        %get3A_266 = arith.index_cast %add3A_265 : i32 to index
        %get3A_267 = tpu.vector_load %arg11[%get3A_266] {strides = array<i32>} : memref<16384xf32, #tpu.memory_space<vmem>>, vector<16xf32>,
        %get3A_268 = arith.index_cast %add3A_265 : i32 to index
        %get3A_269 = tpu.vector_load %arg12[%get3A_268] {strides = array<i32>} : memref<16384xf32, #tpu.memory_space<vmem>>, vector<16xf32>,
        %get3A_270 = arith.index_cast %add3A_265 : i32 to index
        %get3A_271 = tpu.vector_load %arg13[%get3A_270] {strides = array<i32>} : memref<16384xf32, #tpu.memory_space<vmem>>, vector<16xf32>,
        %get3A_272 = arith.index_cast %add3A_265 : i32 to index
        %get3A_273 = tpu.vector_load %arg14[%get3A_272] {strides = array<i32>} : memref<16384xf32, #tpu.memory_space<vmem>>, vector<16xf32>,
        %add3A_274 = arith.addf %gather3A_47, %get3A_273 : vector<16xf32>
        %mul3A_275 = arith.mulf %gather3A, %get3A_267 : vector<16xf32>
        %mul3A_276 = arith.mulf %gather3A_45, %get3A_269 : vector<16xf32>
        %add3A_277 = arith.addf %mul3A_275, %mul3A_276 : vector<16xf32>
        %mul3A_278 = arith.mulf %gather3A_46, %get3A_271 : vector<16xf32>
        %add3A_279 = arith.addf %add3A_277, %mul3A_278 : vector<16xf32>
        %mul3A_280 = arith.constant 2.000000e+00 : f32
        %mul3A_281 = vector.broadcast %mul3A_280 : f32 to vector<16xf32>
        %mul3A_282 = arith.mulf %mul3A_281, %add3A_279 : vector<16xf32>
        %sub3A_283 = arith.subf %add3A_274, %mul3A_282 : vector<16xf32>
        %swap3A_284 = arith.index_cast %add3A_265 : i32 to index
        %swap3A_285 = tpu.vector_load %arg19[%swap3A_284] {strides = array<i32>} : memref<16384xf32, #tpu.memory_space<vmem>>, vector<16xf32>,
        tpu.vector_store %arg19[%swap3A_284], %sub3A_283 {strides = array<i32>} : memref<16384xf32, #tpu.memory_space<vmem>>, vector<16xf32>,
        %min3A_286 = arith.minimumf %min3A_263, %sub3A_283 : vector<16xf32>
        %add3A_287 = arith.constant 6144 : i32
        %add3A_288 = arith.addi %add3A_287, %mul3A_148 : i32
        %get3A_289 = arith.index_cast %add3A_288 : i32 to index
        %get3A_290 = tpu.vector_load %arg11[%get3A_289] {strides = array<i32>} : memref<16384xf32, #tpu.memory_space<vmem>>, vector<16xf32>,
        %get3A_291 = arith.index_cast %add3A_288 : i32 to index
        %get3A_292 = tpu.vector_load %arg12[%get3A_291] {strides = array<i32>} : memref<16384xf32, #tpu.memory_space<vmem>>, vector<16xf32>,
        %get3A_293 = arith.index_cast %add3A_288 : i32 to index
        %get3A_294 = tpu.vector_load %arg13[%get3A_293] {strides = array<i32>} : memref<16384xf32, #tpu.memory_space<vmem>>, vector<16xf32>,
        %get3A_295 = arith.index_cast %add3A_288 : i32 to index
        %get3A_296 = tpu.vector_load %arg14[%get3A_295] {strides = array<i32>} : memref<16384xf32, #tpu.memory_space<vmem>>, vector<16xf32>,
        %add3A_297 = arith.addf %gather3A_47, %get3A_296 : vector<16xf32>
        %mul3A_298 = arith.mulf %gather3A, %get3A_290 : vector<16xf32>
        %mul3A_299 = arith.mulf %gather3A_45, %get3A_292 : vector<16xf32>
        %add3A_300 = arith.addf %mul3A_298, %mul3A_299 : vector<16xf32>
        %mul3A_301 = arith.mulf %gather3A_46, %get3A_294 : vector<16xf32>
        %add3A_302 = arith.addf %add3A_300, %mul3A_301 : vector<16xf32>
        %mul3A_303 = arith.constant 2.000000e+00 : f32
        %mul3A_304 = vector.broadcast %mul3A_303 : f32 to vector<16xf32>
        %mul3A_305 = arith.mulf %mul3A_304, %add3A_302 : vector<16xf32>
        %sub3A_306 = arith.subf %add3A_297, %mul3A_305 : vector<16xf32>
        %swap3A_307 = arith.index_cast %add3A_288 : i32 to index
        %swap3A_308 = tpu.vector_load %arg19[%swap3A_307] {strides = array<i32>} : memref<16384xf32, #tpu.memory_space<vmem>>, vector<16xf32>,
        tpu.vector_store %arg19[%swap3A_307], %sub3A_306 {strides = array<i32>} : memref<16384xf32, #tpu.memory_space<vmem>>, vector<16xf32>,
        %min3A_309 = arith.minimumf %min3A_286, %sub3A_306 : vector<16xf32>
        %add3A_310 = arith.constant 7168 : i32
        %add3A_311 = arith.addi %add3A_310, %mul3A_148 : i32
        %get3A_312 = arith.index_cast %add3A_311 : i32 to index
        %get3A_313 = tpu.vector_load %arg11[%get3A_312] {strides = array<i32>} : memref<16384xf32, #tpu.memory_space<vmem>>, vector<16xf32>,
        %get3A_314 = arith.index_cast %add3A_311 : i32 to index
        %get3A_315 = tpu.vector_load %arg12[%get3A_314] {strides = array<i32>} : memref<16384xf32, #tpu.memory_space<vmem>>, vector<16xf32>,
        %get3A_316 = arith.index_cast %add3A_311 : i32 to index
        %get3A_317 = tpu.vector_load %arg13[%get3A_316] {strides = array<i32>} : memref<16384xf32, #tpu.memory_space<vmem>>, vector<16xf32>,
        %get3A_318 = arith.index_cast %add3A_311 : i32 to index
        %get3A_319 = tpu.vector_load %arg14[%get3A_318] {strides = array<i32>} : memref<16384xf32, #tpu.memory_space<vmem>>, vector<16xf32>,
        %add3A_320 = arith.addf %gather3A_47, %get3A_319 : vector<16xf32>
        %mul3A_321 = arith.mulf %gather3A, %get3A_313 : vector<16xf32>
        %mul3A_322 = arith.mulf %gather3A_45, %get3A_315 : vector<16xf32>
        %add3A_323 = arith.addf %mul3A_321, %mul3A_322 : vector<16xf32>
        %mul3A_324 = arith.mulf %gather3A_46, %get3A_317 : vector<16xf32>
        %add3A_325 = arith.addf %add3A_323, %mul3A_324 : vector<16xf32>
        %mul3A_326 = arith.constant 2.000000e+00 : f32
        %mul3A_327 = vector.broadcast %mul3A_326 : f32 to vector<16xf32>
        %mul3A_328 = arith.mulf %mul3A_327, %add3A_325 : vector<16xf32>
        %sub3A_329 = arith.subf %add3A_320, %mul3A_328 : vector<16xf32>
        %swap3A_330 = arith.index_cast %add3A_311 : i32 to index
        %swap3A_331 = tpu.vector_load %arg19[%swap3A_330] {strides = array<i32>} : memref<16384xf32, #tpu.memory_space<vmem>>, vector<16xf32>,
        tpu.vector_store %arg19[%swap3A_330], %sub3A_329 {strides = array<i32>} : memref<16384xf32, #tpu.memory_space<vmem>>, vector<16xf32>,
        %min3A_332 = arith.minimumf %min3A_309, %sub3A_329 : vector<16xf32>
        %add3A_333 = arith.constant 8192 : i32
        %add3A_334 = arith.addi %add3A_333, %mul3A_148 : i32
        %get3A_335 = arith.index_cast %add3A_334 : i32 to index
        %get3A_336 = tpu.vector_load %arg11[%get3A_335] {strides = array<i32>} : memref<16384xf32, #tpu.memory_space<vmem>>, vector<16xf32>,
        %get3A_337 = arith.index_cast %add3A_334 : i32 to index
        %get3A_338 = tpu.vector_load %arg12[%get3A_337] {strides = array<i32>} : memref<16384xf32, #tpu.memory_space<vmem>>, vector<16xf32>,
        %get3A_339 = arith.index_cast %add3A_334 : i32 to index
        %get3A_340 = tpu.vector_load %arg13[%get3A_339] {strides = array<i32>} : memref<16384xf32, #tpu.memory_space<vmem>>, vector<16xf32>,
        %get3A_341 = arith.index_cast %add3A_334 : i32 to index
        %get3A_342 = tpu.vector_load %arg14[%get3A_341] {strides = array<i32>} : memref<16384xf32, #tpu.memory_space<vmem>>, vector<16xf32>,
        %add3A_343 = arith.addf %gather3A_47, %get3A_342 : vector<16xf32>
        %mul3A_344 = arith.mulf %gather3A, %get3A_336 : vector<16xf32>
        %mul3A_345 = arith.mulf %gather3A_45, %get3A_338 : vector<16xf32>
        %add3A_346 = arith.addf %mul3A_344, %mul3A_345 : vector<16xf32>
        %mul3A_347 = arith.mulf %gather3A_46, %get3A_340 : vector<16xf32>
        %add3A_348 = arith.addf %add3A_346, %mul3A_347 : vector<16xf32>
        %mul3A_349 = arith.constant 2.000000e+00 : f32
        %mul3A_350 = vector.broadcast %mul3A_349 : f32 to vector<16xf32>
        %mul3A_351 = arith.mulf %mul3A_350, %add3A_348 : vector<16xf32>
        %sub3A_352 = arith.subf %add3A_343, %mul3A_351 : vector<16xf32>
        %swap3A_353 = arith.index_cast %add3A_334 : i32 to index
        %swap3A_354 = tpu.vector_load %arg19[%swap3A_353] {strides = array<i32>} : memref<16384xf32, #tpu.memory_space<vmem>>, vector<16xf32>,
        tpu.vector_store %arg19[%swap3A_353], %sub3A_352 {strides = array<i32>} : memref<16384xf32, #tpu.memory_space<vmem>>, vector<16xf32>,
        %min3A_355 = arith.minimumf %min3A_332, %sub3A_352 : vector<16xf32>
        %add3A_356 = arith.constant 9216 : i32
        %add3A_357 = arith.addi %add3A_356, %mul3A_148 : i32
        %get3A_358 = arith.index_cast %add3A_357 : i32 to index
        %get3A_359 = tpu.vector_load %arg11[%get3A_358] {strides = array<i32>} : memref<16384xf32, #tpu.memory_space<vmem>>, vector<16xf32>,
        %get3A_360 = arith.index_cast %add3A_357 : i32 to index
        %get3A_361 = tpu.vector_load %arg12[%get3A_360] {strides = array<i32>} : memref<16384xf32, #tpu.memory_space<vmem>>, vector<16xf32>,
        %get3A_362 = arith.index_cast %add3A_357 : i32 to index
        %get3A_363 = tpu.vector_load %arg13[%get3A_362] {strides = array<i32>} : memref<16384xf32, #tpu.memory_space<vmem>>, vector<16xf32>,
        %get3A_364 = arith.index_cast %add3A_357 : i32 to index
        %get3A_365 = tpu.vector_load %arg14[%get3A_364] {strides = array<i32>} : memref<16384xf32, #tpu.memory_space<vmem>>, vector<16xf32>,
        %add3A_366 = arith.addf %gather3A_47, %get3A_365 : vector<16xf32>
        %mul3A_367 = arith.mulf %gather3A, %get3A_359 : vector<16xf32>
        %mul3A_368 = arith.mulf %gather3A_45, %get3A_361 : vector<16xf32>
        %add3A_369 = arith.addf %mul3A_367, %mul3A_368 : vector<16xf32>
        %mul3A_370 = arith.mulf %gather3A_46, %get3A_363 : vector<16xf32>
        %add3A_371 = arith.addf %add3A_369, %mul3A_370 : vector<16xf32>
        %mul3A_372 = arith.constant 2.000000e+00 : f32
        %mul3A_373 = vector.broadcast %mul3A_372 : f32 to vector<16xf32>
        %mul3A_374 = arith.mulf %mul3A_373, %add3A_371 : vector<16xf32>
        %sub3A_375 = arith.subf %add3A_366, %mul3A_374 : vector<16xf32>
        %swap3A_376 = arith.index_cast %add3A_357 : i32 to index
        %swap3A_377 = tpu.vector_load %arg19[%swap3A_376] {strides = array<i32>} : memref<16384xf32, #tpu.memory_space<vmem>>, vector<16xf32>,
        tpu.vector_store %arg19[%swap3A_376], %sub3A_375 {strides = array<i32>} : memref<16384xf32, #tpu.memory_space<vmem>>, vector<16xf32>,
        %min3A_378 = arith.minimumf %min3A_355, %sub3A_375 : vector<16xf32>
        %add3A_379 = arith.constant 10240 : i32
        %add3A_380 = arith.addi %add3A_379, %mul3A_148 : i32
        %get3A_381 = arith.index_cast %add3A_380 : i32 to index
        %get3A_382 = tpu.vector_load %arg11[%get3A_381] {strides = array<i32>} : memref<16384xf32, #tpu.memory_space<vmem>>, vector<16xf32>,
        %get3A_383 = arith.index_cast %add3A_380 : i32 to index
        %get3A_384 = tpu.vector_load %arg12[%get3A_383] {strides = array<i32>} : memref<16384xf32, #tpu.memory_space<vmem>>, vector<16xf32>,
        %get3A_385 = arith.index_cast %add3A_380 : i32 to index
        %get3A_386 = tpu.vector_load %arg13[%get3A_385] {strides = array<i32>} : memref<16384xf32, #tpu.memory_space<vmem>>, vector<16xf32>,
        %get3A_387 = arith.index_cast %add3A_380 : i32 to index
        %get3A_388 = tpu.vector_load %arg14[%get3A_387] {strides = array<i32>} : memref<16384xf32, #tpu.memory_space<vmem>>, vector<16xf32>,
        %add3A_389 = arith.addf %gather3A_47, %get3A_388 : vector<16xf32>
        %mul3A_390 = arith.mulf %gather3A, %get3A_382 : vector<16xf32>
        %mul3A_391 = arith.mulf %gather3A_45, %get3A_384 : vector<16xf32>
        %add3A_392 = arith.addf %mul3A_390, %mul3A_391 : vector<16xf32>
        %mul3A_393 = arith.mulf %gather3A_46, %get3A_386 : vector<16xf32>
        %add3A_394 = arith.addf %add3A_392, %mul3A_393 : vector<16xf32>
        %mul3A_395 = arith.constant 2.000000e+00 : f32
        %mul3A_396 = vector.broadcast %mul3A_395 : f32 to vector<16xf32>
        %mul3A_397 = arith.mulf %mul3A_396, %add3A_394 : vector<16xf32>
        %sub3A_398 = arith.subf %add3A_389, %mul3A_397 : vector<16xf32>
        %swap3A_399 = arith.index_cast %add3A_380 : i32 to index
        %swap3A_400 = tpu.vector_load %arg19[%swap3A_399] {strides = array<i32>} : memref<16384xf32, #tpu.memory_space<vmem>>, vector<16xf32>,
        tpu.vector_store %arg19[%swap3A_399], %sub3A_398 {strides = array<i32>} : memref<16384xf32, #tpu.memory_space<vmem>>, vector<16xf32>,
        %min3A_401 = arith.minimumf %min3A_378, %sub3A_398 : vector<16xf32>
        %add3A_402 = arith.constant 11264 : i32
        %add3A_403 = arith.addi %add3A_402, %mul3A_148 : i32
        %get3A_404 = arith.index_cast %add3A_403 : i32 to index
        %get3A_405 = tpu.vector_load %arg11[%get3A_404] {strides = array<i32>} : memref<16384xf32, #tpu.memory_space<vmem>>, vector<16xf32>,
        %get3A_406 = arith.index_cast %add3A_403 : i32 to index
        %get3A_407 = tpu.vector_load %arg12[%get3A_406] {strides = array<i32>} : memref<16384xf32, #tpu.memory_space<vmem>>, vector<16xf32>,
        %get3A_408 = arith.index_cast %add3A_403 : i32 to index
        %get3A_409 = tpu.vector_load %arg13[%get3A_408] {strides = array<i32>} : memref<16384xf32, #tpu.memory_space<vmem>>, vector<16xf32>,
        %get3A_410 = arith.index_cast %add3A_403 : i32 to index
        %get3A_411 = tpu.vector_load %arg14[%get3A_410] {strides = array<i32>} : memref<16384xf32, #tpu.memory_space<vmem>>, vector<16xf32>,
        %add3A_412 = arith.addf %gather3A_47, %get3A_411 : vector<16xf32>
        %mul3A_413 = arith.mulf %gather3A, %get3A_405 : vector<16xf32>
        %mul3A_414 = arith.mulf %gather3A_45, %get3A_407 : vector<16xf32>
        %add3A_415 = arith.addf %mul3A_413, %mul3A_414 : vector<16xf32>
        %mul3A_416 = arith.mulf %gather3A_46, %get3A_409 : vector<16xf32>
        %add3A_417 = arith.addf %add3A_415, %mul3A_416 : vector<16xf32>
        %mul3A_418 = arith.constant 2.000000e+00 : f32
        %mul3A_419 = vector.broadcast %mul3A_418 : f32 to vector<16xf32>
        %mul3A_420 = arith.mulf %mul3A_419, %add3A_417 : vector<16xf32>
        %sub3A_421 = arith.subf %add3A_412, %mul3A_420 : vector<16xf32>
        %swap3A_422 = arith.index_cast %add3A_403 : i32 to index
        %swap3A_423 = tpu.vector_load %arg19[%swap3A_422] {strides = array<i32>} : memref<16384xf32, #tpu.memory_space<vmem>>, vector<16xf32>,
        tpu.vector_store %arg19[%swap3A_422], %sub3A_421 {strides = array<i32>} : memref<16384xf32, #tpu.memory_space<vmem>>, vector<16xf32>,
        %min3A_424 = arith.minimumf %min3A_401, %sub3A_421 : vector<16xf32>
        %add3A_425 = arith.constant 12288 : i32
        %add3A_426 = arith.addi %add3A_425, %mul3A_148 : i32
        %get3A_427 = arith.index_cast %add3A_426 : i32 to index
        %get3A_428 = tpu.vector_load %arg11[%get3A_427] {strides = array<i32>} : memref<16384xf32, #tpu.memory_space<vmem>>, vector<16xf32>,
        %get3A_429 = arith.index_cast %add3A_426 : i32 to index
        %get3A_430 = tpu.vector_load %arg12[%get3A_429] {strides = array<i32>} : memref<16384xf32, #tpu.memory_space<vmem>>, vector<16xf32>,
        %get3A_431 = arith.index_cast %add3A_426 : i32 to index
        %get3A_432 = tpu.vector_load %arg13[%get3A_431] {strides = array<i32>} : memref<16384xf32, #tpu.memory_space<vmem>>, vector<16xf32>,
        %get3A_433 = arith.index_cast %add3A_426 : i32 to index
        %get3A_434 = tpu.vector_load %arg14[%get3A_433] {strides = array<i32>} : memref<16384xf32, #tpu.memory_space<vmem>>, vector<16xf32>,
        %add3A_435 = arith.addf %gather3A_47, %get3A_434 : vector<16xf32>
        %mul3A_436 = arith.mulf %gather3A, %get3A_428 : vector<16xf32>
        %mul3A_437 = arith.mulf %gather3A_45, %get3A_430 : vector<16xf32>
        %add3A_438 = arith.addf %mul3A_436, %mul3A_437 : vector<16xf32>
        %mul3A_439 = arith.mulf %gather3A_46, %get3A_432 : vector<16xf32>
        %add3A_440 = arith.addf %add3A_438, %mul3A_439 : vector<16xf32>
        %mul3A_441 = arith.constant 2.000000e+00 : f32
        %mul3A_442 = vector.broadcast %mul3A_441 : f32 to vector<16xf32>
        %mul3A_443 = arith.mulf %mul3A_442, %add3A_440 : vector<16xf32>
        %sub3A_444 = arith.subf %add3A_435, %mul3A_443 : vector<16xf32>
        %swap3A_445 = arith.index_cast %add3A_426 : i32 to index
        %swap3A_446 = tpu.vector_load %arg19[%swap3A_445] {strides = array<i32>} : memref<16384xf32, #tpu.memory_space<vmem>>, vector<16xf32>,
        tpu.vector_store %arg19[%swap3A_445], %sub3A_444 {strides = array<i32>} : memref<16384xf32, #tpu.memory_space<vmem>>, vector<16xf32>,
        %min3A_447 = arith.minimumf %min3A_424, %sub3A_444 : vector<16xf32>
        %add3A_448 = arith.constant 13312 : i32
        %add3A_449 = arith.addi %add3A_448, %mul3A_148 : i32
        %get3A_450 = arith.index_cast %add3A_449 : i32 to index
        %get3A_451 = tpu.vector_load %arg11[%get3A_450] {strides = array<i32>} : memref<16384xf32, #tpu.memory_space<vmem>>, vector<16xf32>,
        %get3A_452 = arith.index_cast %add3A_449 : i32 to index
        %get3A_453 = tpu.vector_load %arg12[%get3A_452] {strides = array<i32>} : memref<16384xf32, #tpu.memory_space<vmem>>, vector<16xf32>,
        %get3A_454 = arith.index_cast %add3A_449 : i32 to index
        %get3A_455 = tpu.vector_load %arg13[%get3A_454] {strides = array<i32>} : memref<16384xf32, #tpu.memory_space<vmem>>, vector<16xf32>,
        %get3A_456 = arith.index_cast %add3A_449 : i32 to index
        %get3A_457 = tpu.vector_load %arg14[%get3A_456] {strides = array<i32>} : memref<16384xf32, #tpu.memory_space<vmem>>, vector<16xf32>,
        %add3A_458 = arith.addf %gather3A_47, %get3A_457 : vector<16xf32>
        %mul3A_459 = arith.mulf %gather3A, %get3A_451 : vector<16xf32>
        %mul3A_460 = arith.mulf %gather3A_45, %get3A_453 : vector<16xf32>
        %add3A_461 = arith.addf %mul3A_459, %mul3A_460 : vector<16xf32>
        %mul3A_462 = arith.mulf %gather3A_46, %get3A_455 : vector<16xf32>
        %add3A_463 = arith.addf %add3A_461, %mul3A_462 : vector<16xf32>
        %mul3A_464 = arith.constant 2.000000e+00 : f32
        %mul3A_465 = vector.broadcast %mul3A_464 : f32 to vector<16xf32>
        %mul3A_466 = arith.mulf %mul3A_465, %add3A_463 : vector<16xf32>
        %sub3A_467 = arith.subf %add3A_458, %mul3A_466 : vector<16xf32>
        %swap3A_468 = arith.index_cast %add3A_449 : i32 to index
        %swap3A_469 = tpu.vector_load %arg19[%swap3A_468] {strides = array<i32>} : memref<16384xf32, #tpu.memory_space<vmem>>, vector<16xf32>,
        tpu.vector_store %arg19[%swap3A_468], %sub3A_467 {strides = array<i32>} : memref<16384xf32, #tpu.memory_space<vmem>>, vector<16xf32>,
        %min3A_470 = arith.minimumf %min3A_447, %sub3A_467 : vector<16xf32>
        %add3A_471 = arith.constant 14336 : i32
        %add3A_472 = arith.addi %add3A_471, %mul3A_148 : i32
        %get3A_473 = arith.index_cast %add3A_472 : i32 to index
        %get3A_474 = tpu.vector_load %arg11[%get3A_473] {strides = array<i32>} : memref<16384xf32, #tpu.memory_space<vmem>>, vector<16xf32>,
        %get3A_475 = arith.index_cast %add3A_472 : i32 to index
        %get3A_476 = tpu.vector_load %arg12[%get3A_475] {strides = array<i32>} : memref<16384xf32, #tpu.memory_space<vmem>>, vector<16xf32>,
        %get3A_477 = arith.index_cast %add3A_472 : i32 to index
        %get3A_478 = tpu.vector_load %arg13[%get3A_477] {strides = array<i32>} : memref<16384xf32, #tpu.memory_space<vmem>>, vector<16xf32>,
        %get3A_479 = arith.index_cast %add3A_472 : i32 to index
        %get3A_480 = tpu.vector_load %arg14[%get3A_479] {strides = array<i32>} : memref<16384xf32, #tpu.memory_space<vmem>>, vector<16xf32>,
        %add3A_481 = arith.addf %gather3A_47, %get3A_480 : vector<16xf32>
        %mul3A_482 = arith.mulf %gather3A, %get3A_474 : vector<16xf32>
        %mul3A_483 = arith.mulf %gather3A_45, %get3A_476 : vector<16xf32>
        %add3A_484 = arith.addf %mul3A_482, %mul3A_483 : vector<16xf32>
        %mul3A_485 = arith.mulf %gather3A_46, %get3A_478 : vector<16xf32>
        %add3A_486 = arith.addf %add3A_484, %mul3A_485 : vector<16xf32>
        %mul3A_487 = arith.constant 2.000000e+00 : f32
        %mul3A_488 = vector.broadcast %mul3A_487 : f32 to vector<16xf32>
        %mul3A_489 = arith.mulf %mul3A_488, %add3A_486 : vector<16xf32>
        %sub3A_490 = arith.subf %add3A_481, %mul3A_489 : vector<16xf32>
        %swap3A_491 = arith.index_cast %add3A_472 : i32 to index
        %swap3A_492 = tpu.vector_load %arg19[%swap3A_491] {strides = array<i32>} : memref<16384xf32, #tpu.memory_space<vmem>>, vector<16xf32>,
        tpu.vector_store %arg19[%swap3A_491], %sub3A_490 {strides = array<i32>} : memref<16384xf32, #tpu.memory_space<vmem>>, vector<16xf32>,
        %min3A_493 = arith.minimumf %min3A_470, %sub3A_490 : vector<16xf32>
        %add3A_494 = arith.constant 15360 : i32
        %add3A_495 = arith.addi %add3A_494, %mul3A_148 : i32
        %get3A_496 = arith.index_cast %add3A_495 : i32 to index
        %get3A_497 = tpu.vector_load %arg11[%get3A_496] {strides = array<i32>} : memref<16384xf32, #tpu.memory_space<vmem>>, vector<16xf32>,
        %get3A_498 = arith.index_cast %add3A_495 : i32 to index
        %get3A_499 = tpu.vector_load %arg12[%get3A_498] {strides = array<i32>} : memref<16384xf32, #tpu.memory_space<vmem>>, vector<16xf32>,
        %get3A_500 = arith.index_cast %add3A_495 : i32 to index
        %get3A_501 = tpu.vector_load %arg13[%get3A_500] {strides = array<i32>} : memref<16384xf32, #tpu.memory_space<vmem>>, vector<16xf32>,
        %get3A_502 = arith.index_cast %add3A_495 : i32 to index
        %get3A_503 = tpu.vector_load %arg14[%get3A_502] {strides = array<i32>} : memref<16384xf32, #tpu.memory_space<vmem>>, vector<16xf32>,
        %add3A_504 = arith.addf %gather3A_47, %get3A_503 : vector<16xf32>
        %mul3A_505 = arith.mulf %gather3A, %get3A_497 : vector<16xf32>
        %mul3A_506 = arith.mulf %gather3A_45, %get3A_499 : vector<16xf32>
        %add3A_507 = arith.addf %mul3A_505, %mul3A_506 : vector<16xf32>
        %mul3A_508 = arith.mulf %gather3A_46, %get3A_501 : vector<16xf32>
        %add3A_509 = arith.addf %add3A_507, %mul3A_508 : vector<16xf32>
        %mul3A_510 = arith.constant 2.000000e+00 : f32
        %mul3A_511 = vector.broadcast %mul3A_510 : f32 to vector<16xf32>
        %mul3A_512 = arith.mulf %mul3A_511, %add3A_509 : vector<16xf32>
        %sub3A_513 = arith.subf %add3A_504, %mul3A_512 : vector<16xf32>
        %swap3A_514 = arith.index_cast %add3A_495 : i32 to index
        %swap3A_515 = tpu.vector_load %arg19[%swap3A_514] {strides = array<i32>} : memref<16384xf32, #tpu.memory_space<vmem>>, vector<16xf32>,
        tpu.vector_store %arg19[%swap3A_514], %sub3A_513 {strides = array<i32>} : memref<16384xf32, #tpu.memory_space<vmem>>, vector<16xf32>,
        %min3A_516 = arith.minimumf %min3A_493, %sub3A_513 : vector<16xf32>
        %swap3A_517 = arith.index_cast %mul3A_148 : i32 to index
        %swap3A_518 = tpu.vector_load %arg20[%swap3A_517] {strides = array<i32>} : memref<1024xf32, #tpu.memory_space<vmem>>, vector<16xf32>,
        tpu.vector_store %arg20[%swap3A_517], %min3A_516 {strides = array<i32>} : memref<1024xf32, #tpu.memory_space<vmem>>, vector<16xf32>,
        %min3A_519 = arith.minimumf %scan3A_142, %min3A_516 : vector<16xf32>
        scf.yield %min3A_519 : vector<16xf32>
      }
      %scan3A_55 = arith.constant 16 : i32
      %swap3A = arith.constant 0 : index
      %swap3A_56 = tpu.vector_load %arg21[%swap3A] {strides = array<i32>} : memref<64xf32, #tpu.memory_space<vmem>>, vector<16xf32>,
      tpu.vector_store %arg21[%swap3A], %scan3A_54 {strides = array<i32>} : memref<64xf32, #tpu.memory_space<vmem>>, vector<16xf32>,
      %broadcast_in_dim3A_57 = arith.constant 3.000000e+38 : f32
      %broadcast_in_dim3A_58 = vector.broadcast %broadcast_in_dim3A_57 : f32 to vector<16xf32>
      %scan3A_59 = arith.constant 0 : i32
      %scan3A_60 = arith.constant 16 : i32
      %scan3A_61 = arith.addi %scan3A_59, %scan3A_60 : i32
      %scan3A_62 = arith.constant 1 : i32
      %scan3A_63 = scf.for %scan3A_141 = %scan3A_59 to %scan3A_61 step %scan3A_62 iter_args(%scan3A_142 = %broadcast_in_dim3A_58) -> (vector<16xf32>)  : i32 {
        %mul3A_143 = arith.constant 4 : i32
        %mul3A_144 = arith.muli %mul3A_143, %scan3A_141 : i32
        %add3A_145 = arith.constant 1 : i32
        %add3A_146 = arith.addi %add3A_145, %mul3A_144 : i32
        %mul3A_147 = arith.constant 16 : i32
        %mul3A_148 = arith.muli %add3A_146, %mul3A_147 : i32
        %broadcast_in_dim3A_149 = arith.constant 3.000000e+38 : f32
        %broadcast_in_dim3A_150 = vector.broadcast %broadcast_in_dim3A_149 : f32 to vector<16xf32>
        %add3A_151 = arith.constant 0 : i32
        %add3A_152 = arith.addi %add3A_151, %mul3A_148 : i32
        %get3A = arith.index_cast %add3A_152 : i32 to index
        %get3A_153 = tpu.vector_load %arg11[%get3A] {strides = array<i32>} : memref<16384xf32, #tpu.memory_space<vmem>>, vector<16xf32>,
        %get3A_154 = arith.index_cast %add3A_152 : i32 to index
        %get3A_155 = tpu.vector_load %arg12[%get3A_154] {strides = array<i32>} : memref<16384xf32, #tpu.memory_space<vmem>>, vector<16xf32>,
        %get3A_156 = arith.index_cast %add3A_152 : i32 to index
        %get3A_157 = tpu.vector_load %arg13[%get3A_156] {strides = array<i32>} : memref<16384xf32, #tpu.memory_space<vmem>>, vector<16xf32>,
        %get3A_158 = arith.index_cast %add3A_152 : i32 to index
        %get3A_159 = tpu.vector_load %arg14[%get3A_158] {strides = array<i32>} : memref<16384xf32, #tpu.memory_space<vmem>>, vector<16xf32>,
        %add3A_160 = arith.addf %gather3A_47, %get3A_159 : vector<16xf32>
        %mul3A_161 = arith.mulf %gather3A, %get3A_153 : vector<16xf32>
        %mul3A_162 = arith.mulf %gather3A_45, %get3A_155 : vector<16xf32>
        %add3A_163 = arith.addf %mul3A_161, %mul3A_162 : vector<16xf32>
        %mul3A_164 = arith.mulf %gather3A_46, %get3A_157 : vector<16xf32>
        %add3A_165 = arith.addf %add3A_163, %mul3A_164 : vector<16xf32>
        %mul3A_166 = arith.constant 2.000000e+00 : f32
        %mul3A_167 = vector.broadcast %mul3A_166 : f32 to vector<16xf32>
        %mul3A_168 = arith.mulf %mul3A_167, %add3A_165 : vector<16xf32>
        %sub3A_169 = arith.subf %add3A_160, %mul3A_168 : vector<16xf32>
        %swap3A_170 = arith.index_cast %add3A_152 : i32 to index
        %swap3A_171 = tpu.vector_load %arg19[%swap3A_170] {strides = array<i32>} : memref<16384xf32, #tpu.memory_space<vmem>>, vector<16xf32>,
        tpu.vector_store %arg19[%swap3A_170], %sub3A_169 {strides = array<i32>} : memref<16384xf32, #tpu.memory_space<vmem>>, vector<16xf32>,
        %min3A = arith.minimumf %broadcast_in_dim3A_150, %sub3A_169 : vector<16xf32>
        %add3A_172 = arith.constant 1024 : i32
        %add3A_173 = arith.addi %add3A_172, %mul3A_148 : i32
        %get3A_174 = arith.index_cast %add3A_173 : i32 to index
        %get3A_175 = tpu.vector_load %arg11[%get3A_174] {strides = array<i32>} : memref<16384xf32, #tpu.memory_space<vmem>>, vector<16xf32>,
        %get3A_176 = arith.index_cast %add3A_173 : i32 to index
        %get3A_177 = tpu.vector_load %arg12[%get3A_176] {strides = array<i32>} : memref<16384xf32, #tpu.memory_space<vmem>>, vector<16xf32>,
        %get3A_178 = arith.index_cast %add3A_173 : i32 to index
        %get3A_179 = tpu.vector_load %arg13[%get3A_178] {strides = array<i32>} : memref<16384xf32, #tpu.memory_space<vmem>>, vector<16xf32>,
        %get3A_180 = arith.index_cast %add3A_173 : i32 to index
        %get3A_181 = tpu.vector_load %arg14[%get3A_180] {strides = array<i32>} : memref<16384xf32, #tpu.memory_space<vmem>>, vector<16xf32>,
        %add3A_182 = arith.addf %gather3A_47, %get3A_181 : vector<16xf32>
        %mul3A_183 = arith.mulf %gather3A, %get3A_175 : vector<16xf32>
        %mul3A_184 = arith.mulf %gather3A_45, %get3A_177 : vector<16xf32>
        %add3A_185 = arith.addf %mul3A_183, %mul3A_184 : vector<16xf32>
        %mul3A_186 = arith.mulf %gather3A_46, %get3A_179 : vector<16xf32>
        %add3A_187 = arith.addf %add3A_185, %mul3A_186 : vector<16xf32>
        %mul3A_188 = arith.constant 2.000000e+00 : f32
        %mul3A_189 = vector.broadcast %mul3A_188 : f32 to vector<16xf32>
        %mul3A_190 = arith.mulf %mul3A_189, %add3A_187 : vector<16xf32>
        %sub3A_191 = arith.subf %add3A_182, %mul3A_190 : vector<16xf32>
        %swap3A_192 = arith.index_cast %add3A_173 : i32 to index
        %swap3A_193 = tpu.vector_load %arg19[%swap3A_192] {strides = array<i32>} : memref<16384xf32, #tpu.memory_space<vmem>>, vector<16xf32>,
        tpu.vector_store %arg19[%swap3A_192], %sub3A_191 {strides = array<i32>} : memref<16384xf32, #tpu.memory_space<vmem>>, vector<16xf32>,
        %min3A_194 = arith.minimumf %min3A, %sub3A_191 : vector<16xf32>
        %add3A_195 = arith.constant 2048 : i32
        %add3A_196 = arith.addi %add3A_195, %mul3A_148 : i32
        %get3A_197 = arith.index_cast %add3A_196 : i32 to index
        %get3A_198 = tpu.vector_load %arg11[%get3A_197] {strides = array<i32>} : memref<16384xf32, #tpu.memory_space<vmem>>, vector<16xf32>,
        %get3A_199 = arith.index_cast %add3A_196 : i32 to index
        %get3A_200 = tpu.vector_load %arg12[%get3A_199] {strides = array<i32>} : memref<16384xf32, #tpu.memory_space<vmem>>, vector<16xf32>,
        %get3A_201 = arith.index_cast %add3A_196 : i32 to index
        %get3A_202 = tpu.vector_load %arg13[%get3A_201] {strides = array<i32>} : memref<16384xf32, #tpu.memory_space<vmem>>, vector<16xf32>,
        %get3A_203 = arith.index_cast %add3A_196 : i32 to index
        %get3A_204 = tpu.vector_load %arg14[%get3A_203] {strides = array<i32>} : memref<16384xf32, #tpu.memory_space<vmem>>, vector<16xf32>,
        %add3A_205 = arith.addf %gather3A_47, %get3A_204 : vector<16xf32>
        %mul3A_206 = arith.mulf %gather3A, %get3A_198 : vector<16xf32>
        %mul3A_207 = arith.mulf %gather3A_45, %get3A_200 : vector<16xf32>
        %add3A_208 = arith.addf %mul3A_206, %mul3A_207 : vector<16xf32>
        %mul3A_209 = arith.mulf %gather3A_46, %get3A_202 : vector<16xf32>
        %add3A_210 = arith.addf %add3A_208, %mul3A_209 : vector<16xf32>
        %mul3A_211 = arith.constant 2.000000e+00 : f32
        %mul3A_212 = vector.broadcast %mul3A_211 : f32 to vector<16xf32>
        %mul3A_213 = arith.mulf %mul3A_212, %add3A_210 : vector<16xf32>
        %sub3A_214 = arith.subf %add3A_205, %mul3A_213 : vector<16xf32>
        %swap3A_215 = arith.index_cast %add3A_196 : i32 to index
        %swap3A_216 = tpu.vector_load %arg19[%swap3A_215] {strides = array<i32>} : memref<16384xf32, #tpu.memory_space<vmem>>, vector<16xf32>,
        tpu.vector_store %arg19[%swap3A_215], %sub3A_214 {strides = array<i32>} : memref<16384xf32, #tpu.memory_space<vmem>>, vector<16xf32>,
        %min3A_217 = arith.minimumf %min3A_194, %sub3A_214 : vector<16xf32>
        %add3A_218 = arith.constant 3072 : i32
        %add3A_219 = arith.addi %add3A_218, %mul3A_148 : i32
        %get3A_220 = arith.index_cast %add3A_219 : i32 to index
        %get3A_221 = tpu.vector_load %arg11[%get3A_220] {strides = array<i32>} : memref<16384xf32, #tpu.memory_space<vmem>>, vector<16xf32>,
        %get3A_222 = arith.index_cast %add3A_219 : i32 to index
        %get3A_223 = tpu.vector_load %arg12[%get3A_222] {strides = array<i32>} : memref<16384xf32, #tpu.memory_space<vmem>>, vector<16xf32>,
        %get3A_224 = arith.index_cast %add3A_219 : i32 to index
        %get3A_225 = tpu.vector_load %arg13[%get3A_224] {strides = array<i32>} : memref<16384xf32, #tpu.memory_space<vmem>>, vector<16xf32>,
        %get3A_226 = arith.index_cast %add3A_219 : i32 to index
        %get3A_227 = tpu.vector_load %arg14[%get3A_226] {strides = array<i32>} : memref<16384xf32, #tpu.memory_space<vmem>>, vector<16xf32>,
        %add3A_228 = arith.addf %gather3A_47, %get3A_227 : vector<16xf32>
        %mul3A_229 = arith.mulf %gather3A, %get3A_221 : vector<16xf32>
        %mul3A_230 = arith.mulf %gather3A_45, %get3A_223 : vector<16xf32>
        %add3A_231 = arith.addf %mul3A_229, %mul3A_230 : vector<16xf32>
        %mul3A_232 = arith.mulf %gather3A_46, %get3A_225 : vector<16xf32>
        %add3A_233 = arith.addf %add3A_231, %mul3A_232 : vector<16xf32>
        %mul3A_234 = arith.constant 2.000000e+00 : f32
        %mul3A_235 = vector.broadcast %mul3A_234 : f32 to vector<16xf32>
        %mul3A_236 = arith.mulf %mul3A_235, %add3A_233 : vector<16xf32>
        %sub3A_237 = arith.subf %add3A_228, %mul3A_236 : vector<16xf32>
        %swap3A_238 = arith.index_cast %add3A_219 : i32 to index
        %swap3A_239 = tpu.vector_load %arg19[%swap3A_238] {strides = array<i32>} : memref<16384xf32, #tpu.memory_space<vmem>>, vector<16xf32>,
        tpu.vector_store %arg19[%swap3A_238], %sub3A_237 {strides = array<i32>} : memref<16384xf32, #tpu.memory_space<vmem>>, vector<16xf32>,
        %min3A_240 = arith.minimumf %min3A_217, %sub3A_237 : vector<16xf32>
        %add3A_241 = arith.constant 4096 : i32
        %add3A_242 = arith.addi %add3A_241, %mul3A_148 : i32
        %get3A_243 = arith.index_cast %add3A_242 : i32 to index
        %get3A_244 = tpu.vector_load %arg11[%get3A_243] {strides = array<i32>} : memref<16384xf32, #tpu.memory_space<vmem>>, vector<16xf32>,
        %get3A_245 = arith.index_cast %add3A_242 : i32 to index
        %get3A_246 = tpu.vector_load %arg12[%get3A_245] {strides = array<i32>} : memref<16384xf32, #tpu.memory_space<vmem>>, vector<16xf32>,
        %get3A_247 = arith.index_cast %add3A_242 : i32 to index
        %get3A_248 = tpu.vector_load %arg13[%get3A_247] {strides = array<i32>} : memref<16384xf32, #tpu.memory_space<vmem>>, vector<16xf32>,
        %get3A_249 = arith.index_cast %add3A_242 : i32 to index
        %get3A_250 = tpu.vector_load %arg14[%get3A_249] {strides = array<i32>} : memref<16384xf32, #tpu.memory_space<vmem>>, vector<16xf32>,
        %add3A_251 = arith.addf %gather3A_47, %get3A_250 : vector<16xf32>
        %mul3A_252 = arith.mulf %gather3A, %get3A_244 : vector<16xf32>
        %mul3A_253 = arith.mulf %gather3A_45, %get3A_246 : vector<16xf32>
        %add3A_254 = arith.addf %mul3A_252, %mul3A_253 : vector<16xf32>
        %mul3A_255 = arith.mulf %gather3A_46, %get3A_248 : vector<16xf32>
        %add3A_256 = arith.addf %add3A_254, %mul3A_255 : vector<16xf32>
        %mul3A_257 = arith.constant 2.000000e+00 : f32
        %mul3A_258 = vector.broadcast %mul3A_257 : f32 to vector<16xf32>
        %mul3A_259 = arith.mulf %mul3A_258, %add3A_256 : vector<16xf32>
        %sub3A_260 = arith.subf %add3A_251, %mul3A_259 : vector<16xf32>
        %swap3A_261 = arith.index_cast %add3A_242 : i32 to index
        %swap3A_262 = tpu.vector_load %arg19[%swap3A_261] {strides = array<i32>} : memref<16384xf32, #tpu.memory_space<vmem>>, vector<16xf32>,
        tpu.vector_store %arg19[%swap3A_261], %sub3A_260 {strides = array<i32>} : memref<16384xf32, #tpu.memory_space<vmem>>, vector<16xf32>,
        %min3A_263 = arith.minimumf %min3A_240, %sub3A_260 : vector<16xf32>
        %add3A_264 = arith.constant 5120 : i32
        %add3A_265 = arith.addi %add3A_264, %mul3A_148 : i32
        %get3A_266 = arith.index_cast %add3A_265 : i32 to index
        %get3A_267 = tpu.vector_load %arg11[%get3A_266] {strides = array<i32>} : memref<16384xf32, #tpu.memory_space<vmem>>, vector<16xf32>,
        %get3A_268 = arith.index_cast %add3A_265 : i32 to index
        %get3A_269 = tpu.vector_load %arg12[%get3A_268] {strides = array<i32>} : memref<16384xf32, #tpu.memory_space<vmem>>, vector<16xf32>,
        %get3A_270 = arith.index_cast %add3A_265 : i32 to index
        %get3A_271 = tpu.vector_load %arg13[%get3A_270] {strides = array<i32>} : memref<16384xf32, #tpu.memory_space<vmem>>, vector<16xf32>,
        %get3A_272 = arith.index_cast %add3A_265 : i32 to index
        %get3A_273 = tpu.vector_load %arg14[%get3A_272] {strides = array<i32>} : memref<16384xf32, #tpu.memory_space<vmem>>, vector<16xf32>,
        %add3A_274 = arith.addf %gather3A_47, %get3A_273 : vector<16xf32>
        %mul3A_275 = arith.mulf %gather3A, %get3A_267 : vector<16xf32>
        %mul3A_276 = arith.mulf %gather3A_45, %get3A_269 : vector<16xf32>
        %add3A_277 = arith.addf %mul3A_275, %mul3A_276 : vector<16xf32>
        %mul3A_278 = arith.mulf %gather3A_46, %get3A_271 : vector<16xf32>
        %add3A_279 = arith.addf %add3A_277, %mul3A_278 : vector<16xf32>
        %mul3A_280 = arith.constant 2.000000e+00 : f32
        %mul3A_281 = vector.broadcast %mul3A_280 : f32 to vector<16xf32>
        %mul3A_282 = arith.mulf %mul3A_281, %add3A_279 : vector<16xf32>
        %sub3A_283 = arith.subf %add3A_274, %mul3A_282 : vector<16xf32>
        %swap3A_284 = arith.index_cast %add3A_265 : i32 to index
        %swap3A_285 = tpu.vector_load %arg19[%swap3A_284] {strides = array<i32>} : memref<16384xf32, #tpu.memory_space<vmem>>, vector<16xf32>,
        tpu.vector_store %arg19[%swap3A_284], %sub3A_283 {strides = array<i32>} : memref<16384xf32, #tpu.memory_space<vmem>>, vector<16xf32>,
        %min3A_286 = arith.minimumf %min3A_263, %sub3A_283 : vector<16xf32>
        %add3A_287 = arith.constant 6144 : i32
        %add3A_288 = arith.addi %add3A_287, %mul3A_148 : i32
        %get3A_289 = arith.index_cast %add3A_288 : i32 to index
        %get3A_290 = tpu.vector_load %arg11[%get3A_289] {strides = array<i32>} : memref<16384xf32, #tpu.memory_space<vmem>>, vector<16xf32>,
        %get3A_291 = arith.index_cast %add3A_288 : i32 to index
        %get3A_292 = tpu.vector_load %arg12[%get3A_291] {strides = array<i32>} : memref<16384xf32, #tpu.memory_space<vmem>>, vector<16xf32>,
        %get3A_293 = arith.index_cast %add3A_288 : i32 to index
        %get3A_294 = tpu.vector_load %arg13[%get3A_293] {strides = array<i32>} : memref<16384xf32, #tpu.memory_space<vmem>>, vector<16xf32>,
        %get3A_295 = arith.index_cast %add3A_288 : i32 to index
        %get3A_296 = tpu.vector_load %arg14[%get3A_295] {strides = array<i32>} : memref<16384xf32, #tpu.memory_space<vmem>>, vector<16xf32>,
        %add3A_297 = arith.addf %gather3A_47, %get3A_296 : vector<16xf32>
        %mul3A_298 = arith.mulf %gather3A, %get3A_290 : vector<16xf32>
        %mul3A_299 = arith.mulf %gather3A_45, %get3A_292 : vector<16xf32>
        %add3A_300 = arith.addf %mul3A_298, %mul3A_299 : vector<16xf32>
        %mul3A_301 = arith.mulf %gather3A_46, %get3A_294 : vector<16xf32>
        %add3A_302 = arith.addf %add3A_300, %mul3A_301 : vector<16xf32>
        %mul3A_303 = arith.constant 2.000000e+00 : f32
        %mul3A_304 = vector.broadcast %mul3A_303 : f32 to vector<16xf32>
        %mul3A_305 = arith.mulf %mul3A_304, %add3A_302 : vector<16xf32>
        %sub3A_306 = arith.subf %add3A_297, %mul3A_305 : vector<16xf32>
        %swap3A_307 = arith.index_cast %add3A_288 : i32 to index
        %swap3A_308 = tpu.vector_load %arg19[%swap3A_307] {strides = array<i32>} : memref<16384xf32, #tpu.memory_space<vmem>>, vector<16xf32>,
        tpu.vector_store %arg19[%swap3A_307], %sub3A_306 {strides = array<i32>} : memref<16384xf32, #tpu.memory_space<vmem>>, vector<16xf32>,
        %min3A_309 = arith.minimumf %min3A_286, %sub3A_306 : vector<16xf32>
        %add3A_310 = arith.constant 7168 : i32
        %add3A_311 = arith.addi %add3A_310, %mul3A_148 : i32
        %get3A_312 = arith.index_cast %add3A_311 : i32 to index
        %get3A_313 = tpu.vector_load %arg11[%get3A_312] {strides = array<i32>} : memref<16384xf32, #tpu.memory_space<vmem>>, vector<16xf32>,
        %get3A_314 = arith.index_cast %add3A_311 : i32 to index
        %get3A_315 = tpu.vector_load %arg12[%get3A_314] {strides = array<i32>} : memref<16384xf32, #tpu.memory_space<vmem>>, vector<16xf32>,
        %get3A_316 = arith.index_cast %add3A_311 : i32 to index
        %get3A_317 = tpu.vector_load %arg13[%get3A_316] {strides = array<i32>} : memref<16384xf32, #tpu.memory_space<vmem>>, vector<16xf32>,
        %get3A_318 = arith.index_cast %add3A_311 : i32 to index
        %get3A_319 = tpu.vector_load %arg14[%get3A_318] {strides = array<i32>} : memref<16384xf32, #tpu.memory_space<vmem>>, vector<16xf32>,
        %add3A_320 = arith.addf %gather3A_47, %get3A_319 : vector<16xf32>
        %mul3A_321 = arith.mulf %gather3A, %get3A_313 : vector<16xf32>
        %mul3A_322 = arith.mulf %gather3A_45, %get3A_315 : vector<16xf32>
        %add3A_323 = arith.addf %mul3A_321, %mul3A_322 : vector<16xf32>
        %mul3A_324 = arith.mulf %gather3A_46, %get3A_317 : vector<16xf32>
        %add3A_325 = arith.addf %add3A_323, %mul3A_324 : vector<16xf32>
        %mul3A_326 = arith.constant 2.000000e+00 : f32
        %mul3A_327 = vector.broadcast %mul3A_326 : f32 to vector<16xf32>
        %mul3A_328 = arith.mulf %mul3A_327, %add3A_325 : vector<16xf32>
        %sub3A_329 = arith.subf %add3A_320, %mul3A_328 : vector<16xf32>
        %swap3A_330 = arith.index_cast %add3A_311 : i32 to index
        %swap3A_331 = tpu.vector_load %arg19[%swap3A_330] {strides = array<i32>} : memref<16384xf32, #tpu.memory_space<vmem>>, vector<16xf32>,
        tpu.vector_store %arg19[%swap3A_330], %sub3A_329 {strides = array<i32>} : memref<16384xf32, #tpu.memory_space<vmem>>, vector<16xf32>,
        %min3A_332 = arith.minimumf %min3A_309, %sub3A_329 : vector<16xf32>
        %add3A_333 = arith.constant 8192 : i32
        %add3A_334 = arith.addi %add3A_333, %mul3A_148 : i32
        %get3A_335 = arith.index_cast %add3A_334 : i32 to index
        %get3A_336 = tpu.vector_load %arg11[%get3A_335] {strides = array<i32>} : memref<16384xf32, #tpu.memory_space<vmem>>, vector<16xf32>,
        %get3A_337 = arith.index_cast %add3A_334 : i32 to index
        %get3A_338 = tpu.vector_load %arg12[%get3A_337] {strides = array<i32>} : memref<16384xf32, #tpu.memory_space<vmem>>, vector<16xf32>,
        %get3A_339 = arith.index_cast %add3A_334 : i32 to index
        %get3A_340 = tpu.vector_load %arg13[%get3A_339] {strides = array<i32>} : memref<16384xf32, #tpu.memory_space<vmem>>, vector<16xf32>,
        %get3A_341 = arith.index_cast %add3A_334 : i32 to index
        %get3A_342 = tpu.vector_load %arg14[%get3A_341] {strides = array<i32>} : memref<16384xf32, #tpu.memory_space<vmem>>, vector<16xf32>,
        %add3A_343 = arith.addf %gather3A_47, %get3A_342 : vector<16xf32>
        %mul3A_344 = arith.mulf %gather3A, %get3A_336 : vector<16xf32>
        %mul3A_345 = arith.mulf %gather3A_45, %get3A_338 : vector<16xf32>
        %add3A_346 = arith.addf %mul3A_344, %mul3A_345 : vector<16xf32>
        %mul3A_347 = arith.mulf %gather3A_46, %get3A_340 : vector<16xf32>
        %add3A_348 = arith.addf %add3A_346, %mul3A_347 : vector<16xf32>
        %mul3A_349 = arith.constant 2.000000e+00 : f32
        %mul3A_350 = vector.broadcast %mul3A_349 : f32 to vector<16xf32>
        %mul3A_351 = arith.mulf %mul3A_350, %add3A_348 : vector<16xf32>
        %sub3A_352 = arith.subf %add3A_343, %mul3A_351 : vector<16xf32>
        %swap3A_353 = arith.index_cast %add3A_334 : i32 to index
        %swap3A_354 = tpu.vector_load %arg19[%swap3A_353] {strides = array<i32>} : memref<16384xf32, #tpu.memory_space<vmem>>, vector<16xf32>,
        tpu.vector_store %arg19[%swap3A_353], %sub3A_352 {strides = array<i32>} : memref<16384xf32, #tpu.memory_space<vmem>>, vector<16xf32>,
        %min3A_355 = arith.minimumf %min3A_332, %sub3A_352 : vector<16xf32>
        %add3A_356 = arith.constant 9216 : i32
        %add3A_357 = arith.addi %add3A_356, %mul3A_148 : i32
        %get3A_358 = arith.index_cast %add3A_357 : i32 to index
        %get3A_359 = tpu.vector_load %arg11[%get3A_358] {strides = array<i32>} : memref<16384xf32, #tpu.memory_space<vmem>>, vector<16xf32>,
        %get3A_360 = arith.index_cast %add3A_357 : i32 to index
        %get3A_361 = tpu.vector_load %arg12[%get3A_360] {strides = array<i32>} : memref<16384xf32, #tpu.memory_space<vmem>>, vector<16xf32>,
        %get3A_362 = arith.index_cast %add3A_357 : i32 to index
        %get3A_363 = tpu.vector_load %arg13[%get3A_362] {strides = array<i32>} : memref<16384xf32, #tpu.memory_space<vmem>>, vector<16xf32>,
        %get3A_364 = arith.index_cast %add3A_357 : i32 to index
        %get3A_365 = tpu.vector_load %arg14[%get3A_364] {strides = array<i32>} : memref<16384xf32, #tpu.memory_space<vmem>>, vector<16xf32>,
        %add3A_366 = arith.addf %gather3A_47, %get3A_365 : vector<16xf32>
        %mul3A_367 = arith.mulf %gather3A, %get3A_359 : vector<16xf32>
        %mul3A_368 = arith.mulf %gather3A_45, %get3A_361 : vector<16xf32>
        %add3A_369 = arith.addf %mul3A_367, %mul3A_368 : vector<16xf32>
        %mul3A_370 = arith.mulf %gather3A_46, %get3A_363 : vector<16xf32>
        %add3A_371 = arith.addf %add3A_369, %mul3A_370 : vector<16xf32>
        %mul3A_372 = arith.constant 2.000000e+00 : f32
        %mul3A_373 = vector.broadcast %mul3A_372 : f32 to vector<16xf32>
        %mul3A_374 = arith.mulf %mul3A_373, %add3A_371 : vector<16xf32>
        %sub3A_375 = arith.subf %add3A_366, %mul3A_374 : vector<16xf32>
        %swap3A_376 = arith.index_cast %add3A_357 : i32 to index
        %swap3A_377 = tpu.vector_load %arg19[%swap3A_376] {strides = array<i32>} : memref<16384xf32, #tpu.memory_space<vmem>>, vector<16xf32>,
        tpu.vector_store %arg19[%swap3A_376], %sub3A_375 {strides = array<i32>} : memref<16384xf32, #tpu.memory_space<vmem>>, vector<16xf32>,
        %min3A_378 = arith.minimumf %min3A_355, %sub3A_375 : vector<16xf32>
        %add3A_379 = arith.constant 10240 : i32
        %add3A_380 = arith.addi %add3A_379, %mul3A_148 : i32
        %get3A_381 = arith.index_cast %add3A_380 : i32 to index
        %get3A_382 = tpu.vector_load %arg11[%get3A_381] {strides = array<i32>} : memref<16384xf32, #tpu.memory_space<vmem>>, vector<16xf32>,
        %get3A_383 = arith.index_cast %add3A_380 : i32 to index
        %get3A_384 = tpu.vector_load %arg12[%get3A_383] {strides = array<i32>} : memref<16384xf32, #tpu.memory_space<vmem>>, vector<16xf32>,
        %get3A_385 = arith.index_cast %add3A_380 : i32 to index
        %get3A_386 = tpu.vector_load %arg13[%get3A_385] {strides = array<i32>} : memref<16384xf32, #tpu.memory_space<vmem>>, vector<16xf32>,
        %get3A_387 = arith.index_cast %add3A_380 : i32 to index
        %get3A_388 = tpu.vector_load %arg14[%get3A_387] {strides = array<i32>} : memref<16384xf32, #tpu.memory_space<vmem>>, vector<16xf32>,
        %add3A_389 = arith.addf %gather3A_47, %get3A_388 : vector<16xf32>
        %mul3A_390 = arith.mulf %gather3A, %get3A_382 : vector<16xf32>
        %mul3A_391 = arith.mulf %gather3A_45, %get3A_384 : vector<16xf32>
        %add3A_392 = arith.addf %mul3A_390, %mul3A_391 : vector<16xf32>
        %mul3A_393 = arith.mulf %gather3A_46, %get3A_386 : vector<16xf32>
        %add3A_394 = arith.addf %add3A_392, %mul3A_393 : vector<16xf32>
        %mul3A_395 = arith.constant 2.000000e+00 : f32
        %mul3A_396 = vector.broadcast %mul3A_395 : f32 to vector<16xf32>
        %mul3A_397 = arith.mulf %mul3A_396, %add3A_394 : vector<16xf32>
        %sub3A_398 = arith.subf %add3A_389, %mul3A_397 : vector<16xf32>
        %swap3A_399 = arith.index_cast %add3A_380 : i32 to index
        %swap3A_400 = tpu.vector_load %arg19[%swap3A_399] {strides = array<i32>} : memref<16384xf32, #tpu.memory_space<vmem>>, vector<16xf32>,
        tpu.vector_store %arg19[%swap3A_399], %sub3A_398 {strides = array<i32>} : memref<16384xf32, #tpu.memory_space<vmem>>, vector<16xf32>,
        %min3A_401 = arith.minimumf %min3A_378, %sub3A_398 : vector<16xf32>
        %add3A_402 = arith.constant 11264 : i32
        %add3A_403 = arith.addi %add3A_402, %mul3A_148 : i32
        %get3A_404 = arith.index_cast %add3A_403 : i32 to index
        %get3A_405 = tpu.vector_load %arg11[%get3A_404] {strides = array<i32>} : memref<16384xf32, #tpu.memory_space<vmem>>, vector<16xf32>,
        %get3A_406 = arith.index_cast %add3A_403 : i32 to index
        %get3A_407 = tpu.vector_load %arg12[%get3A_406] {strides = array<i32>} : memref<16384xf32, #tpu.memory_space<vmem>>, vector<16xf32>,
        %get3A_408 = arith.index_cast %add3A_403 : i32 to index
        %get3A_409 = tpu.vector_load %arg13[%get3A_408] {strides = array<i32>} : memref<16384xf32, #tpu.memory_space<vmem>>, vector<16xf32>,
        %get3A_410 = arith.index_cast %add3A_403 : i32 to index
        %get3A_411 = tpu.vector_load %arg14[%get3A_410] {strides = array<i32>} : memref<16384xf32, #tpu.memory_space<vmem>>, vector<16xf32>,
        %add3A_412 = arith.addf %gather3A_47, %get3A_411 : vector<16xf32>
        %mul3A_413 = arith.mulf %gather3A, %get3A_405 : vector<16xf32>
        %mul3A_414 = arith.mulf %gather3A_45, %get3A_407 : vector<16xf32>
        %add3A_415 = arith.addf %mul3A_413, %mul3A_414 : vector<16xf32>
        %mul3A_416 = arith.mulf %gather3A_46, %get3A_409 : vector<16xf32>
        %add3A_417 = arith.addf %add3A_415, %mul3A_416 : vector<16xf32>
        %mul3A_418 = arith.constant 2.000000e+00 : f32
        %mul3A_419 = vector.broadcast %mul3A_418 : f32 to vector<16xf32>
        %mul3A_420 = arith.mulf %mul3A_419, %add3A_417 : vector<16xf32>
        %sub3A_421 = arith.subf %add3A_412, %mul3A_420 : vector<16xf32>
        %swap3A_422 = arith.index_cast %add3A_403 : i32 to index
        %swap3A_423 = tpu.vector_load %arg19[%swap3A_422] {strides = array<i32>} : memref<16384xf32, #tpu.memory_space<vmem>>, vector<16xf32>,
        tpu.vector_store %arg19[%swap3A_422], %sub3A_421 {strides = array<i32>} : memref<16384xf32, #tpu.memory_space<vmem>>, vector<16xf32>,
        %min3A_424 = arith.minimumf %min3A_401, %sub3A_421 : vector<16xf32>
        %add3A_425 = arith.constant 12288 : i32
        %add3A_426 = arith.addi %add3A_425, %mul3A_148 : i32
        %get3A_427 = arith.index_cast %add3A_426 : i32 to index
        %get3A_428 = tpu.vector_load %arg11[%get3A_427] {strides = array<i32>} : memref<16384xf32, #tpu.memory_space<vmem>>, vector<16xf32>,
        %get3A_429 = arith.index_cast %add3A_426 : i32 to index
        %get3A_430 = tpu.vector_load %arg12[%get3A_429] {strides = array<i32>} : memref<16384xf32, #tpu.memory_space<vmem>>, vector<16xf32>,
        %get3A_431 = arith.index_cast %add3A_426 : i32 to index
        %get3A_432 = tpu.vector_load %arg13[%get3A_431] {strides = array<i32>} : memref<16384xf32, #tpu.memory_space<vmem>>, vector<16xf32>,
        %get3A_433 = arith.index_cast %add3A_426 : i32 to index
        %get3A_434 = tpu.vector_load %arg14[%get3A_433] {strides = array<i32>} : memref<16384xf32, #tpu.memory_space<vmem>>, vector<16xf32>,
        %add3A_435 = arith.addf %gather3A_47, %get3A_434 : vector<16xf32>
        %mul3A_436 = arith.mulf %gather3A, %get3A_428 : vector<16xf32>
        %mul3A_437 = arith.mulf %gather3A_45, %get3A_430 : vector<16xf32>
        %add3A_438 = arith.addf %mul3A_436, %mul3A_437 : vector<16xf32>
        %mul3A_439 = arith.mulf %gather3A_46, %get3A_432 : vector<16xf32>
        %add3A_440 = arith.addf %add3A_438, %mul3A_439 : vector<16xf32>
        %mul3A_441 = arith.constant 2.000000e+00 : f32
        %mul3A_442 = vector.broadcast %mul3A_441 : f32 to vector<16xf32>
        %mul3A_443 = arith.mulf %mul3A_442, %add3A_440 : vector<16xf32>
        %sub3A_444 = arith.subf %add3A_435, %mul3A_443 : vector<16xf32>
        %swap3A_445 = arith.index_cast %add3A_426 : i32 to index
        %swap3A_446 = tpu.vector_load %arg19[%swap3A_445] {strides = array<i32>} : memref<16384xf32, #tpu.memory_space<vmem>>, vector<16xf32>,
        tpu.vector_store %arg19[%swap3A_445], %sub3A_444 {strides = array<i32>} : memref<16384xf32, #tpu.memory_space<vmem>>, vector<16xf32>,
        %min3A_447 = arith.minimumf %min3A_424, %sub3A_444 : vector<16xf32>
        %add3A_448 = arith.constant 13312 : i32
        %add3A_449 = arith.addi %add3A_448, %mul3A_148 : i32
        %get3A_450 = arith.index_cast %add3A_449 : i32 to index
        %get3A_451 = tpu.vector_load %arg11[%get3A_450] {strides = array<i32>} : memref<16384xf32, #tpu.memory_space<vmem>>, vector<16xf32>,
        %get3A_452 = arith.index_cast %add3A_449 : i32 to index
        %get3A_453 = tpu.vector_load %arg12[%get3A_452] {strides = array<i32>} : memref<16384xf32, #tpu.memory_space<vmem>>, vector<16xf32>,
        %get3A_454 = arith.index_cast %add3A_449 : i32 to index
        %get3A_455 = tpu.vector_load %arg13[%get3A_454] {strides = array<i32>} : memref<16384xf32, #tpu.memory_space<vmem>>, vector<16xf32>,
        %get3A_456 = arith.index_cast %add3A_449 : i32 to index
        %get3A_457 = tpu.vector_load %arg14[%get3A_456] {strides = array<i32>} : memref<16384xf32, #tpu.memory_space<vmem>>, vector<16xf32>,
        %add3A_458 = arith.addf %gather3A_47, %get3A_457 : vector<16xf32>
        %mul3A_459 = arith.mulf %gather3A, %get3A_451 : vector<16xf32>
        %mul3A_460 = arith.mulf %gather3A_45, %get3A_453 : vector<16xf32>
        %add3A_461 = arith.addf %mul3A_459, %mul3A_460 : vector<16xf32>
        %mul3A_462 = arith.mulf %gather3A_46, %get3A_455 : vector<16xf32>
        %add3A_463 = arith.addf %add3A_461, %mul3A_462 : vector<16xf32>
        %mul3A_464 = arith.constant 2.000000e+00 : f32
        %mul3A_465 = vector.broadcast %mul3A_464 : f32 to vector<16xf32>
        %mul3A_466 = arith.mulf %mul3A_465, %add3A_463 : vector<16xf32>
        %sub3A_467 = arith.subf %add3A_458, %mul3A_466 : vector<16xf32>
        %swap3A_468 = arith.index_cast %add3A_449 : i32 to index
        %swap3A_469 = tpu.vector_load %arg19[%swap3A_468] {strides = array<i32>} : memref<16384xf32, #tpu.memory_space<vmem>>, vector<16xf32>,
        tpu.vector_store %arg19[%swap3A_468], %sub3A_467 {strides = array<i32>} : memref<16384xf32, #tpu.memory_space<vmem>>, vector<16xf32>,
        %min3A_470 = arith.minimumf %min3A_447, %sub3A_467 : vector<16xf32>
        %add3A_471 = arith.constant 14336 : i32
        %add3A_472 = arith.addi %add3A_471, %mul3A_148 : i32
        %get3A_473 = arith.index_cast %add3A_472 : i32 to index
        %get3A_474 = tpu.vector_load %arg11[%get3A_473] {strides = array<i32>} : memref<16384xf32, #tpu.memory_space<vmem>>, vector<16xf32>,
        %get3A_475 = arith.index_cast %add3A_472 : i32 to index
        %get3A_476 = tpu.vector_load %arg12[%get3A_475] {strides = array<i32>} : memref<16384xf32, #tpu.memory_space<vmem>>, vector<16xf32>,
        %get3A_477 = arith.index_cast %add3A_472 : i32 to index
        %get3A_478 = tpu.vector_load %arg13[%get3A_477] {strides = array<i32>} : memref<16384xf32, #tpu.memory_space<vmem>>, vector<16xf32>,
        %get3A_479 = arith.index_cast %add3A_472 : i32 to index
        %get3A_480 = tpu.vector_load %arg14[%get3A_479] {strides = array<i32>} : memref<16384xf32, #tpu.memory_space<vmem>>, vector<16xf32>,
        %add3A_481 = arith.addf %gather3A_47, %get3A_480 : vector<16xf32>
        %mul3A_482 = arith.mulf %gather3A, %get3A_474 : vector<16xf32>
        %mul3A_483 = arith.mulf %gather3A_45, %get3A_476 : vector<16xf32>
        %add3A_484 = arith.addf %mul3A_482, %mul3A_483 : vector<16xf32>
        %mul3A_485 = arith.mulf %gather3A_46, %get3A_478 : vector<16xf32>
        %add3A_486 = arith.addf %add3A_484, %mul3A_485 : vector<16xf32>
        %mul3A_487 = arith.constant 2.000000e+00 : f32
        %mul3A_488 = vector.broadcast %mul3A_487 : f32 to vector<16xf32>
        %mul3A_489 = arith.mulf %mul3A_488, %add3A_486 : vector<16xf32>
        %sub3A_490 = arith.subf %add3A_481, %mul3A_489 : vector<16xf32>
        %swap3A_491 = arith.index_cast %add3A_472 : i32 to index
        %swap3A_492 = tpu.vector_load %arg19[%swap3A_491] {strides = array<i32>} : memref<16384xf32, #tpu.memory_space<vmem>>, vector<16xf32>,
        tpu.vector_store %arg19[%swap3A_491], %sub3A_490 {strides = array<i32>} : memref<16384xf32, #tpu.memory_space<vmem>>, vector<16xf32>,
        %min3A_493 = arith.minimumf %min3A_470, %sub3A_490 : vector<16xf32>
        %add3A_494 = arith.constant 15360 : i32
        %add3A_495 = arith.addi %add3A_494, %mul3A_148 : i32
        %get3A_496 = arith.index_cast %add3A_495 : i32 to index
        %get3A_497 = tpu.vector_load %arg11[%get3A_496] {strides = array<i32>} : memref<16384xf32, #tpu.memory_space<vmem>>, vector<16xf32>,
        %get3A_498 = arith.index_cast %add3A_495 : i32 to index
        %get3A_499 = tpu.vector_load %arg12[%get3A_498] {strides = array<i32>} : memref<16384xf32, #tpu.memory_space<vmem>>, vector<16xf32>,
        %get3A_500 = arith.index_cast %add3A_495 : i32 to index
        %get3A_501 = tpu.vector_load %arg13[%get3A_500] {strides = array<i32>} : memref<16384xf32, #tpu.memory_space<vmem>>, vector<16xf32>,
        %get3A_502 = arith.index_cast %add3A_495 : i32 to index
        %get3A_503 = tpu.vector_load %arg14[%get3A_502] {strides = array<i32>} : memref<16384xf32, #tpu.memory_space<vmem>>, vector<16xf32>,
        %add3A_504 = arith.addf %gather3A_47, %get3A_503 : vector<16xf32>
        %mul3A_505 = arith.mulf %gather3A, %get3A_497 : vector<16xf32>
        %mul3A_506 = arith.mulf %gather3A_45, %get3A_499 : vector<16xf32>
        %add3A_507 = arith.addf %mul3A_505, %mul3A_506 : vector<16xf32>
        %mul3A_508 = arith.mulf %gather3A_46, %get3A_501 : vector<16xf32>
        %add3A_509 = arith.addf %add3A_507, %mul3A_508 : vector<16xf32>
        %mul3A_510 = arith.constant 2.000000e+00 : f32
        %mul3A_511 = vector.broadcast %mul3A_510 : f32 to vector<16xf32>
        %mul3A_512 = arith.mulf %mul3A_511, %add3A_509 : vector<16xf32>
        %sub3A_513 = arith.subf %add3A_504, %mul3A_512 : vector<16xf32>
        %swap3A_514 = arith.index_cast %add3A_495 : i32 to index
        %swap3A_515 = tpu.vector_load %arg19[%swap3A_514] {strides = array<i32>} : memref<16384xf32, #tpu.memory_space<vmem>>, vector<16xf32>,
        tpu.vector_store %arg19[%swap3A_514], %sub3A_513 {strides = array<i32>} : memref<16384xf32, #tpu.memory_space<vmem>>, vector<16xf32>,
        %min3A_516 = arith.minimumf %min3A_493, %sub3A_513 : vector<16xf32>
        %swap3A_517 = arith.index_cast %mul3A_148 : i32 to index
        %swap3A_518 = tpu.vector_load %arg20[%swap3A_517] {strides = array<i32>} : memref<1024xf32, #tpu.memory_space<vmem>>, vector<16xf32>,
        tpu.vector_store %arg20[%swap3A_517], %min3A_516 {strides = array<i32>} : memref<1024xf32, #tpu.memory_space<vmem>>, vector<16xf32>,
        %min3A_519 = arith.minimumf %scan3A_142, %min3A_516 : vector<16xf32>
        scf.yield %min3A_519 : vector<16xf32>
      }
      %scan3A_64 = arith.constant 16 : i32
      %swap3A_65 = arith.constant 16 : index
      %swap3A_66 = tpu.vector_load %arg21[%swap3A_65] {strides = array<i32>} : memref<64xf32, #tpu.memory_space<vmem>>, vector<16xf32>,
      tpu.vector_store %arg21[%swap3A_65], %scan3A_63 {strides = array<i32>} : memref<64xf32, #tpu.memory_space<vmem>>, vector<16xf32>,
      %broadcast_in_dim3A_67 = arith.constant 3.000000e+38 : f32
      %broadcast_in_dim3A_68 = vector.broadcast %broadcast_in_dim3A_67 : f32 to vector<16xf32>
      %scan3A_69 = arith.constant 0 : i32
      %scan3A_70 = arith.constant 16 : i32
      %scan3A_71 = arith.addi %scan3A_69, %scan3A_70 : i32
      %scan3A_72 = arith.constant 1 : i32
      %scan3A_73 = scf.for %scan3A_141 = %scan3A_69 to %scan3A_71 step %scan3A_72 iter_args(%scan3A_142 = %broadcast_in_dim3A_68) -> (vector<16xf32>)  : i32 {
        %mul3A_143 = arith.constant 4 : i32
        %mul3A_144 = arith.muli %mul3A_143, %scan3A_141 : i32
        %add3A_145 = arith.constant 2 : i32
        %add3A_146 = arith.addi %add3A_145, %mul3A_144 : i32
        %mul3A_147 = arith.constant 16 : i32
        %mul3A_148 = arith.muli %add3A_146, %mul3A_147 : i32
        %broadcast_in_dim3A_149 = arith.constant 3.000000e+38 : f32
        %broadcast_in_dim3A_150 = vector.broadcast %broadcast_in_dim3A_149 : f32 to vector<16xf32>
        %add3A_151 = arith.constant 0 : i32
        %add3A_152 = arith.addi %add3A_151, %mul3A_148 : i32
        %get3A = arith.index_cast %add3A_152 : i32 to index
        %get3A_153 = tpu.vector_load %arg11[%get3A] {strides = array<i32>} : memref<16384xf32, #tpu.memory_space<vmem>>, vector<16xf32>,
        %get3A_154 = arith.index_cast %add3A_152 : i32 to index
        %get3A_155 = tpu.vector_load %arg12[%get3A_154] {strides = array<i32>} : memref<16384xf32, #tpu.memory_space<vmem>>, vector<16xf32>,
        %get3A_156 = arith.index_cast %add3A_152 : i32 to index
        %get3A_157 = tpu.vector_load %arg13[%get3A_156] {strides = array<i32>} : memref<16384xf32, #tpu.memory_space<vmem>>, vector<16xf32>,
        %get3A_158 = arith.index_cast %add3A_152 : i32 to index
        %get3A_159 = tpu.vector_load %arg14[%get3A_158] {strides = array<i32>} : memref<16384xf32, #tpu.memory_space<vmem>>, vector<16xf32>,
        %add3A_160 = arith.addf %gather3A_47, %get3A_159 : vector<16xf32>
        %mul3A_161 = arith.mulf %gather3A, %get3A_153 : vector<16xf32>
        %mul3A_162 = arith.mulf %gather3A_45, %get3A_155 : vector<16xf32>
        %add3A_163 = arith.addf %mul3A_161, %mul3A_162 : vector<16xf32>
        %mul3A_164 = arith.mulf %gather3A_46, %get3A_157 : vector<16xf32>
        %add3A_165 = arith.addf %add3A_163, %mul3A_164 : vector<16xf32>
        %mul3A_166 = arith.constant 2.000000e+00 : f32
        %mul3A_167 = vector.broadcast %mul3A_166 : f32 to vector<16xf32>
        %mul3A_168 = arith.mulf %mul3A_167, %add3A_165 : vector<16xf32>
        %sub3A_169 = arith.subf %add3A_160, %mul3A_168 : vector<16xf32>
        %swap3A_170 = arith.index_cast %add3A_152 : i32 to index
        %swap3A_171 = tpu.vector_load %arg19[%swap3A_170] {strides = array<i32>} : memref<16384xf32, #tpu.memory_space<vmem>>, vector<16xf32>,
        tpu.vector_store %arg19[%swap3A_170], %sub3A_169 {strides = array<i32>} : memref<16384xf32, #tpu.memory_space<vmem>>, vector<16xf32>,
        %min3A = arith.minimumf %broadcast_in_dim3A_150, %sub3A_169 : vector<16xf32>
        %add3A_172 = arith.constant 1024 : i32
        %add3A_173 = arith.addi %add3A_172, %mul3A_148 : i32
        %get3A_174 = arith.index_cast %add3A_173 : i32 to index
        %get3A_175 = tpu.vector_load %arg11[%get3A_174] {strides = array<i32>} : memref<16384xf32, #tpu.memory_space<vmem>>, vector<16xf32>,
        %get3A_176 = arith.index_cast %add3A_173 : i32 to index
        %get3A_177 = tpu.vector_load %arg12[%get3A_176] {strides = array<i32>} : memref<16384xf32, #tpu.memory_space<vmem>>, vector<16xf32>,
        %get3A_178 = arith.index_cast %add3A_173 : i32 to index
        %get3A_179 = tpu.vector_load %arg13[%get3A_178] {strides = array<i32>} : memref<16384xf32, #tpu.memory_space<vmem>>, vector<16xf32>,
        %get3A_180 = arith.index_cast %add3A_173 : i32 to index
        %get3A_181 = tpu.vector_load %arg14[%get3A_180] {strides = array<i32>} : memref<16384xf32, #tpu.memory_space<vmem>>, vector<16xf32>,
        %add3A_182 = arith.addf %gather3A_47, %get3A_181 : vector<16xf32>
        %mul3A_183 = arith.mulf %gather3A, %get3A_175 : vector<16xf32>
        %mul3A_184 = arith.mulf %gather3A_45, %get3A_177 : vector<16xf32>
        %add3A_185 = arith.addf %mul3A_183, %mul3A_184 : vector<16xf32>
        %mul3A_186 = arith.mulf %gather3A_46, %get3A_179 : vector<16xf32>
        %add3A_187 = arith.addf %add3A_185, %mul3A_186 : vector<16xf32>
        %mul3A_188 = arith.constant 2.000000e+00 : f32
        %mul3A_189 = vector.broadcast %mul3A_188 : f32 to vector<16xf32>
        %mul3A_190 = arith.mulf %mul3A_189, %add3A_187 : vector<16xf32>
        %sub3A_191 = arith.subf %add3A_182, %mul3A_190 : vector<16xf32>
        %swap3A_192 = arith.index_cast %add3A_173 : i32 to index
        %swap3A_193 = tpu.vector_load %arg19[%swap3A_192] {strides = array<i32>} : memref<16384xf32, #tpu.memory_space<vmem>>, vector<16xf32>,
        tpu.vector_store %arg19[%swap3A_192], %sub3A_191 {strides = array<i32>} : memref<16384xf32, #tpu.memory_space<vmem>>, vector<16xf32>,
        %min3A_194 = arith.minimumf %min3A, %sub3A_191 : vector<16xf32>
        %add3A_195 = arith.constant 2048 : i32
        %add3A_196 = arith.addi %add3A_195, %mul3A_148 : i32
        %get3A_197 = arith.index_cast %add3A_196 : i32 to index
        %get3A_198 = tpu.vector_load %arg11[%get3A_197] {strides = array<i32>} : memref<16384xf32, #tpu.memory_space<vmem>>, vector<16xf32>,
        %get3A_199 = arith.index_cast %add3A_196 : i32 to index
        %get3A_200 = tpu.vector_load %arg12[%get3A_199] {strides = array<i32>} : memref<16384xf32, #tpu.memory_space<vmem>>, vector<16xf32>,
        %get3A_201 = arith.index_cast %add3A_196 : i32 to index
        %get3A_202 = tpu.vector_load %arg13[%get3A_201] {strides = array<i32>} : memref<16384xf32, #tpu.memory_space<vmem>>, vector<16xf32>,
        %get3A_203 = arith.index_cast %add3A_196 : i32 to index
        %get3A_204 = tpu.vector_load %arg14[%get3A_203] {strides = array<i32>} : memref<16384xf32, #tpu.memory_space<vmem>>, vector<16xf32>,
        %add3A_205 = arith.addf %gather3A_47, %get3A_204 : vector<16xf32>
        %mul3A_206 = arith.mulf %gather3A, %get3A_198 : vector<16xf32>
        %mul3A_207 = arith.mulf %gather3A_45, %get3A_200 : vector<16xf32>
        %add3A_208 = arith.addf %mul3A_206, %mul3A_207 : vector<16xf32>
        %mul3A_209 = arith.mulf %gather3A_46, %get3A_202 : vector<16xf32>
        %add3A_210 = arith.addf %add3A_208, %mul3A_209 : vector<16xf32>
        %mul3A_211 = arith.constant 2.000000e+00 : f32
        %mul3A_212 = vector.broadcast %mul3A_211 : f32 to vector<16xf32>
        %mul3A_213 = arith.mulf %mul3A_212, %add3A_210 : vector<16xf32>
        %sub3A_214 = arith.subf %add3A_205, %mul3A_213 : vector<16xf32>
        %swap3A_215 = arith.index_cast %add3A_196 : i32 to index
        %swap3A_216 = tpu.vector_load %arg19[%swap3A_215] {strides = array<i32>} : memref<16384xf32, #tpu.memory_space<vmem>>, vector<16xf32>,
        tpu.vector_store %arg19[%swap3A_215], %sub3A_214 {strides = array<i32>} : memref<16384xf32, #tpu.memory_space<vmem>>, vector<16xf32>,
        %min3A_217 = arith.minimumf %min3A_194, %sub3A_214 : vector<16xf32>
        %add3A_218 = arith.constant 3072 : i32
        %add3A_219 = arith.addi %add3A_218, %mul3A_148 : i32
        %get3A_220 = arith.index_cast %add3A_219 : i32 to index
        %get3A_221 = tpu.vector_load %arg11[%get3A_220] {strides = array<i32>} : memref<16384xf32, #tpu.memory_space<vmem>>, vector<16xf32>,
        %get3A_222 = arith.index_cast %add3A_219 : i32 to index
        %get3A_223 = tpu.vector_load %arg12[%get3A_222] {strides = array<i32>} : memref<16384xf32, #tpu.memory_space<vmem>>, vector<16xf32>,
        %get3A_224 = arith.index_cast %add3A_219 : i32 to index
        %get3A_225 = tpu.vector_load %arg13[%get3A_224] {strides = array<i32>} : memref<16384xf32, #tpu.memory_space<vmem>>, vector<16xf32>,
        %get3A_226 = arith.index_cast %add3A_219 : i32 to index
        %get3A_227 = tpu.vector_load %arg14[%get3A_226] {strides = array<i32>} : memref<16384xf32, #tpu.memory_space<vmem>>, vector<16xf32>,
        %add3A_228 = arith.addf %gather3A_47, %get3A_227 : vector<16xf32>
        %mul3A_229 = arith.mulf %gather3A, %get3A_221 : vector<16xf32>
        %mul3A_230 = arith.mulf %gather3A_45, %get3A_223 : vector<16xf32>
        %add3A_231 = arith.addf %mul3A_229, %mul3A_230 : vector<16xf32>
        %mul3A_232 = arith.mulf %gather3A_46, %get3A_225 : vector<16xf32>
        %add3A_233 = arith.addf %add3A_231, %mul3A_232 : vector<16xf32>
        %mul3A_234 = arith.constant 2.000000e+00 : f32
        %mul3A_235 = vector.broadcast %mul3A_234 : f32 to vector<16xf32>
        %mul3A_236 = arith.mulf %mul3A_235, %add3A_233 : vector<16xf32>
        %sub3A_237 = arith.subf %add3A_228, %mul3A_236 : vector<16xf32>
        %swap3A_238 = arith.index_cast %add3A_219 : i32 to index
        %swap3A_239 = tpu.vector_load %arg19[%swap3A_238] {strides = array<i32>} : memref<16384xf32, #tpu.memory_space<vmem>>, vector<16xf32>,
        tpu.vector_store %arg19[%swap3A_238], %sub3A_237 {strides = array<i32>} : memref<16384xf32, #tpu.memory_space<vmem>>, vector<16xf32>,
        %min3A_240 = arith.minimumf %min3A_217, %sub3A_237 : vector<16xf32>
        %add3A_241 = arith.constant 4096 : i32
        %add3A_242 = arith.addi %add3A_241, %mul3A_148 : i32
        %get3A_243 = arith.index_cast %add3A_242 : i32 to index
        %get3A_244 = tpu.vector_load %arg11[%get3A_243] {strides = array<i32>} : memref<16384xf32, #tpu.memory_space<vmem>>, vector<16xf32>,
        %get3A_245 = arith.index_cast %add3A_242 : i32 to index
        %get3A_246 = tpu.vector_load %arg12[%get3A_245] {strides = array<i32>} : memref<16384xf32, #tpu.memory_space<vmem>>, vector<16xf32>,
        %get3A_247 = arith.index_cast %add3A_242 : i32 to index
        %get3A_248 = tpu.vector_load %arg13[%get3A_247] {strides = array<i32>} : memref<16384xf32, #tpu.memory_space<vmem>>, vector<16xf32>,
        %get3A_249 = arith.index_cast %add3A_242 : i32 to index
        %get3A_250 = tpu.vector_load %arg14[%get3A_249] {strides = array<i32>} : memref<16384xf32, #tpu.memory_space<vmem>>, vector<16xf32>,
        %add3A_251 = arith.addf %gather3A_47, %get3A_250 : vector<16xf32>
        %mul3A_252 = arith.mulf %gather3A, %get3A_244 : vector<16xf32>
        %mul3A_253 = arith.mulf %gather3A_45, %get3A_246 : vector<16xf32>
        %add3A_254 = arith.addf %mul3A_252, %mul3A_253 : vector<16xf32>
        %mul3A_255 = arith.mulf %gather3A_46, %get3A_248 : vector<16xf32>
        %add3A_256 = arith.addf %add3A_254, %mul3A_255 : vector<16xf32>
        %mul3A_257 = arith.constant 2.000000e+00 : f32
        %mul3A_258 = vector.broadcast %mul3A_257 : f32 to vector<16xf32>
        %mul3A_259 = arith.mulf %mul3A_258, %add3A_256 : vector<16xf32>
        %sub3A_260 = arith.subf %add3A_251, %mul3A_259 : vector<16xf32>
        %swap3A_261 = arith.index_cast %add3A_242 : i32 to index
        %swap3A_262 = tpu.vector_load %arg19[%swap3A_261] {strides = array<i32>} : memref<16384xf32, #tpu.memory_space<vmem>>, vector<16xf32>,
        tpu.vector_store %arg19[%swap3A_261], %sub3A_260 {strides = array<i32>} : memref<16384xf32, #tpu.memory_space<vmem>>, vector<16xf32>,
        %min3A_263 = arith.minimumf %min3A_240, %sub3A_260 : vector<16xf32>
        %add3A_264 = arith.constant 5120 : i32
        %add3A_265 = arith.addi %add3A_264, %mul3A_148 : i32
        %get3A_266 = arith.index_cast %add3A_265 : i32 to index
        %get3A_267 = tpu.vector_load %arg11[%get3A_266] {strides = array<i32>} : memref<16384xf32, #tpu.memory_space<vmem>>, vector<16xf32>,
        %get3A_268 = arith.index_cast %add3A_265 : i32 to index
        %get3A_269 = tpu.vector_load %arg12[%get3A_268] {strides = array<i32>} : memref<16384xf32, #tpu.memory_space<vmem>>, vector<16xf32>,
        %get3A_270 = arith.index_cast %add3A_265 : i32 to index
        %get3A_271 = tpu.vector_load %arg13[%get3A_270] {strides = array<i32>} : memref<16384xf32, #tpu.memory_space<vmem>>, vector<16xf32>,
        %get3A_272 = arith.index_cast %add3A_265 : i32 to index
        %get3A_273 = tpu.vector_load %arg14[%get3A_272] {strides = array<i32>} : memref<16384xf32, #tpu.memory_space<vmem>>, vector<16xf32>,
        %add3A_274 = arith.addf %gather3A_47, %get3A_273 : vector<16xf32>
        %mul3A_275 = arith.mulf %gather3A, %get3A_267 : vector<16xf32>
        %mul3A_276 = arith.mulf %gather3A_45, %get3A_269 : vector<16xf32>
        %add3A_277 = arith.addf %mul3A_275, %mul3A_276 : vector<16xf32>
        %mul3A_278 = arith.mulf %gather3A_46, %get3A_271 : vector<16xf32>
        %add3A_279 = arith.addf %add3A_277, %mul3A_278 : vector<16xf32>
        %mul3A_280 = arith.constant 2.000000e+00 : f32
        %mul3A_281 = vector.broadcast %mul3A_280 : f32 to vector<16xf32>
        %mul3A_282 = arith.mulf %mul3A_281, %add3A_279 : vector<16xf32>
        %sub3A_283 = arith.subf %add3A_274, %mul3A_282 : vector<16xf32>
        %swap3A_284 = arith.index_cast %add3A_265 : i32 to index
        %swap3A_285 = tpu.vector_load %arg19[%swap3A_284] {strides = array<i32>} : memref<16384xf32, #tpu.memory_space<vmem>>, vector<16xf32>,
        tpu.vector_store %arg19[%swap3A_284], %sub3A_283 {strides = array<i32>} : memref<16384xf32, #tpu.memory_space<vmem>>, vector<16xf32>,
        %min3A_286 = arith.minimumf %min3A_263, %sub3A_283 : vector<16xf32>
        %add3A_287 = arith.constant 6144 : i32
        %add3A_288 = arith.addi %add3A_287, %mul3A_148 : i32
        %get3A_289 = arith.index_cast %add3A_288 : i32 to index
        %get3A_290 = tpu.vector_load %arg11[%get3A_289] {strides = array<i32>} : memref<16384xf32, #tpu.memory_space<vmem>>, vector<16xf32>,
        %get3A_291 = arith.index_cast %add3A_288 : i32 to index
        %get3A_292 = tpu.vector_load %arg12[%get3A_291] {strides = array<i32>} : memref<16384xf32, #tpu.memory_space<vmem>>, vector<16xf32>,
        %get3A_293 = arith.index_cast %add3A_288 : i32 to index
        %get3A_294 = tpu.vector_load %arg13[%get3A_293] {strides = array<i32>} : memref<16384xf32, #tpu.memory_space<vmem>>, vector<16xf32>,
        %get3A_295 = arith.index_cast %add3A_288 : i32 to index
        %get3A_296 = tpu.vector_load %arg14[%get3A_295] {strides = array<i32>} : memref<16384xf32, #tpu.memory_space<vmem>>, vector<16xf32>,
        %add3A_297 = arith.addf %gather3A_47, %get3A_296 : vector<16xf32>
        %mul3A_298 = arith.mulf %gather3A, %get3A_290 : vector<16xf32>
        %mul3A_299 = arith.mulf %gather3A_45, %get3A_292 : vector<16xf32>
        %add3A_300 = arith.addf %mul3A_298, %mul3A_299 : vector<16xf32>
        %mul3A_301 = arith.mulf %gather3A_46, %get3A_294 : vector<16xf32>
        %add3A_302 = arith.addf %add3A_300, %mul3A_301 : vector<16xf32>
        %mul3A_303 = arith.constant 2.000000e+00 : f32
        %mul3A_304 = vector.broadcast %mul3A_303 : f32 to vector<16xf32>
        %mul3A_305 = arith.mulf %mul3A_304, %add3A_302 : vector<16xf32>
        %sub3A_306 = arith.subf %add3A_297, %mul3A_305 : vector<16xf32>
        %swap3A_307 = arith.index_cast %add3A_288 : i32 to index
        %swap3A_308 = tpu.vector_load %arg19[%swap3A_307] {strides = array<i32>} : memref<16384xf32, #tpu.memory_space<vmem>>, vector<16xf32>,
        tpu.vector_store %arg19[%swap3A_307], %sub3A_306 {strides = array<i32>} : memref<16384xf32, #tpu.memory_space<vmem>>, vector<16xf32>,
        %min3A_309 = arith.minimumf %min3A_286, %sub3A_306 : vector<16xf32>
        %add3A_310 = arith.constant 7168 : i32
        %add3A_311 = arith.addi %add3A_310, %mul3A_148 : i32
        %get3A_312 = arith.index_cast %add3A_311 : i32 to index
        %get3A_313 = tpu.vector_load %arg11[%get3A_312] {strides = array<i32>} : memref<16384xf32, #tpu.memory_space<vmem>>, vector<16xf32>,
        %get3A_314 = arith.index_cast %add3A_311 : i32 to index
        %get3A_315 = tpu.vector_load %arg12[%get3A_314] {strides = array<i32>} : memref<16384xf32, #tpu.memory_space<vmem>>, vector<16xf32>,
        %get3A_316 = arith.index_cast %add3A_311 : i32 to index
        %get3A_317 = tpu.vector_load %arg13[%get3A_316] {strides = array<i32>} : memref<16384xf32, #tpu.memory_space<vmem>>, vector<16xf32>,
        %get3A_318 = arith.index_cast %add3A_311 : i32 to index
        %get3A_319 = tpu.vector_load %arg14[%get3A_318] {strides = array<i32>} : memref<16384xf32, #tpu.memory_space<vmem>>, vector<16xf32>,
        %add3A_320 = arith.addf %gather3A_47, %get3A_319 : vector<16xf32>
        %mul3A_321 = arith.mulf %gather3A, %get3A_313 : vector<16xf32>
        %mul3A_322 = arith.mulf %gather3A_45, %get3A_315 : vector<16xf32>
        %add3A_323 = arith.addf %mul3A_321, %mul3A_322 : vector<16xf32>
        %mul3A_324 = arith.mulf %gather3A_46, %get3A_317 : vector<16xf32>
        %add3A_325 = arith.addf %add3A_323, %mul3A_324 : vector<16xf32>
        %mul3A_326 = arith.constant 2.000000e+00 : f32
        %mul3A_327 = vector.broadcast %mul3A_326 : f32 to vector<16xf32>
        %mul3A_328 = arith.mulf %mul3A_327, %add3A_325 : vector<16xf32>
        %sub3A_329 = arith.subf %add3A_320, %mul3A_328 : vector<16xf32>
        %swap3A_330 = arith.index_cast %add3A_311 : i32 to index
        %swap3A_331 = tpu.vector_load %arg19[%swap3A_330] {strides = array<i32>} : memref<16384xf32, #tpu.memory_space<vmem>>, vector<16xf32>,
        tpu.vector_store %arg19[%swap3A_330], %sub3A_329 {strides = array<i32>} : memref<16384xf32, #tpu.memory_space<vmem>>, vector<16xf32>,
        %min3A_332 = arith.minimumf %min3A_309, %sub3A_329 : vector<16xf32>
        %add3A_333 = arith.constant 8192 : i32
        %add3A_334 = arith.addi %add3A_333, %mul3A_148 : i32
        %get3A_335 = arith.index_cast %add3A_334 : i32 to index
        %get3A_336 = tpu.vector_load %arg11[%get3A_335] {strides = array<i32>} : memref<16384xf32, #tpu.memory_space<vmem>>, vector<16xf32>,
        %get3A_337 = arith.index_cast %add3A_334 : i32 to index
        %get3A_338 = tpu.vector_load %arg12[%get3A_337] {strides = array<i32>} : memref<16384xf32, #tpu.memory_space<vmem>>, vector<16xf32>,
        %get3A_339 = arith.index_cast %add3A_334 : i32 to index
        %get3A_340 = tpu.vector_load %arg13[%get3A_339] {strides = array<i32>} : memref<16384xf32, #tpu.memory_space<vmem>>, vector<16xf32>,
        %get3A_341 = arith.index_cast %add3A_334 : i32 to index
        %get3A_342 = tpu.vector_load %arg14[%get3A_341] {strides = array<i32>} : memref<16384xf32, #tpu.memory_space<vmem>>, vector<16xf32>,
        %add3A_343 = arith.addf %gather3A_47, %get3A_342 : vector<16xf32>
        %mul3A_344 = arith.mulf %gather3A, %get3A_336 : vector<16xf32>
        %mul3A_345 = arith.mulf %gather3A_45, %get3A_338 : vector<16xf32>
        %add3A_346 = arith.addf %mul3A_344, %mul3A_345 : vector<16xf32>
        %mul3A_347 = arith.mulf %gather3A_46, %get3A_340 : vector<16xf32>
        %add3A_348 = arith.addf %add3A_346, %mul3A_347 : vector<16xf32>
        %mul3A_349 = arith.constant 2.000000e+00 : f32
        %mul3A_350 = vector.broadcast %mul3A_349 : f32 to vector<16xf32>
        %mul3A_351 = arith.mulf %mul3A_350, %add3A_348 : vector<16xf32>
        %sub3A_352 = arith.subf %add3A_343, %mul3A_351 : vector<16xf32>
        %swap3A_353 = arith.index_cast %add3A_334 : i32 to index
        %swap3A_354 = tpu.vector_load %arg19[%swap3A_353] {strides = array<i32>} : memref<16384xf32, #tpu.memory_space<vmem>>, vector<16xf32>,
        tpu.vector_store %arg19[%swap3A_353], %sub3A_352 {strides = array<i32>} : memref<16384xf32, #tpu.memory_space<vmem>>, vector<16xf32>,
        %min3A_355 = arith.minimumf %min3A_332, %sub3A_352 : vector<16xf32>
        %add3A_356 = arith.constant 9216 : i32
        %add3A_357 = arith.addi %add3A_356, %mul3A_148 : i32
        %get3A_358 = arith.index_cast %add3A_357 : i32 to index
        %get3A_359 = tpu.vector_load %arg11[%get3A_358] {strides = array<i32>} : memref<16384xf32, #tpu.memory_space<vmem>>, vector<16xf32>,
        %get3A_360 = arith.index_cast %add3A_357 : i32 to index
        %get3A_361 = tpu.vector_load %arg12[%get3A_360] {strides = array<i32>} : memref<16384xf32, #tpu.memory_space<vmem>>, vector<16xf32>,
        %get3A_362 = arith.index_cast %add3A_357 : i32 to index
        %get3A_363 = tpu.vector_load %arg13[%get3A_362] {strides = array<i32>} : memref<16384xf32, #tpu.memory_space<vmem>>, vector<16xf32>,
        %get3A_364 = arith.index_cast %add3A_357 : i32 to index
        %get3A_365 = tpu.vector_load %arg14[%get3A_364] {strides = array<i32>} : memref<16384xf32, #tpu.memory_space<vmem>>, vector<16xf32>,
        %add3A_366 = arith.addf %gather3A_47, %get3A_365 : vector<16xf32>
        %mul3A_367 = arith.mulf %gather3A, %get3A_359 : vector<16xf32>
        %mul3A_368 = arith.mulf %gather3A_45, %get3A_361 : vector<16xf32>
        %add3A_369 = arith.addf %mul3A_367, %mul3A_368 : vector<16xf32>
        %mul3A_370 = arith.mulf %gather3A_46, %get3A_363 : vector<16xf32>
        %add3A_371 = arith.addf %add3A_369, %mul3A_370 : vector<16xf32>
        %mul3A_372 = arith.constant 2.000000e+00 : f32
        %mul3A_373 = vector.broadcast %mul3A_372 : f32 to vector<16xf32>
        %mul3A_374 = arith.mulf %mul3A_373, %add3A_371 : vector<16xf32>
        %sub3A_375 = arith.subf %add3A_366, %mul3A_374 : vector<16xf32>
        %swap3A_376 = arith.index_cast %add3A_357 : i32 to index
        %swap3A_377 = tpu.vector_load %arg19[%swap3A_376] {strides = array<i32>} : memref<16384xf32, #tpu.memory_space<vmem>>, vector<16xf32>,
        tpu.vector_store %arg19[%swap3A_376], %sub3A_375 {strides = array<i32>} : memref<16384xf32, #tpu.memory_space<vmem>>, vector<16xf32>,
        %min3A_378 = arith.minimumf %min3A_355, %sub3A_375 : vector<16xf32>
        %add3A_379 = arith.constant 10240 : i32
        %add3A_380 = arith.addi %add3A_379, %mul3A_148 : i32
        %get3A_381 = arith.index_cast %add3A_380 : i32 to index
        %get3A_382 = tpu.vector_load %arg11[%get3A_381] {strides = array<i32>} : memref<16384xf32, #tpu.memory_space<vmem>>, vector<16xf32>,
        %get3A_383 = arith.index_cast %add3A_380 : i32 to index
        %get3A_384 = tpu.vector_load %arg12[%get3A_383] {strides = array<i32>} : memref<16384xf32, #tpu.memory_space<vmem>>, vector<16xf32>,
        %get3A_385 = arith.index_cast %add3A_380 : i32 to index
        %get3A_386 = tpu.vector_load %arg13[%get3A_385] {strides = array<i32>} : memref<16384xf32, #tpu.memory_space<vmem>>, vector<16xf32>,
        %get3A_387 = arith.index_cast %add3A_380 : i32 to index
        %get3A_388 = tpu.vector_load %arg14[%get3A_387] {strides = array<i32>} : memref<16384xf32, #tpu.memory_space<vmem>>, vector<16xf32>,
        %add3A_389 = arith.addf %gather3A_47, %get3A_388 : vector<16xf32>
        %mul3A_390 = arith.mulf %gather3A, %get3A_382 : vector<16xf32>
        %mul3A_391 = arith.mulf %gather3A_45, %get3A_384 : vector<16xf32>
        %add3A_392 = arith.addf %mul3A_390, %mul3A_391 : vector<16xf32>
        %mul3A_393 = arith.mulf %gather3A_46, %get3A_386 : vector<16xf32>
        %add3A_394 = arith.addf %add3A_392, %mul3A_393 : vector<16xf32>
        %mul3A_395 = arith.constant 2.000000e+00 : f32
        %mul3A_396 = vector.broadcast %mul3A_395 : f32 to vector<16xf32>
        %mul3A_397 = arith.mulf %mul3A_396, %add3A_394 : vector<16xf32>
        %sub3A_398 = arith.subf %add3A_389, %mul3A_397 : vector<16xf32>
        %swap3A_399 = arith.index_cast %add3A_380 : i32 to index
        %swap3A_400 = tpu.vector_load %arg19[%swap3A_399] {strides = array<i32>} : memref<16384xf32, #tpu.memory_space<vmem>>, vector<16xf32>,
        tpu.vector_store %arg19[%swap3A_399], %sub3A_398 {strides = array<i32>} : memref<16384xf32, #tpu.memory_space<vmem>>, vector<16xf32>,
        %min3A_401 = arith.minimumf %min3A_378, %sub3A_398 : vector<16xf32>
        %add3A_402 = arith.constant 11264 : i32
        %add3A_403 = arith.addi %add3A_402, %mul3A_148 : i32
        %get3A_404 = arith.index_cast %add3A_403 : i32 to index
        %get3A_405 = tpu.vector_load %arg11[%get3A_404] {strides = array<i32>} : memref<16384xf32, #tpu.memory_space<vmem>>, vector<16xf32>,
        %get3A_406 = arith.index_cast %add3A_403 : i32 to index
        %get3A_407 = tpu.vector_load %arg12[%get3A_406] {strides = array<i32>} : memref<16384xf32, #tpu.memory_space<vmem>>, vector<16xf32>,
        %get3A_408 = arith.index_cast %add3A_403 : i32 to index
        %get3A_409 = tpu.vector_load %arg13[%get3A_408] {strides = array<i32>} : memref<16384xf32, #tpu.memory_space<vmem>>, vector<16xf32>,
        %get3A_410 = arith.index_cast %add3A_403 : i32 to index
        %get3A_411 = tpu.vector_load %arg14[%get3A_410] {strides = array<i32>} : memref<16384xf32, #tpu.memory_space<vmem>>, vector<16xf32>,
        %add3A_412 = arith.addf %gather3A_47, %get3A_411 : vector<16xf32>
        %mul3A_413 = arith.mulf %gather3A, %get3A_405 : vector<16xf32>
        %mul3A_414 = arith.mulf %gather3A_45, %get3A_407 : vector<16xf32>
        %add3A_415 = arith.addf %mul3A_413, %mul3A_414 : vector<16xf32>
        %mul3A_416 = arith.mulf %gather3A_46, %get3A_409 : vector<16xf32>
        %add3A_417 = arith.addf %add3A_415, %mul3A_416 : vector<16xf32>
        %mul3A_418 = arith.constant 2.000000e+00 : f32
        %mul3A_419 = vector.broadcast %mul3A_418 : f32 to vector<16xf32>
        %mul3A_420 = arith.mulf %mul3A_419, %add3A_417 : vector<16xf32>
        %sub3A_421 = arith.subf %add3A_412, %mul3A_420 : vector<16xf32>
        %swap3A_422 = arith.index_cast %add3A_403 : i32 to index
        %swap3A_423 = tpu.vector_load %arg19[%swap3A_422] {strides = array<i32>} : memref<16384xf32, #tpu.memory_space<vmem>>, vector<16xf32>,
        tpu.vector_store %arg19[%swap3A_422], %sub3A_421 {strides = array<i32>} : memref<16384xf32, #tpu.memory_space<vmem>>, vector<16xf32>,
        %min3A_424 = arith.minimumf %min3A_401, %sub3A_421 : vector<16xf32>
        %add3A_425 = arith.constant 12288 : i32
        %add3A_426 = arith.addi %add3A_425, %mul3A_148 : i32
        %get3A_427 = arith.index_cast %add3A_426 : i32 to index
        %get3A_428 = tpu.vector_load %arg11[%get3A_427] {strides = array<i32>} : memref<16384xf32, #tpu.memory_space<vmem>>, vector<16xf32>,
        %get3A_429 = arith.index_cast %add3A_426 : i32 to index
        %get3A_430 = tpu.vector_load %arg12[%get3A_429] {strides = array<i32>} : memref<16384xf32, #tpu.memory_space<vmem>>, vector<16xf32>,
        %get3A_431 = arith.index_cast %add3A_426 : i32 to index
        %get3A_432 = tpu.vector_load %arg13[%get3A_431] {strides = array<i32>} : memref<16384xf32, #tpu.memory_space<vmem>>, vector<16xf32>,
        %get3A_433 = arith.index_cast %add3A_426 : i32 to index
        %get3A_434 = tpu.vector_load %arg14[%get3A_433] {strides = array<i32>} : memref<16384xf32, #tpu.memory_space<vmem>>, vector<16xf32>,
        %add3A_435 = arith.addf %gather3A_47, %get3A_434 : vector<16xf32>
        %mul3A_436 = arith.mulf %gather3A, %get3A_428 : vector<16xf32>
        %mul3A_437 = arith.mulf %gather3A_45, %get3A_430 : vector<16xf32>
        %add3A_438 = arith.addf %mul3A_436, %mul3A_437 : vector<16xf32>
        %mul3A_439 = arith.mulf %gather3A_46, %get3A_432 : vector<16xf32>
        %add3A_440 = arith.addf %add3A_438, %mul3A_439 : vector<16xf32>
        %mul3A_441 = arith.constant 2.000000e+00 : f32
        %mul3A_442 = vector.broadcast %mul3A_441 : f32 to vector<16xf32>
        %mul3A_443 = arith.mulf %mul3A_442, %add3A_440 : vector<16xf32>
        %sub3A_444 = arith.subf %add3A_435, %mul3A_443 : vector<16xf32>
        %swap3A_445 = arith.index_cast %add3A_426 : i32 to index
        %swap3A_446 = tpu.vector_load %arg19[%swap3A_445] {strides = array<i32>} : memref<16384xf32, #tpu.memory_space<vmem>>, vector<16xf32>,
        tpu.vector_store %arg19[%swap3A_445], %sub3A_444 {strides = array<i32>} : memref<16384xf32, #tpu.memory_space<vmem>>, vector<16xf32>,
        %min3A_447 = arith.minimumf %min3A_424, %sub3A_444 : vector<16xf32>
        %add3A_448 = arith.constant 13312 : i32
        %add3A_449 = arith.addi %add3A_448, %mul3A_148 : i32
        %get3A_450 = arith.index_cast %add3A_449 : i32 to index
        %get3A_451 = tpu.vector_load %arg11[%get3A_450] {strides = array<i32>} : memref<16384xf32, #tpu.memory_space<vmem>>, vector<16xf32>,
        %get3A_452 = arith.index_cast %add3A_449 : i32 to index
        %get3A_453 = tpu.vector_load %arg12[%get3A_452] {strides = array<i32>} : memref<16384xf32, #tpu.memory_space<vmem>>, vector<16xf32>,
        %get3A_454 = arith.index_cast %add3A_449 : i32 to index
        %get3A_455 = tpu.vector_load %arg13[%get3A_454] {strides = array<i32>} : memref<16384xf32, #tpu.memory_space<vmem>>, vector<16xf32>,
        %get3A_456 = arith.index_cast %add3A_449 : i32 to index
        %get3A_457 = tpu.vector_load %arg14[%get3A_456] {strides = array<i32>} : memref<16384xf32, #tpu.memory_space<vmem>>, vector<16xf32>,
        %add3A_458 = arith.addf %gather3A_47, %get3A_457 : vector<16xf32>
        %mul3A_459 = arith.mulf %gather3A, %get3A_451 : vector<16xf32>
        %mul3A_460 = arith.mulf %gather3A_45, %get3A_453 : vector<16xf32>
        %add3A_461 = arith.addf %mul3A_459, %mul3A_460 : vector<16xf32>
        %mul3A_462 = arith.mulf %gather3A_46, %get3A_455 : vector<16xf32>
        %add3A_463 = arith.addf %add3A_461, %mul3A_462 : vector<16xf32>
        %mul3A_464 = arith.constant 2.000000e+00 : f32
        %mul3A_465 = vector.broadcast %mul3A_464 : f32 to vector<16xf32>
        %mul3A_466 = arith.mulf %mul3A_465, %add3A_463 : vector<16xf32>
        %sub3A_467 = arith.subf %add3A_458, %mul3A_466 : vector<16xf32>
        %swap3A_468 = arith.index_cast %add3A_449 : i32 to index
        %swap3A_469 = tpu.vector_load %arg19[%swap3A_468] {strides = array<i32>} : memref<16384xf32, #tpu.memory_space<vmem>>, vector<16xf32>,
        tpu.vector_store %arg19[%swap3A_468], %sub3A_467 {strides = array<i32>} : memref<16384xf32, #tpu.memory_space<vmem>>, vector<16xf32>,
        %min3A_470 = arith.minimumf %min3A_447, %sub3A_467 : vector<16xf32>
        %add3A_471 = arith.constant 14336 : i32
        %add3A_472 = arith.addi %add3A_471, %mul3A_148 : i32
        %get3A_473 = arith.index_cast %add3A_472 : i32 to index
        %get3A_474 = tpu.vector_load %arg11[%get3A_473] {strides = array<i32>} : memref<16384xf32, #tpu.memory_space<vmem>>, vector<16xf32>,
        %get3A_475 = arith.index_cast %add3A_472 : i32 to index
        %get3A_476 = tpu.vector_load %arg12[%get3A_475] {strides = array<i32>} : memref<16384xf32, #tpu.memory_space<vmem>>, vector<16xf32>,
        %get3A_477 = arith.index_cast %add3A_472 : i32 to index
        %get3A_478 = tpu.vector_load %arg13[%get3A_477] {strides = array<i32>} : memref<16384xf32, #tpu.memory_space<vmem>>, vector<16xf32>,
        %get3A_479 = arith.index_cast %add3A_472 : i32 to index
        %get3A_480 = tpu.vector_load %arg14[%get3A_479] {strides = array<i32>} : memref<16384xf32, #tpu.memory_space<vmem>>, vector<16xf32>,
        %add3A_481 = arith.addf %gather3A_47, %get3A_480 : vector<16xf32>
        %mul3A_482 = arith.mulf %gather3A, %get3A_474 : vector<16xf32>
        %mul3A_483 = arith.mulf %gather3A_45, %get3A_476 : vector<16xf32>
        %add3A_484 = arith.addf %mul3A_482, %mul3A_483 : vector<16xf32>
        %mul3A_485 = arith.mulf %gather3A_46, %get3A_478 : vector<16xf32>
        %add3A_486 = arith.addf %add3A_484, %mul3A_485 : vector<16xf32>
        %mul3A_487 = arith.constant 2.000000e+00 : f32
        %mul3A_488 = vector.broadcast %mul3A_487 : f32 to vector<16xf32>
        %mul3A_489 = arith.mulf %mul3A_488, %add3A_486 : vector<16xf32>
        %sub3A_490 = arith.subf %add3A_481, %mul3A_489 : vector<16xf32>
        %swap3A_491 = arith.index_cast %add3A_472 : i32 to index
        %swap3A_492 = tpu.vector_load %arg19[%swap3A_491] {strides = array<i32>} : memref<16384xf32, #tpu.memory_space<vmem>>, vector<16xf32>,
        tpu.vector_store %arg19[%swap3A_491], %sub3A_490 {strides = array<i32>} : memref<16384xf32, #tpu.memory_space<vmem>>, vector<16xf32>,
        %min3A_493 = arith.minimumf %min3A_470, %sub3A_490 : vector<16xf32>
        %add3A_494 = arith.constant 15360 : i32
        %add3A_495 = arith.addi %add3A_494, %mul3A_148 : i32
        %get3A_496 = arith.index_cast %add3A_495 : i32 to index
        %get3A_497 = tpu.vector_load %arg11[%get3A_496] {strides = array<i32>} : memref<16384xf32, #tpu.memory_space<vmem>>, vector<16xf32>,
        %get3A_498 = arith.index_cast %add3A_495 : i32 to index
        %get3A_499 = tpu.vector_load %arg12[%get3A_498] {strides = array<i32>} : memref<16384xf32, #tpu.memory_space<vmem>>, vector<16xf32>,
        %get3A_500 = arith.index_cast %add3A_495 : i32 to index
        %get3A_501 = tpu.vector_load %arg13[%get3A_500] {strides = array<i32>} : memref<16384xf32, #tpu.memory_space<vmem>>, vector<16xf32>,
        %get3A_502 = arith.index_cast %add3A_495 : i32 to index
        %get3A_503 = tpu.vector_load %arg14[%get3A_502] {strides = array<i32>} : memref<16384xf32, #tpu.memory_space<vmem>>, vector<16xf32>,
        %add3A_504 = arith.addf %gather3A_47, %get3A_503 : vector<16xf32>
        %mul3A_505 = arith.mulf %gather3A, %get3A_497 : vector<16xf32>
        %mul3A_506 = arith.mulf %gather3A_45, %get3A_499 : vector<16xf32>
        %add3A_507 = arith.addf %mul3A_505, %mul3A_506 : vector<16xf32>
        %mul3A_508 = arith.mulf %gather3A_46, %get3A_501 : vector<16xf32>
        %add3A_509 = arith.addf %add3A_507, %mul3A_508 : vector<16xf32>
        %mul3A_510 = arith.constant 2.000000e+00 : f32
        %mul3A_511 = vector.broadcast %mul3A_510 : f32 to vector<16xf32>
        %mul3A_512 = arith.mulf %mul3A_511, %add3A_509 : vector<16xf32>
        %sub3A_513 = arith.subf %add3A_504, %mul3A_512 : vector<16xf32>
        %swap3A_514 = arith.index_cast %add3A_495 : i32 to index
        %swap3A_515 = tpu.vector_load %arg19[%swap3A_514] {strides = array<i32>} : memref<16384xf32, #tpu.memory_space<vmem>>, vector<16xf32>,
        tpu.vector_store %arg19[%swap3A_514], %sub3A_513 {strides = array<i32>} : memref<16384xf32, #tpu.memory_space<vmem>>, vector<16xf32>,
        %min3A_516 = arith.minimumf %min3A_493, %sub3A_513 : vector<16xf32>
        %swap3A_517 = arith.index_cast %mul3A_148 : i32 to index
        %swap3A_518 = tpu.vector_load %arg20[%swap3A_517] {strides = array<i32>} : memref<1024xf32, #tpu.memory_space<vmem>>, vector<16xf32>,
        tpu.vector_store %arg20[%swap3A_517], %min3A_516 {strides = array<i32>} : memref<1024xf32, #tpu.memory_space<vmem>>, vector<16xf32>,
        %min3A_519 = arith.minimumf %scan3A_142, %min3A_516 : vector<16xf32>
        scf.yield %min3A_519 : vector<16xf32>
      }
      %scan3A_74 = arith.constant 16 : i32
      %swap3A_75 = arith.constant 32 : index
      %swap3A_76 = tpu.vector_load %arg21[%swap3A_75] {strides = array<i32>} : memref<64xf32, #tpu.memory_space<vmem>>, vector<16xf32>,
      tpu.vector_store %arg21[%swap3A_75], %scan3A_73 {strides = array<i32>} : memref<64xf32, #tpu.memory_space<vmem>>, vector<16xf32>,
      %broadcast_in_dim3A_77 = arith.constant 3.000000e+38 : f32
      %broadcast_in_dim3A_78 = vector.broadcast %broadcast_in_dim3A_77 : f32 to vector<16xf32>
      %scan3A_79 = arith.constant 0 : i32
      %scan3A_80 = arith.constant 16 : i32
      %scan3A_81 = arith.addi %scan3A_79, %scan3A_80 : i32
      %scan3A_82 = arith.constant 1 : i32
      %scan3A_83 = scf.for %scan3A_141 = %scan3A_79 to %scan3A_81 step %scan3A_82 iter_args(%scan3A_142 = %broadcast_in_dim3A_78) -> (vector<16xf32>)  : i32 {
        %mul3A_143 = arith.constant 4 : i32
        %mul3A_144 = arith.muli %mul3A_143, %scan3A_141 : i32
        %add3A_145 = arith.constant 3 : i32
        %add3A_146 = arith.addi %add3A_145, %mul3A_144 : i32
        %mul3A_147 = arith.constant 16 : i32
        %mul3A_148 = arith.muli %add3A_146, %mul3A_147 : i32
        %broadcast_in_dim3A_149 = arith.constant 3.000000e+38 : f32
        %broadcast_in_dim3A_150 = vector.broadcast %broadcast_in_dim3A_149 : f32 to vector<16xf32>
        %add3A_151 = arith.constant 0 : i32
        %add3A_152 = arith.addi %add3A_151, %mul3A_148 : i32
        %get3A = arith.index_cast %add3A_152 : i32 to index
        %get3A_153 = tpu.vector_load %arg11[%get3A] {strides = array<i32>} : memref<16384xf32, #tpu.memory_space<vmem>>, vector<16xf32>,
        %get3A_154 = arith.index_cast %add3A_152 : i32 to index
        %get3A_155 = tpu.vector_load %arg12[%get3A_154] {strides = array<i32>} : memref<16384xf32, #tpu.memory_space<vmem>>, vector<16xf32>,
        %get3A_156 = arith.index_cast %add3A_152 : i32 to index
        %get3A_157 = tpu.vector_load %arg13[%get3A_156] {strides = array<i32>} : memref<16384xf32, #tpu.memory_space<vmem>>, vector<16xf32>,
        %get3A_158 = arith.index_cast %add3A_152 : i32 to index
        %get3A_159 = tpu.vector_load %arg14[%get3A_158] {strides = array<i32>} : memref<16384xf32, #tpu.memory_space<vmem>>, vector<16xf32>,
        %add3A_160 = arith.addf %gather3A_47, %get3A_159 : vector<16xf32>
        %mul3A_161 = arith.mulf %gather3A, %get3A_153 : vector<16xf32>
        %mul3A_162 = arith.mulf %gather3A_45, %get3A_155 : vector<16xf32>
        %add3A_163 = arith.addf %mul3A_161, %mul3A_162 : vector<16xf32>
        %mul3A_164 = arith.mulf %gather3A_46, %get3A_157 : vector<16xf32>
        %add3A_165 = arith.addf %add3A_163, %mul3A_164 : vector<16xf32>
        %mul3A_166 = arith.constant 2.000000e+00 : f32
        %mul3A_167 = vector.broadcast %mul3A_166 : f32 to vector<16xf32>
        %mul3A_168 = arith.mulf %mul3A_167, %add3A_165 : vector<16xf32>
        %sub3A_169 = arith.subf %add3A_160, %mul3A_168 : vector<16xf32>
        %swap3A_170 = arith.index_cast %add3A_152 : i32 to index
        %swap3A_171 = tpu.vector_load %arg19[%swap3A_170] {strides = array<i32>} : memref<16384xf32, #tpu.memory_space<vmem>>, vector<16xf32>,
        tpu.vector_store %arg19[%swap3A_170], %sub3A_169 {strides = array<i32>} : memref<16384xf32, #tpu.memory_space<vmem>>, vector<16xf32>,
        %min3A = arith.minimumf %broadcast_in_dim3A_150, %sub3A_169 : vector<16xf32>
        %add3A_172 = arith.constant 1024 : i32
        %add3A_173 = arith.addi %add3A_172, %mul3A_148 : i32
        %get3A_174 = arith.index_cast %add3A_173 : i32 to index
        %get3A_175 = tpu.vector_load %arg11[%get3A_174] {strides = array<i32>} : memref<16384xf32, #tpu.memory_space<vmem>>, vector<16xf32>,
        %get3A_176 = arith.index_cast %add3A_173 : i32 to index
        %get3A_177 = tpu.vector_load %arg12[%get3A_176] {strides = array<i32>} : memref<16384xf32, #tpu.memory_space<vmem>>, vector<16xf32>,
        %get3A_178 = arith.index_cast %add3A_173 : i32 to index
        %get3A_179 = tpu.vector_load %arg13[%get3A_178] {strides = array<i32>} : memref<16384xf32, #tpu.memory_space<vmem>>, vector<16xf32>,
        %get3A_180 = arith.index_cast %add3A_173 : i32 to index
        %get3A_181 = tpu.vector_load %arg14[%get3A_180] {strides = array<i32>} : memref<16384xf32, #tpu.memory_space<vmem>>, vector<16xf32>,
        %add3A_182 = arith.addf %gather3A_47, %get3A_181 : vector<16xf32>
        %mul3A_183 = arith.mulf %gather3A, %get3A_175 : vector<16xf32>
        %mul3A_184 = arith.mulf %gather3A_45, %get3A_177 : vector<16xf32>
        %add3A_185 = arith.addf %mul3A_183, %mul3A_184 : vector<16xf32>
        %mul3A_186 = arith.mulf %gather3A_46, %get3A_179 : vector<16xf32>
        %add3A_187 = arith.addf %add3A_185, %mul3A_186 : vector<16xf32>
        %mul3A_188 = arith.constant 2.000000e+00 : f32
        %mul3A_189 = vector.broadcast %mul3A_188 : f32 to vector<16xf32>
        %mul3A_190 = arith.mulf %mul3A_189, %add3A_187 : vector<16xf32>
        %sub3A_191 = arith.subf %add3A_182, %mul3A_190 : vector<16xf32>
        %swap3A_192 = arith.index_cast %add3A_173 : i32 to index
        %swap3A_193 = tpu.vector_load %arg19[%swap3A_192] {strides = array<i32>} : memref<16384xf32, #tpu.memory_space<vmem>>, vector<16xf32>,
        tpu.vector_store %arg19[%swap3A_192], %sub3A_191 {strides = array<i32>} : memref<16384xf32, #tpu.memory_space<vmem>>, vector<16xf32>,
        %min3A_194 = arith.minimumf %min3A, %sub3A_191 : vector<16xf32>
        %add3A_195 = arith.constant 2048 : i32
        %add3A_196 = arith.addi %add3A_195, %mul3A_148 : i32
        %get3A_197 = arith.index_cast %add3A_196 : i32 to index
        %get3A_198 = tpu.vector_load %arg11[%get3A_197] {strides = array<i32>} : memref<16384xf32, #tpu.memory_space<vmem>>, vector<16xf32>,
        %get3A_199 = arith.index_cast %add3A_196 : i32 to index
        %get3A_200 = tpu.vector_load %arg12[%get3A_199] {strides = array<i32>} : memref<16384xf32, #tpu.memory_space<vmem>>, vector<16xf32>,
        %get3A_201 = arith.index_cast %add3A_196 : i32 to index
        %get3A_202 = tpu.vector_load %arg13[%get3A_201] {strides = array<i32>} : memref<16384xf32, #tpu.memory_space<vmem>>, vector<16xf32>,
        %get3A_203 = arith.index_cast %add3A_196 : i32 to index
        %get3A_204 = tpu.vector_load %arg14[%get3A_203] {strides = array<i32>} : memref<16384xf32, #tpu.memory_space<vmem>>, vector<16xf32>,
        %add3A_205 = arith.addf %gather3A_47, %get3A_204 : vector<16xf32>
        %mul3A_206 = arith.mulf %gather3A, %get3A_198 : vector<16xf32>
        %mul3A_207 = arith.mulf %gather3A_45, %get3A_200 : vector<16xf32>
        %add3A_208 = arith.addf %mul3A_206, %mul3A_207 : vector<16xf32>
        %mul3A_209 = arith.mulf %gather3A_46, %get3A_202 : vector<16xf32>
        %add3A_210 = arith.addf %add3A_208, %mul3A_209 : vector<16xf32>
        %mul3A_211 = arith.constant 2.000000e+00 : f32
        %mul3A_212 = vector.broadcast %mul3A_211 : f32 to vector<16xf32>
        %mul3A_213 = arith.mulf %mul3A_212, %add3A_210 : vector<16xf32>
        %sub3A_214 = arith.subf %add3A_205, %mul3A_213 : vector<16xf32>
        %swap3A_215 = arith.index_cast %add3A_196 : i32 to index
        %swap3A_216 = tpu.vector_load %arg19[%swap3A_215] {strides = array<i32>} : memref<16384xf32, #tpu.memory_space<vmem>>, vector<16xf32>,
        tpu.vector_store %arg19[%swap3A_215], %sub3A_214 {strides = array<i32>} : memref<16384xf32, #tpu.memory_space<vmem>>, vector<16xf32>,
        %min3A_217 = arith.minimumf %min3A_194, %sub3A_214 : vector<16xf32>
        %add3A_218 = arith.constant 3072 : i32
        %add3A_219 = arith.addi %add3A_218, %mul3A_148 : i32
        %get3A_220 = arith.index_cast %add3A_219 : i32 to index
        %get3A_221 = tpu.vector_load %arg11[%get3A_220] {strides = array<i32>} : memref<16384xf32, #tpu.memory_space<vmem>>, vector<16xf32>,
        %get3A_222 = arith.index_cast %add3A_219 : i32 to index
        %get3A_223 = tpu.vector_load %arg12[%get3A_222] {strides = array<i32>} : memref<16384xf32, #tpu.memory_space<vmem>>, vector<16xf32>,
        %get3A_224 = arith.index_cast %add3A_219 : i32 to index
        %get3A_225 = tpu.vector_load %arg13[%get3A_224] {strides = array<i32>} : memref<16384xf32, #tpu.memory_space<vmem>>, vector<16xf32>,
        %get3A_226 = arith.index_cast %add3A_219 : i32 to index
        %get3A_227 = tpu.vector_load %arg14[%get3A_226] {strides = array<i32>} : memref<16384xf32, #tpu.memory_space<vmem>>, vector<16xf32>,
        %add3A_228 = arith.addf %gather3A_47, %get3A_227 : vector<16xf32>
        %mul3A_229 = arith.mulf %gather3A, %get3A_221 : vector<16xf32>
        %mul3A_230 = arith.mulf %gather3A_45, %get3A_223 : vector<16xf32>
        %add3A_231 = arith.addf %mul3A_229, %mul3A_230 : vector<16xf32>
        %mul3A_232 = arith.mulf %gather3A_46, %get3A_225 : vector<16xf32>
        %add3A_233 = arith.addf %add3A_231, %mul3A_232 : vector<16xf32>
        %mul3A_234 = arith.constant 2.000000e+00 : f32
        %mul3A_235 = vector.broadcast %mul3A_234 : f32 to vector<16xf32>
        %mul3A_236 = arith.mulf %mul3A_235, %add3A_233 : vector<16xf32>
        %sub3A_237 = arith.subf %add3A_228, %mul3A_236 : vector<16xf32>
        %swap3A_238 = arith.index_cast %add3A_219 : i32 to index
        %swap3A_239 = tpu.vector_load %arg19[%swap3A_238] {strides = array<i32>} : memref<16384xf32, #tpu.memory_space<vmem>>, vector<16xf32>,
        tpu.vector_store %arg19[%swap3A_238], %sub3A_237 {strides = array<i32>} : memref<16384xf32, #tpu.memory_space<vmem>>, vector<16xf32>,
        %min3A_240 = arith.minimumf %min3A_217, %sub3A_237 : vector<16xf32>
        %add3A_241 = arith.constant 4096 : i32
        %add3A_242 = arith.addi %add3A_241, %mul3A_148 : i32
        %get3A_243 = arith.index_cast %add3A_242 : i32 to index
        %get3A_244 = tpu.vector_load %arg11[%get3A_243] {strides = array<i32>} : memref<16384xf32, #tpu.memory_space<vmem>>, vector<16xf32>,
        %get3A_245 = arith.index_cast %add3A_242 : i32 to index
        %get3A_246 = tpu.vector_load %arg12[%get3A_245] {strides = array<i32>} : memref<16384xf32, #tpu.memory_space<vmem>>, vector<16xf32>,
        %get3A_247 = arith.index_cast %add3A_242 : i32 to index
        %get3A_248 = tpu.vector_load %arg13[%get3A_247] {strides = array<i32>} : memref<16384xf32, #tpu.memory_space<vmem>>, vector<16xf32>,
        %get3A_249 = arith.index_cast %add3A_242 : i32 to index
        %get3A_250 = tpu.vector_load %arg14[%get3A_249] {strides = array<i32>} : memref<16384xf32, #tpu.memory_space<vmem>>, vector<16xf32>,
        %add3A_251 = arith.addf %gather3A_47, %get3A_250 : vector<16xf32>
        %mul3A_252 = arith.mulf %gather3A, %get3A_244 : vector<16xf32>
        %mul3A_253 = arith.mulf %gather3A_45, %get3A_246 : vector<16xf32>
        %add3A_254 = arith.addf %mul3A_252, %mul3A_253 : vector<16xf32>
        %mul3A_255 = arith.mulf %gather3A_46, %get3A_248 : vector<16xf32>
        %add3A_256 = arith.addf %add3A_254, %mul3A_255 : vector<16xf32>
        %mul3A_257 = arith.constant 2.000000e+00 : f32
        %mul3A_258 = vector.broadcast %mul3A_257 : f32 to vector<16xf32>
        %mul3A_259 = arith.mulf %mul3A_258, %add3A_256 : vector<16xf32>
        %sub3A_260 = arith.subf %add3A_251, %mul3A_259 : vector<16xf32>
        %swap3A_261 = arith.index_cast %add3A_242 : i32 to index
        %swap3A_262 = tpu.vector_load %arg19[%swap3A_261] {strides = array<i32>} : memref<16384xf32, #tpu.memory_space<vmem>>, vector<16xf32>,
        tpu.vector_store %arg19[%swap3A_261], %sub3A_260 {strides = array<i32>} : memref<16384xf32, #tpu.memory_space<vmem>>, vector<16xf32>,
        %min3A_263 = arith.minimumf %min3A_240, %sub3A_260 : vector<16xf32>
        %add3A_264 = arith.constant 5120 : i32
        %add3A_265 = arith.addi %add3A_264, %mul3A_148 : i32
        %get3A_266 = arith.index_cast %add3A_265 : i32 to index
        %get3A_267 = tpu.vector_load %arg11[%get3A_266] {strides = array<i32>} : memref<16384xf32, #tpu.memory_space<vmem>>, vector<16xf32>,
        %get3A_268 = arith.index_cast %add3A_265 : i32 to index
        %get3A_269 = tpu.vector_load %arg12[%get3A_268] {strides = array<i32>} : memref<16384xf32, #tpu.memory_space<vmem>>, vector<16xf32>,
        %get3A_270 = arith.index_cast %add3A_265 : i32 to index
        %get3A_271 = tpu.vector_load %arg13[%get3A_270] {strides = array<i32>} : memref<16384xf32, #tpu.memory_space<vmem>>, vector<16xf32>,
        %get3A_272 = arith.index_cast %add3A_265 : i32 to index
        %get3A_273 = tpu.vector_load %arg14[%get3A_272] {strides = array<i32>} : memref<16384xf32, #tpu.memory_space<vmem>>, vector<16xf32>,
        %add3A_274 = arith.addf %gather3A_47, %get3A_273 : vector<16xf32>
        %mul3A_275 = arith.mulf %gather3A, %get3A_267 : vector<16xf32>
        %mul3A_276 = arith.mulf %gather3A_45, %get3A_269 : vector<16xf32>
        %add3A_277 = arith.addf %mul3A_275, %mul3A_276 : vector<16xf32>
        %mul3A_278 = arith.mulf %gather3A_46, %get3A_271 : vector<16xf32>
        %add3A_279 = arith.addf %add3A_277, %mul3A_278 : vector<16xf32>
        %mul3A_280 = arith.constant 2.000000e+00 : f32
        %mul3A_281 = vector.broadcast %mul3A_280 : f32 to vector<16xf32>
        %mul3A_282 = arith.mulf %mul3A_281, %add3A_279 : vector<16xf32>
        %sub3A_283 = arith.subf %add3A_274, %mul3A_282 : vector<16xf32>
        %swap3A_284 = arith.index_cast %add3A_265 : i32 to index
        %swap3A_285 = tpu.vector_load %arg19[%swap3A_284] {strides = array<i32>} : memref<16384xf32, #tpu.memory_space<vmem>>, vector<16xf32>,
        tpu.vector_store %arg19[%swap3A_284], %sub3A_283 {strides = array<i32>} : memref<16384xf32, #tpu.memory_space<vmem>>, vector<16xf32>,
        %min3A_286 = arith.minimumf %min3A_263, %sub3A_283 : vector<16xf32>
        %add3A_287 = arith.constant 6144 : i32
        %add3A_288 = arith.addi %add3A_287, %mul3A_148 : i32
        %get3A_289 = arith.index_cast %add3A_288 : i32 to index
        %get3A_290 = tpu.vector_load %arg11[%get3A_289] {strides = array<i32>} : memref<16384xf32, #tpu.memory_space<vmem>>, vector<16xf32>,
        %get3A_291 = arith.index_cast %add3A_288 : i32 to index
        %get3A_292 = tpu.vector_load %arg12[%get3A_291] {strides = array<i32>} : memref<16384xf32, #tpu.memory_space<vmem>>, vector<16xf32>,
        %get3A_293 = arith.index_cast %add3A_288 : i32 to index
        %get3A_294 = tpu.vector_load %arg13[%get3A_293] {strides = array<i32>} : memref<16384xf32, #tpu.memory_space<vmem>>, vector<16xf32>,
        %get3A_295 = arith.index_cast %add3A_288 : i32 to index
        %get3A_296 = tpu.vector_load %arg14[%get3A_295] {strides = array<i32>} : memref<16384xf32, #tpu.memory_space<vmem>>, vector<16xf32>,
        %add3A_297 = arith.addf %gather3A_47, %get3A_296 : vector<16xf32>
        %mul3A_298 = arith.mulf %gather3A, %get3A_290 : vector<16xf32>
        %mul3A_299 = arith.mulf %gather3A_45, %get3A_292 : vector<16xf32>
        %add3A_300 = arith.addf %mul3A_298, %mul3A_299 : vector<16xf32>
        %mul3A_301 = arith.mulf %gather3A_46, %get3A_294 : vector<16xf32>
        %add3A_302 = arith.addf %add3A_300, %mul3A_301 : vector<16xf32>
        %mul3A_303 = arith.constant 2.000000e+00 : f32
        %mul3A_304 = vector.broadcast %mul3A_303 : f32 to vector<16xf32>
        %mul3A_305 = arith.mulf %mul3A_304, %add3A_302 : vector<16xf32>
        %sub3A_306 = arith.subf %add3A_297, %mul3A_305 : vector<16xf32>
        %swap3A_307 = arith.index_cast %add3A_288 : i32 to index
        %swap3A_308 = tpu.vector_load %arg19[%swap3A_307] {strides = array<i32>} : memref<16384xf32, #tpu.memory_space<vmem>>, vector<16xf32>,
        tpu.vector_store %arg19[%swap3A_307], %sub3A_306 {strides = array<i32>} : memref<16384xf32, #tpu.memory_space<vmem>>, vector<16xf32>,
        %min3A_309 = arith.minimumf %min3A_286, %sub3A_306 : vector<16xf32>
        %add3A_310 = arith.constant 7168 : i32
        %add3A_311 = arith.addi %add3A_310, %mul3A_148 : i32
        %get3A_312 = arith.index_cast %add3A_311 : i32 to index
        %get3A_313 = tpu.vector_load %arg11[%get3A_312] {strides = array<i32>} : memref<16384xf32, #tpu.memory_space<vmem>>, vector<16xf32>,
        %get3A_314 = arith.index_cast %add3A_311 : i32 to index
        %get3A_315 = tpu.vector_load %arg12[%get3A_314] {strides = array<i32>} : memref<16384xf32, #tpu.memory_space<vmem>>, vector<16xf32>,
        %get3A_316 = arith.index_cast %add3A_311 : i32 to index
        %get3A_317 = tpu.vector_load %arg13[%get3A_316] {strides = array<i32>} : memref<16384xf32, #tpu.memory_space<vmem>>, vector<16xf32>,
        %get3A_318 = arith.index_cast %add3A_311 : i32 to index
        %get3A_319 = tpu.vector_load %arg14[%get3A_318] {strides = array<i32>} : memref<16384xf32, #tpu.memory_space<vmem>>, vector<16xf32>,
        %add3A_320 = arith.addf %gather3A_47, %get3A_319 : vector<16xf32>
        %mul3A_321 = arith.mulf %gather3A, %get3A_313 : vector<16xf32>
        %mul3A_322 = arith.mulf %gather3A_45, %get3A_315 : vector<16xf32>
        %add3A_323 = arith.addf %mul3A_321, %mul3A_322 : vector<16xf32>
        %mul3A_324 = arith.mulf %gather3A_46, %get3A_317 : vector<16xf32>
        %add3A_325 = arith.addf %add3A_323, %mul3A_324 : vector<16xf32>
        %mul3A_326 = arith.constant 2.000000e+00 : f32
        %mul3A_327 = vector.broadcast %mul3A_326 : f32 to vector<16xf32>
        %mul3A_328 = arith.mulf %mul3A_327, %add3A_325 : vector<16xf32>
        %sub3A_329 = arith.subf %add3A_320, %mul3A_328 : vector<16xf32>
        %swap3A_330 = arith.index_cast %add3A_311 : i32 to index
        %swap3A_331 = tpu.vector_load %arg19[%swap3A_330] {strides = array<i32>} : memref<16384xf32, #tpu.memory_space<vmem>>, vector<16xf32>,
        tpu.vector_store %arg19[%swap3A_330], %sub3A_329 {strides = array<i32>} : memref<16384xf32, #tpu.memory_space<vmem>>, vector<16xf32>,
        %min3A_332 = arith.minimumf %min3A_309, %sub3A_329 : vector<16xf32>
        %add3A_333 = arith.constant 8192 : i32
        %add3A_334 = arith.addi %add3A_333, %mul3A_148 : i32
        %get3A_335 = arith.index_cast %add3A_334 : i32 to index
        %get3A_336 = tpu.vector_load %arg11[%get3A_335] {strides = array<i32>} : memref<16384xf32, #tpu.memory_space<vmem>>, vector<16xf32>,
        %get3A_337 = arith.index_cast %add3A_334 : i32 to index
        %get3A_338 = tpu.vector_load %arg12[%get3A_337] {strides = array<i32>} : memref<16384xf32, #tpu.memory_space<vmem>>, vector<16xf32>,
        %get3A_339 = arith.index_cast %add3A_334 : i32 to index
        %get3A_340 = tpu.vector_load %arg13[%get3A_339] {strides = array<i32>} : memref<16384xf32, #tpu.memory_space<vmem>>, vector<16xf32>,
        %get3A_341 = arith.index_cast %add3A_334 : i32 to index
        %get3A_342 = tpu.vector_load %arg14[%get3A_341] {strides = array<i32>} : memref<16384xf32, #tpu.memory_space<vmem>>, vector<16xf32>,
        %add3A_343 = arith.addf %gather3A_47, %get3A_342 : vector<16xf32>
        %mul3A_344 = arith.mulf %gather3A, %get3A_336 : vector<16xf32>
        %mul3A_345 = arith.mulf %gather3A_45, %get3A_338 : vector<16xf32>
        %add3A_346 = arith.addf %mul3A_344, %mul3A_345 : vector<16xf32>
        %mul3A_347 = arith.mulf %gather3A_46, %get3A_340 : vector<16xf32>
        %add3A_348 = arith.addf %add3A_346, %mul3A_347 : vector<16xf32>
        %mul3A_349 = arith.constant 2.000000e+00 : f32
        %mul3A_350 = vector.broadcast %mul3A_349 : f32 to vector<16xf32>
        %mul3A_351 = arith.mulf %mul3A_350, %add3A_348 : vector<16xf32>
        %sub3A_352 = arith.subf %add3A_343, %mul3A_351 : vector<16xf32>
        %swap3A_353 = arith.index_cast %add3A_334 : i32 to index
        %swap3A_354 = tpu.vector_load %arg19[%swap3A_353] {strides = array<i32>} : memref<16384xf32, #tpu.memory_space<vmem>>, vector<16xf32>,
        tpu.vector_store %arg19[%swap3A_353], %sub3A_352 {strides = array<i32>} : memref<16384xf32, #tpu.memory_space<vmem>>, vector<16xf32>,
        %min3A_355 = arith.minimumf %min3A_332, %sub3A_352 : vector<16xf32>
        %add3A_356 = arith.constant 9216 : i32
        %add3A_357 = arith.addi %add3A_356, %mul3A_148 : i32
        %get3A_358 = arith.index_cast %add3A_357 : i32 to index
        %get3A_359 = tpu.vector_load %arg11[%get3A_358] {strides = array<i32>} : memref<16384xf32, #tpu.memory_space<vmem>>, vector<16xf32>,
        %get3A_360 = arith.index_cast %add3A_357 : i32 to index
        %get3A_361 = tpu.vector_load %arg12[%get3A_360] {strides = array<i32>} : memref<16384xf32, #tpu.memory_space<vmem>>, vector<16xf32>,
        %get3A_362 = arith.index_cast %add3A_357 : i32 to index
        %get3A_363 = tpu.vector_load %arg13[%get3A_362] {strides = array<i32>} : memref<16384xf32, #tpu.memory_space<vmem>>, vector<16xf32>,
        %get3A_364 = arith.index_cast %add3A_357 : i32 to index
        %get3A_365 = tpu.vector_load %arg14[%get3A_364] {strides = array<i32>} : memref<16384xf32, #tpu.memory_space<vmem>>, vector<16xf32>,
        %add3A_366 = arith.addf %gather3A_47, %get3A_365 : vector<16xf32>
        %mul3A_367 = arith.mulf %gather3A, %get3A_359 : vector<16xf32>
        %mul3A_368 = arith.mulf %gather3A_45, %get3A_361 : vector<16xf32>
        %add3A_369 = arith.addf %mul3A_367, %mul3A_368 : vector<16xf32>
        %mul3A_370 = arith.mulf %gather3A_46, %get3A_363 : vector<16xf32>
        %add3A_371 = arith.addf %add3A_369, %mul3A_370 : vector<16xf32>
        %mul3A_372 = arith.constant 2.000000e+00 : f32
        %mul3A_373 = vector.broadcast %mul3A_372 : f32 to vector<16xf32>
        %mul3A_374 = arith.mulf %mul3A_373, %add3A_371 : vector<16xf32>
        %sub3A_375 = arith.subf %add3A_366, %mul3A_374 : vector<16xf32>
        %swap3A_376 = arith.index_cast %add3A_357 : i32 to index
        %swap3A_377 = tpu.vector_load %arg19[%swap3A_376] {strides = array<i32>} : memref<16384xf32, #tpu.memory_space<vmem>>, vector<16xf32>,
        tpu.vector_store %arg19[%swap3A_376], %sub3A_375 {strides = array<i32>} : memref<16384xf32, #tpu.memory_space<vmem>>, vector<16xf32>,
        %min3A_378 = arith.minimumf %min3A_355, %sub3A_375 : vector<16xf32>
        %add3A_379 = arith.constant 10240 : i32
        %add3A_380 = arith.addi %add3A_379, %mul3A_148 : i32
        %get3A_381 = arith.index_cast %add3A_380 : i32 to index
        %get3A_382 = tpu.vector_load %arg11[%get3A_381] {strides = array<i32>} : memref<16384xf32, #tpu.memory_space<vmem>>, vector<16xf32>,
        %get3A_383 = arith.index_cast %add3A_380 : i32 to index
        %get3A_384 = tpu.vector_load %arg12[%get3A_383] {strides = array<i32>} : memref<16384xf32, #tpu.memory_space<vmem>>, vector<16xf32>,
        %get3A_385 = arith.index_cast %add3A_380 : i32 to index
        %get3A_386 = tpu.vector_load %arg13[%get3A_385] {strides = array<i32>} : memref<16384xf32, #tpu.memory_space<vmem>>, vector<16xf32>,
        %get3A_387 = arith.index_cast %add3A_380 : i32 to index
        %get3A_388 = tpu.vector_load %arg14[%get3A_387] {strides = array<i32>} : memref<16384xf32, #tpu.memory_space<vmem>>, vector<16xf32>,
        %add3A_389 = arith.addf %gather3A_47, %get3A_388 : vector<16xf32>
        %mul3A_390 = arith.mulf %gather3A, %get3A_382 : vector<16xf32>
        %mul3A_391 = arith.mulf %gather3A_45, %get3A_384 : vector<16xf32>
        %add3A_392 = arith.addf %mul3A_390, %mul3A_391 : vector<16xf32>
        %mul3A_393 = arith.mulf %gather3A_46, %get3A_386 : vector<16xf32>
        %add3A_394 = arith.addf %add3A_392, %mul3A_393 : vector<16xf32>
        %mul3A_395 = arith.constant 2.000000e+00 : f32
        %mul3A_396 = vector.broadcast %mul3A_395 : f32 to vector<16xf32>
        %mul3A_397 = arith.mulf %mul3A_396, %add3A_394 : vector<16xf32>
        %sub3A_398 = arith.subf %add3A_389, %mul3A_397 : vector<16xf32>
        %swap3A_399 = arith.index_cast %add3A_380 : i32 to index
        %swap3A_400 = tpu.vector_load %arg19[%swap3A_399] {strides = array<i32>} : memref<16384xf32, #tpu.memory_space<vmem>>, vector<16xf32>,
        tpu.vector_store %arg19[%swap3A_399], %sub3A_398 {strides = array<i32>} : memref<16384xf32, #tpu.memory_space<vmem>>, vector<16xf32>,
        %min3A_401 = arith.minimumf %min3A_378, %sub3A_398 : vector<16xf32>
        %add3A_402 = arith.constant 11264 : i32
        %add3A_403 = arith.addi %add3A_402, %mul3A_148 : i32
        %get3A_404 = arith.index_cast %add3A_403 : i32 to index
        %get3A_405 = tpu.vector_load %arg11[%get3A_404] {strides = array<i32>} : memref<16384xf32, #tpu.memory_space<vmem>>, vector<16xf32>,
        %get3A_406 = arith.index_cast %add3A_403 : i32 to index
        %get3A_407 = tpu.vector_load %arg12[%get3A_406] {strides = array<i32>} : memref<16384xf32, #tpu.memory_space<vmem>>, vector<16xf32>,
        %get3A_408 = arith.index_cast %add3A_403 : i32 to index
        %get3A_409 = tpu.vector_load %arg13[%get3A_408] {strides = array<i32>} : memref<16384xf32, #tpu.memory_space<vmem>>, vector<16xf32>,
        %get3A_410 = arith.index_cast %add3A_403 : i32 to index
        %get3A_411 = tpu.vector_load %arg14[%get3A_410] {strides = array<i32>} : memref<16384xf32, #tpu.memory_space<vmem>>, vector<16xf32>,
        %add3A_412 = arith.addf %gather3A_47, %get3A_411 : vector<16xf32>
        %mul3A_413 = arith.mulf %gather3A, %get3A_405 : vector<16xf32>
        %mul3A_414 = arith.mulf %gather3A_45, %get3A_407 : vector<16xf32>
        %add3A_415 = arith.addf %mul3A_413, %mul3A_414 : vector<16xf32>
        %mul3A_416 = arith.mulf %gather3A_46, %get3A_409 : vector<16xf32>
        %add3A_417 = arith.addf %add3A_415, %mul3A_416 : vector<16xf32>
        %mul3A_418 = arith.constant 2.000000e+00 : f32
        %mul3A_419 = vector.broadcast %mul3A_418 : f32 to vector<16xf32>
        %mul3A_420 = arith.mulf %mul3A_419, %add3A_417 : vector<16xf32>
        %sub3A_421 = arith.subf %add3A_412, %mul3A_420 : vector<16xf32>
        %swap3A_422 = arith.index_cast %add3A_403 : i32 to index
        %swap3A_423 = tpu.vector_load %arg19[%swap3A_422] {strides = array<i32>} : memref<16384xf32, #tpu.memory_space<vmem>>, vector<16xf32>,
        tpu.vector_store %arg19[%swap3A_422], %sub3A_421 {strides = array<i32>} : memref<16384xf32, #tpu.memory_space<vmem>>, vector<16xf32>,
        %min3A_424 = arith.minimumf %min3A_401, %sub3A_421 : vector<16xf32>
        %add3A_425 = arith.constant 12288 : i32
        %add3A_426 = arith.addi %add3A_425, %mul3A_148 : i32
        %get3A_427 = arith.index_cast %add3A_426 : i32 to index
        %get3A_428 = tpu.vector_load %arg11[%get3A_427] {strides = array<i32>} : memref<16384xf32, #tpu.memory_space<vmem>>, vector<16xf32>,
        %get3A_429 = arith.index_cast %add3A_426 : i32 to index
        %get3A_430 = tpu.vector_load %arg12[%get3A_429] {strides = array<i32>} : memref<16384xf32, #tpu.memory_space<vmem>>, vector<16xf32>,
        %get3A_431 = arith.index_cast %add3A_426 : i32 to index
        %get3A_432 = tpu.vector_load %arg13[%get3A_431] {strides = array<i32>} : memref<16384xf32, #tpu.memory_space<vmem>>, vector<16xf32>,
        %get3A_433 = arith.index_cast %add3A_426 : i32 to index
        %get3A_434 = tpu.vector_load %arg14[%get3A_433] {strides = array<i32>} : memref<16384xf32, #tpu.memory_space<vmem>>, vector<16xf32>,
        %add3A_435 = arith.addf %gather3A_47, %get3A_434 : vector<16xf32>
        %mul3A_436 = arith.mulf %gather3A, %get3A_428 : vector<16xf32>
        %mul3A_437 = arith.mulf %gather3A_45, %get3A_430 : vector<16xf32>
        %add3A_438 = arith.addf %mul3A_436, %mul3A_437 : vector<16xf32>
        %mul3A_439 = arith.mulf %gather3A_46, %get3A_432 : vector<16xf32>
        %add3A_440 = arith.addf %add3A_438, %mul3A_439 : vector<16xf32>
        %mul3A_441 = arith.constant 2.000000e+00 : f32
        %mul3A_442 = vector.broadcast %mul3A_441 : f32 to vector<16xf32>
        %mul3A_443 = arith.mulf %mul3A_442, %add3A_440 : vector<16xf32>
        %sub3A_444 = arith.subf %add3A_435, %mul3A_443 : vector<16xf32>
        %swap3A_445 = arith.index_cast %add3A_426 : i32 to index
        %swap3A_446 = tpu.vector_load %arg19[%swap3A_445] {strides = array<i32>} : memref<16384xf32, #tpu.memory_space<vmem>>, vector<16xf32>,
        tpu.vector_store %arg19[%swap3A_445], %sub3A_444 {strides = array<i32>} : memref<16384xf32, #tpu.memory_space<vmem>>, vector<16xf32>,
        %min3A_447 = arith.minimumf %min3A_424, %sub3A_444 : vector<16xf32>
        %add3A_448 = arith.constant 13312 : i32
        %add3A_449 = arith.addi %add3A_448, %mul3A_148 : i32
        %get3A_450 = arith.index_cast %add3A_449 : i32 to index
        %get3A_451 = tpu.vector_load %arg11[%get3A_450] {strides = array<i32>} : memref<16384xf32, #tpu.memory_space<vmem>>, vector<16xf32>,
        %get3A_452 = arith.index_cast %add3A_449 : i32 to index
        %get3A_453 = tpu.vector_load %arg12[%get3A_452] {strides = array<i32>} : memref<16384xf32, #tpu.memory_space<vmem>>, vector<16xf32>,
        %get3A_454 = arith.index_cast %add3A_449 : i32 to index
        %get3A_455 = tpu.vector_load %arg13[%get3A_454] {strides = array<i32>} : memref<16384xf32, #tpu.memory_space<vmem>>, vector<16xf32>,
        %get3A_456 = arith.index_cast %add3A_449 : i32 to index
        %get3A_457 = tpu.vector_load %arg14[%get3A_456] {strides = array<i32>} : memref<16384xf32, #tpu.memory_space<vmem>>, vector<16xf32>,
        %add3A_458 = arith.addf %gather3A_47, %get3A_457 : vector<16xf32>
        %mul3A_459 = arith.mulf %gather3A, %get3A_451 : vector<16xf32>
        %mul3A_460 = arith.mulf %gather3A_45, %get3A_453 : vector<16xf32>
        %add3A_461 = arith.addf %mul3A_459, %mul3A_460 : vector<16xf32>
        %mul3A_462 = arith.mulf %gather3A_46, %get3A_455 : vector<16xf32>
        %add3A_463 = arith.addf %add3A_461, %mul3A_462 : vector<16xf32>
        %mul3A_464 = arith.constant 2.000000e+00 : f32
        %mul3A_465 = vector.broadcast %mul3A_464 : f32 to vector<16xf32>
        %mul3A_466 = arith.mulf %mul3A_465, %add3A_463 : vector<16xf32>
        %sub3A_467 = arith.subf %add3A_458, %mul3A_466 : vector<16xf32>
        %swap3A_468 = arith.index_cast %add3A_449 : i32 to index
        %swap3A_469 = tpu.vector_load %arg19[%swap3A_468] {strides = array<i32>} : memref<16384xf32, #tpu.memory_space<vmem>>, vector<16xf32>,
        tpu.vector_store %arg19[%swap3A_468], %sub3A_467 {strides = array<i32>} : memref<16384xf32, #tpu.memory_space<vmem>>, vector<16xf32>,
        %min3A_470 = arith.minimumf %min3A_447, %sub3A_467 : vector<16xf32>
        %add3A_471 = arith.constant 14336 : i32
        %add3A_472 = arith.addi %add3A_471, %mul3A_148 : i32
        %get3A_473 = arith.index_cast %add3A_472 : i32 to index
        %get3A_474 = tpu.vector_load %arg11[%get3A_473] {strides = array<i32>} : memref<16384xf32, #tpu.memory_space<vmem>>, vector<16xf32>,
        %get3A_475 = arith.index_cast %add3A_472 : i32 to index
        %get3A_476 = tpu.vector_load %arg12[%get3A_475] {strides = array<i32>} : memref<16384xf32, #tpu.memory_space<vmem>>, vector<16xf32>,
        %get3A_477 = arith.index_cast %add3A_472 : i32 to index
        %get3A_478 = tpu.vector_load %arg13[%get3A_477] {strides = array<i32>} : memref<16384xf32, #tpu.memory_space<vmem>>, vector<16xf32>,
        %get3A_479 = arith.index_cast %add3A_472 : i32 to index
        %get3A_480 = tpu.vector_load %arg14[%get3A_479] {strides = array<i32>} : memref<16384xf32, #tpu.memory_space<vmem>>, vector<16xf32>,
        %add3A_481 = arith.addf %gather3A_47, %get3A_480 : vector<16xf32>
        %mul3A_482 = arith.mulf %gather3A, %get3A_474 : vector<16xf32>
        %mul3A_483 = arith.mulf %gather3A_45, %get3A_476 : vector<16xf32>
        %add3A_484 = arith.addf %mul3A_482, %mul3A_483 : vector<16xf32>
        %mul3A_485 = arith.mulf %gather3A_46, %get3A_478 : vector<16xf32>
        %add3A_486 = arith.addf %add3A_484, %mul3A_485 : vector<16xf32>
        %mul3A_487 = arith.constant 2.000000e+00 : f32
        %mul3A_488 = vector.broadcast %mul3A_487 : f32 to vector<16xf32>
        %mul3A_489 = arith.mulf %mul3A_488, %add3A_486 : vector<16xf32>
        %sub3A_490 = arith.subf %add3A_481, %mul3A_489 : vector<16xf32>
        %swap3A_491 = arith.index_cast %add3A_472 : i32 to index
        %swap3A_492 = tpu.vector_load %arg19[%swap3A_491] {strides = array<i32>} : memref<16384xf32, #tpu.memory_space<vmem>>, vector<16xf32>,
        tpu.vector_store %arg19[%swap3A_491], %sub3A_490 {strides = array<i32>} : memref<16384xf32, #tpu.memory_space<vmem>>, vector<16xf32>,
        %min3A_493 = arith.minimumf %min3A_470, %sub3A_490 : vector<16xf32>
        %add3A_494 = arith.constant 15360 : i32
        %add3A_495 = arith.addi %add3A_494, %mul3A_148 : i32
        %get3A_496 = arith.index_cast %add3A_495 : i32 to index
        %get3A_497 = tpu.vector_load %arg11[%get3A_496] {strides = array<i32>} : memref<16384xf32, #tpu.memory_space<vmem>>, vector<16xf32>,
        %get3A_498 = arith.index_cast %add3A_495 : i32 to index
        %get3A_499 = tpu.vector_load %arg12[%get3A_498] {strides = array<i32>} : memref<16384xf32, #tpu.memory_space<vmem>>, vector<16xf32>,
        %get3A_500 = arith.index_cast %add3A_495 : i32 to index
        %get3A_501 = tpu.vector_load %arg13[%get3A_500] {strides = array<i32>} : memref<16384xf32, #tpu.memory_space<vmem>>, vector<16xf32>,
        %get3A_502 = arith.index_cast %add3A_495 : i32 to index
        %get3A_503 = tpu.vector_load %arg14[%get3A_502] {strides = array<i32>} : memref<16384xf32, #tpu.memory_space<vmem>>, vector<16xf32>,
        %add3A_504 = arith.addf %gather3A_47, %get3A_503 : vector<16xf32>
        %mul3A_505 = arith.mulf %gather3A, %get3A_497 : vector<16xf32>
        %mul3A_506 = arith.mulf %gather3A_45, %get3A_499 : vector<16xf32>
        %add3A_507 = arith.addf %mul3A_505, %mul3A_506 : vector<16xf32>
        %mul3A_508 = arith.mulf %gather3A_46, %get3A_501 : vector<16xf32>
        %add3A_509 = arith.addf %add3A_507, %mul3A_508 : vector<16xf32>
        %mul3A_510 = arith.constant 2.000000e+00 : f32
        %mul3A_511 = vector.broadcast %mul3A_510 : f32 to vector<16xf32>
        %mul3A_512 = arith.mulf %mul3A_511, %add3A_509 : vector<16xf32>
        %sub3A_513 = arith.subf %add3A_504, %mul3A_512 : vector<16xf32>
        %swap3A_514 = arith.index_cast %add3A_495 : i32 to index
        %swap3A_515 = tpu.vector_load %arg19[%swap3A_514] {strides = array<i32>} : memref<16384xf32, #tpu.memory_space<vmem>>, vector<16xf32>,
        tpu.vector_store %arg19[%swap3A_514], %sub3A_513 {strides = array<i32>} : memref<16384xf32, #tpu.memory_space<vmem>>, vector<16xf32>,
        %min3A_516 = arith.minimumf %min3A_493, %sub3A_513 : vector<16xf32>
        %swap3A_517 = arith.index_cast %mul3A_148 : i32 to index
        %swap3A_518 = tpu.vector_load %arg20[%swap3A_517] {strides = array<i32>} : memref<1024xf32, #tpu.memory_space<vmem>>, vector<16xf32>,
        tpu.vector_store %arg20[%swap3A_517], %min3A_516 {strides = array<i32>} : memref<1024xf32, #tpu.memory_space<vmem>>, vector<16xf32>,
        %min3A_519 = arith.minimumf %scan3A_142, %min3A_516 : vector<16xf32>
        scf.yield %min3A_519 : vector<16xf32>
      }
      %scan3A_84 = arith.constant 16 : i32
      %swap3A_85 = arith.constant 48 : index
      %swap3A_86 = tpu.vector_load %arg21[%swap3A_85] {strides = array<i32>} : memref<64xf32, #tpu.memory_space<vmem>>, vector<16xf32>,
      tpu.vector_store %arg21[%swap3A_85], %scan3A_83 {strides = array<i32>} : memref<64xf32, #tpu.memory_space<vmem>>, vector<16xf32>,
      %mul3A_87 = arith.constant 50 : i32
      %mul3A_88 = arith.muli %scan3A_43, %mul3A_87 : i32
      %broadcast_in_dim3A_89 = arith.constant 0 : i32
      %broadcast_in_dim3A_90 = vector.broadcast %broadcast_in_dim3A_89 : i32 to vector<16xi32>
      %scan3A_91 = arith.constant 0 : i32
      %scan3A_92 = arith.constant 16 : i32
      %scan3A_93 = arith.addi %scan3A_91, %scan3A_92 : i32
      %scan3A_94 = arith.constant 1 : i32
      %scan3A_95 = scf.for %scan3A_141 = %scan3A_91 to %scan3A_93 step %scan3A_94 iter_args(%scan3A_142 = %broadcast_in_dim3A_90) -> (vector<16xi32>)  : i32 {
        %broadcast_in_dim3A_143 = arith.constant 3.000000e+38 : f32
        %broadcast_in_dim3A_144 = vector.broadcast %broadcast_in_dim3A_143 : f32 to vector<16xf32>
        %broadcast_in_dim3A_145 = arith.constant 0 : i32
        %broadcast_in_dim3A_146 = vector.broadcast %broadcast_in_dim3A_145 : i32 to vector<16xi32>
        %get3A = arith.constant 0 : index
        %get3A_147 = tpu.vector_load %arg21[%get3A] {strides = array<i32>} : memref<64xf32, #tpu.memory_space<vmem>>, vector<16xf32>,
        %lt3A_148 = arith.cmpf olt, %get3A_147, %broadcast_in_dim3A_144 : vector<16xf32>
        %select_n3A_149 = arith.select %lt3A_148, %get3A_147, %broadcast_in_dim3A_144 : vector<16xi1>, vector<16xf32>
        %broadcast_in_dim3A_150 = arith.constant 0 : i32
        %broadcast_in_dim3A_151 = vector.broadcast %broadcast_in_dim3A_150 : i32 to vector<16xi32>
        %select_n3A_152 = arith.select %lt3A_148, %broadcast_in_dim3A_151, %broadcast_in_dim3A_146 : vector<16xi1>, vector<16xi32>
        %get3A_153 = arith.constant 16 : index
        %get3A_154 = tpu.vector_load %arg21[%get3A_153] {strides = array<i32>} : memref<64xf32, #tpu.memory_space<vmem>>, vector<16xf32>,
        %lt3A_155 = arith.cmpf olt, %get3A_154, %select_n3A_149 : vector<16xf32>
        %select_n3A_156 = arith.select %lt3A_155, %get3A_154, %select_n3A_149 : vector<16xi1>, vector<16xf32>
        %broadcast_in_dim3A_157 = arith.constant 1 : i32
        %broadcast_in_dim3A_158 = vector.broadcast %broadcast_in_dim3A_157 : i32 to vector<16xi32>
        %select_n3A_159 = arith.select %lt3A_155, %broadcast_in_dim3A_158, %select_n3A_152 : vector<16xi1>, vector<16xi32>
        %get3A_160 = arith.constant 32 : index
        %get3A_161 = tpu.vector_load %arg21[%get3A_160] {strides = array<i32>} : memref<64xf32, #tpu.memory_space<vmem>>, vector<16xf32>,
        %lt3A_162 = arith.cmpf olt, %get3A_161, %select_n3A_156 : vector<16xf32>
        %select_n3A_163 = arith.select %lt3A_162, %get3A_161, %select_n3A_156 : vector<16xi1>, vector<16xf32>
        %broadcast_in_dim3A_164 = arith.constant 2 : i32
        %broadcast_in_dim3A_165 = vector.broadcast %broadcast_in_dim3A_164 : i32 to vector<16xi32>
        %select_n3A_166 = arith.select %lt3A_162, %broadcast_in_dim3A_165, %select_n3A_159 : vector<16xi1>, vector<16xi32>
        %get3A_167 = arith.constant 48 : index
        %get3A_168 = tpu.vector_load %arg21[%get3A_167] {strides = array<i32>} : memref<64xf32, #tpu.memory_space<vmem>>, vector<16xf32>,
        %lt3A_169 = arith.cmpf olt, %get3A_168, %select_n3A_163 : vector<16xf32>
        %select_n3A_170 = arith.select %lt3A_169, %get3A_168, %select_n3A_163 : vector<16xi1>, vector<16xf32>
        %broadcast_in_dim3A_171 = arith.constant 3 : i32
        %broadcast_in_dim3A_172 = vector.broadcast %broadcast_in_dim3A_171 : i32 to vector<16xi32>
        %select_n3A_173 = arith.select %lt3A_169, %broadcast_in_dim3A_172, %select_n3A_166 : vector<16xi1>, vector<16xi32>
        %reduce_min3A = arith.constant true
        %reduce_min3A_174 = vector.broadcast %reduce_min3A : i1 to vector<16xi1>
        %reduce_min3A_175 = tpu.scan <min>, %select_n3A_170 masked %reduce_min3A_174 : vector<16xf32>, vector<16xi1> -> vector<16xf32>
        %reduce_min3A_176 = vector.extract %reduce_min3A_175[15] : f32 from vector<16xf32>
        %eq3A_177 = vector.broadcast %reduce_min3A_176 : f32 to vector<16xf32>
        %eq3A_178 = arith.cmpf oeq, %select_n3A_170, %eq3A_177 : vector<16xf32>
        %mul3A_179 = arith.constant 16 : i32
        %mul3A_180 = vector.broadcast %mul3A_179 : i32 to vector<16xi32>
        %mul3A_181 = arith.muli %select_n3A_173, %mul3A_180 : vector<16xi32>
        %add3A_182 = arith.addi %mul3A_181, %iota3A : vector<16xi32>
        %broadcast_in_dim3A_183 = arith.constant 1024 : i32
        %broadcast_in_dim3A_184 = vector.broadcast %broadcast_in_dim3A_183 : i32 to vector<16xi32>
        %select_n3A_185 = arith.select %eq3A_178, %add3A_182, %broadcast_in_dim3A_184 : vector<16xi1>, vector<16xi32>
        %reduce_min3A_186 = arith.constant true
        %reduce_min3A_187 = vector.broadcast %reduce_min3A_186 : i1 to vector<16xi1>
        %reduce_min3A_188 = arith.constant -2147483648 : i32
        %reduce_min3A_189 = vector.broadcast %reduce_min3A_188 : i32 to vector<16xi32>
        %reduce_min3A_190 = arith.xori %select_n3A_185, %reduce_min3A_189 : vector<16xi32>
        %reduce_min3A_191 = tpu.scan <min>, %reduce_min3A_190 masked %reduce_min3A_187 : vector<16xi32>, vector<16xi1> -> vector<16xi32>
        %reduce_min3A_192 = arith.xori %reduce_min3A_191, %reduce_min3A_189 : vector<16xi32>
        %reduce_min3A_193 = vector.extract %reduce_min3A_192[15] : i32 from vector<16xi32>
        %mul3A_194 = arith.constant 64 : i32
        %mul3A_195 = vector.broadcast %mul3A_194 : i32 to vector<16xi32>
        %mul3A_196 = arith.muli %iota3A, %mul3A_195 : vector<16xi32>
        %add3A_197 = vector.broadcast %reduce_min3A_193 : i32 to vector<16xi32>
        %add3A_198 = arith.addi %mul3A_196, %add3A_197 : vector<16xi32>
        %gather3A_199 = tpu.vector_load_idx %arg20[%add3A_198] : memref<1024xf32, #tpu.memory_space<vmem>>[vector<16xi32>], vector<16xf32>,
        %eq3A_200 = vector.broadcast %reduce_min3A_176 : f32 to vector<16xf32>
        %eq3A_201 = arith.cmpf oeq, %gather3A_199, %eq3A_200 : vector<16xf32>
        %all_reduce_ffs3A = tpu.all_reduce %eq3A_201 {dim = 0 : i64, kind = #tpu.reduction_kind<find_first_set>} : vector<16xi1> -> vector<16xi32>
        %mul3A_202 = arith.constant 64 : i32
        %mul3A_203 = vector.broadcast %mul3A_202 : i32 to vector<16xi32>
        %mul3A_204 = arith.muli %all_reduce_ffs3A, %mul3A_203 : vector<16xi32>
        %add3A_205 = vector.broadcast %reduce_min3A_193 : i32 to vector<16xi32>
        %add3A_206 = arith.addi %mul3A_204, %add3A_205 : vector<16xi32>
        %mul3A_207 = arith.constant 1024 : i32
        %mul3A_208 = vector.broadcast %mul3A_207 : i32 to vector<16xi32>
        %mul3A_209 = arith.muli %iota3A, %mul3A_208 : vector<16xi32>
        %add3A_210 = arith.addi %mul3A_209, %add3A_206 : vector<16xi32>
        %gather3A_211 = tpu.vector_load_idx %arg19[%add3A_210] : memref<16384xf32, #tpu.memory_space<vmem>>[vector<16xi32>], vector<16xf32>,
        %eq3A_212 = vector.broadcast %reduce_min3A_176 : f32 to vector<16xf32>
        %eq3A_213 = arith.cmpf oeq, %gather3A_211, %eq3A_212 : vector<16xf32>
        %all_reduce_ffs3A_214 = tpu.all_reduce %eq3A_213 {dim = 0 : i64, kind = #tpu.reduction_kind<find_first_set>} : vector<16xi1> -> vector<16xi32>
        %mul3A_215 = arith.constant 1024 : i32
        %mul3A_216 = vector.broadcast %mul3A_215 : i32 to vector<16xi32>
        %mul3A_217 = arith.muli %all_reduce_ffs3A_214, %mul3A_216 : vector<16xi32>
        %add3A_218 = arith.addi %mul3A_217, %add3A_206 : vector<16xi32>
        %mul3A_219 = arith.constant 256 : i32
        %mul3A_220 = arith.muli %reduce_min3A_193, %mul3A_219 : i32
        %mul3A_221 = arith.constant 16 : i32
        %mul3A_222 = vector.broadcast %mul3A_221 : i32 to vector<16xi32>
        %mul3A_223 = arith.muli %all_reduce_ffs3A, %mul3A_222 : vector<16xi32>
        %add3A_224 = vector.broadcast %mul3A_220 : i32 to vector<16xi32>
        %add3A_225 = arith.addi %add3A_224, %mul3A_223 : vector<16xi32>
        %add3A_226 = arith.addi %add3A_225, %all_reduce_ffs3A_214 : vector<16xi32>
        %eq3A_227 = vector.broadcast %scan3A_141 : i32 to vector<16xi32>
        %eq3A_228 = arith.cmpi eq, %iota3A, %eq3A_227 : vector<16xi32>
        %add3A_229 = vector.broadcast %mul3A_34 : i32 to vector<16xi32>
        %add3A_230 = arith.addi %add3A_226, %add3A_229 : vector<16xi32>
        %select_n3A_231 = arith.select %eq3A_228, %add3A_230, %scan3A_142 : vector<16xi1>, vector<16xi32>
        %eq3A_232 = arith.constant 0 : i32
        %eq3A_233 = vector.broadcast %eq3A_232 : i32 to vector<16xi32>
        %eq3A_234 = arith.cmpi eq, %iota3A, %eq3A_233 : vector<16xi32>
        %broadcast_in_dim3A_235 = arith.constant 3.000000e+38 : f32
        %broadcast_in_dim3A_236 = vector.broadcast %broadcast_in_dim3A_235 : f32 to vector<16xf32>
        tpu.vector_store_idx %arg19[%add3A_218], %broadcast_in_dim3A_236 masked %eq3A_234 : memref<16384xf32, #tpu.memory_space<vmem>>[vector<16xi32>], vector<16xf32>, vector<16xi1>
        %eq3A_237 = arith.cmpi eq, %iota3A, %all_reduce_ffs3A_214 : vector<16xi32>
        %jit3A_238 = arith.constant 3.000000e+38 : f32
        %broadcast_in_dim3A_239 = vector.broadcast %jit3A_238 : f32 to vector<16xf32>
        %select_n3A_240 = arith.select %eq3A_237, %broadcast_in_dim3A_239, %gather3A_211 : vector<16xi1>, vector<16xf32>
        %reduce_min3A_241 = arith.constant true
        %reduce_min3A_242 = vector.broadcast %reduce_min3A_241 : i1 to vector<16xi1>
        %reduce_min3A_243 = tpu.scan <min>, %select_n3A_240 masked %reduce_min3A_242 : vector<16xf32>, vector<16xi1> -> vector<16xf32>
        %reduce_min3A_244 = vector.extract %reduce_min3A_243[15] : f32 from vector<16xf32>
        %broadcast_in_dim3A_245 = vector.broadcast %reduce_min3A_244 : f32 to vector<16xf32>
        tpu.vector_store_idx %arg20[%add3A_206], %broadcast_in_dim3A_245 masked %eq3A_234 : memref<1024xf32, #tpu.memory_space<vmem>>[vector<16xi32>], vector<16xf32>, vector<16xi1>
        %eq3A_246 = arith.cmpi eq, %iota3A, %all_reduce_ffs3A : vector<16xi32>
        %broadcast_in_dim3A_247 = vector.broadcast %reduce_min3A_244 : f32 to vector<16xf32>
        %select_n3A_248 = arith.select %eq3A_246, %broadcast_in_dim3A_247, %gather3A_199 : vector<16xi1>, vector<16xf32>
        %reduce_min3A_249 = arith.constant true
        %reduce_min3A_250 = vector.broadcast %reduce_min3A_249 : i1 to vector<16xi1>
        %reduce_min3A_251 = tpu.scan <min>, %select_n3A_248 masked %reduce_min3A_250 : vector<16xf32>, vector<16xi1> -> vector<16xf32>
        %reduce_min3A_252 = vector.extract %reduce_min3A_251[15] : f32 from vector<16xf32>
        %broadcast_in_dim3A_253 = vector.broadcast %reduce_min3A_193 : i32 to vector<16xi32>
        %broadcast_in_dim3A_254 = vector.broadcast %reduce_min3A_252 : f32 to vector<16xf32>
        tpu.vector_store_idx %arg21[%broadcast_in_dim3A_253], %broadcast_in_dim3A_254 masked %eq3A_234 : memref<64xf32, #tpu.memory_space<vmem>>[vector<16xi32>], vector<16xf32>, vector<16xi1>
        scf.yield %select_n3A_231 : vector<16xi32>
      }
      %scan3A_96 = arith.constant 16 : i32
      %add3A_97 = arith.constant 0 : i32
      %add3A_98 = arith.addi %mul3A_88, %add3A_97 : i32
      %swap3A_99 = arith.index_cast %add3A_98 : i32 to index
      %swap3A_100 = tpu.vector_load %arg22[%swap3A_99] {strides = array<i32>} : memref<3216xi32, #tpu.memory_space<vmem>>, vector<16xi32>,
      tpu.vector_store %arg22[%swap3A_99], %scan3A_95 {strides = array<i32>} : memref<3216xi32, #tpu.memory_space<vmem>>, vector<16xi32>,
      %broadcast_in_dim3A_101 = arith.constant 0 : i32
      %broadcast_in_dim3A_102 = vector.broadcast %broadcast_in_dim3A_101 : i32 to vector<16xi32>
      %scan3A_103 = arith.constant 0 : i32
      %scan3A_104 = arith.constant 16 : i32
      %scan3A_105 = arith.addi %scan3A_103, %scan3A_104 : i32
      %scan3A_106 = arith.constant 1 : i32
      %scan3A_107 = scf.for %scan3A_141 = %scan3A_103 to %scan3A_105 step %scan3A_106 iter_args(%scan3A_142 = %broadcast_in_dim3A_102) -> (vector<16xi32>)  : i32 {
        %broadcast_in_dim3A_143 = arith.constant 3.000000e+38 : f32
        %broadcast_in_dim3A_144 = vector.broadcast %broadcast_in_dim3A_143 : f32 to vector<16xf32>
        %broadcast_in_dim3A_145 = arith.constant 0 : i32
        %broadcast_in_dim3A_146 = vector.broadcast %broadcast_in_dim3A_145 : i32 to vector<16xi32>
        %get3A = arith.constant 0 : index
        %get3A_147 = tpu.vector_load %arg21[%get3A] {strides = array<i32>} : memref<64xf32, #tpu.memory_space<vmem>>, vector<16xf32>,
        %lt3A_148 = arith.cmpf olt, %get3A_147, %broadcast_in_dim3A_144 : vector<16xf32>
        %select_n3A_149 = arith.select %lt3A_148, %get3A_147, %broadcast_in_dim3A_144 : vector<16xi1>, vector<16xf32>
        %broadcast_in_dim3A_150 = arith.constant 0 : i32
        %broadcast_in_dim3A_151 = vector.broadcast %broadcast_in_dim3A_150 : i32 to vector<16xi32>
        %select_n3A_152 = arith.select %lt3A_148, %broadcast_in_dim3A_151, %broadcast_in_dim3A_146 : vector<16xi1>, vector<16xi32>
        %get3A_153 = arith.constant 16 : index
        %get3A_154 = tpu.vector_load %arg21[%get3A_153] {strides = array<i32>} : memref<64xf32, #tpu.memory_space<vmem>>, vector<16xf32>,
        %lt3A_155 = arith.cmpf olt, %get3A_154, %select_n3A_149 : vector<16xf32>
        %select_n3A_156 = arith.select %lt3A_155, %get3A_154, %select_n3A_149 : vector<16xi1>, vector<16xf32>
        %broadcast_in_dim3A_157 = arith.constant 1 : i32
        %broadcast_in_dim3A_158 = vector.broadcast %broadcast_in_dim3A_157 : i32 to vector<16xi32>
        %select_n3A_159 = arith.select %lt3A_155, %broadcast_in_dim3A_158, %select_n3A_152 : vector<16xi1>, vector<16xi32>
        %get3A_160 = arith.constant 32 : index
        %get3A_161 = tpu.vector_load %arg21[%get3A_160] {strides = array<i32>} : memref<64xf32, #tpu.memory_space<vmem>>, vector<16xf32>,
        %lt3A_162 = arith.cmpf olt, %get3A_161, %select_n3A_156 : vector<16xf32>
        %select_n3A_163 = arith.select %lt3A_162, %get3A_161, %select_n3A_156 : vector<16xi1>, vector<16xf32>
        %broadcast_in_dim3A_164 = arith.constant 2 : i32
        %broadcast_in_dim3A_165 = vector.broadcast %broadcast_in_dim3A_164 : i32 to vector<16xi32>
        %select_n3A_166 = arith.select %lt3A_162, %broadcast_in_dim3A_165, %select_n3A_159 : vector<16xi1>, vector<16xi32>
        %get3A_167 = arith.constant 48 : index
        %get3A_168 = tpu.vector_load %arg21[%get3A_167] {strides = array<i32>} : memref<64xf32, #tpu.memory_space<vmem>>, vector<16xf32>,
        %lt3A_169 = arith.cmpf olt, %get3A_168, %select_n3A_163 : vector<16xf32>
        %select_n3A_170 = arith.select %lt3A_169, %get3A_168, %select_n3A_163 : vector<16xi1>, vector<16xf32>
        %broadcast_in_dim3A_171 = arith.constant 3 : i32
        %broadcast_in_dim3A_172 = vector.broadcast %broadcast_in_dim3A_171 : i32 to vector<16xi32>
        %select_n3A_173 = arith.select %lt3A_169, %broadcast_in_dim3A_172, %select_n3A_166 : vector<16xi1>, vector<16xi32>
        %reduce_min3A = arith.constant true
        %reduce_min3A_174 = vector.broadcast %reduce_min3A : i1 to vector<16xi1>
        %reduce_min3A_175 = tpu.scan <min>, %select_n3A_170 masked %reduce_min3A_174 : vector<16xf32>, vector<16xi1> -> vector<16xf32>
        %reduce_min3A_176 = vector.extract %reduce_min3A_175[15] : f32 from vector<16xf32>
        %eq3A_177 = vector.broadcast %reduce_min3A_176 : f32 to vector<16xf32>
        %eq3A_178 = arith.cmpf oeq, %select_n3A_170, %eq3A_177 : vector<16xf32>
        %mul3A_179 = arith.constant 16 : i32
        %mul3A_180 = vector.broadcast %mul3A_179 : i32 to vector<16xi32>
        %mul3A_181 = arith.muli %select_n3A_173, %mul3A_180 : vector<16xi32>
        %add3A_182 = arith.addi %mul3A_181, %iota3A : vector<16xi32>
        %broadcast_in_dim3A_183 = arith.constant 1024 : i32
        %broadcast_in_dim3A_184 = vector.broadcast %broadcast_in_dim3A_183 : i32 to vector<16xi32>
        %select_n3A_185 = arith.select %eq3A_178, %add3A_182, %broadcast_in_dim3A_184 : vector<16xi1>, vector<16xi32>
        %reduce_min3A_186 = arith.constant true
        %reduce_min3A_187 = vector.broadcast %reduce_min3A_186 : i1 to vector<16xi1>
        %reduce_min3A_188 = arith.constant -2147483648 : i32
        %reduce_min3A_189 = vector.broadcast %reduce_min3A_188 : i32 to vector<16xi32>
        %reduce_min3A_190 = arith.xori %select_n3A_185, %reduce_min3A_189 : vector<16xi32>
        %reduce_min3A_191 = tpu.scan <min>, %reduce_min3A_190 masked %reduce_min3A_187 : vector<16xi32>, vector<16xi1> -> vector<16xi32>
        %reduce_min3A_192 = arith.xori %reduce_min3A_191, %reduce_min3A_189 : vector<16xi32>
        %reduce_min3A_193 = vector.extract %reduce_min3A_192[15] : i32 from vector<16xi32>
        %mul3A_194 = arith.constant 64 : i32
        %mul3A_195 = vector.broadcast %mul3A_194 : i32 to vector<16xi32>
        %mul3A_196 = arith.muli %iota3A, %mul3A_195 : vector<16xi32>
        %add3A_197 = vector.broadcast %reduce_min3A_193 : i32 to vector<16xi32>
        %add3A_198 = arith.addi %mul3A_196, %add3A_197 : vector<16xi32>
        %gather3A_199 = tpu.vector_load_idx %arg20[%add3A_198] : memref<1024xf32, #tpu.memory_space<vmem>>[vector<16xi32>], vector<16xf32>,
        %eq3A_200 = vector.broadcast %reduce_min3A_176 : f32 to vector<16xf32>
        %eq3A_201 = arith.cmpf oeq, %gather3A_199, %eq3A_200 : vector<16xf32>
        %all_reduce_ffs3A = tpu.all_reduce %eq3A_201 {dim = 0 : i64, kind = #tpu.reduction_kind<find_first_set>} : vector<16xi1> -> vector<16xi32>
        %mul3A_202 = arith.constant 64 : i32
        %mul3A_203 = vector.broadcast %mul3A_202 : i32 to vector<16xi32>
        %mul3A_204 = arith.muli %all_reduce_ffs3A, %mul3A_203 : vector<16xi32>
        %add3A_205 = vector.broadcast %reduce_min3A_193 : i32 to vector<16xi32>
        %add3A_206 = arith.addi %mul3A_204, %add3A_205 : vector<16xi32>
        %mul3A_207 = arith.constant 1024 : i32
        %mul3A_208 = vector.broadcast %mul3A_207 : i32 to vector<16xi32>
        %mul3A_209 = arith.muli %iota3A, %mul3A_208 : vector<16xi32>
        %add3A_210 = arith.addi %mul3A_209, %add3A_206 : vector<16xi32>
        %gather3A_211 = tpu.vector_load_idx %arg19[%add3A_210] : memref<16384xf32, #tpu.memory_space<vmem>>[vector<16xi32>], vector<16xf32>,
        %eq3A_212 = vector.broadcast %reduce_min3A_176 : f32 to vector<16xf32>
        %eq3A_213 = arith.cmpf oeq, %gather3A_211, %eq3A_212 : vector<16xf32>
        %all_reduce_ffs3A_214 = tpu.all_reduce %eq3A_213 {dim = 0 : i64, kind = #tpu.reduction_kind<find_first_set>} : vector<16xi1> -> vector<16xi32>
        %mul3A_215 = arith.constant 1024 : i32
        %mul3A_216 = vector.broadcast %mul3A_215 : i32 to vector<16xi32>
        %mul3A_217 = arith.muli %all_reduce_ffs3A_214, %mul3A_216 : vector<16xi32>
        %add3A_218 = arith.addi %mul3A_217, %add3A_206 : vector<16xi32>
        %mul3A_219 = arith.constant 256 : i32
        %mul3A_220 = arith.muli %reduce_min3A_193, %mul3A_219 : i32
        %mul3A_221 = arith.constant 16 : i32
        %mul3A_222 = vector.broadcast %mul3A_221 : i32 to vector<16xi32>
        %mul3A_223 = arith.muli %all_reduce_ffs3A, %mul3A_222 : vector<16xi32>
        %add3A_224 = vector.broadcast %mul3A_220 : i32 to vector<16xi32>
        %add3A_225 = arith.addi %add3A_224, %mul3A_223 : vector<16xi32>
        %add3A_226 = arith.addi %add3A_225, %all_reduce_ffs3A_214 : vector<16xi32>
        %eq3A_227 = vector.broadcast %scan3A_141 : i32 to vector<16xi32>
        %eq3A_228 = arith.cmpi eq, %iota3A, %eq3A_227 : vector<16xi32>
        %add3A_229 = vector.broadcast %mul3A_34 : i32 to vector<16xi32>
        %add3A_230 = arith.addi %add3A_226, %add3A_229 : vector<16xi32>
        %select_n3A_231 = arith.select %eq3A_228, %add3A_230, %scan3A_142 : vector<16xi1>, vector<16xi32>
        %eq3A_232 = arith.constant 0 : i32
        %eq3A_233 = vector.broadcast %eq3A_232 : i32 to vector<16xi32>
        %eq3A_234 = arith.cmpi eq, %iota3A, %eq3A_233 : vector<16xi32>
        %broadcast_in_dim3A_235 = arith.constant 3.000000e+38 : f32
        %broadcast_in_dim3A_236 = vector.broadcast %broadcast_in_dim3A_235 : f32 to vector<16xf32>
        tpu.vector_store_idx %arg19[%add3A_218], %broadcast_in_dim3A_236 masked %eq3A_234 : memref<16384xf32, #tpu.memory_space<vmem>>[vector<16xi32>], vector<16xf32>, vector<16xi1>
        %eq3A_237 = arith.cmpi eq, %iota3A, %all_reduce_ffs3A_214 : vector<16xi32>
        %jit3A_238 = arith.constant 3.000000e+38 : f32
        %broadcast_in_dim3A_239 = vector.broadcast %jit3A_238 : f32 to vector<16xf32>
        %select_n3A_240 = arith.select %eq3A_237, %broadcast_in_dim3A_239, %gather3A_211 : vector<16xi1>, vector<16xf32>
        %reduce_min3A_241 = arith.constant true
        %reduce_min3A_242 = vector.broadcast %reduce_min3A_241 : i1 to vector<16xi1>
        %reduce_min3A_243 = tpu.scan <min>, %select_n3A_240 masked %reduce_min3A_242 : vector<16xf32>, vector<16xi1> -> vector<16xf32>
        %reduce_min3A_244 = vector.extract %reduce_min3A_243[15] : f32 from vector<16xf32>
        %broadcast_in_dim3A_245 = vector.broadcast %reduce_min3A_244 : f32 to vector<16xf32>
        tpu.vector_store_idx %arg20[%add3A_206], %broadcast_in_dim3A_245 masked %eq3A_234 : memref<1024xf32, #tpu.memory_space<vmem>>[vector<16xi32>], vector<16xf32>, vector<16xi1>
        %eq3A_246 = arith.cmpi eq, %iota3A, %all_reduce_ffs3A : vector<16xi32>
        %broadcast_in_dim3A_247 = vector.broadcast %reduce_min3A_244 : f32 to vector<16xf32>
        %select_n3A_248 = arith.select %eq3A_246, %broadcast_in_dim3A_247, %gather3A_199 : vector<16xi1>, vector<16xf32>
        %reduce_min3A_249 = arith.constant true
        %reduce_min3A_250 = vector.broadcast %reduce_min3A_249 : i1 to vector<16xi1>
        %reduce_min3A_251 = tpu.scan <min>, %select_n3A_248 masked %reduce_min3A_250 : vector<16xf32>, vector<16xi1> -> vector<16xf32>
        %reduce_min3A_252 = vector.extract %reduce_min3A_251[15] : f32 from vector<16xf32>
        %broadcast_in_dim3A_253 = vector.broadcast %reduce_min3A_193 : i32 to vector<16xi32>
        %broadcast_in_dim3A_254 = vector.broadcast %reduce_min3A_252 : f32 to vector<16xf32>
        tpu.vector_store_idx %arg21[%broadcast_in_dim3A_253], %broadcast_in_dim3A_254 masked %eq3A_234 : memref<64xf32, #tpu.memory_space<vmem>>[vector<16xi32>], vector<16xf32>, vector<16xi1>
        scf.yield %select_n3A_231 : vector<16xi32>
      }
      %scan3A_108 = arith.constant 16 : i32
      %add3A_109 = arith.constant 16 : i32
      %add3A_110 = arith.addi %mul3A_88, %add3A_109 : i32
      %swap3A_111 = arith.index_cast %add3A_110 : i32 to index
      %swap3A_112 = tpu.vector_load %arg22[%swap3A_111] {strides = array<i32>} : memref<3216xi32, #tpu.memory_space<vmem>>, vector<16xi32>,
      tpu.vector_store %arg22[%swap3A_111], %scan3A_107 {strides = array<i32>} : memref<3216xi32, #tpu.memory_space<vmem>>, vector<16xi32>,
      %broadcast_in_dim3A_113 = arith.constant 0 : i32
      %broadcast_in_dim3A_114 = vector.broadcast %broadcast_in_dim3A_113 : i32 to vector<16xi32>
      %scan3A_115 = arith.constant 0 : i32
      %scan3A_116 = arith.constant 16 : i32
      %scan3A_117 = arith.addi %scan3A_115, %scan3A_116 : i32
      %scan3A_118 = arith.constant 1 : i32
      %scan3A_119 = scf.for %scan3A_141 = %scan3A_115 to %scan3A_117 step %scan3A_118 iter_args(%scan3A_142 = %broadcast_in_dim3A_114) -> (vector<16xi32>)  : i32 {
        %broadcast_in_dim3A_143 = arith.constant 3.000000e+38 : f32
        %broadcast_in_dim3A_144 = vector.broadcast %broadcast_in_dim3A_143 : f32 to vector<16xf32>
        %broadcast_in_dim3A_145 = arith.constant 0 : i32
        %broadcast_in_dim3A_146 = vector.broadcast %broadcast_in_dim3A_145 : i32 to vector<16xi32>
        %get3A = arith.constant 0 : index
        %get3A_147 = tpu.vector_load %arg21[%get3A] {strides = array<i32>} : memref<64xf32, #tpu.memory_space<vmem>>, vector<16xf32>,
        %lt3A_148 = arith.cmpf olt, %get3A_147, %broadcast_in_dim3A_144 : vector<16xf32>
        %select_n3A_149 = arith.select %lt3A_148, %get3A_147, %broadcast_in_dim3A_144 : vector<16xi1>, vector<16xf32>
        %broadcast_in_dim3A_150 = arith.constant 0 : i32
        %broadcast_in_dim3A_151 = vector.broadcast %broadcast_in_dim3A_150 : i32 to vector<16xi32>
        %select_n3A_152 = arith.select %lt3A_148, %broadcast_in_dim3A_151, %broadcast_in_dim3A_146 : vector<16xi1>, vector<16xi32>
        %get3A_153 = arith.constant 16 : index
        %get3A_154 = tpu.vector_load %arg21[%get3A_153] {strides = array<i32>} : memref<64xf32, #tpu.memory_space<vmem>>, vector<16xf32>,
        %lt3A_155 = arith.cmpf olt, %get3A_154, %select_n3A_149 : vector<16xf32>
        %select_n3A_156 = arith.select %lt3A_155, %get3A_154, %select_n3A_149 : vector<16xi1>, vector<16xf32>
        %broadcast_in_dim3A_157 = arith.constant 1 : i32
        %broadcast_in_dim3A_158 = vector.broadcast %broadcast_in_dim3A_157 : i32 to vector<16xi32>
        %select_n3A_159 = arith.select %lt3A_155, %broadcast_in_dim3A_158, %select_n3A_152 : vector<16xi1>, vector<16xi32>
        %get3A_160 = arith.constant 32 : index
        %get3A_161 = tpu.vector_load %arg21[%get3A_160] {strides = array<i32>} : memref<64xf32, #tpu.memory_space<vmem>>, vector<16xf32>,
        %lt3A_162 = arith.cmpf olt, %get3A_161, %select_n3A_156 : vector<16xf32>
        %select_n3A_163 = arith.select %lt3A_162, %get3A_161, %select_n3A_156 : vector<16xi1>, vector<16xf32>
        %broadcast_in_dim3A_164 = arith.constant 2 : i32
        %broadcast_in_dim3A_165 = vector.broadcast %broadcast_in_dim3A_164 : i32 to vector<16xi32>
        %select_n3A_166 = arith.select %lt3A_162, %broadcast_in_dim3A_165, %select_n3A_159 : vector<16xi1>, vector<16xi32>
        %get3A_167 = arith.constant 48 : index
        %get3A_168 = tpu.vector_load %arg21[%get3A_167] {strides = array<i32>} : memref<64xf32, #tpu.memory_space<vmem>>, vector<16xf32>,
        %lt3A_169 = arith.cmpf olt, %get3A_168, %select_n3A_163 : vector<16xf32>
        %select_n3A_170 = arith.select %lt3A_169, %get3A_168, %select_n3A_163 : vector<16xi1>, vector<16xf32>
        %broadcast_in_dim3A_171 = arith.constant 3 : i32
        %broadcast_in_dim3A_172 = vector.broadcast %broadcast_in_dim3A_171 : i32 to vector<16xi32>
        %select_n3A_173 = arith.select %lt3A_169, %broadcast_in_dim3A_172, %select_n3A_166 : vector<16xi1>, vector<16xi32>
        %reduce_min3A = arith.constant true
        %reduce_min3A_174 = vector.broadcast %reduce_min3A : i1 to vector<16xi1>
        %reduce_min3A_175 = tpu.scan <min>, %select_n3A_170 masked %reduce_min3A_174 : vector<16xf32>, vector<16xi1> -> vector<16xf32>
        %reduce_min3A_176 = vector.extract %reduce_min3A_175[15] : f32 from vector<16xf32>
        %eq3A_177 = vector.broadcast %reduce_min3A_176 : f32 to vector<16xf32>
        %eq3A_178 = arith.cmpf oeq, %select_n3A_170, %eq3A_177 : vector<16xf32>
        %mul3A_179 = arith.constant 16 : i32
        %mul3A_180 = vector.broadcast %mul3A_179 : i32 to vector<16xi32>
        %mul3A_181 = arith.muli %select_n3A_173, %mul3A_180 : vector<16xi32>
        %add3A_182 = arith.addi %mul3A_181, %iota3A : vector<16xi32>
        %broadcast_in_dim3A_183 = arith.constant 1024 : i32
        %broadcast_in_dim3A_184 = vector.broadcast %broadcast_in_dim3A_183 : i32 to vector<16xi32>
        %select_n3A_185 = arith.select %eq3A_178, %add3A_182, %broadcast_in_dim3A_184 : vector<16xi1>, vector<16xi32>
        %reduce_min3A_186 = arith.constant true
        %reduce_min3A_187 = vector.broadcast %reduce_min3A_186 : i1 to vector<16xi1>
        %reduce_min3A_188 = arith.constant -2147483648 : i32
        %reduce_min3A_189 = vector.broadcast %reduce_min3A_188 : i32 to vector<16xi32>
        %reduce_min3A_190 = arith.xori %select_n3A_185, %reduce_min3A_189 : vector<16xi32>
        %reduce_min3A_191 = tpu.scan <min>, %reduce_min3A_190 masked %reduce_min3A_187 : vector<16xi32>, vector<16xi1> -> vector<16xi32>
        %reduce_min3A_192 = arith.xori %reduce_min3A_191, %reduce_min3A_189 : vector<16xi32>
        %reduce_min3A_193 = vector.extract %reduce_min3A_192[15] : i32 from vector<16xi32>
        %mul3A_194 = arith.constant 64 : i32
        %mul3A_195 = vector.broadcast %mul3A_194 : i32 to vector<16xi32>
        %mul3A_196 = arith.muli %iota3A, %mul3A_195 : vector<16xi32>
        %add3A_197 = vector.broadcast %reduce_min3A_193 : i32 to vector<16xi32>
        %add3A_198 = arith.addi %mul3A_196, %add3A_197 : vector<16xi32>
        %gather3A_199 = tpu.vector_load_idx %arg20[%add3A_198] : memref<1024xf32, #tpu.memory_space<vmem>>[vector<16xi32>], vector<16xf32>,
        %eq3A_200 = vector.broadcast %reduce_min3A_176 : f32 to vector<16xf32>
        %eq3A_201 = arith.cmpf oeq, %gather3A_199, %eq3A_200 : vector<16xf32>
        %all_reduce_ffs3A = tpu.all_reduce %eq3A_201 {dim = 0 : i64, kind = #tpu.reduction_kind<find_first_set>} : vector<16xi1> -> vector<16xi32>
        %mul3A_202 = arith.constant 64 : i32
        %mul3A_203 = vector.broadcast %mul3A_202 : i32 to vector<16xi32>
        %mul3A_204 = arith.muli %all_reduce_ffs3A, %mul3A_203 : vector<16xi32>
        %add3A_205 = vector.broadcast %reduce_min3A_193 : i32 to vector<16xi32>
        %add3A_206 = arith.addi %mul3A_204, %add3A_205 : vector<16xi32>
        %mul3A_207 = arith.constant 1024 : i32
        %mul3A_208 = vector.broadcast %mul3A_207 : i32 to vector<16xi32>
        %mul3A_209 = arith.muli %iota3A, %mul3A_208 : vector<16xi32>
        %add3A_210 = arith.addi %mul3A_209, %add3A_206 : vector<16xi32>
        %gather3A_211 = tpu.vector_load_idx %arg19[%add3A_210] : memref<16384xf32, #tpu.memory_space<vmem>>[vector<16xi32>], vector<16xf32>,
        %eq3A_212 = vector.broadcast %reduce_min3A_176 : f32 to vector<16xf32>
        %eq3A_213 = arith.cmpf oeq, %gather3A_211, %eq3A_212 : vector<16xf32>
        %all_reduce_ffs3A_214 = tpu.all_reduce %eq3A_213 {dim = 0 : i64, kind = #tpu.reduction_kind<find_first_set>} : vector<16xi1> -> vector<16xi32>
        %mul3A_215 = arith.constant 1024 : i32
        %mul3A_216 = vector.broadcast %mul3A_215 : i32 to vector<16xi32>
        %mul3A_217 = arith.muli %all_reduce_ffs3A_214, %mul3A_216 : vector<16xi32>
        %add3A_218 = arith.addi %mul3A_217, %add3A_206 : vector<16xi32>
        %mul3A_219 = arith.constant 256 : i32
        %mul3A_220 = arith.muli %reduce_min3A_193, %mul3A_219 : i32
        %mul3A_221 = arith.constant 16 : i32
        %mul3A_222 = vector.broadcast %mul3A_221 : i32 to vector<16xi32>
        %mul3A_223 = arith.muli %all_reduce_ffs3A, %mul3A_222 : vector<16xi32>
        %add3A_224 = vector.broadcast %mul3A_220 : i32 to vector<16xi32>
        %add3A_225 = arith.addi %add3A_224, %mul3A_223 : vector<16xi32>
        %add3A_226 = arith.addi %add3A_225, %all_reduce_ffs3A_214 : vector<16xi32>
        %eq3A_227 = vector.broadcast %scan3A_141 : i32 to vector<16xi32>
        %eq3A_228 = arith.cmpi eq, %iota3A, %eq3A_227 : vector<16xi32>
        %add3A_229 = vector.broadcast %mul3A_34 : i32 to vector<16xi32>
        %add3A_230 = arith.addi %add3A_226, %add3A_229 : vector<16xi32>
        %select_n3A_231 = arith.select %eq3A_228, %add3A_230, %scan3A_142 : vector<16xi1>, vector<16xi32>
        %eq3A_232 = arith.constant 0 : i32
        %eq3A_233 = vector.broadcast %eq3A_232 : i32 to vector<16xi32>
        %eq3A_234 = arith.cmpi eq, %iota3A, %eq3A_233 : vector<16xi32>
        %broadcast_in_dim3A_235 = arith.constant 3.000000e+38 : f32
        %broadcast_in_dim3A_236 = vector.broadcast %broadcast_in_dim3A_235 : f32 to vector<16xf32>
        tpu.vector_store_idx %arg19[%add3A_218], %broadcast_in_dim3A_236 masked %eq3A_234 : memref<16384xf32, #tpu.memory_space<vmem>>[vector<16xi32>], vector<16xf32>, vector<16xi1>
        %eq3A_237 = arith.cmpi eq, %iota3A, %all_reduce_ffs3A_214 : vector<16xi32>
        %jit3A_238 = arith.constant 3.000000e+38 : f32
        %broadcast_in_dim3A_239 = vector.broadcast %jit3A_238 : f32 to vector<16xf32>
        %select_n3A_240 = arith.select %eq3A_237, %broadcast_in_dim3A_239, %gather3A_211 : vector<16xi1>, vector<16xf32>
        %reduce_min3A_241 = arith.constant true
        %reduce_min3A_242 = vector.broadcast %reduce_min3A_241 : i1 to vector<16xi1>
        %reduce_min3A_243 = tpu.scan <min>, %select_n3A_240 masked %reduce_min3A_242 : vector<16xf32>, vector<16xi1> -> vector<16xf32>
        %reduce_min3A_244 = vector.extract %reduce_min3A_243[15] : f32 from vector<16xf32>
        %broadcast_in_dim3A_245 = vector.broadcast %reduce_min3A_244 : f32 to vector<16xf32>
        tpu.vector_store_idx %arg20[%add3A_206], %broadcast_in_dim3A_245 masked %eq3A_234 : memref<1024xf32, #tpu.memory_space<vmem>>[vector<16xi32>], vector<16xf32>, vector<16xi1>
        %eq3A_246 = arith.cmpi eq, %iota3A, %all_reduce_ffs3A : vector<16xi32>
        %broadcast_in_dim3A_247 = vector.broadcast %reduce_min3A_244 : f32 to vector<16xf32>
        %select_n3A_248 = arith.select %eq3A_246, %broadcast_in_dim3A_247, %gather3A_199 : vector<16xi1>, vector<16xf32>
        %reduce_min3A_249 = arith.constant true
        %reduce_min3A_250 = vector.broadcast %reduce_min3A_249 : i1 to vector<16xi1>
        %reduce_min3A_251 = tpu.scan <min>, %select_n3A_248 masked %reduce_min3A_250 : vector<16xf32>, vector<16xi1> -> vector<16xf32>
        %reduce_min3A_252 = vector.extract %reduce_min3A_251[15] : f32 from vector<16xf32>
        %broadcast_in_dim3A_253 = vector.broadcast %reduce_min3A_193 : i32 to vector<16xi32>
        %broadcast_in_dim3A_254 = vector.broadcast %reduce_min3A_252 : f32 to vector<16xf32>
        tpu.vector_store_idx %arg21[%broadcast_in_dim3A_253], %broadcast_in_dim3A_254 masked %eq3A_234 : memref<64xf32, #tpu.memory_space<vmem>>[vector<16xi32>], vector<16xf32>, vector<16xi1>
        scf.yield %select_n3A_231 : vector<16xi32>
      }
      %scan3A_120 = arith.constant 16 : i32
      %add3A_121 = arith.constant 32 : i32
      %add3A_122 = arith.addi %mul3A_88, %add3A_121 : i32
      %swap3A_123 = arith.index_cast %add3A_122 : i32 to index
      %swap3A_124 = tpu.vector_load %arg22[%swap3A_123] {strides = array<i32>} : memref<3216xi32, #tpu.memory_space<vmem>>, vector<16xi32>,
      tpu.vector_store %arg22[%swap3A_123], %scan3A_119 {strides = array<i32>} : memref<3216xi32, #tpu.memory_space<vmem>>, vector<16xi32>,
      %broadcast_in_dim3A_125 = arith.constant 0 : i32
      %broadcast_in_dim3A_126 = vector.broadcast %broadcast_in_dim3A_125 : i32 to vector<16xi32>
      %scan3A_127 = arith.constant 0 : i32
      %scan3A_128 = arith.constant 2 : i32
      %scan3A_129 = arith.addi %scan3A_127, %scan3A_128 : i32
      %scan3A_130 = arith.constant 1 : i32
      %scan3A_131 = scf.for %scan3A_141 = %scan3A_127 to %scan3A_129 step %scan3A_130 iter_args(%scan3A_142 = %broadcast_in_dim3A_126) -> (vector<16xi32>)  : i32 {
        %broadcast_in_dim3A_143 = arith.constant 3.000000e+38 : f32
        %broadcast_in_dim3A_144 = vector.broadcast %broadcast_in_dim3A_143 : f32 to vector<16xf32>
        %broadcast_in_dim3A_145 = arith.constant 0 : i32
        %broadcast_in_dim3A_146 = vector.broadcast %broadcast_in_dim3A_145 : i32 to vector<16xi32>
        %get3A = arith.constant 0 : index
        %get3A_147 = tpu.vector_load %arg21[%get3A] {strides = array<i32>} : memref<64xf32, #tpu.memory_space<vmem>>, vector<16xf32>,
        %lt3A_148 = arith.cmpf olt, %get3A_147, %broadcast_in_dim3A_144 : vector<16xf32>
        %select_n3A_149 = arith.select %lt3A_148, %get3A_147, %broadcast_in_dim3A_144 : vector<16xi1>, vector<16xf32>
        %broadcast_in_dim3A_150 = arith.constant 0 : i32
        %broadcast_in_dim3A_151 = vector.broadcast %broadcast_in_dim3A_150 : i32 to vector<16xi32>
        %select_n3A_152 = arith.select %lt3A_148, %broadcast_in_dim3A_151, %broadcast_in_dim3A_146 : vector<16xi1>, vector<16xi32>
        %get3A_153 = arith.constant 16 : index
        %get3A_154 = tpu.vector_load %arg21[%get3A_153] {strides = array<i32>} : memref<64xf32, #tpu.memory_space<vmem>>, vector<16xf32>,
        %lt3A_155 = arith.cmpf olt, %get3A_154, %select_n3A_149 : vector<16xf32>
        %select_n3A_156 = arith.select %lt3A_155, %get3A_154, %select_n3A_149 : vector<16xi1>, vector<16xf32>
        %broadcast_in_dim3A_157 = arith.constant 1 : i32
        %broadcast_in_dim3A_158 = vector.broadcast %broadcast_in_dim3A_157 : i32 to vector<16xi32>
        %select_n3A_159 = arith.select %lt3A_155, %broadcast_in_dim3A_158, %select_n3A_152 : vector<16xi1>, vector<16xi32>
        %get3A_160 = arith.constant 32 : index
        %get3A_161 = tpu.vector_load %arg21[%get3A_160] {strides = array<i32>} : memref<64xf32, #tpu.memory_space<vmem>>, vector<16xf32>,
        %lt3A_162 = arith.cmpf olt, %get3A_161, %select_n3A_156 : vector<16xf32>
        %select_n3A_163 = arith.select %lt3A_162, %get3A_161, %select_n3A_156 : vector<16xi1>, vector<16xf32>
        %broadcast_in_dim3A_164 = arith.constant 2 : i32
        %broadcast_in_dim3A_165 = vector.broadcast %broadcast_in_dim3A_164 : i32 to vector<16xi32>
        %select_n3A_166 = arith.select %lt3A_162, %broadcast_in_dim3A_165, %select_n3A_159 : vector<16xi1>, vector<16xi32>
        %get3A_167 = arith.constant 48 : index
        %get3A_168 = tpu.vector_load %arg21[%get3A_167] {strides = array<i32>} : memref<64xf32, #tpu.memory_space<vmem>>, vector<16xf32>,
        %lt3A_169 = arith.cmpf olt, %get3A_168, %select_n3A_163 : vector<16xf32>
        %select_n3A_170 = arith.select %lt3A_169, %get3A_168, %select_n3A_163 : vector<16xi1>, vector<16xf32>
        %broadcast_in_dim3A_171 = arith.constant 3 : i32
        %broadcast_in_dim3A_172 = vector.broadcast %broadcast_in_dim3A_171 : i32 to vector<16xi32>
        %select_n3A_173 = arith.select %lt3A_169, %broadcast_in_dim3A_172, %select_n3A_166 : vector<16xi1>, vector<16xi32>
        %reduce_min3A = arith.constant true
        %reduce_min3A_174 = vector.broadcast %reduce_min3A : i1 to vector<16xi1>
        %reduce_min3A_175 = tpu.scan <min>, %select_n3A_170 masked %reduce_min3A_174 : vector<16xf32>, vector<16xi1> -> vector<16xf32>
        %reduce_min3A_176 = vector.extract %reduce_min3A_175[15] : f32 from vector<16xf32>
        %eq3A_177 = vector.broadcast %reduce_min3A_176 : f32 to vector<16xf32>
        %eq3A_178 = arith.cmpf oeq, %select_n3A_170, %eq3A_177 : vector<16xf32>
        %mul3A_179 = arith.constant 16 : i32
        %mul3A_180 = vector.broadcast %mul3A_179 : i32 to vector<16xi32>
        %mul3A_181 = arith.muli %select_n3A_173, %mul3A_180 : vector<16xi32>
        %add3A_182 = arith.addi %mul3A_181, %iota3A : vector<16xi32>
        %broadcast_in_dim3A_183 = arith.constant 1024 : i32
        %broadcast_in_dim3A_184 = vector.broadcast %broadcast_in_dim3A_183 : i32 to vector<16xi32>
        %select_n3A_185 = arith.select %eq3A_178, %add3A_182, %broadcast_in_dim3A_184 : vector<16xi1>, vector<16xi32>
        %reduce_min3A_186 = arith.constant true
        %reduce_min3A_187 = vector.broadcast %reduce_min3A_186 : i1 to vector<16xi1>
        %reduce_min3A_188 = arith.constant -2147483648 : i32
        %reduce_min3A_189 = vector.broadcast %reduce_min3A_188 : i32 to vector<16xi32>
        %reduce_min3A_190 = arith.xori %select_n3A_185, %reduce_min3A_189 : vector<16xi32>
        %reduce_min3A_191 = tpu.scan <min>, %reduce_min3A_190 masked %reduce_min3A_187 : vector<16xi32>, vector<16xi1> -> vector<16xi32>
        %reduce_min3A_192 = arith.xori %reduce_min3A_191, %reduce_min3A_189 : vector<16xi32>
        %reduce_min3A_193 = vector.extract %reduce_min3A_192[15] : i32 from vector<16xi32>
        %mul3A_194 = arith.constant 64 : i32
        %mul3A_195 = vector.broadcast %mul3A_194 : i32 to vector<16xi32>
        %mul3A_196 = arith.muli %iota3A, %mul3A_195 : vector<16xi32>
        %add3A_197 = vector.broadcast %reduce_min3A_193 : i32 to vector<16xi32>
        %add3A_198 = arith.addi %mul3A_196, %add3A_197 : vector<16xi32>
        %gather3A_199 = tpu.vector_load_idx %arg20[%add3A_198] : memref<1024xf32, #tpu.memory_space<vmem>>[vector<16xi32>], vector<16xf32>,
        %eq3A_200 = vector.broadcast %reduce_min3A_176 : f32 to vector<16xf32>
        %eq3A_201 = arith.cmpf oeq, %gather3A_199, %eq3A_200 : vector<16xf32>
        %all_reduce_ffs3A = tpu.all_reduce %eq3A_201 {dim = 0 : i64, kind = #tpu.reduction_kind<find_first_set>} : vector<16xi1> -> vector<16xi32>
        %mul3A_202 = arith.constant 64 : i32
        %mul3A_203 = vector.broadcast %mul3A_202 : i32 to vector<16xi32>
        %mul3A_204 = arith.muli %all_reduce_ffs3A, %mul3A_203 : vector<16xi32>
        %add3A_205 = vector.broadcast %reduce_min3A_193 : i32 to vector<16xi32>
        %add3A_206 = arith.addi %mul3A_204, %add3A_205 : vector<16xi32>
        %mul3A_207 = arith.constant 1024 : i32
        %mul3A_208 = vector.broadcast %mul3A_207 : i32 to vector<16xi32>
        %mul3A_209 = arith.muli %iota3A, %mul3A_208 : vector<16xi32>
        %add3A_210 = arith.addi %mul3A_209, %add3A_206 : vector<16xi32>
        %gather3A_211 = tpu.vector_load_idx %arg19[%add3A_210] : memref<16384xf32, #tpu.memory_space<vmem>>[vector<16xi32>], vector<16xf32>,
        %eq3A_212 = vector.broadcast %reduce_min3A_176 : f32 to vector<16xf32>
        %eq3A_213 = arith.cmpf oeq, %gather3A_211, %eq3A_212 : vector<16xf32>
        %all_reduce_ffs3A_214 = tpu.all_reduce %eq3A_213 {dim = 0 : i64, kind = #tpu.reduction_kind<find_first_set>} : vector<16xi1> -> vector<16xi32>
        %mul3A_215 = arith.constant 1024 : i32
        %mul3A_216 = vector.broadcast %mul3A_215 : i32 to vector<16xi32>
        %mul3A_217 = arith.muli %all_reduce_ffs3A_214, %mul3A_216 : vector<16xi32>
        %add3A_218 = arith.addi %mul3A_217, %add3A_206 : vector<16xi32>
        %mul3A_219 = arith.constant 256 : i32
        %mul3A_220 = arith.muli %reduce_min3A_193, %mul3A_219 : i32
        %mul3A_221 = arith.constant 16 : i32
        %mul3A_222 = vector.broadcast %mul3A_221 : i32 to vector<16xi32>
        %mul3A_223 = arith.muli %all_reduce_ffs3A, %mul3A_222 : vector<16xi32>
        %add3A_224 = vector.broadcast %mul3A_220 : i32 to vector<16xi32>
        %add3A_225 = arith.addi %add3A_224, %mul3A_223 : vector<16xi32>
        %add3A_226 = arith.addi %add3A_225, %all_reduce_ffs3A_214 : vector<16xi32>
        %eq3A_227 = vector.broadcast %scan3A_141 : i32 to vector<16xi32>
        %eq3A_228 = arith.cmpi eq, %iota3A, %eq3A_227 : vector<16xi32>
        %add3A_229 = vector.broadcast %mul3A_34 : i32 to vector<16xi32>
        %add3A_230 = arith.addi %add3A_226, %add3A_229 : vector<16xi32>
        %select_n3A_231 = arith.select %eq3A_228, %add3A_230, %scan3A_142 : vector<16xi1>, vector<16xi32>
        %eq3A_232 = arith.constant 0 : i32
        %eq3A_233 = vector.broadcast %eq3A_232 : i32 to vector<16xi32>
        %eq3A_234 = arith.cmpi eq, %iota3A, %eq3A_233 : vector<16xi32>
        %broadcast_in_dim3A_235 = arith.constant 3.000000e+38 : f32
        %broadcast_in_dim3A_236 = vector.broadcast %broadcast_in_dim3A_235 : f32 to vector<16xf32>
        tpu.vector_store_idx %arg19[%add3A_218], %broadcast_in_dim3A_236 masked %eq3A_234 : memref<16384xf32, #tpu.memory_space<vmem>>[vector<16xi32>], vector<16xf32>, vector<16xi1>
        %eq3A_237 = arith.cmpi eq, %iota3A, %all_reduce_ffs3A_214 : vector<16xi32>
        %jit3A_238 = arith.constant 3.000000e+38 : f32
        %broadcast_in_dim3A_239 = vector.broadcast %jit3A_238 : f32 to vector<16xf32>
        %select_n3A_240 = arith.select %eq3A_237, %broadcast_in_dim3A_239, %gather3A_211 : vector<16xi1>, vector<16xf32>
        %reduce_min3A_241 = arith.constant true
        %reduce_min3A_242 = vector.broadcast %reduce_min3A_241 : i1 to vector<16xi1>
        %reduce_min3A_243 = tpu.scan <min>, %select_n3A_240 masked %reduce_min3A_242 : vector<16xf32>, vector<16xi1> -> vector<16xf32>
        %reduce_min3A_244 = vector.extract %reduce_min3A_243[15] : f32 from vector<16xf32>
        %broadcast_in_dim3A_245 = vector.broadcast %reduce_min3A_244 : f32 to vector<16xf32>
        tpu.vector_store_idx %arg20[%add3A_206], %broadcast_in_dim3A_245 masked %eq3A_234 : memref<1024xf32, #tpu.memory_space<vmem>>[vector<16xi32>], vector<16xf32>, vector<16xi1>
        %eq3A_246 = arith.cmpi eq, %iota3A, %all_reduce_ffs3A : vector<16xi32>
        %broadcast_in_dim3A_247 = vector.broadcast %reduce_min3A_244 : f32 to vector<16xf32>
        %select_n3A_248 = arith.select %eq3A_246, %broadcast_in_dim3A_247, %gather3A_199 : vector<16xi1>, vector<16xf32>
        %reduce_min3A_249 = arith.constant true
        %reduce_min3A_250 = vector.broadcast %reduce_min3A_249 : i1 to vector<16xi1>
        %reduce_min3A_251 = tpu.scan <min>, %select_n3A_248 masked %reduce_min3A_250 : vector<16xf32>, vector<16xi1> -> vector<16xf32>
        %reduce_min3A_252 = vector.extract %reduce_min3A_251[15] : f32 from vector<16xf32>
        %broadcast_in_dim3A_253 = vector.broadcast %reduce_min3A_193 : i32 to vector<16xi32>
        %broadcast_in_dim3A_254 = vector.broadcast %reduce_min3A_252 : f32 to vector<16xf32>
        tpu.vector_store_idx %arg21[%broadcast_in_dim3A_253], %broadcast_in_dim3A_254 masked %eq3A_234 : memref<64xf32, #tpu.memory_space<vmem>>[vector<16xi32>], vector<16xf32>, vector<16xi1>
        scf.yield %select_n3A_231 : vector<16xi32>
      }
      %scan3A_132 = arith.constant 2 : i32
      %add3A_133 = arith.constant 48 : i32
      %add3A_134 = arith.addi %mul3A_88, %add3A_133 : i32
      %lt3A_135 = arith.constant 2 : i32
      %lt3A_136 = vector.broadcast %lt3A_135 : i32 to vector<16xi32>
      %lt3A_137 = arith.cmpi slt, %iota3A, %lt3A_136 : vector<16xi32>
      %swap3A_138 = arith.index_cast %add3A_134 : i32 to index
      %swap3A_139 = tpu.vector_load %arg22[%swap3A_138] masked %lt3A_137 {strides = array<i32>} : memref<3216xi32, #tpu.memory_space<vmem>>, vector<16xi32>, vector<16xi1>
      tpu.vector_store %arg22[%swap3A_138], %scan3A_131 masked %lt3A_137 {strides = array<i32>} : memref<3216xi32, #tpu.memory_space<vmem>>, vector<16xi32>, vector<16xi1>
      %scan3A_140 = arith.constant 0 : i32
      scf.yield %scan3A_140 : i32
    }
    %scan3A_40 = arith.constant 64 : i32
    %mul3A_41 = arith.constant 3200 : i32
    %mul3A_42 = arith.muli %add3A, %mul3A_41 : i32
    "tpu.region"() ({
      %run_scoped3A = tpu.sem_alloc : memref<!tpu.dma_semaphore, #tpu.memory_space<semaphore_mem>>
      %dma_start3A = arith.constant 0 : i32
      %dma_start3A_43 = tpu.memref_slice %arg22[%dma_start3A] : memref<3216xi32, #tpu.memory_space<vmem>> -> memref<3200xi32, #tpu.memory_space<vmem>>
      %dma_start3A_44 = tpu.memref_slice %arg10[%mul3A_42] : memref<102400xi32, #tpu.memory_space<hbm>> -> memref<3200xi32, #tpu.memory_space<hbm>>
      %dma_start3A_45 = tpu.memref_slice %arg10[%mul3A_42] : memref<102400xi32, #tpu.memory_space<hbm>> -> memref<3200xi32, #tpu.memory_space<hbm>>
      %dma_start3A_46 = arith.constant 0 : i32
      %dma_start3A_47 = tpu.memref_slice %arg22[%dma_start3A_46] : memref<3216xi32, #tpu.memory_space<vmem>> -> memref<3200xi32, #tpu.memory_space<vmem>>
      tpu.enqueue_dma source(%dma_start3A_47 : memref<3200xi32, #tpu.memory_space<vmem>>) target(%dma_start3A_45 : memref<3200xi32, #tpu.memory_space<hbm>>) target_semaphore(%run_scoped3A : memref<!tpu.dma_semaphore, #tpu.memory_space<semaphore_mem>>)
      %dma_wait3A = arith.constant 0 : i32
      %dma_wait3A_48 = tpu.memref_slice %arg22[%dma_wait3A] : memref<3216xi32, #tpu.memory_space<vmem>> -> memref<3200xi32, #tpu.memory_space<vmem>>
      %dma_wait3A_49 = tpu.memref_slice %arg10[%mul3A_42] : memref<102400xi32, #tpu.memory_space<hbm>> -> memref<3200xi32, #tpu.memory_space<hbm>>
      %dma_wait3A_50 = tpu.memref_slice %arg10[%mul3A_42] : memref<102400xi32, #tpu.memory_space<hbm>> -> memref<3200xi32, #tpu.memory_space<hbm>>
      %dma_wait3A_51 = arith.constant 0 : i32
      %dma_wait3A_52 = tpu.memref_slice %arg22[%dma_wait3A_51] : memref<3216xi32, #tpu.memory_space<vmem>> -> memref<3200xi32, #tpu.memory_space<vmem>>
      tpu.wait_dma2 semaphore(%run_scoped3A : memref<!tpu.dma_semaphore, #tpu.memory_space<semaphore_mem>>) src(%dma_wait3A_52 : memref<3200xi32, #tpu.memory_space<vmem>>) dst(%dma_wait3A_50 : memref<3200xi32, #tpu.memory_space<hbm>>)
      tpu.yield
    }) : () -> ()
    return
  }
}

module attributes {stable_mosaic.version = 14 : i64} {
  func.func @_passA_body(%arg0: i32, %arg1: memref<2048x128xf32, #tpu.memory_space<vmem>>, %arg2: memref<128x128xf32, #tpu.memory_space<vmem>>, %arg3: memref<128x128xf32, #tpu.memory_space<vmem>>, %arg4: memref<1x128xf32, #tpu.memory_space<vmem>>, %arg5: memref<1x128xf32, #tpu.memory_space<vmem>>, %arg6: memref<1x128xf32, #tpu.memory_space<vmem>>, %arg7: memref<128x128xf32, #tpu.memory_space<vmem>>, %arg8: memref<1x128xf32, #tpu.memory_space<vmem>>, %arg9: memref<1x128xf32, #tpu.memory_space<vmem>>, %arg10: memref<128x128xf32, #tpu.memory_space<vmem>>) attributes {dimension_semantics = [#tpu.dimension_semantics<arbitrary>], iteration_bounds = array<i64: 50>, scalar_prefetch = 0 : i64, scratch_operands = 2 : i64, tpu.core_type = #tpu.core_type<tc>, window_params = [{transform_indices = @transform_0, window_bounds = array<i64: 2048, 128>}, {pipeline_mode = #tpu.pipeline_mode<synchronous>, transform_indices = @transform_1, window_bounds = array<i64: 128, 128>}, {pipeline_mode = #tpu.pipeline_mode<synchronous>, transform_indices = @transform_2, window_bounds = array<i64: 128, 128>}, {pipeline_mode = #tpu.pipeline_mode<synchronous>, transform_indices = @transform_3, window_bounds = array<i64: 1, 128>}, {pipeline_mode = #tpu.pipeline_mode<synchronous>, transform_indices = @transform_4, window_bounds = array<i64: 1, 128>}, {pipeline_mode = #tpu.pipeline_mode<synchronous>, transform_indices = @transform_5, window_bounds = array<i64: 1, 128>}, {pipeline_mode = #tpu.pipeline_mode<synchronous>, transform_indices = @transform_6, window_bounds = array<i64: 128, 128>}, {pipeline_mode = #tpu.pipeline_mode<synchronous>, transform_indices = @transform_7, window_bounds = array<i64: 1, 128>}]} {
    %eq3A = arith.constant 0 : i32
    %eq3A_0 = arith.cmpi eq, %arg0, %eq3A : i32
    %convert_element_type3A = arith.extui %eq3A_0 : i1 to i32
    %cond3A = arith.constant 0 : i32
    %cond3A_1 = arith.cmpi ne, %convert_element_type3A, %cond3A : i32
    scf.if %cond3A_1 {
      %broadcast_in_dim3A_23 = arith.constant 0.000000e+00 : f32
      %broadcast_in_dim3A_24 = vector.broadcast %broadcast_in_dim3A_23 : f32 to vector<1x128xf32>
      %swap3A_25 = arith.constant 0 : index
      %swap3A_26 = arith.constant 0 : index
      %swap3A_27 = vector.load %arg9[%swap3A_25, %swap3A_26] : memref<1x128xf32, #tpu.memory_space<vmem>>, vector<1x128xf32>
      tpu.vector_store %arg9[%swap3A_25, %swap3A_26], %broadcast_in_dim3A_24 {strides = array<i32>} : memref<1x128xf32, #tpu.memory_space<vmem>>, vector<1x128xf32>,
      %broadcast_in_dim3A_28 = arith.constant 0.000000e+00 : f32
      %broadcast_in_dim3A_29 = vector.broadcast %broadcast_in_dim3A_28 : f32 to vector<128x128xf32>
      %swap3A_30 = arith.constant 0 : index
      %swap3A_31 = arith.constant 0 : index
      %swap3A_32 = vector.load %arg10[%swap3A_30, %swap3A_31] : memref<128x128xf32, #tpu.memory_space<vmem>>, vector<128x128xf32>
      tpu.vector_store %arg10[%swap3A_30, %swap3A_31], %broadcast_in_dim3A_29 {strides = array<i32>} : memref<128x128xf32, #tpu.memory_space<vmem>>, vector<128x128xf32>,
    } else {
    }
    %get3A = arith.constant 0 : index
    %get3A_2 = arith.constant 0 : index
    %get3A_3 = vector.load %arg1[%get3A, %get3A_2] : memref<2048x128xf32, #tpu.memory_space<vmem>>, vector<2048x128xf32>
    %get3A_4 = arith.constant 0 : index
    %get3A_5 = arith.constant 0 : index
    %get3A_6 = vector.load %arg9[%get3A_4, %get3A_5] : memref<1x128xf32, #tpu.memory_space<vmem>>, vector<1x128xf32>
    %reduce_sum3A = arith.constant dense<0.000000e+00> : vector<128xf32>
    %reduce_sum3A_7 = vector.multi_reduction <add>, %get3A_3, %reduce_sum3A [0] : vector<2048x128xf32> to vector<128xf32>
    %broadcast_in_dim3A = vector.shape_cast %reduce_sum3A_7 : vector<128xf32> to vector<1x128xf32>
    %add3A = arith.addf %get3A_6, %broadcast_in_dim3A : vector<1x128xf32>
    %swap3A = arith.constant 0 : index
    %swap3A_8 = arith.constant 0 : index
    %swap3A_9 = vector.load %arg9[%swap3A, %swap3A_8] : memref<1x128xf32, #tpu.memory_space<vmem>>, vector<1x128xf32>
    tpu.vector_store %arg9[%swap3A, %swap3A_8], %add3A {strides = array<i32>} : memref<1x128xf32, #tpu.memory_space<vmem>>, vector<1x128xf32>,
    %get3A_10 = arith.constant 0 : index
    %get3A_11 = arith.constant 0 : index
    %get3A_12 = vector.load %arg10[%get3A_10, %get3A_11] : memref<128x128xf32, #tpu.memory_space<vmem>>, vector<128x128xf32>
    %dot_general3A = arith.constant dense<0.000000e+00> : vector<128x128xf32>
    %dot_general3A_13 = tpu.matmul %get3A_3, %get3A_3, %dot_general3A {dimension_numbers = #tpu.dot_dimension_numbers<[0], [0], [1], [1], [0, 1, 1, 1], [], []>, transpose_lhs_hint = false} : vector<2048x128xf32>, vector<2048x128xf32>, vector<128x128xf32> -> vector<128x128xf32>
    %add3A_14 = arith.addf %get3A_12, %dot_general3A_13 : vector<128x128xf32>
    %swap3A_15 = arith.constant 0 : index
    %swap3A_16 = arith.constant 0 : index
    %swap3A_17 = vector.load %arg10[%swap3A_15, %swap3A_16] : memref<128x128xf32, #tpu.memory_space<vmem>>, vector<128x128xf32>
    tpu.vector_store %arg10[%swap3A_15, %swap3A_16], %add3A_14 {strides = array<i32>} : memref<128x128xf32, #tpu.memory_space<vmem>>, vector<128x128xf32>,
    %eq3A_18 = arith.constant 49 : i32
    %eq3A_19 = arith.cmpi eq, %arg0, %eq3A_18 : i32
    %convert_element_type3A_20 = arith.extui %eq3A_19 : i1 to i32
    %cond3A_21 = arith.constant 0 : i32
    %cond3A_22 = arith.cmpi ne, %convert_element_type3A_20, %cond3A_21 : i32
    scf.if %cond3A_22 {
      %get3A_23 = arith.constant 0 : index
      %get3A_24 = arith.constant 0 : index
      %get3A_25 = vector.load %arg9[%get3A_23, %get3A_24] : memref<1x128xf32, #tpu.memory_space<vmem>>, vector<1x128xf32>
      %get3A_26 = arith.constant 0 : index
      %get3A_27 = arith.constant 0 : index
      %get3A_28 = vector.load %arg10[%get3A_26, %get3A_27] : memref<128x128xf32, #tpu.memory_space<vmem>>, vector<128x128xf32>
      %get3A_29 = arith.constant 0 : index
      %get3A_30 = arith.constant 0 : index
      %get3A_31 = vector.load %arg2[%get3A_29, %get3A_30] : memref<128x128xf32, #tpu.memory_space<vmem>>, vector<128x128xf32>
      %get3A_32 = arith.constant 0 : index
      %get3A_33 = arith.constant 0 : index
      %get3A_34 = vector.load %arg3[%get3A_32, %get3A_33] : memref<128x128xf32, #tpu.memory_space<vmem>>, vector<128x128xf32>
      %get3A_35 = arith.constant 0 : index
      %get3A_36 = arith.constant 0 : index
      %get3A_37 = vector.load %arg4[%get3A_35, %get3A_36] : memref<1x128xf32, #tpu.memory_space<vmem>>, vector<1x128xf32>
      %get3A_38 = arith.constant 0 : index
      %get3A_39 = arith.constant 0 : index
      %get3A_40 = vector.load %arg5[%get3A_38, %get3A_39] : memref<1x128xf32, #tpu.memory_space<vmem>>, vector<1x128xf32>
      %get3A_41 = arith.constant 0 : index
      %get3A_42 = arith.constant 0 : index
      %get3A_43 = vector.load %arg6[%get3A_41, %get3A_42] : memref<1x128xf32, #tpu.memory_space<vmem>>, vector<1x128xf32>
      %div3A = arith.constant 1.024000e+05 : f32
      %div3A_44 = vector.broadcast %div3A : f32 to vector<1x128xf32>
      %div3A_45 = arith.divf %get3A_25, %div3A_44 : vector<1x128xf32>
      %dot_general3A_46 = arith.constant dense<0.000000e+00> : vector<1x128xf32>
      %dot_general3A_47 = tpu.matmul %div3A_45, %get3A_34, %dot_general3A_46 {dimension_numbers = #tpu.dot_dimension_numbers<[1], [0], [0], [1], [0, 0, 1, 1], [], []>, transpose_lhs_hint = false} : vector<1x128xf32>, vector<128x128xf32>, vector<1x128xf32> -> vector<1x128xf32>
      %add3A_48 = arith.addf %dot_general3A_47, %get3A_37 : vector<1x128xf32>
      %div3A_49 = arith.constant 1.024000e+05 : f32
      %div3A_50 = vector.broadcast %div3A_49 : f32 to vector<128x128xf32>
      %div3A_51 = arith.divf %get3A_28, %div3A_50 : vector<128x128xf32>
      %dot_general3A_52 = arith.constant dense<0.000000e+00> : vector<128x128xf32>
      %dot_general3A_53 = tpu.matmul %get3A_31, %div3A_51, %dot_general3A_52 {dimension_numbers = #tpu.dot_dimension_numbers<[1], [0], [0], [1], [0, 0, 1, 1], [], []>, transpose_lhs_hint = false} : vector<128x128xf32>, vector<128x128xf32>, vector<128x128xf32> -> vector<128x128xf32>
      %mul3A = arith.mulf %dot_general3A_53, %get3A_31 : vector<128x128xf32>
      %reduce_sum3A_54 = arith.constant dense<0.000000e+00> : vector<128xf32>
      %reduce_sum3A_55 = vector.multi_reduction <add>, %mul3A, %reduce_sum3A_54 [1] : vector<128x128xf32> to vector<128xf32>
      %broadcast_in_dim3A_56 = vector.shape_cast %reduce_sum3A_55 : vector<128xf32> to vector<1x128xf32>
      %mul3A_57 = arith.constant 2.000000e+00 : f32
      %mul3A_58 = vector.broadcast %mul3A_57 : f32 to vector<1x128xf32>
      %mul3A_59 = arith.mulf %mul3A_58, %get3A_37 : vector<1x128xf32>
      %mul3A_60 = arith.mulf %mul3A_59, %add3A_48 : vector<1x128xf32>
      %add3A_61 = arith.addf %broadcast_in_dim3A_56, %mul3A_60 : vector<1x128xf32>
      %mul3A_62 = arith.mulf %get3A_37, %get3A_37 : vector<1x128xf32>
      %sub3A = arith.subf %add3A_61, %mul3A_62 : vector<1x128xf32>
      %mul3A_63 = arith.mulf %add3A_48, %add3A_48 : vector<1x128xf32>
      %sub3A_64 = arith.subf %sub3A, %mul3A_63 : vector<1x128xf32>
      %add3A_65 = arith.constant 9.99999974E-6 : f32
      %add3A_66 = vector.broadcast %add3A_65 : f32 to vector<1x128xf32>
      %add3A_67 = arith.addf %sub3A_64, %add3A_66 : vector<1x128xf32>
      %rsqrt3A = math.rsqrt %add3A_67 : vector<1x128xf32>
      %mul3A_68 = arith.mulf %get3A_40, %rsqrt3A : vector<1x128xf32>
      %mul3A_69 = vector.broadcast %mul3A_68 : vector<1x128xf32> to vector<128x128xf32>
      %mul3A_70 = arith.mulf %get3A_34, %mul3A_69 : vector<128x128xf32>
      %sub3A_71 = arith.subf %get3A_37, %add3A_48 : vector<1x128xf32>
      %mul3A_72 = arith.mulf %mul3A_68, %sub3A_71 : vector<1x128xf32>
      %add3A_73 = arith.addf %mul3A_72, %get3A_43 : vector<1x128xf32>
      %swap3A_74 = arith.constant 0 : index
      %swap3A_75 = arith.constant 0 : index
      %swap3A_76 = vector.load %arg7[%swap3A_74, %swap3A_75] : memref<128x128xf32, #tpu.memory_space<vmem>>, vector<128x128xf32>
      tpu.vector_store %arg7[%swap3A_74, %swap3A_75], %mul3A_70 {strides = array<i32>} : memref<128x128xf32, #tpu.memory_space<vmem>>, vector<128x128xf32>,
      %swap3A_77 = arith.constant 0 : index
      %swap3A_78 = arith.constant 0 : index
      %swap3A_79 = vector.load %arg8[%swap3A_77, %swap3A_78] : memref<1x128xf32, #tpu.memory_space<vmem>>, vector<1x128xf32>
      tpu.vector_store %arg8[%swap3A_77, %swap3A_78], %add3A_73 {strides = array<i32>} : memref<1x128xf32, #tpu.memory_space<vmem>>, vector<1x128xf32>,
    } else {
    }
    return
  }
  func.func @transform_0(%arg0: i32) -> (i32, i32) {
    %c0_i32 = arith.constant 0 : i32
    %c0_i32_0 = arith.constant 0 : i32
    return %arg0, %c0_i32 : i32, i32
  }
  func.func @transform_1(%arg0: i32) -> (i32, i32) {
    %c0_i32 = arith.constant 0 : i32
    %c0_i32_0 = arith.constant 0 : i32
    %c0_i32_1 = arith.constant 0 : i32
    return %c0_i32, %c0_i32_0 : i32, i32
  }
  func.func @transform_2(%arg0: i32) -> (i32, i32) {
    %c0_i32 = arith.constant 0 : i32
    %c0_i32_0 = arith.constant 0 : i32
    %c0_i32_1 = arith.constant 0 : i32
    return %c0_i32, %c0_i32_0 : i32, i32
  }
  func.func @transform_3(%arg0: i32) -> (i32, i32) {
    %c0_i32 = arith.constant 0 : i32
    %c0_i32_0 = arith.constant 0 : i32
    %c0_i32_1 = arith.constant 0 : i32
    return %c0_i32, %c0_i32_0 : i32, i32
  }
  func.func @transform_4(%arg0: i32) -> (i32, i32) {
    %c0_i32 = arith.constant 0 : i32
    %c0_i32_0 = arith.constant 0 : i32
    %c0_i32_1 = arith.constant 0 : i32
    return %c0_i32, %c0_i32_0 : i32, i32
  }
  func.func @transform_5(%arg0: i32) -> (i32, i32) {
    %c0_i32 = arith.constant 0 : i32
    %c0_i32_0 = arith.constant 0 : i32
    %c0_i32_1 = arith.constant 0 : i32
    return %c0_i32, %c0_i32_0 : i32, i32
  }
  func.func @transform_6(%arg0: i32) -> (i32, i32) {
    %c0_i32 = arith.constant 0 : i32
    %c0_i32_0 = arith.constant 0 : i32
    %c0_i32_1 = arith.constant 0 : i32
    return %c0_i32, %c0_i32_0 : i32, i32
  }
  func.func @transform_7(%arg0: i32) -> (i32, i32) {
    %c0_i32 = arith.constant 0 : i32
    %c0_i32_0 = arith.constant 0 : i32
    %c0_i32_1 = arith.constant 0 : i32
    return %c0_i32, %c0_i32_0 : i32, i32
  }
}

module attributes {stable_mosaic.version = 14 : i64} {
  func.func @_passC_body(%arg0: i32, %arg1: memref<2048x128xf32, #tpu.memory_space<vmem>>, %arg2: memref<128x128xf32, #tpu.memory_space<vmem>>, %arg3: memref<1x128xf32, #tpu.memory_space<vmem>>, %arg4: memref<128x128xf32, #tpu.memory_space<vmem>>, %arg5: memref<1x128xf32, #tpu.memory_space<vmem>>, %arg6: memref<2048x128xf32, #tpu.memory_space<vmem>>) attributes {dimension_semantics = [#tpu.dimension_semantics<arbitrary>], iteration_bounds = array<i64: 50>, scalar_prefetch = 0 : i64, scratch_operands = 0 : i64, tpu.core_type = #tpu.core_type<tc>, window_params = [{transform_indices = @transform_0, window_bounds = array<i64: 2048, 128>}, {pipeline_mode = #tpu.pipeline_mode<synchronous>, transform_indices = @transform_1, window_bounds = array<i64: 128, 128>}, {pipeline_mode = #tpu.pipeline_mode<synchronous>, transform_indices = @transform_2, window_bounds = array<i64: 1, 128>}, {pipeline_mode = #tpu.pipeline_mode<synchronous>, transform_indices = @transform_3, window_bounds = array<i64: 128, 128>}, {pipeline_mode = #tpu.pipeline_mode<synchronous>, transform_indices = @transform_4, window_bounds = array<i64: 1, 128>}, {transform_indices = @transform_5, window_bounds = array<i64: 2048, 128>}]} {
    %get3A = arith.constant 0 : index
    %get3A_0 = arith.constant 0 : index
    %get3A_1 = vector.load %arg1[%get3A, %get3A_0] : memref<2048x128xf32, #tpu.memory_space<vmem>>, vector<2048x128xf32>
    %get3A_2 = arith.constant 0 : index
    %get3A_3 = arith.constant 0 : index
    %get3A_4 = vector.load %arg2[%get3A_2, %get3A_3] : memref<128x128xf32, #tpu.memory_space<vmem>>, vector<128x128xf32>
    %dot_general3A = arith.constant dense<0.000000e+00> : vector<2048x128xf32>
    %dot_general3A_5 = tpu.matmul %get3A_1, %get3A_4, %dot_general3A {dimension_numbers = #tpu.dot_dimension_numbers<[1], [0], [0], [1], [0, 0, 1, 1], [], []>, transpose_lhs_hint = false} : vector<2048x128xf32>, vector<128x128xf32>, vector<2048x128xf32> -> vector<2048x128xf32>
    %get3A_6 = arith.constant 0 : index
    %get3A_7 = arith.constant 0 : index
    %get3A_8 = vector.load %arg3[%get3A_6, %get3A_7] : memref<1x128xf32, #tpu.memory_space<vmem>>, vector<1x128xf32>
    %add3A = vector.broadcast %get3A_8 : vector<1x128xf32> to vector<2048x128xf32>
    %add3A_9 = arith.addf %dot_general3A_5, %add3A : vector<2048x128xf32>
    %max3A = arith.constant 0.000000e+00 : f32
    %max3A_10 = vector.broadcast %max3A : f32 to vector<2048x128xf32>
    %max3A_11 = arith.maximumf %add3A_9, %max3A_10 : vector<2048x128xf32>
    %get3A_12 = arith.constant 0 : index
    %get3A_13 = arith.constant 0 : index
    %get3A_14 = vector.load %arg4[%get3A_12, %get3A_13] : memref<128x128xf32, #tpu.memory_space<vmem>>, vector<128x128xf32>
    %dot_general3A_15 = arith.constant dense<0.000000e+00> : vector<2048x128xf32>
    %dot_general3A_16 = tpu.matmul %max3A_11, %get3A_14, %dot_general3A_15 {dimension_numbers = #tpu.dot_dimension_numbers<[1], [0], [0], [1], [0, 0, 1, 1], [], []>, transpose_lhs_hint = false} : vector<2048x128xf32>, vector<128x128xf32>, vector<2048x128xf32> -> vector<2048x128xf32>
    %get3A_17 = arith.constant 0 : index
    %get3A_18 = arith.constant 0 : index
    %get3A_19 = vector.load %arg5[%get3A_17, %get3A_18] : memref<1x128xf32, #tpu.memory_space<vmem>>, vector<1x128xf32>
    %add3A_20 = vector.broadcast %get3A_19 : vector<1x128xf32> to vector<2048x128xf32>
    %add3A_21 = arith.addf %dot_general3A_16, %add3A_20 : vector<2048x128xf32>
    %swap3A = arith.constant 0 : index
    %swap3A_22 = arith.constant 0 : index
    %swap3A_23 = vector.load %arg6[%swap3A, %swap3A_22] : memref<2048x128xf32, #tpu.memory_space<vmem>>, vector<2048x128xf32>
    tpu.vector_store %arg6[%swap3A, %swap3A_22], %add3A_21 {strides = array<i32>} : memref<2048x128xf32, #tpu.memory_space<vmem>>, vector<2048x128xf32>,
    return
  }
  func.func @transform_0(%arg0: i32) -> (i32, i32) {
    %c0_i32 = arith.constant 0 : i32
    %c0_i32_0 = arith.constant 0 : i32
    return %arg0, %c0_i32 : i32, i32
  }
  func.func @transform_1(%arg0: i32) -> (i32, i32) {
    %c0_i32 = arith.constant 0 : i32
    %c0_i32_0 = arith.constant 0 : i32
    %c0_i32_1 = arith.constant 0 : i32
    return %c0_i32, %c0_i32_0 : i32, i32
  }
  func.func @transform_2(%arg0: i32) -> (i32, i32) {
    %c0_i32 = arith.constant 0 : i32
    %c0_i32_0 = arith.constant 0 : i32
    %c0_i32_1 = arith.constant 0 : i32
    return %c0_i32, %c0_i32_0 : i32, i32
  }
  func.func @transform_3(%arg0: i32) -> (i32, i32) {
    %c0_i32 = arith.constant 0 : i32
    %c0_i32_0 = arith.constant 0 : i32
    %c0_i32_1 = arith.constant 0 : i32
    return %c0_i32, %c0_i32_0 : i32, i32
  }
  func.func @transform_4(%arg0: i32) -> (i32, i32) {
    %c0_i32 = arith.constant 0 : i32
    %c0_i32_0 = arith.constant 0 : i32
    %c0_i32_1 = arith.constant 0 : i32
    return %c0_i32, %c0_i32_0 : i32, i32
  }
  func.func @transform_5(%arg0: i32) -> (i32, i32) {
    %c0_i32 = arith.constant 0 : i32
    %c0_i32_0 = arith.constant 0 : i32
    return %arg0, %c0_i32 : i32, i32
  }
}

module attributes {stable_mosaic.version = 14 : i64} {
  func.func @_passB_body(%arg0: i32, %arg1: memref<2048x128xf32, #tpu.memory_space<vmem>>, %arg2: memref<128x128xf32, #tpu.memory_space<vmem>>, %arg3: memref<1x128xf32, #tpu.memory_space<vmem>>, %arg4: memref<128x128xf32, #tpu.memory_space<vmem>>, %arg5: memref<128x128xf32, #tpu.memory_space<vmem>>, %arg6: memref<1x128xf32, #tpu.memory_space<vmem>>, %arg7: memref<1x128xf32, #tpu.memory_space<vmem>>, %arg8: memref<1x128xf32, #tpu.memory_space<vmem>>, %arg9: memref<128x128xf32, #tpu.memory_space<vmem>>, %arg10: memref<1x128xf32, #tpu.memory_space<vmem>>, %arg11: memref<1x128xf32, #tpu.memory_space<vmem>>, %arg12: memref<128x128xf32, #tpu.memory_space<vmem>>) attributes {dimension_semantics = [#tpu.dimension_semantics<arbitrary>], iteration_bounds = array<i64: 50>, scalar_prefetch = 0 : i64, scratch_operands = 2 : i64, tpu.core_type = #tpu.core_type<tc>, window_params = [{transform_indices = @transform_0, window_bounds = array<i64: 2048, 128>}, {pipeline_mode = #tpu.pipeline_mode<synchronous>, transform_indices = @transform_1, window_bounds = array<i64: 128, 128>}, {pipeline_mode = #tpu.pipeline_mode<synchronous>, transform_indices = @transform_2, window_bounds = array<i64: 1, 128>}, {pipeline_mode = #tpu.pipeline_mode<synchronous>, transform_indices = @transform_3, window_bounds = array<i64: 128, 128>}, {pipeline_mode = #tpu.pipeline_mode<synchronous>, transform_indices = @transform_4, window_bounds = array<i64: 128, 128>}, {pipeline_mode = #tpu.pipeline_mode<synchronous>, transform_indices = @transform_5, window_bounds = array<i64: 1, 128>}, {pipeline_mode = #tpu.pipeline_mode<synchronous>, transform_indices = @transform_6, window_bounds = array<i64: 1, 128>}, {pipeline_mode = #tpu.pipeline_mode<synchronous>, transform_indices = @transform_7, window_bounds = array<i64: 1, 128>}, {pipeline_mode = #tpu.pipeline_mode<synchronous>, transform_indices = @transform_8, window_bounds = array<i64: 128, 128>}, {pipeline_mode = #tpu.pipeline_mode<synchronous>, transform_indices = @transform_9, window_bounds = array<i64: 1, 128>}]} {
    %eq3A = arith.constant 0 : i32
    %eq3A_0 = arith.cmpi eq, %arg0, %eq3A : i32
    %convert_element_type3A = arith.extui %eq3A_0 : i1 to i32
    %cond3A = arith.constant 0 : i32
    %cond3A_1 = arith.cmpi ne, %convert_element_type3A, %cond3A : i32
    scf.if %cond3A_1 {
      %broadcast_in_dim3A_35 = arith.constant 0.000000e+00 : f32
      %broadcast_in_dim3A_36 = vector.broadcast %broadcast_in_dim3A_35 : f32 to vector<1x128xf32>
      %swap3A_37 = arith.constant 0 : index
      %swap3A_38 = arith.constant 0 : index
      %swap3A_39 = vector.load %arg11[%swap3A_37, %swap3A_38] : memref<1x128xf32, #tpu.memory_space<vmem>>, vector<1x128xf32>
      tpu.vector_store %arg11[%swap3A_37, %swap3A_38], %broadcast_in_dim3A_36 {strides = array<i32>} : memref<1x128xf32, #tpu.memory_space<vmem>>, vector<1x128xf32>,
      %broadcast_in_dim3A_40 = arith.constant 0.000000e+00 : f32
      %broadcast_in_dim3A_41 = vector.broadcast %broadcast_in_dim3A_40 : f32 to vector<128x128xf32>
      %swap3A_42 = arith.constant 0 : index
      %swap3A_43 = arith.constant 0 : index
      %swap3A_44 = vector.load %arg12[%swap3A_42, %swap3A_43] : memref<128x128xf32, #tpu.memory_space<vmem>>, vector<128x128xf32>
      tpu.vector_store %arg12[%swap3A_42, %swap3A_43], %broadcast_in_dim3A_41 {strides = array<i32>} : memref<128x128xf32, #tpu.memory_space<vmem>>, vector<128x128xf32>,
    } else {
    }
    %get3A = arith.constant 0 : index
    %get3A_2 = arith.constant 0 : index
    %get3A_3 = vector.load %arg1[%get3A, %get3A_2] : memref<2048x128xf32, #tpu.memory_space<vmem>>, vector<2048x128xf32>
    %get3A_4 = arith.constant 0 : index
    %get3A_5 = arith.constant 0 : index
    %get3A_6 = vector.load %arg2[%get3A_4, %get3A_5] : memref<128x128xf32, #tpu.memory_space<vmem>>, vector<128x128xf32>
    %dot_general3A = arith.constant dense<0.000000e+00> : vector<2048x128xf32>
    %dot_general3A_7 = tpu.matmul %get3A_3, %get3A_6, %dot_general3A {dimension_numbers = #tpu.dot_dimension_numbers<[1], [0], [0], [1], [0, 0, 1, 1], [], []>, transpose_lhs_hint = false} : vector<2048x128xf32>, vector<128x128xf32>, vector<2048x128xf32> -> vector<2048x128xf32>
    %get3A_8 = arith.constant 0 : index
    %get3A_9 = arith.constant 0 : index
    %get3A_10 = vector.load %arg3[%get3A_8, %get3A_9] : memref<1x128xf32, #tpu.memory_space<vmem>>, vector<1x128xf32>
    %add3A = vector.broadcast %get3A_10 : vector<1x128xf32> to vector<2048x128xf32>
    %add3A_11 = arith.addf %dot_general3A_7, %add3A : vector<2048x128xf32>
    %max3A = arith.constant 0.000000e+00 : f32
    %max3A_12 = vector.broadcast %max3A : f32 to vector<2048x128xf32>
    %max3A_13 = arith.maximumf %add3A_11, %max3A_12 : vector<2048x128xf32>
    %get3A_14 = arith.constant 0 : index
    %get3A_15 = arith.constant 0 : index
    %get3A_16 = vector.load %arg11[%get3A_14, %get3A_15] : memref<1x128xf32, #tpu.memory_space<vmem>>, vector<1x128xf32>
    %reduce_sum3A = arith.constant dense<0.000000e+00> : vector<128xf32>
    %reduce_sum3A_17 = vector.multi_reduction <add>, %max3A_13, %reduce_sum3A [0] : vector<2048x128xf32> to vector<128xf32>
    %broadcast_in_dim3A = vector.shape_cast %reduce_sum3A_17 : vector<128xf32> to vector<1x128xf32>
    %add3A_18 = arith.addf %get3A_16, %broadcast_in_dim3A : vector<1x128xf32>
    %swap3A = arith.constant 0 : index
    %swap3A_19 = arith.constant 0 : index
    %swap3A_20 = vector.load %arg11[%swap3A, %swap3A_19] : memref<1x128xf32, #tpu.memory_space<vmem>>, vector<1x128xf32>
    tpu.vector_store %arg11[%swap3A, %swap3A_19], %add3A_18 {strides = array<i32>} : memref<1x128xf32, #tpu.memory_space<vmem>>, vector<1x128xf32>,
    %get3A_21 = arith.constant 0 : index
    %get3A_22 = arith.constant 0 : index
    %get3A_23 = vector.load %arg12[%get3A_21, %get3A_22] : memref<128x128xf32, #tpu.memory_space<vmem>>, vector<128x128xf32>
    %dot_general3A_24 = arith.constant dense<0.000000e+00> : vector<128x128xf32>
    %dot_general3A_25 = tpu.matmul %max3A_13, %max3A_13, %dot_general3A_24 {dimension_numbers = #tpu.dot_dimension_numbers<[0], [0], [1], [1], [0, 1, 1, 1], [], []>, transpose_lhs_hint = false} : vector<2048x128xf32>, vector<2048x128xf32>, vector<128x128xf32> -> vector<128x128xf32>
    %add3A_26 = arith.addf %get3A_23, %dot_general3A_25 : vector<128x128xf32>
    %swap3A_27 = arith.constant 0 : index
    %swap3A_28 = arith.constant 0 : index
    %swap3A_29 = vector.load %arg12[%swap3A_27, %swap3A_28] : memref<128x128xf32, #tpu.memory_space<vmem>>, vector<128x128xf32>
    tpu.vector_store %arg12[%swap3A_27, %swap3A_28], %add3A_26 {strides = array<i32>} : memref<128x128xf32, #tpu.memory_space<vmem>>, vector<128x128xf32>,
    %eq3A_30 = arith.constant 49 : i32
    %eq3A_31 = arith.cmpi eq, %arg0, %eq3A_30 : i32
    %convert_element_type3A_32 = arith.extui %eq3A_31 : i1 to i32
    %cond3A_33 = arith.constant 0 : i32
    %cond3A_34 = arith.cmpi ne, %convert_element_type3A_32, %cond3A_33 : i32
    scf.if %cond3A_34 {
      %get3A_35 = arith.constant 0 : index
      %get3A_36 = arith.constant 0 : index
      %get3A_37 = vector.load %arg11[%get3A_35, %get3A_36] : memref<1x128xf32, #tpu.memory_space<vmem>>, vector<1x128xf32>
      %get3A_38 = arith.constant 0 : index
      %get3A_39 = arith.constant 0 : index
      %get3A_40 = vector.load %arg12[%get3A_38, %get3A_39] : memref<128x128xf32, #tpu.memory_space<vmem>>, vector<128x128xf32>
      %get3A_41 = arith.constant 0 : index
      %get3A_42 = arith.constant 0 : index
      %get3A_43 = vector.load %arg4[%get3A_41, %get3A_42] : memref<128x128xf32, #tpu.memory_space<vmem>>, vector<128x128xf32>
      %get3A_44 = arith.constant 0 : index
      %get3A_45 = arith.constant 0 : index
      %get3A_46 = vector.load %arg5[%get3A_44, %get3A_45] : memref<128x128xf32, #tpu.memory_space<vmem>>, vector<128x128xf32>
      %get3A_47 = arith.constant 0 : index
      %get3A_48 = arith.constant 0 : index
      %get3A_49 = vector.load %arg6[%get3A_47, %get3A_48] : memref<1x128xf32, #tpu.memory_space<vmem>>, vector<1x128xf32>
      %get3A_50 = arith.constant 0 : index
      %get3A_51 = arith.constant 0 : index
      %get3A_52 = vector.load %arg7[%get3A_50, %get3A_51] : memref<1x128xf32, #tpu.memory_space<vmem>>, vector<1x128xf32>
      %get3A_53 = arith.constant 0 : index
      %get3A_54 = arith.constant 0 : index
      %get3A_55 = vector.load %arg8[%get3A_53, %get3A_54] : memref<1x128xf32, #tpu.memory_space<vmem>>, vector<1x128xf32>
      %div3A = arith.constant 1.024000e+05 : f32
      %div3A_56 = vector.broadcast %div3A : f32 to vector<1x128xf32>
      %div3A_57 = arith.divf %get3A_37, %div3A_56 : vector<1x128xf32>
      %dot_general3A_58 = arith.constant dense<0.000000e+00> : vector<1x128xf32>
      %dot_general3A_59 = tpu.matmul %div3A_57, %get3A_46, %dot_general3A_58 {dimension_numbers = #tpu.dot_dimension_numbers<[1], [0], [0], [1], [0, 0, 1, 1], [], []>, transpose_lhs_hint = false} : vector<1x128xf32>, vector<128x128xf32>, vector<1x128xf32> -> vector<1x128xf32>
      %add3A_60 = arith.addf %dot_general3A_59, %get3A_49 : vector<1x128xf32>
      %div3A_61 = arith.constant 1.024000e+05 : f32
      %div3A_62 = vector.broadcast %div3A_61 : f32 to vector<128x128xf32>
      %div3A_63 = arith.divf %get3A_40, %div3A_62 : vector<128x128xf32>
      %dot_general3A_64 = arith.constant dense<0.000000e+00> : vector<128x128xf32>
      %dot_general3A_65 = tpu.matmul %get3A_43, %div3A_63, %dot_general3A_64 {dimension_numbers = #tpu.dot_dimension_numbers<[1], [0], [0], [1], [0, 0, 1, 1], [], []>, transpose_lhs_hint = false} : vector<128x128xf32>, vector<128x128xf32>, vector<128x128xf32> -> vector<128x128xf32>
      %mul3A = arith.mulf %dot_general3A_65, %get3A_43 : vector<128x128xf32>
      %reduce_sum3A_66 = arith.constant dense<0.000000e+00> : vector<128xf32>
      %reduce_sum3A_67 = vector.multi_reduction <add>, %mul3A, %reduce_sum3A_66 [1] : vector<128x128xf32> to vector<128xf32>
      %broadcast_in_dim3A_68 = vector.shape_cast %reduce_sum3A_67 : vector<128xf32> to vector<1x128xf32>
      %mul3A_69 = arith.constant 2.000000e+00 : f32
      %mul3A_70 = vector.broadcast %mul3A_69 : f32 to vector<1x128xf32>
      %mul3A_71 = arith.mulf %mul3A_70, %get3A_49 : vector<1x128xf32>
      %mul3A_72 = arith.mulf %mul3A_71, %add3A_60 : vector<1x128xf32>
      %add3A_73 = arith.addf %broadcast_in_dim3A_68, %mul3A_72 : vector<1x128xf32>
      %mul3A_74 = arith.mulf %get3A_49, %get3A_49 : vector<1x128xf32>
      %sub3A = arith.subf %add3A_73, %mul3A_74 : vector<1x128xf32>
      %mul3A_75 = arith.mulf %add3A_60, %add3A_60 : vector<1x128xf32>
      %sub3A_76 = arith.subf %sub3A, %mul3A_75 : vector<1x128xf32>
      %add3A_77 = arith.constant 9.99999974E-6 : f32
      %add3A_78 = vector.broadcast %add3A_77 : f32 to vector<1x128xf32>
      %add3A_79 = arith.addf %sub3A_76, %add3A_78 : vector<1x128xf32>
      %rsqrt3A = math.rsqrt %add3A_79 : vector<1x128xf32>
      %mul3A_80 = arith.mulf %get3A_52, %rsqrt3A : vector<1x128xf32>
      %mul3A_81 = vector.broadcast %mul3A_80 : vector<1x128xf32> to vector<128x128xf32>
      %mul3A_82 = arith.mulf %get3A_46, %mul3A_81 : vector<128x128xf32>
      %sub3A_83 = arith.subf %get3A_49, %add3A_60 : vector<1x128xf32>
      %mul3A_84 = arith.mulf %mul3A_80, %sub3A_83 : vector<1x128xf32>
      %add3A_85 = arith.addf %mul3A_84, %get3A_55 : vector<1x128xf32>
      %swap3A_86 = arith.constant 0 : index
      %swap3A_87 = arith.constant 0 : index
      %swap3A_88 = vector.load %arg9[%swap3A_86, %swap3A_87] : memref<128x128xf32, #tpu.memory_space<vmem>>, vector<128x128xf32>
      tpu.vector_store %arg9[%swap3A_86, %swap3A_87], %mul3A_82 {strides = array<i32>} : memref<128x128xf32, #tpu.memory_space<vmem>>, vector<128x128xf32>,
      %swap3A_89 = arith.constant 0 : index
      %swap3A_90 = arith.constant 0 : index
      %swap3A_91 = vector.load %arg10[%swap3A_89, %swap3A_90] : memref<1x128xf32, #tpu.memory_space<vmem>>, vector<1x128xf32>
      tpu.vector_store %arg10[%swap3A_89, %swap3A_90], %add3A_85 {strides = array<i32>} : memref<1x128xf32, #tpu.memory_space<vmem>>, vector<1x128xf32>,
    } else {
    }
    return
  }
  func.func @transform_0(%arg0: i32) -> (i32, i32) {
    %c0_i32 = arith.constant 0 : i32
    %c0_i32_0 = arith.constant 0 : i32
    return %arg0, %c0_i32 : i32, i32
  }
  func.func @transform_1(%arg0: i32) -> (i32, i32) {
    %c0_i32 = arith.constant 0 : i32
    %c0_i32_0 = arith.constant 0 : i32
    %c0_i32_1 = arith.constant 0 : i32
    return %c0_i32, %c0_i32_0 : i32, i32
  }
  func.func @transform_2(%arg0: i32) -> (i32, i32) {
    %c0_i32 = arith.constant 0 : i32
    %c0_i32_0 = arith.constant 0 : i32
    %c0_i32_1 = arith.constant 0 : i32
    return %c0_i32, %c0_i32_0 : i32, i32
  }
  func.func @transform_3(%arg0: i32) -> (i32, i32) {
    %c0_i32 = arith.constant 0 : i32
    %c0_i32_0 = arith.constant 0 : i32
    %c0_i32_1 = arith.constant 0 : i32
    return %c0_i32, %c0_i32_0 : i32, i32
  }
  func.func @transform_4(%arg0: i32) -> (i32, i32) {
    %c0_i32 = arith.constant 0 : i32
    %c0_i32_0 = arith.constant 0 : i32
    %c0_i32_1 = arith.constant 0 : i32
    return %c0_i32, %c0_i32_0 : i32, i32
  }
  func.func @transform_5(%arg0: i32) -> (i32, i32) {
    %c0_i32 = arith.constant 0 : i32
    %c0_i32_0 = arith.constant 0 : i32
    %c0_i32_1 = arith.constant 0 : i32
    return %c0_i32, %c0_i32_0 : i32, i32
  }
  func.func @transform_6(%arg0: i32) -> (i32, i32) {
    %c0_i32 = arith.constant 0 : i32
    %c0_i32_0 = arith.constant 0 : i32
    %c0_i32_1 = arith.constant 0 : i32
    return %c0_i32, %c0_i32_0 : i32, i32
  }
  func.func @transform_7(%arg0: i32) -> (i32, i32) {
    %c0_i32 = arith.constant 0 : i32
    %c0_i32_0 = arith.constant 0 : i32
    %c0_i32_1 = arith.constant 0 : i32
    return %c0_i32, %c0_i32_0 : i32, i32
  }
  func.func @transform_8(%arg0: i32) -> (i32, i32) {
    %c0_i32 = arith.constant 0 : i32
    %c0_i32_0 = arith.constant 0 : i32
    %c0_i32_1 = arith.constant 0 : i32
    return %c0_i32, %c0_i32_0 : i32, i32
  }
  func.func @transform_9(%arg0: i32) -> (i32, i32) {
    %c0_i32 = arith.constant 0 : i32
    %c0_i32_0 = arith.constant 0 : i32
    %c0_i32_1 = arith.constant 0 : i32
    return %c0_i32, %c0_i32_0 : i32, i32
  }
}

</mosaic_0001>

<sc_bundles>
// kernel: kernel.10.cloned.1.call-start
scs
__scs_entry_jumppad:
0x0: {  	(pc) =	sbr.rel $0x88, $3  }
0x1: {  	(tag) =	ssettag $0x0;
	lr =	simm.s32 $0x1  }
0x2: {  	[smem:$0x3F96] =	sst lr;
	_ =	strace $0xD0000000  }
0x3: {  	_ = 	snop  }
0x4: {  	_ = 	snop  }
0x5: {  	_ = 	snop  }
0x6: {  	_ = 	snop  }
0x7: {  	_ = 	snop  }
__scs_overlays_trampoline_lowered:
0x8: {  	[smem:$0x3FA5] =	sst s0  }
0x9: {  	[smem:$0x3FA6] =	sst s1  }
0xa: {  	[smem:$0x3FA7] =	sst s2  }
0xb: {  	[smem:$0x3FA8] =	sst s3  }
0xc: {  	[smem:$0x3FA9] =	sst s4  }
0xd: {  	[smem:$0x3FAA] =	sst s5  }
0xe: {  	[smem:$0x3FAB] =	sst s6  }
0xf: {  	[smem:$0x3FAC] =	sst s7  }
0x10: {  	[smem:$0x3FAD] =	sst s8  }
0x11: {  	[smem:$0x3FAE] =	sst s9;
	s0 =	simm.s32 @!p0 $0x0  }
0x12: {  	s1 =	sld [smem:$0x3F94];
	s0 =	simm.s32 @p0 $0x1  }
0x13: {  	[smem:$0x3FAF] =	sst s0;
	s0 =	simm.s32 @!p1 $0x0  }
0x14: {  	s2 =	sld [smem:$0x3F93];
	s0 =	simm.s32 @p1 $0x1  }
0x15: {  	[smem:$0x3FB0] =	sst s0;
	s0 =	simm.s32 @!p2 $0x0  }
0x16: {  	s3 =	sld [smem:$0x3FDB];
	s0 =	simm.s32 @p2 $0x1  }
0x17: {  	s4 =	simm.s32 $0x1BF5;
	[smem:$0x3FB2] =	sst s0  }
0x18: {  	s0 =	sld [smem:$0x3F95];
	_ =	swait.ge [sflag:s4], $0x0  }
0x19: {  	s7 =	sld [smem:$0x3F96]  }
0x1a: {  	s8 =	sadd.s32 $0xFFFFE003, lr  }
0x1b: {  	s9 =	sadd.s32 $0xFFFFFEF7, lr;
	s5 =	simm.s32 $0xFFFFFFFF;
	p2 =	slt.u32 s8, $0xFFFFF086  }
0x1c: {  	p1 =	slt.u32 s9, $0xF7A;
	s5 =	simm.s32 @!p2 $0x0  }
0x1d: {  	s5 =	simm.s32 @p1 $0x1;
	p0 =	seq.s32 s7, s2  }
0x1e: {  	s7 =	smul.u32 @!p0 $0xF7A, s2;
	p2 =	seq.s32 @!p0 s5, $0x0  }
0x1f: {  	s9 =	smul.u32 $0xF7A, s1;
	s8 =	simm.s32 @!p0 $0x1BF5;
	p2 =	por !p2, p0  }
0x20: {  	[sflag:s8] =	ssyncset.s32 @!p0 $0xFFFFF086;
	s6 =	sadd.s32 @!p0 s3, s7;
	s7 =	simm.s32 @!p0 $0x108  }
0x21: {  	s3 =	sadd.s32 s3, s9;
	s6 =	sadd.s32 @!p0 $0x88, s6;
	s7 =	simm.s32 @p2 $0x1082  }
0x22: {  	[simem:s7], [sflag:s8] =	dma.local @!p0 [hbm:s6], $0xF7A  }
0x23: {  	s9 =	sor.u32 $0xD0000000, s2;
	s6 =	simm.s32 $0x108;
	_ =	swait.ge @!p0 [sflag:s8], $0x0  }
0x24: {  	s3 =	sadd.s32 $0x88, s3;
	s6 =	simm.s32 @!p1 $0x1082;
	[sflag:s4] =	ssyncset.s32 $0xFFFFF086  }
0x25: {  	[simem:s6], [sflag:s4] =	dma.local [hbm:s3], $0xF7A  }
0x26: {  	[smem:$0x3F96] =	sst s1;
	(tag) =	ssettag s2;
	_ =	strace s9  }
0x27: {  	s1 =	sld [smem:$0x3FA6]  }
0x28: {  	s2 =	sld [smem:$0x3FA7]  }
0x29: {  	s4 =	sld [smem:$0x3FA9]  }
0x2a: {  	p0 =	seq.s32 s5, $0x0;
	s5 =	sld [smem:$0x3FAA]  }
0x2b: {  	s6 =	sld [smem:$0x3FAB]  }
0x2c: {  	s7 =	sld [smem:$0x3FAC]  }
0x2d: {  	s3 =	simm.s32 $0x108;
	s8 =	sld [smem:$0x3FAD]  }
0x2e: {  	s3 =	simm.s32 @!p0 $0x1082;
	s9 =	sld [smem:$0x3FAE]  }
0x2f: {  	lr =	sadd.s32 s0, s3;
	s0 =	sld [smem:$0x3FA5]  }
0x30: {  	s3 =	sld [smem:$0x3FA8]  }
0x31: {  	[smem:$0x3FB1] =	sst s10  }
0x32: {  	s10 =	sld [smem:$0x3FAF];
	_ =	sdelay $0x3  }
0x33: {  	p0 =	seq.s32 s10, $0x1;
	s10 =	sld [smem:$0x3FB1];
	_ =	sdelay $0x3  }
0x34: {  	[smem:$0x3FB1] =	sst s10  }
0x35: {  	s10 =	sld [smem:$0x3FB0];
	_ =	sdelay $0x3  }
0x36: {  	p1 =	seq.s32 s10, $0x1;
	s10 =	sld [smem:$0x3FB1];
	_ =	sdelay $0x3  }
0x37: {  	[smem:$0x3FB1] =	sst s10  }
0x38: {  	s10 =	sld [smem:$0x3FB2]  }
0x39: {  	_ = 	snop;
	(pc) =	sbr.ind lr, $3  }
0x3a: {  	_ = 	snop  }
0x3b: {  	_ = 	snop  }
0x3c: {  	p2 =	seq.s32 s10, $0x1;
	s10 =	sld [smem:$0x3FB1]  }
0x3d: {  	_ =	shalt  }
0x3e: {  	_ =	shalt  }
0x3f: {  	_ =	shalt  }
0x40: {  	_ =	shalt  }
0x41: {  	_ =	shalt  }
0x42: {  	_ =	shalt  }
0x43: {  	_ =	shalt  }
0x44: {  	_ =	shalt  }
0x45: {  	_ =	shalt  }
0x46: {  	_ =	shalt  }
0x47: {  	_ =	shalt  }
0x48: {  	_ =	shalt  }
0x49: {  	_ =	shalt  }
0x4a: {  	_ =	shalt  }
0x4b: {  	_ =	shalt  }
0x4c: {  	_ =	shalt  }
0x4d: {  	_ =	shalt  }
0x4e: {  	_ =	shalt  }
0x4f: {  	_ =	shalt  }
0x50: {  	_ =	shalt  }
0x51: {  	_ =	shalt  }
0x52: {  	_ =	shalt  }
0x53: {  	_ =	shalt  }
0x54: {  	_ =	shalt  }
0x55: {  	_ =	shalt  }
0x56: {  	_ =	shalt  }
0x57: {  	_ =	shalt  }
0x58: {  	_ =	shalt  }
0x59: {  	_ =	shalt  }
0x5a: {  	_ =	shalt  }
0x5b: {  	_ =	shalt  }
0x5c: {  	_ =	shalt  }
0x5d: {  	_ =	shalt  }
0x5e: {  	_ =	shalt  }
0x5f: {  	_ =	shalt  }
0x60: {  	_ =	shalt  }
0x61: {  	_ =	shalt  }
0x62: {  	_ =	shalt  }
0x63: {  	_ =	shalt  }
0x64: {  	_ =	shalt  }
0x65: {  	_ =	shalt  }
0x66: {  	_ =	shalt  }
0x67: {  	_ =	shalt  }
0x68: {  	_ =	shalt  }
0x69: {  	_ =	shalt  }
0x6a: {  	_ =	shalt  }
0x6b: {  	_ =	shalt  }
0x6c: {  	_ =	shalt  }
0x6d: {  	_ =	shalt  }
0x6e: {  	_ =	shalt  }
0x6f: {  	_ =	shalt  }
0x70: {  	_ =	shalt  }
0x71: {  	_ =	shalt  }
0x72: {  	_ =	shalt  }
0x73: {  	_ =	shalt  }
0x74: {  	_ =	shalt  }
0x75: {  	_ =	shalt  }
0x76: {  	_ =	shalt  }
0x77: {  	_ =	shalt  }
0x78: {  	_ =	shalt  }
0x79: {  	_ =	shalt  }
0x7a: {  	_ =	shalt  }
0x7b: {  	_ =	shalt  }
0x7c: {  	_ =	shalt  }
0x7d: {  	_ =	shalt  }
0x7e: {  	_ =	shalt  }
0x7f: {  	_ =	shalt  }
0x80: {  	_ =	shalt  }
0x81: {  	_ =	shalt  }
0x82: {  	_ =	shalt  }
0x83: {  	_ =	shalt  }
0x84: {  	_ =	shalt  }
0x85: {  	_ =	shalt  }
0x86: {  	_ =	shalt  }
0x87: {  	_ =	shalt  }
.Lfunc_end0:
.L_simem_size_0:
called_computation.2_lowered:
.L_overlay_start_0:
0x88: {  	s2 =	sld [smem:$0x3FD9]  }
0x89: {  	s3 =	sld [smem:$0x3FFE];
	_ =	sdelay $0x1  }
0x8a: {  	s1 =	srdreg.scid  }
0x8b: {  	s0 =	sand.u32 $0x1, s1  }
0x8c: {  	s17 =	sshll.u32 s0, $0xA;
	s2 =	sadd.s32 s3, s2  }
0x8d: {  	s2 =	sadd.s32 s2, s17  }
0x8e: {  	[smem:$0x3FBD] =	sst s2  }
0x8f: {  	_ = 	snop  }
0x90: {  	s2 =	sld [smem:$0x3FC7]  }
0x91: {  	s18 =	sld [smem:$0x3FD0];
	(tm) =	ssettm $0x1  }
0x92: {  	s4 =	sld [smem:$0x3FFB];
	_ =	sdelay $0x3  }
0x93: {  	_ =	strace s4  }
0x94: {  	s4 =	sld [smem:$0x3FFC];
	_ =	sdelay $0x3  }
0x95: {  	_ =	strace s4  }
0x96: {  	s4 =	sld [smem:$0x3FFD];
	_ =	sdelay $0x3  }
0x97: {  	_ =	strace s4  }
0x98: {  	_ =	strace $0x8FFFFFFF  }
0x99: {  	s19 =	sld [smem:$0x3FDB];
	_ =	sdelay $0x1  }
0x9a: {  	s5 =	simm.s32 $_scs_section_size  }
0x9b: {  	s6 =	simm.s32 $_size__tile_overlayer_lowered;
	s7 =	simm.s32 $_tile_overlayer_lowered  }
0x9c: {  	s22 =	simm.s32 $0x1BFF;
	s21 =	sshll.u32 s7, $0x1;
	s4 =	sadd.s32 s5, s19  }
0x9d: {  	s8 =	simm.s32 $0x0;
	s20 =	sshll.u32 s6, $0x1;
	s6 =	sadd.s32 s21, s4  }
0x9e: {  	[timem:s8], [sflag:s22] =	dma.local [hbm:s6], s20  }
0x9f: {  	_ =	swait.ge [sflag:s22], s20  }
0xa0: {  	s5 =	ssub.s32 $0x0, s20;
	[sflag:s22] =	ssyncset.done $0x0  }
0xa1: {  	[sflag:s22] =	ssyncadd.s32 s5;
	_ =	sdelay $0x1  }
0xa2: {  	s23 =	simm.s32 $0x1B8B  }
0xa3: {  	_ =	swait.ge [sflag:s23], $0x1  }
0xa4: {  	[sflag:s23] =	ssyncset.done $0x0  }
0xa5: {  	s25 =	simm.s32 $0x1B8E;
	s24 =	sld [smem:$0x3FFE];
	[sflag:s23] =	ssyncadd.s32 $0xFFFFFFFF  }
0xa6: {  	s26 =	simm.s32 $execute0_lowered;
	[smem:$0x3FD2] =	sst s25  }
0xa7: {  	s6 =	sshll.u32 s26, $0x1;
	_ =	strace $0x80000049;
	[dreg:$0x1] =	wrdreg $0xFFFFFFFF  }
0xa8: {  	s28 =	simm.s32 $_size_execute0_lowered;
	s4 =	sadd.s32 s4, s6;
	[dreg:$0x0] =	wrdreg $0x0  }
0xa9: {  	s6 =	sshll.u32 s28, $0x1;
	[dreg:$0x2] =	wrdreg s4  }
0xaa: {  	[dreg:$0x3] =	wrdreg s6  }
0xab: {  	[dreg:$0x4] =	wrdreg $0xC0  }
0xac: {  	_ =	task [dreg:s8], $0x5FFFF  }
0xad: {  	[dreg:$0x1] =	wrdreg $0xFFFFFFFF  }
0xae: {  	[dreg:$0x0] =	wrdreg $0x60  }
0xaf: {  	[dreg:$0x2] =	wrdreg s2  }
0xb0: {  	[dreg:$0x3] =	wrdreg s18  }
0xb1: {  	[dreg:$0x4] =	wrdreg s24  }
0xb2: {  	[dreg:$0x5] =	wrdreg $0x9  }
0xb3: {  	_ =	task.clear_ibuf [dreg:s8], $0x6FFFF;
	_ =	strace $0x90000049  }
0xb4: {  	s29 =	simm.s32 $0x9;
	_ =	strace $0x8000004B  }
0xb5: {  	_ =	swait.ge [sflag:s29], $0x1  }
0xb6: {  	[sflag:s29] =	ssyncadd.s32 $0xFFFFFFFF  }
0xb7: {  	_ =	strace $0x9000004B  }
0xb8: {  	_ =	sfence  }
0xb9: {  	s30 =	sld [smem:$0x0];
	_ =	sdelay $0x2  }
0xba: {  	s31 =	sshll.u32 s1, $0xD;
	s1 =	sshrl.u32 s1, $0x2  }
0xbb: {  	s3 =	sand.u32 $0x4000, s31;
	s1 =	sadd.s32 s1, s30  }
0xbc: {  	s0 =	sor.u32 s3, s0;
	s1 =	sshll.u32 s1, $0x11  }
0xbd: {  	s0 =	sor.u32 s1, s0  }
0xbe: {  	s0 =	sadd.s32 $0x8F2B, s0  }
0xbf: {  	[sflag:s0] =	ssyncadd.remote.s32 $0x1  }
0xc0: {  	_ =	sfence.sel $0xFFFF  }
0xc1: {  	[dreg:$0x0] =	wrdreg $0xFFFFFFFF;
	(pc) =	sbr.abs _section_cstart, $3  }
0xc2: {  	[dreg:$0x1] =	wrdreg $0xFFFFFFFF  }
0xc3: {  	_ =	task.clear_ibuf [dreg:s8], $0x2FFFF;
	_ =	strace $0x9FFFFFFF  }
0xc4: {  	(tm) =	ssettm $0x7FFFFFFF  }
0xc5: {  	_ =	shalt  }
tec
execute0_lowered:
.L_overlay_start_1:
0x0: {  	(tag) =	ssettag $0x1  }
0x1: {  	s1 =	rddreg [dreg:$0x0]  }
0x2: {  	s2 =	srdreg.scid;
	s5 =	rddreg [dreg:$0x1]  }
0x3: {  	s0 =	stileid.u32;
	s7 =	rddreg [dreg:$0x2];
	s3 =	simm.s32 $0x0  }
0x4: {  	s4 =	sand.u32 $0x1, s2;
	s30 =	sshll.u32 s0, $0x1;
	s2 =	rddreg [dreg:$0x3]  }
0x5: {  	[smem:$0x7FF] =	sst s3;
	s10 =	smul.u32 $0xC8000, s0;
	s7 =	sadd.s32 $0x1E00, s7  }
0x6: {  	s6 =	sor.u32 s4, s30;
	s9 =	ssub.s32 $0x2, s4;
	s12 =	smul.u32 $0x64000, s4  }
0x7: {  	_ =	strace $0x8000004A;
	s8 =	smul.u32 $0x190, s6;
	s11 =	sshrl.u32 s9, $0x1  }
0x8: {  	s6 =	smul.u32 $0x64000, s6;
	s9 =	ssub.s32 s9, s11;
	s31 =	sadd.s32 s12, s10  }
0x9: {  	s10 =	simm.s32 $0x1;
	s11 =	simm.s32 $0x4;
	s12 =	simm.s32 $0x0  }
0xa: {  	s6 =	sshrl.u32 s6, $0x3;
	s4 =	sadd.s32 s5, s8;
	s5 =	smax.u32 s9, $0x1  }
0xb: {  	s8 =	sshrl.u32 s31, $0x3;
	s9 =	simm.s32 $0xC80;
	s6 =	sadd.s32 s7, s6  }
0xc: {  	s7 =	sadd.s32 s8, s7;
	s8 =	simm.s32 $0x3;
	s6 =	sadd.s32 $0xC000, s6  }
.LBB2_1:
0xd: {  	[tilespmem:s3], [sflag:$0x3] =	stream.linear.gather [hbm4b:s4+s3], $0xC80, $0x38;
	[tilespmem:$0x8C80] =	vst v63  }
0xe: {  	_ =	swait.ge [sflag:s8], $0xC80  }
0xf: {  	s14 =	sand.u32 $0x1, s3;
	[sflag:s8] =	ssyncset.done $0x0  }
0x10: {  	s13 =	simm.s32 $0x80;
	p0 =	seq.s32 s14, $0x1;
	[sflag:s8] =	ssyncadd.s32 $0xFFFFF380  }
0x11: {  	[tilespmem:s9], [sflag:$0x1] =	stream.indirect.gather [hbm4b:s1+s13], $0x80, s3, s13, $0xb8;
	[tilespmem:$0x8C80] =	vst v63  }
0x12: {  	s14 =	simm.s32 @p0 $0x80;
	s15 =	simm.s32 @p0 $0xC80;
	s16 =	simm.s32 @p0 $0x2  }
0x13: {  	[tilespmem:s15], [sflag:$0x1] =	stream.indirect.gather @p0 [hbm4b:s1+s14], $0x80, s13, s14, $0xb8;
	[tilespmem:$0x8C80] =	vst v63  }
0x14: {  	_ =	swait.ge @p0 [sflag:s16], $0x4000  }
0x15: {  	[sflag:s16] =	ssyncset.done @p0 $0x0  }
0x16: {  	s14 =	simm.s32 @p0 $0x0;
	s15 =	simm.s32 @p0 $0x4C80;
	[sflag:s16] =	ssyncadd.s32 @p0 $0xFFFFC000  }
0x17: {  	[hbm4b:s7+s14] =	stream.linear.scatter @p0 [tilespmem:s15], [sflag:$0x3], $0x4000, $0x38;
	[tilespmem:$0x8C80] =	vst v63  }
0x18: {  	s17 =	simm.s32 @!p0 $0x1;
	s14 =	simm.s32 @!p0 $0x80;
	s15 =	simm.s32 @!p0 $0x4C80  }
0x19: {  	[tilespmem:s15], [sflag:$0x2] =	stream.indirect.gather @!p0 [hbm4b:s1+s14], $0x80, s13, s14, $0xb8;
	[tilespmem:$0x8C80] =	vst v63  }
0x1a: {  	s16 =	simm.s32 @!p0 $0x4;
	_ =	swait.ge @!p0 [sflag:s17], $0x4000  }
0x1b: {  	s31 =	simm.s32 $0x1;
	s16 =	simm.s32 @p0 $0x3;
	[sflag:s17] =	ssyncset.done @!p0 $0x0  }
0x1c: {  	s13 =	simm.s32 @!p0 $0xC80;
	[sflag:s17] =	ssyncadd.s32 @!p0 $0xFFFFC000;
	s17 =	simm.s32 @!p0 $0x0  }
0x1d: {  	[hbm4b:s7+s17] =	stream.linear.scatter @!p0 [tilespmem:s13], [sflag:$0x4], $0x4000, $0x38;
	[tilespmem:$0x8C80] =	vst v63  }
0x1e: {  	s15 =	simm.s32 $0x2;
	s14 =	sand.u32 $0x1, s31;
	s13 =	sadd.s32 $0x800, s7  }
0x1f: {  	p0 =	seq.s32 s14, $0x1;
	s14 =	simm.s32 $0x100;
	_ =	swait.ge [sflag:s16], $0x4000  }
.LBB2_2:
0x20: {  	s17 =	simm.s32 @p0 $0x80;
	s18 =	simm.s32 @p0 $0xC80  }
0x21: {  	[sflag:s16] =	ssyncset.done $0x0;
	s19 =	smov.u32 s15;
	s20 =	smov.u32 s13  }
0x22: {  	s15 =	sadd.s32 $0x1, s15;
	s21 =	simm.s32 @p0 $0x2;
	[sflag:s16] =	ssyncadd.s32 $0xFFFFC000  }
0x23: {  	[tilespmem:s18], [sflag:$0x1] =	stream.indirect.gather @p0 [hbm4b:s1+s17], $0x80, s14, s17, $0xb8;
	[tilespmem:$0x8C80] =	vst v63  }
0x24: {  	p1 =	sne.s32 s15, $0x18;
	_ =	swait.ge @p0 [sflag:s21], $0x4000  }
0x25: {  	s13 =	sadd.s32 $0x800, s13;
	[sflag:s21] =	ssyncset.done @p0 $0x0  }
0x26: {  	s16 =	simm.s32 @p0 $0x0;
	s17 =	simm.s32 @p0 $0x4C80;
	[sflag:s21] =	ssyncadd.s32 @p0 $0xFFFFC000  }
0x27: {  	[hbm4b:s20+s16] =	stream.linear.scatter @p0 [tilespmem:s17], [sflag:$0x3], $0x4000, $0x38;
	[tilespmem:$0x8C80] =	vst v63  }
0x28: {  	s18 =	simm.s32 @!p0 $0x1;
	s16 =	simm.s32 @!p0 $0x80;
	s17 =	simm.s32 @!p0 $0x4C80  }
0x29: {  	[tilespmem:s17], [sflag:$0x2] =	stream.indirect.gather @!p0 [hbm4b:s1+s16], $0x80, s14, s16, $0xb8;
	[tilespmem:$0x8C80] =	vst v63  }
.Ltmp0:
0x2a: {  	s17 =	sand.u32 $0x1, s19;
	_ =	swait.ge @!p0 [sflag:s18], $0x4000;
	(pc) =	sbr.rel @p1 .LBB2_2-.Ltmp0, $4  }
0x2b: {  	s19 =	simm.s32 @!p0 $0xC80;
	s16 =	simm.s32 @!p0 $0x4;
	[sflag:s18] =	ssyncset.done @!p0 $0x0  }
0x2c: {  	s16 =	simm.s32 @p0 $0x3;
	[sflag:s18] =	ssyncadd.s32 @!p0 $0xFFFFC000;
	s18 =	simm.s32 @!p0 $0x0  }
0x2d: {  	[hbm4b:s20+s18] =	stream.linear.scatter @!p0 [tilespmem:s19], [sflag:$0x4], $0x4000, $0x38;
	[tilespmem:$0x8C80] =	vst v63  }
0x2e: {  	s14 =	sadd.s32 $0x80, s14;
	p0 =	seq.s32 s17, $0x1;
	_ =	swait.ge [sflag:s16], $0x4000  }
0x2f: {  	s15 =	simm.s32 @p0 $0x80;
	[sflag:s16] =	ssyncset.done $0x0  }
0x30: {  	s17 =	simm.s32 @p0 $0xC80;
	s18 =	simm.s32 @p0 $0x2;
	[sflag:s16] =	ssyncadd.s32 $0xFFFFC000  }
0x31: {  	[tilespmem:s17], [sflag:$0x1] =	stream.indirect.gather @p0 [hbm4b:s1+s15], $0x80, s14, s15, $0xb8;
	[tilespmem:$0x8C80] =	vst v63  }
0x32: {  	_ =	swait.ge @p0 [sflag:s18], $0x4000  }
0x33: {  	[sflag:s18] =	ssyncset.done @p0 $0x0  }
0x34: {  	s16 =	simm.s32 @p0 $0x4C80;
	s15 =	simm.s32 @p0 $0x0;
	[sflag:s18] =	ssyncadd.s32 @p0 $0xFFFFC000  }
0x35: {  	[hbm4b:s13+s15] =	stream.linear.scatter @p0 [tilespmem:s16], [sflag:$0x3], $0x4000, $0x38;
	[tilespmem:$0x8C80] =	vst v63  }
0x36: {  	s17 =	simm.s32 @!p0 $0x1;
	s15 =	simm.s32 @!p0 $0x80;
	s16 =	simm.s32 @!p0 $0x4C80  }
0x37: {  	[tilespmem:s16], [sflag:$0x2] =	stream.indirect.gather @!p0 [hbm4b:s1+s15], $0x80, s14, s15, $0xb8;
	[tilespmem:$0x8C80] =	vst v63  }
0x38: {  	_ =	swait.ge @!p0 [sflag:s17], $0x4000  }
0x39: {  	s14 =	simm.s32 @!p0 $0xC80;
	s15 =	simm.s32 @!p0 $0x4;
	[sflag:s17] =	ssyncset.done @!p0 $0x0  }
0x3a: {  	s16 =	simm.s32 @!p0 $0x0;
	s15 =	simm.s32 @p0 $0x3;
	[sflag:s17] =	ssyncadd.s32 @!p0 $0xFFFFC000  }
0x3b: {  	[hbm4b:s13+s16] =	stream.linear.scatter @!p0 [tilespmem:s14], [sflag:$0x4], $0x4000, $0x38;
	[tilespmem:$0x8C80] =	vst v63  }
0x3c: {  	_ =	swait.ge [sflag:s15], $0x4000  }
0x3d: {  	[sflag:s15] =	ssyncset.done $0x0  }
0x3e: {  	[sflag:s15] =	ssyncadd.s32 $0xFFFFC000  }
0x3f: {  	s12 =	sadd.s32 $0x1, s12;
	_ =	swait.ge [sflag:s10], $0x4000  }
0x40: {  	p0 =	sne.s32 s12, s5;
	[sflag:s10] =	ssyncset.done $0x0  }
.Ltmp1:
0x41: {  	[sflag:s10] =	ssyncadd.s32 $0xFFFFC000;
	(pc) =	sbr.rel @p0 .LBB2_1-.Ltmp1, $4  }
0x42: {  	[hbm4b:s6+s3] =	stream.linear.scatter [tilespmem:s9], [sflag:$0x4], $0x4000, $0x38;
	[tilespmem:$0x8C80] =	vst v63  }
0x43: {  	_ =	swait.ge [sflag:s11], $0x4000  }
0x44: {  	[sflag:s11] =	ssyncset.done $0x0  }
0x45: {  	[sflag:s11] =	ssyncadd.s32 $0xFFFFC000  }
0x46: {  	_ =	sfence.sel $0x180000  }
0x47: {  	[bflag:$0x0] =	sbarrier.arrive $0xFFFF  }
0x48: {  	p0 =	sne.s32 s0, $0x0;
	_ =	strace $0x9000004A  }
0x49: {  	s0 =	sadd.s32 @!p0 $0x100000, s2;
	[bflag:$0x2] =	sbarrier.arrive $0xFFFF  }
0x4a: {  	[sflag:s0] =	ssyncadd.tile.s32 @!p0 $0x1;
	_ =	shalt  }
.Lfunc_end2:
_tile_overlayer_lowered:
.L_overlay_start_2:
0x4b: {  	(tag) =	ssettag $0x2  }
0x4c: {  	s0 =	rddreg [dreg:$0x0];
	s2 =	stileid.u32  }
0x4d: {  	s1 =	rddreg [dreg:$0x1];
	p0 =	sne.s32 s2, $0x0  }
0x4e: {  	s3 =	rddreg [dreg:$0x2];
	[bflag:$0x3] =	sbarrier.arrive $0xFFFF;
	s2 =	simm.s32 @!p0 $0x1C03  }
0x4f: {  	[timem:s3], [sflag:s2] =	dma.local @!p0 [hbm:s0], s1  }
0x50: {  	s0 =	simm.s32 @!p0 $0x3  }
0x51: {  	_ =	swait.ge @!p0 [sflag:s0], s1  }
0x52: {  	s1 =	ssub.s32 @!p0 $0x0, s1;
	[sflag:s0] =	ssyncset.done @!p0 $0x0  }
0x53: {  	[sflag:s0] =	ssyncadd.s32 @!p0 s1  }
0x54: {  	[bflag:$0x3] =	sbarrier.arrive $0xFFFF  }
0x55: {  	_ =	shalt  }

// kernel: kernel.7.cloned.1.call-start
scs
__scs_entry_jumppad:
0x0: {  	(pc) =	sbr.rel $0x88, $3  }
0x1: {  	(tag) =	ssettag $0x0;
	lr =	simm.s32 $0x1  }
0x2: {  	[smem:$0x3F96] =	sst lr;
	_ =	strace $0xD0000000  }
0x3: {  	_ = 	snop  }
0x4: {  	_ = 	snop  }
0x5: {  	_ = 	snop  }
0x6: {  	_ = 	snop  }
0x7: {  	_ = 	snop  }
__scs_overlays_trampoline_lowered:
0x8: {  	[smem:$0x3FA5] =	sst s0  }
0x9: {  	[smem:$0x3FA6] =	sst s1  }
0xa: {  	[smem:$0x3FA7] =	sst s2  }
0xb: {  	[smem:$0x3FA8] =	sst s3  }
0xc: {  	[smem:$0x3FA9] =	sst s4  }
0xd: {  	[smem:$0x3FAA] =	sst s5  }
0xe: {  	[smem:$0x3FAB] =	sst s6  }
0xf: {  	[smem:$0x3FAC] =	sst s7  }
0x10: {  	[smem:$0x3FAD] =	sst s8  }
0x11: {  	[smem:$0x3FAE] =	sst s9;
	s0 =	simm.s32 @!p0 $0x0  }
0x12: {  	s1 =	sld [smem:$0x3F94];
	s0 =	simm.s32 @p0 $0x1  }
0x13: {  	[smem:$0x3FAF] =	sst s0;
	s0 =	simm.s32 @!p1 $0x0  }
0x14: {  	s2 =	sld [smem:$0x3F93];
	s0 =	simm.s32 @p1 $0x1  }
0x15: {  	[smem:$0x3FB0] =	sst s0;
	s0 =	simm.s32 @!p2 $0x0  }
0x16: {  	s3 =	sld [smem:$0x3FDB];
	s0 =	simm.s32 @p2 $0x1  }
0x17: {  	s4 =	simm.s32 $0x1BF5;
	[smem:$0x3FB2] =	sst s0  }
0x18: {  	s0 =	sld [smem:$0x3F95];
	_ =	swait.ge [sflag:s4], $0x0  }
0x19: {  	s7 =	sld [smem:$0x3F96]  }
0x1a: {  	s8 =	sadd.s32 $0xFFFFE003, lr  }
0x1b: {  	s9 =	sadd.s32 $0xFFFFFEF7, lr;
	s5 =	simm.s32 $0xFFFFFFFF;
	p2 =	slt.u32 s8, $0xFFFFF086  }
0x1c: {  	p1 =	slt.u32 s9, $0xF7A;
	s5 =	simm.s32 @!p2 $0x0  }
0x1d: {  	s5 =	simm.s32 @p1 $0x1;
	p0 =	seq.s32 s7, s2  }
0x1e: {  	s7 =	smul.u32 @!p0 $0xF7A, s2;
	p2 =	seq.s32 @!p0 s5, $0x0  }
0x1f: {  	s9 =	smul.u32 $0xF7A, s1;
	s8 =	simm.s32 @!p0 $0x1BF5;
	p2 =	por !p2, p0  }
0x20: {  	[sflag:s8] =	ssyncset.s32 @!p0 $0xFFFFF086;
	s6 =	sadd.s32 @!p0 s3, s7;
	s7 =	simm.s32 @!p0 $0x108  }
0x21: {  	s3 =	sadd.s32 s3, s9;
	s6 =	sadd.s32 @!p0 $0x88, s6;
	s7 =	simm.s32 @p2 $0x1082  }
0x22: {  	[simem:s7], [sflag:s8] =	dma.local @!p0 [hbm:s6], $0xF7A  }
0x23: {  	s9 =	sor.u32 $0xD0000000, s2;
	s6 =	simm.s32 $0x108;
	_ =	swait.ge @!p0 [sflag:s8], $0x0  }
0x24: {  	s3 =	sadd.s32 $0x88, s3;
	s6 =	simm.s32 @!p1 $0x1082;
	[sflag:s4] =	ssyncset.s32 $0xFFFFF086  }
0x25: {  	[simem:s6], [sflag:s4] =	dma.local [hbm:s3], $0xF7A  }
0x26: {  	[smem:$0x3F96] =	sst s1;
	(tag) =	ssettag s2;
	_ =	strace s9  }
0x27: {  	s1 =	sld [smem:$0x3FA6]  }
0x28: {  	s2 =	sld [smem:$0x3FA7]  }
0x29: {  	s4 =	sld [smem:$0x3FA9]  }
0x2a: {  	p0 =	seq.s32 s5, $0x0;
	s5 =	sld [smem:$0x3FAA]  }
0x2b: {  	s6 =	sld [smem:$0x3FAB]  }
0x2c: {  	s7 =	sld [smem:$0x3FAC]  }
0x2d: {  	s3 =	simm.s32 $0x108;
	s8 =	sld [smem:$0x3FAD]  }
0x2e: {  	s3 =	simm.s32 @!p0 $0x1082;
	s9 =	sld [smem:$0x3FAE]  }
0x2f: {  	lr =	sadd.s32 s0, s3;
	s0 =	sld [smem:$0x3FA5]  }
0x30: {  	s3 =	sld [smem:$0x3FA8]  }
0x31: {  	[smem:$0x3FB1] =	sst s10  }
0x32: {  	s10 =	sld [smem:$0x3FAF];
	_ =	sdelay $0x3  }
0x33: {  	p0 =	seq.s32 s10, $0x1;
	s10 =	sld [smem:$0x3FB1];
	_ =	sdelay $0x3  }
0x34: {  	[smem:$0x3FB1] =	sst s10  }
0x35: {  	s10 =	sld [smem:$0x3FB0];
	_ =	sdelay $0x3  }
0x36: {  	p1 =	seq.s32 s10, $0x1;
	s10 =	sld [smem:$0x3FB1];
	_ =	sdelay $0x3  }
0x37: {  	[smem:$0x3FB1] =	sst s10  }
0x38: {  	s10 =	sld [smem:$0x3FB2]  }
0x39: {  	_ = 	snop;
	(pc) =	sbr.ind lr, $3  }
0x3a: {  	_ = 	snop  }
0x3b: {  	_ = 	snop  }
0x3c: {  	p2 =	seq.s32 s10, $0x1;
	s10 =	sld [smem:$0x3FB1]  }
0x3d: {  	_ =	shalt  }
0x3e: {  	_ =	shalt  }
0x3f: {  	_ =	shalt  }
0x40: {  	_ =	shalt  }
0x41: {  	_ =	shalt  }
0x42: {  	_ =	shalt  }
0x43: {  	_ =	shalt  }
0x44: {  	_ =	shalt  }
0x45: {  	_ =	shalt  }
0x46: {  	_ =	shalt  }
0x47: {  	_ =	shalt  }
0x48: {  	_ =	shalt  }
0x49: {  	_ =	shalt  }
0x4a: {  	_ =	shalt  }
0x4b: {  	_ =	shalt  }
0x4c: {  	_ =	shalt  }
0x4d: {  	_ =	shalt  }
0x4e: {  	_ =	shalt  }
0x4f: {  	_ =	shalt  }
0x50: {  	_ =	shalt  }
0x51: {  	_ =	shalt  }
0x52: {  	_ =	shalt  }
0x53: {  	_ =	shalt  }
0x54: {  	_ =	shalt  }
0x55: {  	_ =	shalt  }
0x56: {  	_ =	shalt  }
0x57: {  	_ =	shalt  }
0x58: {  	_ =	shalt  }
0x59: {  	_ =	shalt  }
0x5a: {  	_ =	shalt  }
0x5b: {  	_ =	shalt  }
0x5c: {  	_ =	shalt  }
0x5d: {  	_ =	shalt  }
0x5e: {  	_ =	shalt  }
0x5f: {  	_ =	shalt  }
0x60: {  	_ =	shalt  }
0x61: {  	_ =	shalt  }
0x62: {  	_ =	shalt  }
0x63: {  	_ =	shalt  }
0x64: {  	_ =	shalt  }
0x65: {  	_ =	shalt  }
0x66: {  	_ =	shalt  }
0x67: {  	_ =	shalt  }
0x68: {  	_ =	shalt  }
0x69: {  	_ =	shalt  }
0x6a: {  	_ =	shalt  }
0x6b: {  	_ =	shalt  }
0x6c: {  	_ =	shalt  }
0x6d: {  	_ =	shalt  }
0x6e: {  	_ =	shalt  }
0x6f: {  	_ =	shalt  }
0x70: {  	_ =	shalt  }
0x71: {  	_ =	shalt  }
0x72: {  	_ =	shalt  }
0x73: {  	_ =	shalt  }
0x74: {  	_ =	shalt  }
0x75: {  	_ =	shalt  }
0x76: {  	_ =	shalt  }
0x77: {  	_ =	shalt  }
0x78: {  	_ =	shalt  }
0x79: {  	_ =	shalt  }
0x7a: {  	_ =	shalt  }
0x7b: {  	_ =	shalt  }
0x7c: {  	_ =	shalt  }
0x7d: {  	_ =	shalt  }
0x7e: {  	_ =	shalt  }
0x7f: {  	_ =	shalt  }
0x80: {  	_ =	shalt  }
0x81: {  	_ =	shalt  }
0x82: {  	_ =	shalt  }
0x83: {  	_ =	shalt  }
0x84: {  	_ =	shalt  }
0x85: {  	_ =	shalt  }
0x86: {  	_ =	shalt  }
0x87: {  	_ =	shalt  }
.Lfunc_end0:
.L_simem_size_0:
called_computation.1_lowered:
.L_overlay_start_0:
0x88: {  	s2 =	sld [smem:$0x3FD9]  }
0x89: {  	s3 =	sld [smem:$0x3FFE];
	_ =	sdelay $0x1  }
0x8a: {  	s1 =	srdreg.scid  }
0x8b: {  	s0 =	sand.u32 $0x1, s1  }
0x8c: {  	s17 =	sshll.u32 s0, $0xA;
	s2 =	sadd.s32 s3, s2  }
0x8d: {  	s2 =	sadd.s32 s2, s17  }
0x8e: {  	[smem:$0x3FBD] =	sst s2  }
0x8f: {  	_ = 	snop  }
0x90: {  	s2 =	sld [smem:$0x3FD0];
	(tm) =	ssettm $0x1  }
0x91: {  	s18 =	sld [smem:$0x3FFB];
	_ =	sdelay $0x3  }
0x92: {  	_ =	strace s18  }
0x93: {  	s3 =	sld [smem:$0x3FFC];
	_ =	sdelay $0x3  }
0x94: {  	_ =	strace s3  }
0x95: {  	s3 =	sld [smem:$0x3FFD];
	_ =	sdelay $0x3  }
0x96: {  	_ =	strace s3  }
0x97: {  	_ =	strace $0x8FFFFFFF  }
0x98: {  	s19 =	sld [smem:$0x3FDB];
	_ =	sdelay $0x1  }
0x99: {  	s4 =	simm.s32 $_scs_section_size  }
0x9a: {  	s5 =	simm.s32 $_size__tile_overlayer_lowered;
	s6 =	simm.s32 $_tile_overlayer_lowered  }
0x9b: {  	s22 =	simm.s32 $0x1BFF;
	s21 =	sshll.u32 s6, $0x1;
	s3 =	sadd.s32 s4, s19  }
0x9c: {  	s7 =	simm.s32 $0x0;
	s20 =	sshll.u32 s5, $0x1;
	s5 =	sadd.s32 s21, s3  }
0x9d: {  	[timem:s7], [sflag:s22] =	dma.local [hbm:s5], s20  }
0x9e: {  	_ =	swait.ge [sflag:s22], s20  }
0x9f: {  	s4 =	ssub.s32 $0x0, s20;
	[sflag:s22] =	ssyncset.done $0x0  }
0xa0: {  	[sflag:s22] =	ssyncadd.s32 s4;
	_ =	sdelay $0x1  }
0xa1: {  	s23 =	simm.s32 $0x1B8B  }
0xa2: {  	_ =	swait.ge [sflag:s23], $0x1  }
0xa3: {  	[sflag:s23] =	ssyncset.done $0x0  }
0xa4: {  	s25 =	simm.s32 $0x1B8E;
	s24 =	sld [smem:$0x3FFE];
	[sflag:s23] =	ssyncadd.s32 $0xFFFFFFFF  }
0xa5: {  	s26 =	simm.s32 $execute0_lowered;
	[smem:$0x3FD2] =	sst s25  }
0xa6: {  	s5 =	sshll.u32 s26, $0x1;
	_ =	strace $0x80000046;
	[dreg:$0x1] =	wrdreg $0xFFFFFFFF  }
0xa7: {  	s28 =	simm.s32 $_size_execute0_lowered;
	s3 =	sadd.s32 s3, s5;
	[dreg:$0x0] =	wrdreg $0x0  }
0xa8: {  	s5 =	sshll.u32 s28, $0x1;
	[dreg:$0x2] =	wrdreg s3  }
0xa9: {  	[dreg:$0x3] =	wrdreg s5  }
0xaa: {  	[dreg:$0x4] =	wrdreg $0xC0  }
0xab: {  	_ =	task [dreg:s7], $0x5FFFF  }
0xac: {  	[dreg:$0x1] =	wrdreg $0xFFFFFFFF  }
0xad: {  	[dreg:$0x0] =	wrdreg $0x60  }
0xae: {  	[dreg:$0x2] =	wrdreg s24  }
0xaf: {  	[dreg:$0x3] =	wrdreg s2  }
0xb0: {  	[dreg:$0x4] =	wrdreg $0x9  }
0xb1: {  	_ =	task.clear_ibuf [dreg:s7], $0x5FFFF;
	_ =	strace $0x90000046  }
0xb2: {  	s29 =	simm.s32 $0x9;
	_ =	strace $0x80000048  }
0xb3: {  	_ =	swait.ge [sflag:s29], $0x1  }
0xb4: {  	[sflag:s29] =	ssyncadd.s32 $0xFFFFFFFF  }
0xb5: {  	_ =	strace $0x90000048  }
0xb6: {  	_ =	sfence  }
0xb7: {  	s30 =	sld [smem:$0x0];
	_ =	sdelay $0x2  }
0xb8: {  	s31 =	sshll.u32 s1, $0xD;
	s1 =	sshrl.u32 s1, $0x2  }
0xb9: {  	s3 =	sand.u32 $0x4000, s31;
	s1 =	sadd.s32 s1, s30  }
0xba: {  	s0 =	sor.u32 s3, s0;
	s1 =	sshll.u32 s1, $0x11  }
0xbb: {  	s0 =	sor.u32 s1, s0  }
0xbc: {  	s0 =	sadd.s32 $0x8F2B, s0  }
0xbd: {  	[sflag:s0] =	ssyncadd.remote.s32 $0x1  }
0xbe: {  	_ =	sfence.sel $0xFFFF  }
0xbf: {  	[dreg:$0x0] =	wrdreg $0xFFFFFFFF;
	(pc) =	sbr.abs _section_cstart, $3  }
0xc0: {  	[dreg:$0x1] =	wrdreg $0xFFFFFFFF  }
0xc1: {  	_ =	task.clear_ibuf [dreg:s7], $0x2FFFF;
	_ =	strace $0x9FFFFFFF  }
0xc2: {  	(tm) =	ssettm $0x7FFFFFFF  }
0xc3: {  	_ =	shalt  }
tec
execute0_lowered:
.L_overlay_start_1:
0x0: {  	(tag) =	ssettag $0x1  }
0x1: {  	s0 =	rddreg [dreg:$0x0]  }
0x2: {  	s11 =	rddreg [dreg:$0x1];
	s2 =	simm.s32 $0x0;
	s1 =	stileid.u32  }
0x3: {  	s3 =	srdreg.scid;
	s15 =	simm.s32 $0x1;
	s16 =	simm.s32 $0x4000  }
0x4: {  	s17 =	simm.s32 $0x8000;
	s18 =	simm.s32 $0xC000;
	s19 =	simm.s32 $0x10000  }
0x5: {  	s20 =	simm.s32 $0x10080;
	s21 =	simm.s32 $0x10100;
	s22 =	simm.s32 $0x10180  }
0x6: {  	s23 =	simm.s32 $0x14200;
	s24 =	simm.s32 $0x10200;
	s25 =	simm.s32 $0x14600  }
0x7: {  	s26 =	simm.s32 $0x14680;
	s28 =	simm.s32 $0x0;
	[smem:$0x7FF] =	sst s2  }
0x8: {  	s12 =	sshrl.u32 s1, $0x3;
	s3 =	sand.u32 $0x1, s3;
	s4 =	sshll.u32 s1, $0x5  }
0x9: {  	s8 =	sshll.u32 s1, $0x1;
	_ =	strace $0x80000047;
	s5 =	sshll.u32 s12, $0x4  }
0xa: {  	s6 =	sshll.u32 s3, $0x3;
	s4 =	sand.u32 $0xE0, s4;
	s29 =	ssub.s32 $0x2, s3  }
0xb: {  	s8 =	sor.u32 s3, s8;
	s31 =	sshll.u32 s12, $0xE;
	s7 =	sadd.s32 s5, s0  }
0xc: {  	s4 =	sor.u32 s6, s4;
	s30 =	sshrl.u32 s29, $0x1;
	s14 =	smul.u32 $0x190, s8  }
0xd: {  	s4 =	sor.u32 s5, s4;
	s13 =	ssub.s32 s29, s30;
	s3 =	sadd.s32 $0x5600, s7  }
0xe: {  	s5 =	sadd.s32 $0x2600, s7;
	s6 =	sadd.s32 $0x3600, s7;
	s0 =	sadd.s32 s4, s0  }
0xf: {  	s4 =	sadd.s32 $0x4600, s7;
	s11 =	sadd.s32 s11, s14;
	s12 =	smax.u32 s13, $0x1  }
0x10: {  	v15 =	vmov s31;
	s13 =	simm.s32 $0x80;
	s14 =	simm.s32 $0x100;
	s7 =	sadd.s32 $0x2400, s0  }
0x11: {  	[tilespmem:$0x1FFF0] =	vst v15;
	s8 =	sadd.s32 $0x2200, s0;
	s9 =	sadd.s32 $0x2000, s0;
	s10 =	sadd.s32 $0x1E00, s0  }
.LBB2_1:
0x12: {  	[tilespmem:s2], [sflag:$0x1] =	stream.strided.gather [hbm4b:s3+s13], $0x4000, s14, s13, $0x38;
	[tilespmem:$0x15380] =	vst v63  }
0x13: {  	_ =	swait.ge [sflag:s15], $0x4000  }
0x14: {  	[sflag:s15] =	ssyncset.done $0x0  }
0x15: {  	[sflag:s15] =	ssyncadd.s32 $0xFFFFC000  }
0x16: {  	[tilespmem:s16], [sflag:$0x1] =	stream.strided.gather [hbm4b:s4+s13], $0x4000, s14, s13, $0x38;
	[tilespmem:$0x15380] =	vst v63  }
0x17: {  	_ =	swait.ge [sflag:s15], $0x4000  }
0x18: {  	[sflag:s15] =	ssyncset.done $0x0  }
0x19: {  	[sflag:s15] =	ssyncadd.s32 $0xFFFFC000  }
0x1a: {  	[tilespmem:s17], [sflag:$0x1] =	stream.strided.gather [hbm4b:s5+s13], $0x4000, s14, s13, $0x38;
	[tilespmem:$0x15380] =	vst v63  }
0x1b: {  	_ =	swait.ge [sflag:s15], $0x4000  }
0x1c: {  	[sflag:s15] =	ssyncset.done $0x0  }
0x1d: {  	[sflag:s15] =	ssyncadd.s32 $0xFFFFC000  }
0x1e: {  	[tilespmem:s18], [sflag:$0x1] =	stream.strided.gather [hbm4b:s6+s13], $0x4000, s14, s13, $0x38;
	[tilespmem:$0x15380] =	vst v63  }
0x1f: {  	_ =	swait.ge [sflag:s15], $0x4000  }
0x20: {  	[sflag:s15] =	ssyncset.done $0x0  }
0x21: {  	[sflag:s15] =	ssyncadd.s32 $0xFFFFC000  }
0x22: {  	[tilespmem:s19], [sflag:$0x1] =	stream.linear.gather [hbm4b:s7+s2], $0x40, $0x38;
	[tilespmem:$0x15380] =	vst v63  }
0x23: {  	_ =	swait.ge [sflag:s15], $0x40  }
0x24: {  	[sflag:s15] =	ssyncset.done $0x0  }
0x25: {  	[sflag:s15] =	ssyncadd.s32 $0xFFFFFFC0  }
0x26: {  	[tilespmem:s20], [sflag:$0x1] =	stream.linear.gather [hbm4b:s8+s2], $0x40, $0x38;
	[tilespmem:$0x15380] =	vst v63  }
0x27: {  	_ =	swait.ge [sflag:s15], $0x40  }
0x28: {  	[sflag:s15] =	ssyncset.done $0x0  }
0x29: {  	[sflag:s15] =	ssyncadd.s32 $0xFFFFFFC0  }
0x2a: {  	[tilespmem:s21], [sflag:$0x1] =	stream.linear.gather [hbm4b:s9+s2], $0x40, $0x38;
	[tilespmem:$0x15380] =	vst v63  }
0x2b: {  	_ =	swait.ge [sflag:s15], $0x40  }
0x2c: {  	[sflag:s15] =	ssyncset.done $0x0  }
0x2d: {  	[sflag:s15] =	ssyncadd.s32 $0xFFFFFFC0  }
0x2e: {  	[tilespmem:s22], [sflag:$0x1] =	stream.linear.gather [hbm4b:s10+s2], $0x40, $0x38;
	[tilespmem:$0x15380] =	vst v63  }
0x2f: {  	_ =	swait.ge [sflag:s15], $0x40  }
0x30: {  	[sflag:s15] =	ssyncset.done $0x0  }
0x31: {  	s29 =	simm.s32 $0x0;
	[sflag:s15] =	ssyncadd.s32 $0xFFFFFFC0  }
.LBB2_2:
0x32: {  	s30 =	simm.s32 $0x0  }
0x33: {  	v8 =	vld [tilespmem:s30+$0xFC00]  }
0x34: {  	v9 =	vld [tilespmem:s30+$0xF800]  }
0x35: {  	v10 =	vld [tilespmem:s30+$0xF400]  }
0x36: {  	v11 =	vld [tilespmem:s30+$0xF000]  }
0x37: {  	v12 =	vld [tilespmem:s30+$0xEC00]  }
0x38: {  	v13 =	vld [tilespmem:s30+$0xBC00]  }
0x39: {  	v14 =	vld [tilespmem:s30+$0xE800]  }
0x3a: {  	v15 =	vld [tilespmem:s30+$0xB800]  }
0x3b: {  	v16 =	vld [tilespmem:s30+$0xE400]  }
0x3c: {  	v17 =	vld [tilespmem:s30+$0xB400]  }
0x3d: {  	v18 =	vld [tilespmem:s30+$0x3C00]  }
0x3e: {  	v21 =	vld [tilespmem:s30+$0x7C00]  }
0x3f: {  	v25 =	vld [tilespmem:s30+$0xE000]  }
0x40: {  	v23 =	vld [tilespmem:s30+$0xB000]  }
0x41: {  	v26 =	vld [tilespmem:s30+$0x3800]  }
0x42: {  	v27 =	vld [tilespmem:s30+$0x7800]  }
0x43: {  	v28 =	vld [tilespmem:s30+$0xDC00]  }
0x44: {  	v29 =	vld [tilespmem:s30+$0xAC00]  }
0x45: {  	v30 =	vld [tilespmem:s30+$0x3400]  }
0x46: {  	v31 =	vld [tilespmem:s30+$0x7400]  }
0x47: {  	v32 =	vld [tilespmem:s30+$0xD800]  }
0x48: {  	v33 =	vld [tilespmem:s30+$0xA800]  }
0x49: {  	v34 =	vld [tilespmem:s30+$0x3000]  }
0x4a: {  	v35 =	vld [tilespmem:s30+$0x7000]  }
0x4b: {  	v36 =	vld [tilespmem:s30+$0xD400]  }
0x4c: {  	v37 =	vld [tilespmem:s30+$0xA400]  }
0x4d: {  	v38 =	vld [tilespmem:s30+$0x2C00]  }
0x4e: {  	v39 =	vld [tilespmem:s30+$0x6C00]  }
0x4f: {  	v46 =	vld [tilespmem:s30+$0xD000]  }
0x50: {  	v41 =	vld [tilespmem:s30+$0x2800]  }
0x51: {  	v42 =	vld [tilespmem:s30+$0x6800]  }
0x52: {  	v49 =	vld [tilespmem:s30+$0xCC00]  }
0x53: {  	v44 =	vld [tilespmem:s30+$0x2400]  }
0x54: {  	v6 =	vmov s29;
	v45 =	vld [tilespmem:s30+$0x6400]  }
0x55: {  	v0 =	vld [tilespmem:s30+$0xC800]  }
0x56: {  	v47 =	vld [tilespmem:s30+$0x2000]  }
0x57: {  	v48 =	vld [tilespmem:s30+$0x6000]  }
0x58: {  	v50 =	vld [tilespmem:s30+$0x1C00]  }
0x59: {  	v5 =	vld.idx.msk [tilespmem:v6+s19+$0x0], $0xffff  }
0x5a: {  	v3 =	vld.idx.msk [tilespmem:v6+s21+$0x0], $0xffff  }
0x5b: {  	v4 =	vld.idx.msk [tilespmem:v6+s20+$0x0], $0xffff  }
0x5c: {  	v6 =	vld.idx.msk [tilespmem:v6+s22+$0x0], $0xffff  }
0x5d: {  	v51 =	vld [tilespmem:s30+$0x5C00]  }
0x5e: {  	v55 =	vld [tilespmem:s30+$0xC000]  }
0x5f: {  	v54 =	vld [tilespmem:s30+$0x1800];
	v20 =	vmul.f32 v13, v3;
	v19 =	vmul.f32 v17, v3  }
0x60: {  	v7 =	vimm.f32 $3.000000010e+38;
	v60 =	vld [tilespmem:s30+$0x1400];
	v22 =	vmul.f32 v15, v3;
	v2 =	vmul.f32 v21, v4  }
0x61: {  	v61 =	vld [tilespmem:s30+$0x5400];
	v24 =	vmul.f32 v23, v3;
	v10 =	vadd.f32 v10, v6;
	v53 =	vmul.f32 v26, v5  }
0x62: {  	v62 =	vld [tilespmem:s30+$0x1000];
	v23 =	vmul.f32 v29, v3;
	v11 =	vadd.f32 v11, v6;
	v57 =	vmul.f32 v27, v4  }
0x63: {  	[tilespmem:$0x1FFC0] =	vst v0;
	v0 =	vld [tilespmem:s30+$0xC400];
	v12 =	vadd.f32 v12, v6;
	v1 =	vmul.f32 v31, v4;
	v27 =	vmul.f32 v33, v3  }
0x64: {  	v29 =	vld [tilespmem:s30+$0x5800];
	v13 =	vadd.f32 v14, v6;
	v52 =	vmul.f32 v34, v5;
	v26 =	vmul.f32 v37, v3  }
0x65: {  	v14 =	vadd.f32 v16, v6;
	v35 =	vmul.f32 v35, v4;
	v63 =	vmul.f32 v38, v5;
	v38 =	vld [tilespmem:s30+$0x5000]  }
0x66: {  	v15 =	vadd.f32 v25, v6;
	v56 =	vmul.f32 v39, v4;
	v41 =	vmul.f32 v41, v5;
	v39 =	vld [tilespmem:s30+$0xC00]  }
0x67: {  	v16 =	vadd.f32 v28, v6;
	v40 =	vmul.f32 v42, v4;
	v59 =	vmul.f32 v44, v5;
	v34 =	vld [tilespmem:s30+$0x4C00]  }
0x68: {  	v58 =	vmul.f32 v45, v4;
	v43 =	vmul.f32 v47, v5;
	[tilespmem:$0x1FFD0] =	vst v0;
	v0 =	vadd.f32 v8, v6;
	v8 =	vld [tilespmem:$0x1FFC0]  }
0x69: {  	v17 =	vadd.f32 v32, v6;
	v42 =	vmul.f32 v48, v4;
	v31 =	vmul.f32 v51, v4;
	v51 =	vld [tilespmem:s30+$0x400]  }
0x6a: {  	v21 =	vadd.f32 v46, v6;
	v33 =	vmul.f32 v60, v5;
	v60 =	vld [tilespmem:s30+$0x4400];
	[tilespmem:$0x1FFA0] =	vst v0;
	v0 =	vadd.f32 v9, v6  }
0x6b: {  	v25 =	vadd.f32 v49, v6;
	v37 =	vmul.f32 v61, v4;
	[tilespmem:$0x1FFE0] =	vst v1;
	v1 =	vld [tilespmem:s30+$0x800];
	v9 =	vmul.f32 v30, v5  }
0x6c: {  	v32 =	vadd.f32 v55, v6;
	v30 =	vmul.f32 v50, v5;
	v50 =	vld [tilespmem:s30+$0x4800];
	[tilespmem:$0x1FFB0] =	vst v0;
	v0 =	vmul.f32 v18, v5  }
0x6d: {  	v45 =	vmul.f32 v62, v5;
	v40 =	vadd.f32 v40, v41;
	v28 =	vadd.f32 v8, v6;
	v8 =	vld [tilespmem:$0x1FFD0]  }
0x6e: {  	v41 =	vadd.f32 v56, v63;
	v46 =	vmul.f32 v39, v5;
	v39 =	vadd.f32 v2, v0;
	v0 =	vld [tilespmem:$0x1FFE0]  }
0x6f: {  	v55 =	vld [tilespmem:s30+$0x4000];
	v42 =	vadd.f32 v42, v43;
	v18 =	vadd.f32 v36, v6;
	v36 =	vmul.f32 v54, v5  }
0x70: {  	v56 =	vld [tilespmem:s30+$0x9800];
	v43 =	vadd.f32 v58, v59;
	v44 =	vmul.f32 v29, v4;
	v47 =	vmul.f32 v38, v4  }
0x71: {  	v54 =	vld [tilespmem:s30+$0x0];
	v48 =	vmul.f32 v34, v4;
	v38 =	vadd.f32 v57, v53;
	v51 =	vmul.f32 v51, v5  }
0x72: {  	v34 =	vadd.f32 v35, v52;
	v52 =	vld [tilespmem:s30+$0x9C00];
	v57 =	vmul.f32 v60, v4;
	v49 =	vmul.f32 v1, v5  }
0x73: {  	s31 =	simm.s32 $0x100;
	v53 =	vmul.f32 v50, v4;
	v50 =	vld [tilespmem:s30+$0xA000];
	v29 =	vadd.f32 v8, v6;
	v35 =	vadd.f32 v0, v9  }
.LBB2_3:
0x74: {  	v36 =	vadd.f32 v44, v36;
	v31 =	vadd.f32 v31, v30  }
0x75: {  	v62 =	vld [tilespmem:s30+$0x9400];
	v45 =	vadd.f32 v47, v45;
	v33 =	vadd.f32 v37, v33  }
0x76: {  	v60 =	vld [tilespmem:s30+$0x8800];
	v47 =	vadd.f32 v53, v49;
	v46 =	vadd.f32 v48, v46  }
0x77: {  	v44 =	vld [tilespmem:s30+$0x9000];
	v58 =	vadd.f32 v57, v51;
	v38 =	vadd.f32 v22, v38  }
0x78: {  	v37 =	vld [tilespmem:s30+$0x8000];
	v20 =	vadd.f32 v20, v39;
	v34 =	vadd.f32 v24, v34  }
0x79: {  	v49 =	vld [tilespmem:s30+$0x8400];
	v35 =	vadd.f32 v19, v35;
	v40 =	vadd.f32 v27, v40  }
0x7a: {  	v0 =	vld [tilespmem:$0x1FFB0];
	v41 =	vadd.f32 v23, v41;
	v1 =	vmul.f32 v54, v5;
	v30 =	vmul.f32 v55, v4  }
0x7b: {  	s0 =	sshra.s32 s31, $0x2;
	v22 =	vld [tilespmem:s30+$0x8C00];
	v48 =	vadd.f32 v26, v43;
	v63 =	vmul.f32 v50, v3;
	v59 =	vmul.f32 v52, v3  }
0x7c: {  	v24 =	vld [tilespmem:s0+$0xFC00];
	v61 =	vmul.f32 v56, v3;
	v62 =	vmul.f32 v62, v3;
	v1 =	vadd.f32 v30, v1  }
0x7d: {  	v23 =	vld [tilespmem:s0+$0xF400];
	v19 =	vmul.f32 v44, v3;
	v27 =	vmul.f32 v37, v3;
	v63 =	vadd.f32 v63, v42  }
0x7e: {  	v26 =	vld [tilespmem:s0+$0xF000];
	v54 =	vmul.f32 v49, v3;
	v36 =	vadd.f32 v61, v36;
	v55 =	vadd.f32 v59, v31  }
0x7f: {  	v30 =	vld [tilespmem:s0+$0xF800];
	v31 =	vmul.f32 v60, v3;
	v33 =	vadd.f32 v62, v33;
	v1 =	vadd.f32 v27, v1  }
0x80: {  	v22 =	vmul.f32 v22, v3;
	v60 =	vld [tilespmem:s0+$0xB400];
	v56 =	vadd.f32 v54, v58;
	v57 =	vadd.f32 v19, v45  }
0x81: {  	v27 =	vld [tilespmem:s0+$0xEC00];
	v58 =	vadd.f32 v31, v47;
	v1 =	vadd.f32 v1, v1  }
0x82: {  	v19 =	vld [tilespmem:s0+$0xBC00];
	v46 =	vadd.f32 v22, v46;
	v39 =	vadd.f32 v56, v56  }
0x83: {  	v31 =	vld [tilespmem:s0+$0xE800];
	v45 =	vadd.f32 v58, v58;
	v1 =	vsub.f32 v32, v1  }
0x84: {  	v22 =	vld [tilespmem:s0+$0xB800];
	v59 =	vadd.f32 v46, v46;
	v29 =	vsub.f32 v29, v39  }
0x85: {  	v43 =	vadd.f32 v57, v57;
	v32 =	vld [tilespmem:s0+$0xE400];
	v28 =	vsub.f32 v28, v45;
	[tilespmem:s30+$0x10200] =	vst v1;
	v1 =	vmin.f32 v1, $3.000000010e+38  }
0x86: {  	v25 =	vsub.f32 v25, v59;
	v61 =	vld [tilespmem:s0+$0x3C00];
	[tilespmem:s30+$0x10600] =	vst v29;
	v1 =	vmin.f32 v1, v29;
	v29 =	vadd.f32 v33, v33  }
0x87: {  	v36 =	vadd.f32 v36, v36;
	v62 =	vld [tilespmem:s0+$0x7C00];
	[tilespmem:s30+$0x10A00] =	vst v28;
	v1 =	vmin.f32 v1, v28;
	v28 =	vsub.f32 v21, v43  }
0x88: {  	v21 =	vld [tilespmem:s0+$0xE000];
	[tilespmem:s30+$0x10E00] =	vst v25;
	v1 =	vmin.f32 v1, v25;
	v18 =	vsub.f32 v18, v29;
	v25 =	vadd.f32 v55, v55  }
0x89: {  	v17 =	vsub.f32 v17, v36;
	v29 =	vld [tilespmem:s0+$0xB000];
	[tilespmem:s30+$0x11200] =	vst v28;
	v1 =	vmin.f32 v1, v28;
	v28 =	vadd.f32 v63, v63  }
0x8a: {  	v63 =	vld [tilespmem:s0+$0x3800];
	[tilespmem:s30+$0x11600] =	vst v18;
	v1 =	vmin.f32 v1, v18;
	v16 =	vsub.f32 v16, v25;
	v18 =	vadd.f32 v48, v48  }
0x8b: {  	v25 =	vld [tilespmem:s0+$0x7800];
	[tilespmem:s30+$0x11A00] =	vst v17;
	v1 =	vmin.f32 v1, v17;
	v15 =	vsub.f32 v15, v28;
	v17 =	vadd.f32 v40, v40  }
0x8c: {  	v28 =	vld [tilespmem:s0+$0xDC00];
	[tilespmem:s30+$0x11E00] =	vst v16;
	v1 =	vmin.f32 v1, v16;
	v14 =	vsub.f32 v14, v18  }
0x8d: {  	v16 =	vadd.f32 v41, v41;
	v18 =	vld [tilespmem:s0+$0xAC00];
	[tilespmem:s30+$0x12200] =	vst v15;
	v1 =	vmin.f32 v1, v15;
	v13 =	vsub.f32 v13, v17  }
0x8e: {  	v17 =	vld [tilespmem:s0+$0x3400];
	[tilespmem:s30+$0x12600] =	vst v14;
	v1 =	vmin.f32 v1, v14  }
0x8f: {  	v12 =	vsub.f32 v12, v16;
	v16 =	vld [tilespmem:s0+$0x7400];
	[tilespmem:s30+$0x12A00] =	vst v13;
	v1 =	vmin.f32 v1, v13;
	v13 =	vadd.f32 v38, v38;
	_ =	sdelay $0x1  }
0x90: {  	v15 =	vadd.f32 v34, v34;
	v9 =	vsub.f32 v0, v13;
	v0 =	vld [tilespmem:$0x1FFA0]  }
0x91: {  	v14 =	vadd.f32 v35, v35  }
0x92: {  	v11 =	vsub.f32 v11, v15  }
0x93: {  	v34 =	vld [tilespmem:s0+$0xD800];
	[tilespmem:s30+$0x12E00] =	vst v12;
	v1 =	vmin.f32 v1, v12;
	v10 =	vsub.f32 v10, v14;
	v12 =	vadd.f32 v20, v20  }
0x94: {  	v14 =	vld [tilespmem:s0+$0xA800];
	[tilespmem:s30+$0x13200] =	vst v11;
	v1 =	vmin.f32 v1, v11  }
0x95: {  	v15 =	vld [tilespmem:s0+$0x3000];
	[tilespmem:s30+$0x13600] =	vst v10;
	v1 =	vmin.f32 v1, v10;
	v8 =	vsub.f32 v0, v12  }
0x96: {  	v35 =	vld [tilespmem:s0+$0x7000];
	[tilespmem:s30+$0x13A00] =	vst v9;
	v1 =	vmin.f32 v1, v9  }
0x97: {  	v37 =	vld [tilespmem:s0+$0xD400];
	[tilespmem:s30+$0x13E00] =	vst v8;
	v1 =	vmin.f32 v1, v8  }
0x98: {  	v38 =	vld [tilespmem:s0+$0xA400];
	[tilespmem:s30+$0x14200] =	vst v1;
	s30 =	smov.u32 s0  }
0x99: {  	v7 =	vmin.f32 v7, v1;
	v1 =	vld [tilespmem:s30+$0x2C00]  }
0x9a: {  	v39 =	vld [tilespmem:s30+$0x6C00]  }
0x9b: {  	v40 =	vld [tilespmem:s30+$0xD000]  }
0x9c: {  	v41 =	vld [tilespmem:s30+$0x2800]  }
0x9d: {  	v42 =	vld [tilespmem:s30+$0x6800]  }
0x9e: {  	v43 =	vld [tilespmem:s30+$0xCC00]  }
0x9f: {  	v44 =	vld [tilespmem:s30+$0x2400]  }
0xa0: {  	v47 =	vld [tilespmem:s30+$0x6400]  }
0xa1: {  	v48 =	vld [tilespmem:s30+$0xC800]  }
0xa2: {  	v49 =	vld [tilespmem:s30+$0x2000]  }
0xa3: {  	v50 =	vld [tilespmem:s30+$0x6000]  }
0xa4: {  	v22 =	vmul.f32 v22, v3;
	v53 =	vmul.f32 v61, v5;
	v51 =	vld [tilespmem:s30+$0xC400]  }
0xa5: {  	v56 =	vmul.f32 v62, v4;
	v57 =	vmul.f32 v63, v5;
	v52 =	vld [tilespmem:s30+$0x1C00]  }
0xa6: {  	v20 =	vmul.f32 v19, v3;
	v19 =	vmul.f32 v60, v3;
	v11 =	vadd.f32 v26, v6;
	v46 =	vld [tilespmem:s30+$0x5C00]  }
0xa7: {  	v58 =	vmul.f32 v25, v4;
	v13 =	vadd.f32 v31, v6;
	v10 =	vadd.f32 v23, v6;
	v55 =	vld [tilespmem:s30+$0xC000]  }
0xa8: {  	v23 =	vmul.f32 v18, v3;
	v0 =	vadd.f32 v24, v6;
	v24 =	vmul.f32 v29, v3;
	v29 =	vld [tilespmem:s30+$0x1800]  }
0xa9: {  	v59 =	vmul.f32 v17, v5;
	v60 =	vmul.f32 v16, v4;
	v16 =	vadd.f32 v28, v6;
	v33 =	vld [tilespmem:s30+$0x5800]  }
0xaa: {  	v12 =	vadd.f32 v27, v6;
	v27 =	vmul.f32 v14, v3;
	v61 =	vmul.f32 v15, v5;
	v45 =	vld [tilespmem:s30+$0x1400]  }
0xab: {  	v14 =	vadd.f32 v32, v6;
	v35 =	vmul.f32 v35, v4;
	v54 =	vld [tilespmem:s30+$0x5400];
	v26 =	vmul.f32 v38, v3  }
0xac: {  	[tilespmem:$0x1FFA0] =	vst v0;
	v0 =	vadd.f32 v30, v6;
	v32 =	vld [tilespmem:s30+$0x1000];
	v1 =	vmul.f32 v1, v5;
	v62 =	vmul.f32 v39, v4  }
0xad: {  	v17 =	vadd.f32 v34, v6;
	v34 =	vld [tilespmem:s30+$0x4C00];
	v41 =	vmul.f32 v41, v5;
	v42 =	vmul.f32 v42, v4  }
0xae: {  	v15 =	vadd.f32 v21, v6;
	[tilespmem:$0x1FFB0] =	vst v0;
	v9 =	vld [tilespmem:s30+$0x4400];
	v63 =	vmul.f32 v44, v5;
	v0 =	vmul.f32 v47, v4  }
0xaf: {  	v18 =	vadd.f32 v37, v6;
	v38 =	vld [tilespmem:s30+$0x5000];
	v2 =	vmul.f32 v49, v5;
	v8 =	vmul.f32 v50, v4  }
0xb0: {  	v39 =	vld [tilespmem:s30+$0xC00];
	v21 =	vadd.f32 v40, v6;
	v30 =	vmul.f32 v52, v5;
	v31 =	vmul.f32 v46, v4  }
0xb1: {  	v49 =	vld [tilespmem:s30+$0x800];
	v25 =	vadd.f32 v43, v6;
	v36 =	vmul.f32 v29, v5;
	v44 =	vmul.f32 v33, v4  }
0xb2: {  	v40 =	vld [tilespmem:s30+$0x4800];
	v28 =	vadd.f32 v48, v6;
	v33 =	vmul.f32 v45, v5;
	v37 =	vmul.f32 v54, v4  }
0xb3: {  	p0 =	sne.s32 s31, $0xF00;
	v43 =	vld [tilespmem:s30+$0x400];
	v29 =	vadd.f32 v51, v6;
	v45 =	vmul.f32 v32, v5;
	v32 =	vadd.f32 v55, v6  }
.Ltmp0:
0xb4: {  	v54 =	vld [tilespmem:s30+$0x0];
	v48 =	vmul.f32 v34, v4;
	v34 =	vadd.f32 v35, v61;
	v35 =	vadd.f32 v60, v59;
	(pc) =	sbr.rel @p0 .LBB2_3-.Ltmp0, $4  }
0xb5: {  	v55 =	vld [tilespmem:s30+$0x4000];
	v47 =	vmul.f32 v38, v4;
	v38 =	vadd.f32 v58, v57;
	v57 =	vmul.f32 v9, v4  }
0xb6: {  	v50 =	vld [tilespmem:s30+$0xA000];
	v46 =	vmul.f32 v39, v5;
	v49 =	vmul.f32 v49, v5;
	v39 =	vadd.f32 v56, v53  }
0xb7: {  	v52 =	vld [tilespmem:s30+$0x9C00];
	v53 =	vmul.f32 v40, v4;
	v40 =	vadd.f32 v42, v41;
	v41 =	vadd.f32 v62, v1  }
0xb8: {  	s31 =	sadd.s32 $0x100, s31;
	v51 =	vmul.f32 v43, v5;
	v56 =	vld [tilespmem:s30+$0x9800];
	v42 =	vadd.f32 v8, v2;
	v43 =	vadd.f32 v0, v63  }
0xb9: {  	v2 =	vadd.f32 v44, v36  }
0xba: {  	v0 =	vmul.f32 v54, v5;
	v1 =	vld [tilespmem:s30+$0x9400];
	v8 =	vadd.f32 v31, v30;
	v31 =	vadd.f32 v47, v45  }
0xbb: {  	v30 =	vld [tilespmem:s30+$0x9000];
	v33 =	vadd.f32 v37, v33;
	v60 =	vadd.f32 v53, v49;
	v9 =	vmul.f32 v55, v4  }
0xbc: {  	v59 =	vld [tilespmem:s30+$0x8000];
	v61 =	vadd.f32 v48, v46;
	v24 =	vadd.f32 v24, v34  }
0xbd: {  	v19 =	vadd.f32 v19, v35;
	v0 =	vadd.f32 v9, v0;
	v9 =	vld [tilespmem:s30+$0x8400]  }
0xbe: {  	v53 =	vld [tilespmem:s30+$0x8800];
	v27 =	vadd.f32 v27, v40;
	v23 =	vadd.f32 v23, v41  }
0xbf: {  	v63 =	vadd.f32 v57, v51;
	v55 =	vld [tilespmem:s30+$0x8C00];
	v62 =	vmul.f32 v50, v3;
	v52 =	vmul.f32 v52, v3  }
0xc0: {  	v26 =	vadd.f32 v26, v43;
	v54 =	vmul.f32 v56, v3;
	v1 =	vmul.f32 v1, v3  }
0xc1: {  	v57 =	vadd.f32 v62, v42;
	v30 =	vmul.f32 v30, v3;
	v56 =	vmul.f32 v59, v3  }
0xc2: {  	v8 =	vadd.f32 v52, v8;
	v2 =	vadd.f32 v54, v2;
	v9 =	vmul.f32 v9, v3  }
0xc3: {  	v58 =	vmul.f32 v53, v3;
	v0 =	vadd.f32 v56, v0;
	v1 =	vadd.f32 v1, v33  }
0xc4: {  	v59 =	vmul.f32 v55, v3;
	v30 =	vadd.f32 v30, v31;
	v9 =	vadd.f32 v9, v63  }
0xc5: {  	v31 =	vadd.f32 v58, v60;
	v0 =	vadd.f32 v0, v0  }
0xc6: {  	v33 =	vadd.f32 v59, v61;
	v9 =	vadd.f32 v9, v9  }
0xc7: {  	v31 =	vadd.f32 v31, v31;
	v0 =	vsub.f32 v32, v0  }
0xc8: {  	v9 =	vsub.f32 v29, v9;
	v29 =	vadd.f32 v33, v33  }
0xc9: {  	v30 =	vadd.f32 v30, v30;
	v28 =	vsub.f32 v28, v31;
	[tilespmem:s30+$0x10200] =	vst v0;
	v0 =	vmin.f32 v0, $3.000000010e+38  }
0xca: {  	v1 =	vadd.f32 v1, v1;
	[tilespmem:s30+$0x10600] =	vst v9;
	v0 =	vmin.f32 v0, v9;
	v9 =	vsub.f32 v25, v29  }
0xcb: {  	v2 =	vadd.f32 v2, v2;
	v21 =	vsub.f32 v21, v30;
	v0 =	vmin.f32 v0, v28  }
0xcc: {  	v8 =	vadd.f32 v8, v8;
	v1 =	vsub.f32 v18, v1;
	v0 =	vmin.f32 v0, v9  }
0xcd: {  	v2 =	vsub.f32 v17, v2;
	[tilespmem:s30+$0x10E00] =	vst v9;
	v9 =	vadd.f32 v57, v57;
	v0 =	vmin.f32 v0, v21  }
0xce: {  	[tilespmem:s30+$0x11600] =	vst v1;
	v0 =	vmin.f32 v0, v1;
	v1 =	vsub.f32 v16, v8;
	v8 =	vadd.f32 v26, v26  }
0xcf: {  	[tilespmem:s30+$0x11A00] =	vst v2;
	v0 =	vmin.f32 v0, v2;
	v2 =	vsub.f32 v15, v9;
	v9 =	vadd.f32 v27, v27  }
0xd0: {  	[tilespmem:s30+$0x11E00] =	vst v1;
	v0 =	vmin.f32 v0, v1;
	v1 =	vsub.f32 v14, v8;
	v8 =	vadd.f32 v23, v23  }
0xd1: {  	[tilespmem:s30+$0x12200] =	vst v2;
	v0 =	vmin.f32 v0, v2;
	v2 =	vsub.f32 v13, v9;
	v9 =	vadd.f32 v24, v24  }
0xd2: {  	[tilespmem:s30+$0x12600] =	vst v1;
	v0 =	vmin.f32 v0, v1;
	v1 =	vsub.f32 v12, v8;
	v8 =	vadd.f32 v19, v19  }
0xd3: {  	[tilespmem:s30+$0x12A00] =	vst v2;
	v0 =	vmin.f32 v0, v2;
	v2 =	vsub.f32 v11, v9  }
0xd4: {  	[tilespmem:s30+$0x12E00] =	vst v1;
	v0 =	vmin.f32 v0, v1;
	v1 =	vsub.f32 v10, v8  }
0xd5: {  	[tilespmem:s30+$0x13200] =	vst v2;
	v0 =	vmin.f32 v0, v2;
	v2 =	vld [tilespmem:$0x1FFB0]  }
0xd6: {  	v22 =	vadd.f32 v22, v38;
	[tilespmem:s30+$0x13600] =	vst v1;
	v0 =	vmin.f32 v0, v1;
	v1 =	vld [tilespmem:$0x1FFA0]  }
0xd7: {  	v20 =	vadd.f32 v20, v39  }
0xd8: {  	v9 =	vadd.f32 v22, v22  }
0xd9: {  	v8 =	vadd.f32 v20, v20  }
0xda: {  	[tilespmem:s30+$0x10A00] =	vst v28;
	v2 =	vsub.f32 v2, v9  }
0xdb: {  	[tilespmem:s30+$0x11200] =	vst v21;
	v1 =	vsub.f32 v1, v8  }
0xdc: {  	[tilespmem:s30+$0x13A00] =	vst v2;
	v0 =	vmin.f32 v0, v2  }
0xdd: {  	[tilespmem:s30+$0x13E00] =	vst v1;
	v0 =	vmin.f32 v0, v1  }
0xde: {  	[tilespmem:s30+$0x14200] =	vst v0;
	v0 =	vmin.f32 v7, v0  }
0xdf: {  	s30 =	simm.s32 $0x0;
	[tilespmem:$0x14600] =	vst v0  }
0xe0: {  	v0 =	vld [tilespmem:s30+$0xFC10]  }
0xe1: {  	v1 =	vld [tilespmem:s30+$0xF810]  }
0xe2: {  	v2 =	vld [tilespmem:s30+$0xF410]  }
0xe3: {  	v11 =	vld [tilespmem:s30+$0xF010]  }
0xe4: {  	v12 =	vld [tilespmem:s30+$0xEC10]  }
0xe5: {  	v8 =	vld [tilespmem:s30+$0xBC10]  }
0xe6: {  	v13 =	vld [tilespmem:s30+$0xE810]  }
0xe7: {  	v9 =	vld [tilespmem:s30+$0xB810]  }
0xe8: {  	v14 =	vld [tilespmem:s30+$0xE410]  }
0xe9: {  	v10 =	vld [tilespmem:s30+$0xB410]  }
0xea: {  	v15 =	vld [tilespmem:s30+$0x3C10]  }
0xeb: {  	v16 =	vld [tilespmem:s30+$0x7C10]  }
0xec: {  	v17 =	vld [tilespmem:s30+$0xE010]  }
0xed: {  	v18 =	vld [tilespmem:s30+$0xB010]  }
0xee: {  	v21 =	vld [tilespmem:s30+$0x3810]  }
0xef: {  	v25 =	vld [tilespmem:s30+$0x7810]  }
0xf0: {  	v43 =	vld [tilespmem:s30+$0xDC10]  }
0xf1: {  	v23 =	vld [tilespmem:s30+$0xAC10]  }
0xf2: {  	v26 =	vld [tilespmem:s30+$0x3410]  }
0xf3: {  	v27 =	vld [tilespmem:s30+$0x7410]  }
0xf4: {  	v29 =	vld [tilespmem:s30+$0xD810]  }
0xf5: {  	v30 =	vld [tilespmem:s30+$0xA810]  }
0xf6: {  	v31 =	vld [tilespmem:s30+$0x3010]  }
0xf7: {  	v60 =	vld [tilespmem:s30+$0x7010]  }
0xf8: {  	v33 =	vld [tilespmem:s30+$0xD410]  }
0xf9: {  	v61 =	vld [tilespmem:s30+$0xA410]  }
0xfa: {  	v62 =	vld [tilespmem:s30+$0x2C10]  }
0xfb: {  	v63 =	vld [tilespmem:s30+$0x6C10]  }
0xfc: {  	v37 =	vld [tilespmem:s30+$0xD010]  }
0xfd: {  	v38 =	vld [tilespmem:s30+$0x2810]  }
0xfe: {  	v39 =	vld [tilespmem:s30+$0x6810]  }
0xff: {  	v40 =	vld [tilespmem:s30+$0xCC10]  }
0x100: {  	v41 =	vld [tilespmem:s30+$0x2410]  }
0x101: {  	v42 =	vld [tilespmem:s30+$0x6410]  }
0x102: {  	v55 =	vld [tilespmem:s30+$0xC810]  }
0x103: {  	v44 =	vld [tilespmem:s30+$0x2010]  }
0x104: {  	v45 =	vld [tilespmem:s30+$0x6010]  }
0x105: {  	v46 =	vld [tilespmem:s30+$0xC410];
	v20 =	vmul.f32 v8, v3;
	v19 =	vmul.f32 v10, v3  }
0x106: {  	v7 =	vimm.f32 $3.000000010e+38;
	v47 =	vld [tilespmem:s30+$0x1C10];
	v22 =	vmul.f32 v9, v3;
	v8 =	vmul.f32 v15, v5  }
0x107: {  	v28 =	vld [tilespmem:s30+$0x5C10];
	v0 =	vadd.f32 v0, v6;
	v9 =	vmul.f32 v16, v4;
	v24 =	vmul.f32 v18, v3  }
0x108: {  	v48 =	vld [tilespmem:s30+$0xC010];
	v10 =	vadd.f32 v2, v6;
	v50 =	vmul.f32 v21, v5;
	v23 =	vmul.f32 v23, v3  }
0x109: {  	v49 =	vld [tilespmem:s30+$0x1810];
	v11 =	vadd.f32 v11, v6;
	v51 =	vmul.f32 v25, v4;
	v12 =	vadd.f32 v12, v6  }
0x10a: {  	v52 =	vld [tilespmem:s30+$0x5810];
	v56 =	vmul.f32 v26, v5;
	v57 =	vmul.f32 v27, v4;
	v13 =	vadd.f32 v13, v6  }
0x10b: {  	v53 =	vld [tilespmem:s30+$0x1410];
	v27 =	vmul.f32 v30, v3;
	v58 =	vmul.f32 v31, v5;
	v14 =	vadd.f32 v14, v6  }
0x10c: {  	v54 =	vld [tilespmem:s30+$0x5410];
	v26 =	vmul.f32 v61, v3;
	v34 =	vmul.f32 v60, v4;
	v15 =	vadd.f32 v17, v6  }
0x10d: {  	v32 =	vld [tilespmem:s30+$0x1010];
	v59 =	vmul.f32 v62, v5;
	v60 =	vmul.f32 v63, v4;
	v16 =	vadd.f32 v43, v6  }
0x10e: {  	v35 =	vld [tilespmem:s30+$0x5010];
	v61 =	vmul.f32 v38, v5;
	v62 =	vmul.f32 v39, v4;
	v17 =	vadd.f32 v29, v6  }
0x10f: {  	v38 =	vld [tilespmem:s30+$0xC10];
	v63 =	vmul.f32 v41, v5;
	v43 =	vmul.f32 v42, v4;
	v18 =	vadd.f32 v33, v6  }
0x110: {  	v39 =	vld [tilespmem:s30+$0x4C10];
	v42 =	vmul.f32 v44, v5;
	v2 =	vmul.f32 v45, v4;
	v21 =	vadd.f32 v37, v6  }
0x111: {  	v41 =	vld [tilespmem:s30+$0x810];
	v30 =	vmul.f32 v47, v5;
	v31 =	vmul.f32 v28, v4;
	v25 =	vadd.f32 v40, v6  }
0x112: {  	v36 =	vmul.f32 v49, v5;
	v44 =	vmul.f32 v52, v4;
	v40 =	vld [tilespmem:s30+$0x410];
	[tilespmem:$0x1FF80] =	vst v0;
	v0 =	vadd.f32 v1, v6  }
0x113: {  	v28 =	vadd.f32 v55, v6;
	v33 =	vmul.f32 v53, v5;
	v37 =	vmul.f32 v54, v4;
	v1 =	vld [tilespmem:s30+$0x4410]  }
0x114: {  	v29 =	vadd.f32 v46, v6;
	v45 =	vmul.f32 v32, v5;
	v32 =	vadd.f32 v48, v6;
	[tilespmem:$0x1FF90] =	vst v0;
	v0 =	vld [tilespmem:s30+$0x4810]  }
0x115: {  	v47 =	vmul.f32 v35, v4;
	v54 =	vld [tilespmem:s30+$0x10];
	v34 =	vadd.f32 v34, v58;
	v35 =	vadd.f32 v57, v56  }
0x116: {  	v55 =	vld [tilespmem:s30+$0x4010];
	v42 =	vadd.f32 v2, v42;
	v43 =	vadd.f32 v43, v63;
	v46 =	vmul.f32 v38, v5  }
0x117: {  	v52 =	vld [tilespmem:s30+$0x9C10];
	v48 =	vmul.f32 v39, v4;
	v49 =	vmul.f32 v41, v5;
	v38 =	vadd.f32 v51, v50  }
0x118: {  	v56 =	vld [tilespmem:s30+$0x9810];
	v39 =	vadd.f32 v9, v8;
	v51 =	vmul.f32 v40, v5;
	v40 =	vadd.f32 v62, v61  }
0x119: {  	s31 =	simm.s32 $0x100;
	v50 =	vld [tilespmem:s30+$0xA010];
	v41 =	vadd.f32 v60, v59;
	v57 =	vmul.f32 v1, v4;
	v53 =	vmul.f32 v0, v4  }
.LBB2_5:
0x11a: {  	v2 =	vadd.f32 v44, v36;
	v31 =	vadd.f32 v31, v30  }
0x11b: {  	v1 =	vld [tilespmem:s30+$0x9410];
	v44 =	vadd.f32 v47, v45;
	v33 =	vadd.f32 v37, v33  }
0x11c: {  	v61 =	vld [tilespmem:s30+$0x9010];
	v45 =	vadd.f32 v53, v49;
	v46 =	vadd.f32 v48, v46  }
0x11d: {  	v62 =	vld [tilespmem:s30+$0x8010];
	v49 =	vadd.f32 v57, v51;
	v38 =	vadd.f32 v22, v38  }
0x11e: {  	v48 =	vld [tilespmem:s30+$0x8410];
	v34 =	vadd.f32 v24, v34;
	v0 =	vmul.f32 v54, v5;
	v30 =	vmul.f32 v55, v4  }
0x11f: {  	v58 =	vld [tilespmem:s30+$0x8810];
	v35 =	vadd.f32 v19, v35;
	v63 =	vmul.f32 v50, v3;
	v57 =	vmul.f32 v52, v3  }
0x120: {  	s0 =	sshra.s32 s31, $0x2;
	v22 =	vld [tilespmem:s30+$0x8C10];
	v60 =	vadd.f32 v27, v40;
	v59 =	vmul.f32 v56, v3;
	v1 =	vmul.f32 v1, v3  }
0x121: {  	v24 =	vld [tilespmem:s0+$0xFC10];
	v19 =	vmul.f32 v61, v3;
	v61 =	vadd.f32 v23, v41;
	v0 =	vadd.f32 v30, v0  }
0x122: {  	v27 =	vmul.f32 v62, v3;
	v23 =	vld [tilespmem:s0+$0xF410];
	v62 =	vadd.f32 v63, v42;
	v63 =	vadd.f32 v26, v43  }
0x123: {  	v30 =	vld [tilespmem:s0+$0xF810];
	v48 =	vmul.f32 v48, v3;
	v2 =	vadd.f32 v59, v2;
	v52 =	vadd.f32 v57, v31  }
0x124: {  	v26 =	vld [tilespmem:s0+$0xF010];
	v31 =	vmul.f32 v58, v3;
	v1 =	vadd.f32 v1, v33;
	v0 =	vadd.f32 v27, v0  }
0x125: {  	v22 =	vmul.f32 v22, v3;
	v58 =	vld [tilespmem:s0+$0xB410];
	v54 =	vadd.f32 v19, v44;
	v53 =	vadd.f32 v48, v49  }
0x126: {  	v19 =	vld [tilespmem:s0+$0xBC10];
	v55 =	vadd.f32 v31, v45;
	v0 =	vadd.f32 v0, v0  }
0x127: {  	v27 =	vld [tilespmem:s0+$0xEC10];
	v56 =	vadd.f32 v22, v46;
	v33 =	vadd.f32 v53, v53  }
0x128: {  	v31 =	vld [tilespmem:s0+$0xE810];
	v43 =	vadd.f32 v55, v55;
	v0 =	vsub.f32 v32, v0  }
0x129: {  	v22 =	vld [tilespmem:s0+$0xB810];
	v57 =	vadd.f32 v56, v56;
	v29 =	vsub.f32 v29, v33  }
0x12a: {  	v41 =	vadd.f32 v54, v54;
	v32 =	vld [tilespmem:s0+$0xE410];
	v28 =	vsub.f32 v28, v43;
	[tilespmem:s30+$0x10210] =	vst v0;
	v0 =	vmin.f32 v0, $3.000000010e+38  }
0x12b: {  	v1 =	vadd.f32 v1, v1;
	v25 =	vsub.f32 v25, v57;
	v59 =	vld [tilespmem:s0+$0x3C10];
	[tilespmem:s30+$0x10610] =	vst v29;
	v0 =	vmin.f32 v0, v29  }
0x12c: {  	v2 =	vadd.f32 v2, v2;
	v29 =	vld [tilespmem:s0+$0x7C10];
	[tilespmem:s30+$0x10A10] =	vst v28;
	v0 =	vmin.f32 v0, v28;
	v28 =	vsub.f32 v21, v41  }
0x12d: {  	v1 =	vsub.f32 v18, v1;
	v18 =	vadd.f32 v52, v52;
	v21 =	vld [tilespmem:s0+$0xE010];
	[tilespmem:s30+$0x10E10] =	vst v25;
	v0 =	vmin.f32 v0, v25  }
0x12e: {  	v2 =	vsub.f32 v17, v2;
	v17 =	vadd.f32 v62, v62;
	v25 =	vld [tilespmem:s0+$0xB010];
	[tilespmem:s30+$0x11210] =	vst v28;
	v0 =	vmin.f32 v0, v28  }
0x12f: {  	v28 =	vld [tilespmem:s0+$0x3810];
	[tilespmem:s30+$0x11610] =	vst v1;
	v0 =	vmin.f32 v0, v1;
	v1 =	vsub.f32 v16, v18;
	v16 =	vadd.f32 v63, v63  }
0x130: {  	v18 =	vld [tilespmem:s0+$0x7810];
	[tilespmem:s30+$0x11A10] =	vst v2;
	v0 =	vmin.f32 v0, v2;
	v2 =	vsub.f32 v15, v17;
	v15 =	vadd.f32 v60, v60  }
0x131: {  	v17 =	vld [tilespmem:s0+$0xDC10];
	[tilespmem:s30+$0x11E10] =	vst v1;
	v0 =	vmin.f32 v0, v1;
	v1 =	vsub.f32 v14, v16;
	v14 =	vadd.f32 v61, v61  }
0x132: {  	v16 =	vld [tilespmem:s0+$0xAC10];
	[tilespmem:s30+$0x12210] =	vst v2;
	v0 =	vmin.f32 v0, v2;
	v2 =	vsub.f32 v13, v15  }
0x133: {  	v13 =	vadd.f32 v34, v34;
	v15 =	vld [tilespmem:s0+$0x3410];
	[tilespmem:s30+$0x12610] =	vst v1;
	v0 =	vmin.f32 v0, v1;
	v1 =	vsub.f32 v12, v14  }
0x134: {  	v14 =	vld [tilespmem:s0+$0x7410];
	[tilespmem:s30+$0x12A10] =	vst v2  }
0x135: {  	v12 =	vadd.f32 v35, v35;
	v0 =	vmin.f32 v0, v2;
	v2 =	vsub.f32 v11, v13;
	v33 =	vld [tilespmem:s0+$0xD810];
	[tilespmem:s30+$0x12E10] =	vst v1  }
0x136: {  	v0 =	vmin.f32 v0, v1;
	v34 =	vld [tilespmem:s0+$0xA810]  }
0x137: {  	v1 =	vsub.f32 v10, v12;
	[tilespmem:s30+$0x13210] =	vst v2;
	v0 =	vmin.f32 v0, v2;
	v2 =	vld [tilespmem:$0x1FF90]  }
0x138: {  	v60 =	vld [tilespmem:s0+$0x3010]  }
0x139: {  	[tilespmem:s30+$0x13610] =	vst v1;
	v0 =	vmin.f32 v0, v1;
	v1 =	vld [tilespmem:$0x1FF80]  }
0x13a: {  	v20 =	vadd.f32 v20, v39  }
0x13b: {  	v11 =	vadd.f32 v38, v38  }
0x13c: {  	v10 =	vadd.f32 v20, v20  }
0x13d: {  	v2 =	vsub.f32 v2, v11  }
0x13e: {  	v1 =	vsub.f32 v1, v10  }
0x13f: {  	v61 =	vld [tilespmem:s0+$0x7010];
	[tilespmem:s30+$0x13A10] =	vst v2;
	v0 =	vmin.f32 v0, v2  }
0x140: {  	v2 =	vld [tilespmem:s0+$0xD410];
	[tilespmem:s30+$0x13E10] =	vst v1;
	v0 =	vmin.f32 v0, v1  }
0x141: {  	v1 =	vld [tilespmem:s0+$0xA410];
	[tilespmem:s30+$0x14210] =	vst v0;
	s30 =	smov.u32 s0  }
0x142: {  	v7 =	vmin.f32 v7, v0;
	v0 =	vld [tilespmem:s30+$0x2C10]  }
0x143: {  	v62 =	vld [tilespmem:s30+$0x6C10]  }
0x144: {  	v38 =	vld [tilespmem:s30+$0xD010]  }
0x145: {  	v63 =	vld [tilespmem:s30+$0x2810]  }
0x146: {  	v40 =	vld [tilespmem:s30+$0x6810]  }
0x147: {  	v41 =	vld [tilespmem:s30+$0xCC10]  }
0x148: {  	v42 =	vld [tilespmem:s30+$0x2410]  }
0x149: {  	v45 =	vld [tilespmem:s30+$0x6410]  }
0x14a: {  	v46 =	vld [tilespmem:s30+$0xC810]  }
0x14b: {  	v47 =	vld [tilespmem:s30+$0x2010]  }
0x14c: {  	v48 =	vld [tilespmem:s30+$0x6010]  }
0x14d: {  	v22 =	vmul.f32 v22, v3;
	v43 =	vmul.f32 v59, v5;
	v49 =	vld [tilespmem:s30+$0xC410]  }
0x14e: {  	v8 =	vadd.f32 v24, v6;
	v51 =	vmul.f32 v29, v4;
	v24 =	vmul.f32 v25, v3;
	v50 =	vld [tilespmem:s30+$0x1C10]  }
0x14f: {  	v53 =	vmul.f32 v28, v5;
	v20 =	vmul.f32 v19, v3;
	v44 =	vld [tilespmem:s30+$0x5C10]  }
0x150: {  	v13 =	vadd.f32 v31, v6;
	v19 =	vmul.f32 v58, v3;
	v56 =	vmul.f32 v18, v4;
	v52 =	vld [tilespmem:s30+$0xC010]  }
0x151: {  	v12 =	vadd.f32 v27, v6;
	[tilespmem:$0x1FF80] =	vst v8;
	v8 =	vadd.f32 v30, v6;
	v57 =	vmul.f32 v15, v5;
	v28 =	vld [tilespmem:s30+$0x1810]  }
0x152: {  	v15 =	vadd.f32 v21, v6;
	v58 =	vmul.f32 v14, v4;
	v27 =	vmul.f32 v34, v3;
	v29 =	vld [tilespmem:s30+$0x5810]  }
0x153: {  	v10 =	vadd.f32 v23, v6;
	v23 =	vmul.f32 v16, v3;
	v34 =	vmul.f32 v60, v5;
	v54 =	vld [tilespmem:s30+$0x1410]  }
0x154: {  	v11 =	vadd.f32 v26, v6;
	v35 =	vld [tilespmem:s30+$0x5410];
	v26 =	vmul.f32 v1, v3;
	v1 =	vmul.f32 v61, v4  }
0x155: {  	v14 =	vadd.f32 v32, v6;
	v32 =	vld [tilespmem:s30+$0x1010];
	v0 =	vmul.f32 v0, v5;
	v59 =	vmul.f32 v62, v4  }
0x156: {  	v16 =	vadd.f32 v17, v6;
	v55 =	vld [tilespmem:s30+$0x5010];
	v60 =	vmul.f32 v63, v5;
	v40 =	vmul.f32 v40, v4  }
0x157: {  	v17 =	vadd.f32 v33, v6;
	v39 =	vld [tilespmem:s30+$0xC10];
	v61 =	vmul.f32 v42, v5;
	v62 =	vmul.f32 v45, v4  }
0x158: {  	[tilespmem:$0x1FF90] =	vst v8;
	v8 =	vld [tilespmem:s30+$0x810];
	v18 =	vadd.f32 v2, v6;
	v2 =	vmul.f32 v47, v5;
	v63 =	vmul.f32 v48, v4  }
0x159: {  	v9 =	vld [tilespmem:s30+$0x4410];
	v21 =	vadd.f32 v38, v6;
	v30 =	vmul.f32 v50, v5;
	v31 =	vmul.f32 v44, v4  }
0x15a: {  	v42 =	vld [tilespmem:s30+$0x4C10];
	v25 =	vadd.f32 v41, v6;
	v36 =	vmul.f32 v28, v5;
	v44 =	vmul.f32 v29, v4  }
0x15b: {  	v50 =	vld [tilespmem:s30+$0x4810];
	v28 =	vadd.f32 v46, v6;
	v33 =	vmul.f32 v54, v5;
	v37 =	vmul.f32 v35, v4  }
0x15c: {  	p0 =	sne.s32 s31, $0xF00;
	v41 =	vld [tilespmem:s30+$0x410];
	v29 =	vadd.f32 v49, v6;
	v45 =	vmul.f32 v32, v5;
	v47 =	vmul.f32 v55, v4  }
.Ltmp1:
0x15d: {  	v54 =	vld [tilespmem:s30+$0x10];
	v32 =	vadd.f32 v52, v6;
	v46 =	vmul.f32 v39, v5;
	v38 =	vadd.f32 v56, v53;
	(pc) =	sbr.rel @p0 .LBB2_5-.Ltmp1, $4  }
0x15e: {  	v55 =	vld [tilespmem:s30+$0x4010];
	v49 =	vmul.f32 v8, v5;
	v39 =	vadd.f32 v51, v43;
	v35 =	vadd.f32 v58, v57  }
0x15f: {  	v52 =	vld [tilespmem:s30+$0x9C10];
	v57 =	vmul.f32 v9, v4;
	v34 =	vadd.f32 v1, v34;
	v40 =	vadd.f32 v40, v60  }
0x160: {  	v56 =	vld [tilespmem:s30+$0x9810];
	v43 =	vadd.f32 v62, v61;
	v48 =	vmul.f32 v42, v4;
	v53 =	vmul.f32 v50, v4  }
0x161: {  	s31 =	sadd.s32 $0x100, s31;
	v50 =	vld [tilespmem:s30+$0xA010];
	v51 =	vmul.f32 v41, v5;
	v41 =	vadd.f32 v59, v0;
	v42 =	vadd.f32 v63, v2  }
0x162: {  	v2 =	vadd.f32 v44, v36  }
0x163: {  	v0 =	vmul.f32 v54, v5;
	v1 =	vld [tilespmem:s30+$0x9410];
	v8 =	vadd.f32 v31, v30;
	v31 =	vadd.f32 v47, v45  }
0x164: {  	v30 =	vld [tilespmem:s30+$0x9010];
	v33 =	vadd.f32 v37, v33;
	v60 =	vadd.f32 v53, v49;
	v9 =	vmul.f32 v55, v4  }
0x165: {  	v59 =	vld [tilespmem:s30+$0x8010];
	v61 =	vadd.f32 v48, v46;
	v24 =	vadd.f32 v24, v34  }
0x166: {  	v19 =	vadd.f32 v19, v35;
	v0 =	vadd.f32 v9, v0;
	v9 =	vld [tilespmem:s30+$0x8410]  }
0x167: {  	v53 =	vld [tilespmem:s30+$0x8810];
	v27 =	vadd.f32 v27, v40;
	v26 =	vadd.f32 v26, v43  }
0x168: {  	v63 =	vadd.f32 v57, v51;
	v55 =	vld [tilespmem:s30+$0x8C10];
	v52 =	vmul.f32 v52, v3;
	v54 =	vmul.f32 v56, v3  }
0x169: {  	v23 =	vadd.f32 v23, v41;
	v62 =	vmul.f32 v50, v3;
	v1 =	vmul.f32 v1, v3  }
0x16a: {  	v8 =	vadd.f32 v52, v8;
	v30 =	vmul.f32 v30, v3;
	v56 =	vmul.f32 v59, v3  }
0x16b: {  	v2 =	vadd.f32 v54, v2;
	v57 =	vadd.f32 v62, v42;
	v9 =	vmul.f32 v9, v3  }
0x16c: {  	v58 =	vmul.f32 v53, v3;
	v0 =	vadd.f32 v56, v0;
	v1 =	vadd.f32 v1, v33  }
0x16d: {  	v59 =	vmul.f32 v55, v3;
	v30 =	vadd.f32 v30, v31;
	v9 =	vadd.f32 v9, v63  }
0x16e: {  	v31 =	vadd.f32 v58, v60;
	v0 =	vadd.f32 v0, v0  }
0x16f: {  	v33 =	vadd.f32 v59, v61;
	v9 =	vadd.f32 v9, v9  }
0x170: {  	v31 =	vadd.f32 v31, v31;
	v0 =	vsub.f32 v32, v0  }
0x171: {  	v9 =	vsub.f32 v29, v9;
	v29 =	vadd.f32 v33, v33  }
0x172: {  	v30 =	vadd.f32 v30, v30;
	v28 =	vsub.f32 v28, v31;
	[tilespmem:s30+$0x10210] =	vst v0;
	v0 =	vmin.f32 v0, $3.000000010e+38  }
0x173: {  	v1 =	vadd.f32 v1, v1;
	[tilespmem:s30+$0x10610] =	vst v9;
	v0 =	vmin.f32 v0, v9;
	v9 =	vsub.f32 v25, v29  }
0x174: {  	v2 =	vadd.f32 v2, v2;
	v21 =	vsub.f32 v21, v30;
	v0 =	vmin.f32 v0, v28  }
0x175: {  	v8 =	vadd.f32 v8, v8;
	v1 =	vsub.f32 v18, v1;
	v0 =	vmin.f32 v0, v9  }
0x176: {  	v2 =	vsub.f32 v17, v2;
	[tilespmem:s30+$0x10E10] =	vst v9;
	v9 =	vadd.f32 v57, v57;
	v0 =	vmin.f32 v0, v21  }
0x177: {  	[tilespmem:s30+$0x11610] =	vst v1;
	v0 =	vmin.f32 v0, v1;
	v1 =	vsub.f32 v16, v8;
	v8 =	vadd.f32 v26, v26  }
0x178: {  	[tilespmem:s30+$0x11A10] =	vst v2;
	v0 =	vmin.f32 v0, v2;
	v2 =	vsub.f32 v15, v9;
	v9 =	vadd.f32 v27, v27  }
0x179: {  	[tilespmem:s30+$0x11E10] =	vst v1;
	v0 =	vmin.f32 v0, v1;
	v1 =	vsub.f32 v14, v8;
	v8 =	vadd.f32 v23, v23  }
0x17a: {  	[tilespmem:s30+$0x12210] =	vst v2;
	v0 =	vmin.f32 v0, v2;
	v2 =	vsub.f32 v13, v9;
	v9 =	vadd.f32 v24, v24  }
0x17b: {  	[tilespmem:s30+$0x12610] =	vst v1;
	v0 =	vmin.f32 v0, v1;
	v1 =	vsub.f32 v12, v8;
	v8 =	vadd.f32 v19, v19  }
0x17c: {  	[tilespmem:s30+$0x12A10] =	vst v2;
	v0 =	vmin.f32 v0, v2;
	v2 =	vsub.f32 v11, v9  }
0x17d: {  	[tilespmem:s30+$0x12E10] =	vst v1;
	v0 =	vmin.f32 v0, v1;
	v1 =	vsub.f32 v10, v8  }
0x17e: {  	[tilespmem:s30+$0x13210] =	vst v2;
	v0 =	vmin.f32 v0, v2;
	v2 =	vld [tilespmem:$0x1FF90]  }
0x17f: {  	v22 =	vadd.f32 v22, v38;
	[tilespmem:s30+$0x13610] =	vst v1;
	v0 =	vmin.f32 v0, v1;
	v1 =	vld [tilespmem:$0x1FF80]  }
0x180: {  	v20 =	vadd.f32 v20, v39  }
0x181: {  	v9 =	vadd.f32 v22, v22  }
0x182: {  	v8 =	vadd.f32 v20, v20  }
0x183: {  	[tilespmem:s30+$0x10A10] =	vst v28;
	v2 =	vsub.f32 v2, v9  }
0x184: {  	[tilespmem:s30+$0x11210] =	vst v21;
	v1 =	vsub.f32 v1, v8  }
0x185: {  	[tilespmem:s30+$0x13A10] =	vst v2;
	v0 =	vmin.f32 v0, v2  }
0x186: {  	[tilespmem:s30+$0x13E10] =	vst v1;
	v0 =	vmin.f32 v0, v1  }
0x187: {  	[tilespmem:s30+$0x14210] =	vst v0;
	v0 =	vmin.f32 v7, v0  }
0x188: {  	s30 =	simm.s32 $0x0;
	[tilespmem:$0x14610] =	vst v0  }
0x189: {  	v0 =	vld [tilespmem:s30+$0xFC20]  }
0x18a: {  	v1 =	vld [tilespmem:s30+$0xF820]  }
0x18b: {  	v2 =	vld [tilespmem:s30+$0xF420]  }
0x18c: {  	v11 =	vld [tilespmem:s30+$0xF020]  }
0x18d: {  	v12 =	vld [tilespmem:s30+$0xEC20]  }
0x18e: {  	v8 =	vld [tilespmem:s30+$0xBC20]  }
0x18f: {  	v13 =	vld [tilespmem:s30+$0xE820]  }
0x190: {  	v9 =	vld [tilespmem:s30+$0xB820]  }
0x191: {  	v14 =	vld [tilespmem:s30+$0xE420]  }
0x192: {  	v10 =	vld [tilespmem:s30+$0xB420]  }
0x193: {  	v15 =	vld [tilespmem:s30+$0x3C20]  }
0x194: {  	v16 =	vld [tilespmem:s30+$0x7C20]  }
0x195: {  	v17 =	vld [tilespmem:s30+$0xE020]  }
0x196: {  	v18 =	vld [tilespmem:s30+$0xB020]  }
0x197: {  	v21 =	vld [tilespmem:s30+$0x3820]  }
0x198: {  	v25 =	vld [tilespmem:s30+$0x7820]  }
0x199: {  	v43 =	vld [tilespmem:s30+$0xDC20]  }
0x19a: {  	v23 =	vld [tilespmem:s30+$0xAC20]  }
0x19b: {  	v26 =	vld [tilespmem:s30+$0x3420]  }
0x19c: {  	v27 =	vld [tilespmem:s30+$0x7420]  }
0x19d: {  	v29 =	vld [tilespmem:s30+$0xD820]  }
0x19e: {  	v30 =	vld [tilespmem:s30+$0xA820]  }
0x19f: {  	v31 =	vld [tilespmem:s30+$0x3020]  }
0x1a0: {  	v60 =	vld [tilespmem:s30+$0x7020]  }
0x1a1: {  	v33 =	vld [tilespmem:s30+$0xD420]  }
0x1a2: {  	v61 =	vld [tilespmem:s30+$0xA420]  }
0x1a3: {  	v62 =	vld [tilespmem:s30+$0x2C20]  }
0x1a4: {  	v63 =	vld [tilespmem:s30+$0x6C20]  }
0x1a5: {  	v37 =	vld [tilespmem:s30+$0xD020]  }
0x1a6: {  	v38 =	vld [tilespmem:s30+$0x2820]  }
0x1a7: {  	v39 =	vld [tilespmem:s30+$0x6820]  }
0x1a8: {  	v40 =	vld [tilespmem:s30+$0xCC20]  }
0x1a9: {  	v41 =	vld [tilespmem:s30+$0x2420]  }
0x1aa: {  	v42 =	vld [tilespmem:s30+$0x6420]  }
0x1ab: {  	v55 =	vld [tilespmem:s30+$0xC820]  }
0x1ac: {  	v44 =	vld [tilespmem:s30+$0x2020]  }
0x1ad: {  	v45 =	vld [tilespmem:s30+$0x6020]  }
0x1ae: {  	v46 =	vld [tilespmem:s30+$0xC420];
	v20 =	vmul.f32 v8, v3;
	v19 =	vmul.f32 v10, v3  }
0x1af: {  	v7 =	vimm.f32 $3.000000010e+38;
	v47 =	vld [tilespmem:s30+$0x1C20];
	v22 =	vmul.f32 v9, v3;
	v8 =	vmul.f32 v15, v5  }
0x1b0: {  	v28 =	vld [tilespmem:s30+$0x5C20];
	v0 =	vadd.f32 v0, v6;
	v9 =	vmul.f32 v16, v4;
	v24 =	vmul.f32 v18, v3  }
0x1b1: {  	v48 =	vld [tilespmem:s30+$0xC020];
	v10 =	vadd.f32 v2, v6;
	v50 =	vmul.f32 v21, v5;
	v23 =	vmul.f32 v23, v3  }
0x1b2: {  	v49 =	vld [tilespmem:s30+$0x1820];
	v11 =	vadd.f32 v11, v6;
	v51 =	vmul.f32 v25, v4;
	v12 =	vadd.f32 v12, v6  }
0x1b3: {  	v52 =	vld [tilespmem:s30+$0x5820];
	v56 =	vmul.f32 v26, v5;
	v57 =	vmul.f32 v27, v4;
	v13 =	vadd.f32 v13, v6  }
0x1b4: {  	v53 =	vld [tilespmem:s30+$0x1420];
	v27 =	vmul.f32 v30, v3;
	v58 =	vmul.f32 v31, v5;
	v14 =	vadd.f32 v14, v6  }
0x1b5: {  	v54 =	vld [tilespmem:s30+$0x5420];
	v26 =	vmul.f32 v61, v3;
	v34 =	vmul.f32 v60, v4;
	v15 =	vadd.f32 v17, v6  }
0x1b6: {  	v32 =	vld [tilespmem:s30+$0x1020];
	v59 =	vmul.f32 v62, v5;
	v60 =	vmul.f32 v63, v4;
	v16 =	vadd.f32 v43, v6  }
0x1b7: {  	v35 =	vld [tilespmem:s30+$0x5020];
	v61 =	vmul.f32 v38, v5;
	v62 =	vmul.f32 v39, v4;
	v17 =	vadd.f32 v29, v6  }
0x1b8: {  	v38 =	vld [tilespmem:s30+$0xC20];
	v63 =	vmul.f32 v41, v5;
	v43 =	vmul.f32 v42, v4;
	v18 =	vadd.f32 v33, v6  }
0x1b9: {  	v39 =	vld [tilespmem:s30+$0x4C20];
	v42 =	vmul.f32 v44, v5;
	v2 =	vmul.f32 v45, v4;
	v21 =	vadd.f32 v37, v6  }
0x1ba: {  	v41 =	vld [tilespmem:s30+$0x820];
	v30 =	vmul.f32 v47, v5;
	v31 =	vmul.f32 v28, v4;
	v25 =	vadd.f32 v40, v6  }
0x1bb: {  	v36 =	vmul.f32 v49, v5;
	v44 =	vmul.f32 v52, v4;
	v40 =	vld [tilespmem:s30+$0x420];
	[tilespmem:$0x1FF60] =	vst v0;
	v0 =	vadd.f32 v1, v6  }
0x1bc: {  	v28 =	vadd.f32 v55, v6;
	v33 =	vmul.f32 v53, v5;
	v37 =	vmul.f32 v54, v4;
	v1 =	vld [tilespmem:s30+$0x4420]  }
0x1bd: {  	v29 =	vadd.f32 v46, v6;
	v45 =	vmul.f32 v32, v5;
	v32 =	vadd.f32 v48, v6;
	[tilespmem:$0x1FF70] =	vst v0;
	v0 =	vld [tilespmem:s30+$0x4820]  }
0x1be: {  	v47 =	vmul.f32 v35, v4;
	v54 =	vld [tilespmem:s30+$0x20];
	v34 =	vadd.f32 v34, v58;
	v35 =	vadd.f32 v57, v56  }
0x1bf: {  	v55 =	vld [tilespmem:s30+$0x4020];
	v42 =	vadd.f32 v2, v42;
	v43 =	vadd.f32 v43, v63;
	v46 =	vmul.f32 v38, v5  }
0x1c0: {  	v52 =	vld [tilespmem:s30+$0x9C20];
	v48 =	vmul.f32 v39, v4;
	v49 =	vmul.f32 v41, v5;
	v38 =	vadd.f32 v51, v50  }
0x1c1: {  	v56 =	vld [tilespmem:s30+$0x9820];
	v39 =	vadd.f32 v9, v8;
	v51 =	vmul.f32 v40, v5;
	v40 =	vadd.f32 v62, v61  }
0x1c2: {  	s31 =	simm.s32 $0x100;
	v50 =	vld [tilespmem:s30+$0xA020];
	v41 =	vadd.f32 v60, v59;
	v57 =	vmul.f32 v1, v4;
	v53 =	vmul.f32 v0, v4  }
.LBB2_7:
0x1c3: {  	v2 =	vadd.f32 v44, v36;
	v31 =	vadd.f32 v31, v30  }
0x1c4: {  	v1 =	vld [tilespmem:s30+$0x9420];
	v44 =	vadd.f32 v47, v45;
	v33 =	vadd.f32 v37, v33  }
0x1c5: {  	v61 =	vld [tilespmem:s30+$0x9020];
	v45 =	vadd.f32 v53, v49;
	v46 =	vadd.f32 v48, v46  }
0x1c6: {  	v62 =	vld [tilespmem:s30+$0x8020];
	v49 =	vadd.f32 v57, v51;
	v38 =	vadd.f32 v22, v38  }
0x1c7: {  	v48 =	vld [tilespmem:s30+$0x8420];
	v34 =	vadd.f32 v24, v34;
	v0 =	vmul.f32 v54, v5;
	v30 =	vmul.f32 v55, v4  }
0x1c8: {  	v58 =	vld [tilespmem:s30+$0x8820];
	v35 =	vadd.f32 v19, v35;
	v63 =	vmul.f32 v50, v3;
	v57 =	vmul.f32 v52, v3  }
0x1c9: {  	s0 =	sshra.s32 s31, $0x2;
	v22 =	vld [tilespmem:s30+$0x8C20];
	v60 =	vadd.f32 v27, v40;
	v59 =	vmul.f32 v56, v3;
	v1 =	vmul.f32 v1, v3  }
0x1ca: {  	v24 =	vld [tilespmem:s0+$0xFC20];
	v19 =	vmul.f32 v61, v3;
	v61 =	vadd.f32 v23, v41;
	v0 =	vadd.f32 v30, v0  }
0x1cb: {  	v27 =	vmul.f32 v62, v3;
	v23 =	vld [tilespmem:s0+$0xF420];
	v62 =	vadd.f32 v63, v42;
	v63 =	vadd.f32 v26, v43  }
0x1cc: {  	v30 =	vld [tilespmem:s0+$0xF820];
	v48 =	vmul.f32 v48, v3;
	v2 =	vadd.f32 v59, v2;
	v52 =	vadd.f32 v57, v31  }
0x1cd: {  	v26 =	vld [tilespmem:s0+$0xF020];
	v31 =	vmul.f32 v58, v3;
	v1 =	vadd.f32 v1, v33;
	v0 =	vadd.f32 v27, v0  }
0x1ce: {  	v22 =	vmul.f32 v22, v3;
	v58 =	vld [tilespmem:s0+$0xB420];
	v54 =	vadd.f32 v19, v44;
	v53 =	vadd.f32 v48, v49  }
0x1cf: {  	v19 =	vld [tilespmem:s0+$0xBC20];
	v55 =	vadd.f32 v31, v45;
	v0 =	vadd.f32 v0, v0  }
0x1d0: {  	v27 =	vld [tilespmem:s0+$0xEC20];
	v56 =	vadd.f32 v22, v46;
	v33 =	vadd.f32 v53, v53  }
0x1d1: {  	v31 =	vld [tilespmem:s0+$0xE820];
	v43 =	vadd.f32 v55, v55;
	v0 =	vsub.f32 v32, v0  }
0x1d2: {  	v22 =	vld [tilespmem:s0+$0xB820];
	v57 =	vadd.f32 v56, v56;
	v29 =	vsub.f32 v29, v33  }
0x1d3: {  	v41 =	vadd.f32 v54, v54;
	v32 =	vld [tilespmem:s0+$0xE420];
	v28 =	vsub.f32 v28, v43;
	[tilespmem:s30+$0x10220] =	vst v0;
	v0 =	vmin.f32 v0, $3.000000010e+38  }
0x1d4: {  	v1 =	vadd.f32 v1, v1;
	v25 =	vsub.f32 v25, v57;
	v59 =	vld [tilespmem:s0+$0x3C20];
	[tilespmem:s30+$0x10620] =	vst v29;
	v0 =	vmin.f32 v0, v29  }
0x1d5: {  	v2 =	vadd.f32 v2, v2;
	v29 =	vld [tilespmem:s0+$0x7C20];
	[tilespmem:s30+$0x10A20] =	vst v28;
	v0 =	vmin.f32 v0, v28;
	v28 =	vsub.f32 v21, v41  }
0x1d6: {  	v1 =	vsub.f32 v18, v1;
	v18 =	vadd.f32 v52, v52;
	v21 =	vld [tilespmem:s0+$0xE020];
	[tilespmem:s30+$0x10E20] =	vst v25;
	v0 =	vmin.f32 v0, v25  }
0x1d7: {  	v2 =	vsub.f32 v17, v2;
	v17 =	vadd.f32 v62, v62;
	v25 =	vld [tilespmem:s0+$0xB020];
	[tilespmem:s30+$0x11220] =	vst v28;
	v0 =	vmin.f32 v0, v28  }
0x1d8: {  	v28 =	vld [tilespmem:s0+$0x3820];
	[tilespmem:s30+$0x11620] =	vst v1;
	v0 =	vmin.f32 v0, v1;
	v1 =	vsub.f32 v16, v18;
	v16 =	vadd.f32 v63, v63  }
0x1d9: {  	v18 =	vld [tilespmem:s0+$0x7820];
	[tilespmem:s30+$0x11A20] =	vst v2;
	v0 =	vmin.f32 v0, v2;
	v2 =	vsub.f32 v15, v17;
	v15 =	vadd.f32 v60, v60  }
0x1da: {  	v17 =	vld [tilespmem:s0+$0xDC20];
	[tilespmem:s30+$0x11E20] =	vst v1;
	v0 =	vmin.f32 v0, v1;
	v1 =	vsub.f32 v14, v16;
	v14 =	vadd.f32 v61, v61  }
0x1db: {  	v16 =	vld [tilespmem:s0+$0xAC20];
	[tilespmem:s30+$0x12220] =	vst v2;
	v0 =	vmin.f32 v0, v2;
	v2 =	vsub.f32 v13, v15  }
0x1dc: {  	v13 =	vadd.f32 v34, v34;
	v15 =	vld [tilespmem:s0+$0x3420];
	[tilespmem:s30+$0x12620] =	vst v1;
	v0 =	vmin.f32 v0, v1;
	v1 =	vsub.f32 v12, v14  }
0x1dd: {  	v14 =	vld [tilespmem:s0+$0x7420];
	[tilespmem:s30+$0x12A20] =	vst v2  }
0x1de: {  	v12 =	vadd.f32 v35, v35;
	v0 =	vmin.f32 v0, v2;
	v2 =	vsub.f32 v11, v13;
	v33 =	vld [tilespmem:s0+$0xD820];
	[tilespmem:s30+$0x12E20] =	vst v1  }
0x1df: {  	v0 =	vmin.f32 v0, v1;
	v34 =	vld [tilespmem:s0+$0xA820]  }
0x1e0: {  	v1 =	vsub.f32 v10, v12;
	[tilespmem:s30+$0x13220] =	vst v2;
	v0 =	vmin.f32 v0, v2;
	v2 =	vld [tilespmem:$0x1FF70]  }
0x1e1: {  	v60 =	vld [tilespmem:s0+$0x3020]  }
0x1e2: {  	[tilespmem:s30+$0x13620] =	vst v1;
	v0 =	vmin.f32 v0, v1;
	v1 =	vld [tilespmem:$0x1FF60]  }
0x1e3: {  	v20 =	vadd.f32 v20, v39  }
0x1e4: {  	v11 =	vadd.f32 v38, v38  }
0x1e5: {  	v10 =	vadd.f32 v20, v20  }
0x1e6: {  	v2 =	vsub.f32 v2, v11  }
0x1e7: {  	v1 =	vsub.f32 v1, v10  }
0x1e8: {  	v61 =	vld [tilespmem:s0+$0x7020];
	[tilespmem:s30+$0x13A20] =	vst v2;
	v0 =	vmin.f32 v0, v2  }
0x1e9: {  	v2 =	vld [tilespmem:s0+$0xD420];
	[tilespmem:s30+$0x13E20] =	vst v1;
	v0 =	vmin.f32 v0, v1  }
0x1ea: {  	v1 =	vld [tilespmem:s0+$0xA420];
	[tilespmem:s30+$0x14220] =	vst v0;
	s30 =	smov.u32 s0  }
0x1eb: {  	v7 =	vmin.f32 v7, v0;
	v0 =	vld [tilespmem:s30+$0x2C20]  }
0x1ec: {  	v62 =	vld [tilespmem:s30+$0x6C20]  }
0x1ed: {  	v38 =	vld [tilespmem:s30+$0xD020]  }
0x1ee: {  	v63 =	vld [tilespmem:s30+$0x2820]  }
0x1ef: {  	v40 =	vld [tilespmem:s30+$0x6820]  }
0x1f0: {  	v41 =	vld [tilespmem:s30+$0xCC20]  }
0x1f1: {  	v42 =	vld [tilespmem:s30+$0x2420]  }
0x1f2: {  	v45 =	vld [tilespmem:s30+$0x6420]  }
0x1f3: {  	v46 =	vld [tilespmem:s30+$0xC820]  }
0x1f4: {  	v47 =	vld [tilespmem:s30+$0x2020]  }
0x1f5: {  	v48 =	vld [tilespmem:s30+$0x6020]  }
0x1f6: {  	v22 =	vmul.f32 v22, v3;
	v43 =	vmul.f32 v59, v5;
	v49 =	vld [tilespmem:s30+$0xC420]  }
0x1f7: {  	v8 =	vadd.f32 v24, v6;
	v51 =	vmul.f32 v29, v4;
	v24 =	vmul.f32 v25, v3;
	v50 =	vld [tilespmem:s30+$0x1C20]  }
0x1f8: {  	v53 =	vmul.f32 v28, v5;
	v20 =	vmul.f32 v19, v3;
	v44 =	vld [tilespmem:s30+$0x5C20]  }
0x1f9: {  	v13 =	vadd.f32 v31, v6;
	v19 =	vmul.f32 v58, v3;
	v56 =	vmul.f32 v18, v4;
	v52 =	vld [tilespmem:s30+$0xC020]  }
0x1fa: {  	v12 =	vadd.f32 v27, v6;
	[tilespmem:$0x1FF60] =	vst v8;
	v8 =	vadd.f32 v30, v6;
	v57 =	vmul.f32 v15, v5;
	v28 =	vld [tilespmem:s30+$0x1820]  }
0x1fb: {  	v15 =	vadd.f32 v21, v6;
	v58 =	vmul.f32 v14, v4;
	v27 =	vmul.f32 v34, v3;
	v29 =	vld [tilespmem:s30+$0x5820]  }
0x1fc: {  	v10 =	vadd.f32 v23, v6;
	v23 =	vmul.f32 v16, v3;
	v34 =	vmul.f32 v60, v5;
	v54 =	vld [tilespmem:s30+$0x1420]  }
0x1fd: {  	v11 =	vadd.f32 v26, v6;
	v35 =	vld [tilespmem:s30+$0x5420];
	v26 =	vmul.f32 v1, v3;
	v1 =	vmul.f32 v61, v4  }
0x1fe: {  	v14 =	vadd.f32 v32, v6;
	v32 =	vld [tilespmem:s30+$0x1020];
	v0 =	vmul.f32 v0, v5;
	v59 =	vmul.f32 v62, v4  }
0x1ff: {  	v16 =	vadd.f32 v17, v6;
	v55 =	vld [tilespmem:s30+$0x5020];
	v60 =	vmul.f32 v63, v5;
	v40 =	vmul.f32 v40, v4  }
0x200: {  	v17 =	vadd.f32 v33, v6;
	v39 =	vld [tilespmem:s30+$0xC20];
	v61 =	vmul.f32 v42, v5;
	v62 =	vmul.f32 v45, v4  }
0x201: {  	[tilespmem:$0x1FF70] =	vst v8;
	v8 =	vld [tilespmem:s30+$0x820];
	v18 =	vadd.f32 v2, v6;
	v2 =	vmul.f32 v47, v5;
	v63 =	vmul.f32 v48, v4  }
0x202: {  	v9 =	vld [tilespmem:s30+$0x4420];
	v21 =	vadd.f32 v38, v6;
	v30 =	vmul.f32 v50, v5;
	v31 =	vmul.f32 v44, v4  }
0x203: {  	v42 =	vld [tilespmem:s30+$0x4C20];
	v25 =	vadd.f32 v41, v6;
	v36 =	vmul.f32 v28, v5;
	v44 =	vmul.f32 v29, v4  }
0x204: {  	v50 =	vld [tilespmem:s30+$0x4820];
	v28 =	vadd.f32 v46, v6;
	v33 =	vmul.f32 v54, v5;
	v37 =	vmul.f32 v35, v4  }
0x205: {  	p0 =	sne.s32 s31, $0xF00;
	v41 =	vld [tilespmem:s30+$0x420];
	v29 =	vadd.f32 v49, v6;
	v45 =	vmul.f32 v32, v5;
	v47 =	vmul.f32 v55, v4  }
.Ltmp2:
0x206: {  	v54 =	vld [tilespmem:s30+$0x20];
	v32 =	vadd.f32 v52, v6;
	v46 =	vmul.f32 v39, v5;
	v38 =	vadd.f32 v56, v53;
	(pc) =	sbr.rel @p0 .LBB2_7-.Ltmp2, $4  }
0x207: {  	v55 =	vld [tilespmem:s30+$0x4020];
	v49 =	vmul.f32 v8, v5;
	v39 =	vadd.f32 v51, v43;
	v35 =	vadd.f32 v58, v57  }
0x208: {  	v52 =	vld [tilespmem:s30+$0x9C20];
	v57 =	vmul.f32 v9, v4;
	v34 =	vadd.f32 v1, v34;
	v40 =	vadd.f32 v40, v60  }
0x209: {  	v56 =	vld [tilespmem:s30+$0x9820];
	v43 =	vadd.f32 v62, v61;
	v48 =	vmul.f32 v42, v4;
	v53 =	vmul.f32 v50, v4  }
0x20a: {  	s31 =	sadd.s32 $0x100, s31;
	v50 =	vld [tilespmem:s30+$0xA020];
	v51 =	vmul.f32 v41, v5;
	v41 =	vadd.f32 v59, v0;
	v42 =	vadd.f32 v63, v2  }
0x20b: {  	v2 =	vadd.f32 v44, v36  }
0x20c: {  	v0 =	vmul.f32 v54, v5;
	v1 =	vld [tilespmem:s30+$0x9420];
	v8 =	vadd.f32 v31, v30;
	v31 =	vadd.f32 v47, v45  }
0x20d: {  	v30 =	vld [tilespmem:s30+$0x9020];
	v33 =	vadd.f32 v37, v33;
	v60 =	vadd.f32 v53, v49;
	v9 =	vmul.f32 v55, v4  }
0x20e: {  	v59 =	vld [tilespmem:s30+$0x8020];
	v61 =	vadd.f32 v48, v46;
	v24 =	vadd.f32 v24, v34  }
0x20f: {  	v19 =	vadd.f32 v19, v35;
	v0 =	vadd.f32 v9, v0;
	v9 =	vld [tilespmem:s30+$0x8420]  }
0x210: {  	v53 =	vld [tilespmem:s30+$0x8820];
	v27 =	vadd.f32 v27, v40;
	v26 =	vadd.f32 v26, v43  }
0x211: {  	v63 =	vadd.f32 v57, v51;
	v55 =	vld [tilespmem:s30+$0x8C20];
	v52 =	vmul.f32 v52, v3;
	v54 =	vmul.f32 v56, v3  }
0x212: {  	v23 =	vadd.f32 v23, v41;
	v62 =	vmul.f32 v50, v3;
	v1 =	vmul.f32 v1, v3  }
0x213: {  	v8 =	vadd.f32 v52, v8;
	v30 =	vmul.f32 v30, v3;
	v56 =	vmul.f32 v59, v3  }
0x214: {  	v2 =	vadd.f32 v54, v2;
	v57 =	vadd.f32 v62, v42;
	v9 =	vmul.f32 v9, v3  }
0x215: {  	v58 =	vmul.f32 v53, v3;
	v0 =	vadd.f32 v56, v0;
	v1 =	vadd.f32 v1, v33  }
0x216: {  	v59 =	vmul.f32 v55, v3;
	v30 =	vadd.f32 v30, v31;
	v9 =	vadd.f32 v9, v63  }
0x217: {  	v31 =	vadd.f32 v58, v60;
	v0 =	vadd.f32 v0, v0  }
0x218: {  	v33 =	vadd.f32 v59, v61;
	v9 =	vadd.f32 v9, v9  }
0x219: {  	v31 =	vadd.f32 v31, v31;
	v0 =	vsub.f32 v32, v0  }
0x21a: {  	v9 =	vsub.f32 v29, v9;
	v29 =	vadd.f32 v33, v33  }
0x21b: {  	v30 =	vadd.f32 v30, v30;
	v28 =	vsub.f32 v28, v31;
	[tilespmem:s30+$0x10220] =	vst v0;
	v0 =	vmin.f32 v0, $3.000000010e+38  }
0x21c: {  	v1 =	vadd.f32 v1, v1;
	[tilespmem:s30+$0x10620] =	vst v9;
	v0 =	vmin.f32 v0, v9;
	v9 =	vsub.f32 v25, v29  }
0x21d: {  	v2 =	vadd.f32 v2, v2;
	v21 =	vsub.f32 v21, v30;
	v0 =	vmin.f32 v0, v28  }
0x21e: {  	v8 =	vadd.f32 v8, v8;
	v1 =	vsub.f32 v18, v1;
	v0 =	vmin.f32 v0, v9  }
0x21f: {  	v2 =	vsub.f32 v17, v2;
	[tilespmem:s30+$0x10E20] =	vst v9;
	v9 =	vadd.f32 v57, v57;
	v0 =	vmin.f32 v0, v21  }
0x220: {  	[tilespmem:s30+$0x11620] =	vst v1;
	v0 =	vmin.f32 v0, v1;
	v1 =	vsub.f32 v16, v8;
	v8 =	vadd.f32 v26, v26  }
0x221: {  	[tilespmem:s30+$0x11A20] =	vst v2;
	v0 =	vmin.f32 v0, v2;
	v2 =	vsub.f32 v15, v9;
	v9 =	vadd.f32 v27, v27  }
0x222: {  	[tilespmem:s30+$0x11E20] =	vst v1;
	v0 =	vmin.f32 v0, v1;
	v1 =	vsub.f32 v14, v8;
	v8 =	vadd.f32 v23, v23  }
0x223: {  	[tilespmem:s30+$0x12220] =	vst v2;
	v0 =	vmin.f32 v0, v2;
	v2 =	vsub.f32 v13, v9;
	v9 =	vadd.f32 v24, v24  }
0x224: {  	[tilespmem:s30+$0x12620] =	vst v1;
	v0 =	vmin.f32 v0, v1;
	v1 =	vsub.f32 v12, v8;
	v8 =	vadd.f32 v19, v19  }
0x225: {  	[tilespmem:s30+$0x12A20] =	vst v2;
	v0 =	vmin.f32 v0, v2;
	v2 =	vsub.f32 v11, v9  }
0x226: {  	[tilespmem:s30+$0x12E20] =	vst v1;
	v0 =	vmin.f32 v0, v1;
	v1 =	vsub.f32 v10, v8  }
0x227: {  	[tilespmem:s30+$0x13220] =	vst v2;
	v0 =	vmin.f32 v0, v2;
	v2 =	vld [tilespmem:$0x1FF70]  }
0x228: {  	v22 =	vadd.f32 v22, v38;
	[tilespmem:s30+$0x13620] =	vst v1;
	v0 =	vmin.f32 v0, v1;
	v1 =	vld [tilespmem:$0x1FF60]  }
0x229: {  	v20 =	vadd.f32 v20, v39  }
0x22a: {  	v9 =	vadd.f32 v22, v22  }
0x22b: {  	v8 =	vadd.f32 v20, v20  }
0x22c: {  	[tilespmem:s30+$0x10A20] =	vst v28;
	v2 =	vsub.f32 v2, v9  }
0x22d: {  	[tilespmem:s30+$0x11220] =	vst v21;
	v1 =	vsub.f32 v1, v8  }
0x22e: {  	[tilespmem:s30+$0x13A20] =	vst v2;
	v0 =	vmin.f32 v0, v2  }
0x22f: {  	[tilespmem:s30+$0x13E20] =	vst v1;
	v0 =	vmin.f32 v0, v1  }
0x230: {  	[tilespmem:s30+$0x14220] =	vst v0;
	v0 =	vmin.f32 v7, v0  }
0x231: {  	s30 =	simm.s32 $0x0;
	[tilespmem:$0x14620] =	vst v0  }
0x232: {  	v0 =	vld [tilespmem:s30+$0xFC30]  }
0x233: {  	v1 =	vld [tilespmem:s30+$0xF830]  }
0x234: {  	v2 =	vld [tilespmem:s30+$0xF430]  }
0x235: {  	v11 =	vld [tilespmem:s30+$0xF030]  }
0x236: {  	v12 =	vld [tilespmem:s30+$0xEC30]  }
0x237: {  	v8 =	vld [tilespmem:s30+$0xBC30]  }
0x238: {  	v13 =	vld [tilespmem:s30+$0xE830]  }
0x239: {  	v9 =	vld [tilespmem:s30+$0xB830]  }
0x23a: {  	v14 =	vld [tilespmem:s30+$0xE430]  }
0x23b: {  	v10 =	vld [tilespmem:s30+$0xB430]  }
0x23c: {  	v15 =	vld [tilespmem:s30+$0x3C30]  }
0x23d: {  	v16 =	vld [tilespmem:s30+$0x7C30]  }
0x23e: {  	v17 =	vld [tilespmem:s30+$0xE030]  }
0x23f: {  	v18 =	vld [tilespmem:s30+$0xB030]  }
0x240: {  	v21 =	vld [tilespmem:s30+$0x3830]  }
0x241: {  	v25 =	vld [tilespmem:s30+$0x7830]  }
0x242: {  	v43 =	vld [tilespmem:s30+$0xDC30]  }
0x243: {  	v23 =	vld [tilespmem:s30+$0xAC30]  }
0x244: {  	v26 =	vld [tilespmem:s30+$0x3430]  }
0x245: {  	v27 =	vld [tilespmem:s30+$0x7430]  }
0x246: {  	v29 =	vld [tilespmem:s30+$0xD830]  }
0x247: {  	v30 =	vld [tilespmem:s30+$0xA830]  }
0x248: {  	v31 =	vld [tilespmem:s30+$0x3030]  }
0x249: {  	v60 =	vld [tilespmem:s30+$0x7030]  }
0x24a: {  	v33 =	vld [tilespmem:s30+$0xD430]  }
0x24b: {  	v61 =	vld [tilespmem:s30+$0xA430]  }
0x24c: {  	v62 =	vld [tilespmem:s30+$0x2C30]  }
0x24d: {  	v63 =	vld [tilespmem:s30+$0x6C30]  }
0x24e: {  	v37 =	vld [tilespmem:s30+$0xD030]  }
0x24f: {  	v38 =	vld [tilespmem:s30+$0x2830]  }
0x250: {  	v39 =	vld [tilespmem:s30+$0x6830]  }
0x251: {  	v40 =	vld [tilespmem:s30+$0xCC30]  }
0x252: {  	v41 =	vld [tilespmem:s30+$0x2430]  }
0x253: {  	v42 =	vld [tilespmem:s30+$0x6430]  }
0x254: {  	v55 =	vld [tilespmem:s30+$0xC830]  }
0x255: {  	v44 =	vld [tilespmem:s30+$0x2030]  }
0x256: {  	v45 =	vld [tilespmem:s30+$0x6030]  }
0x257: {  	v46 =	vld [tilespmem:s30+$0xC430];
	v20 =	vmul.f32 v8, v3;
	v19 =	vmul.f32 v10, v3  }
0x258: {  	v7 =	vimm.f32 $3.000000010e+38;
	v47 =	vld [tilespmem:s30+$0x1C30];
	v22 =	vmul.f32 v9, v3;
	v8 =	vmul.f32 v15, v5  }
0x259: {  	v28 =	vld [tilespmem:s30+$0x5C30];
	v0 =	vadd.f32 v0, v6;
	v9 =	vmul.f32 v16, v4;
	v24 =	vmul.f32 v18, v3  }
0x25a: {  	v48 =	vld [tilespmem:s30+$0xC030];
	v10 =	vadd.f32 v2, v6;
	v50 =	vmul.f32 v21, v5;
	v23 =	vmul.f32 v23, v3  }
0x25b: {  	v49 =	vld [tilespmem:s30+$0x1830];
	v11 =	vadd.f32 v11, v6;
	v51 =	vmul.f32 v25, v4;
	v12 =	vadd.f32 v12, v6  }
0x25c: {  	v52 =	vld [tilespmem:s30+$0x5830];
	v56 =	vmul.f32 v26, v5;
	v57 =	vmul.f32 v27, v4;
	v13 =	vadd.f32 v13, v6  }
0x25d: {  	v53 =	vld [tilespmem:s30+$0x1430];
	v27 =	vmul.f32 v30, v3;
	v58 =	vmul.f32 v31, v5;
	v14 =	vadd.f32 v14, v6  }
0x25e: {  	v54 =	vld [tilespmem:s30+$0x5430];
	v26 =	vmul.f32 v61, v3;
	v34 =	vmul.f32 v60, v4;
	v15 =	vadd.f32 v17, v6  }
0x25f: {  	v32 =	vld [tilespmem:s30+$0x1030];
	v59 =	vmul.f32 v62, v5;
	v60 =	vmul.f32 v63, v4;
	v16 =	vadd.f32 v43, v6  }
0x260: {  	v35 =	vld [tilespmem:s30+$0x5030];
	v61 =	vmul.f32 v38, v5;
	v62 =	vmul.f32 v39, v4;
	v17 =	vadd.f32 v29, v6  }
0x261: {  	v38 =	vld [tilespmem:s30+$0xC30];
	v63 =	vmul.f32 v41, v5;
	v43 =	vmul.f32 v42, v4;
	v18 =	vadd.f32 v33, v6  }
0x262: {  	v39 =	vld [tilespmem:s30+$0x4C30];
	v42 =	vmul.f32 v44, v5;
	v2 =	vmul.f32 v45, v4;
	v21 =	vadd.f32 v37, v6  }
0x263: {  	v41 =	vld [tilespmem:s30+$0x830];
	v30 =	vmul.f32 v47, v5;
	v31 =	vmul.f32 v28, v4;
	v25 =	vadd.f32 v40, v6  }
0x264: {  	v36 =	vmul.f32 v49, v5;
	v44 =	vmul.f32 v52, v4;
	v40 =	vld [tilespmem:s30+$0x430];
	[tilespmem:$0x1FF40] =	vst v0;
	v0 =	vadd.f32 v1, v6  }
0x265: {  	v28 =	vadd.f32 v55, v6;
	v33 =	vmul.f32 v53, v5;
	v37 =	vmul.f32 v54, v4;
	v1 =	vld [tilespmem:s30+$0x4430]  }
0x266: {  	v29 =	vadd.f32 v46, v6;
	v45 =	vmul.f32 v32, v5;
	v32 =	vadd.f32 v48, v6;
	[tilespmem:$0x1FF50] =	vst v0;
	v0 =	vld [tilespmem:s30+$0x4830]  }
0x267: {  	v47 =	vmul.f32 v35, v4;
	v54 =	vld [tilespmem:s30+$0x30];
	v34 =	vadd.f32 v34, v58;
	v35 =	vadd.f32 v57, v56  }
0x268: {  	v55 =	vld [tilespmem:s30+$0x4030];
	v42 =	vadd.f32 v2, v42;
	v43 =	vadd.f32 v43, v63;
	v46 =	vmul.f32 v38, v5  }
0x269: {  	v52 =	vld [tilespmem:s30+$0x9C30];
	v48 =	vmul.f32 v39, v4;
	v49 =	vmul.f32 v41, v5;
	v38 =	vadd.f32 v51, v50  }
0x26a: {  	v56 =	vld [tilespmem:s30+$0x9830];
	v39 =	vadd.f32 v9, v8;
	v51 =	vmul.f32 v40, v5;
	v40 =	vadd.f32 v62, v61  }
0x26b: {  	s31 =	simm.s32 $0x100;
	v50 =	vld [tilespmem:s30+$0xA030];
	v41 =	vadd.f32 v60, v59;
	v57 =	vmul.f32 v1, v4;
	v53 =	vmul.f32 v0, v4  }
.LBB2_9:
0x26c: {  	v2 =	vadd.f32 v44, v36;
	v31 =	vadd.f32 v31, v30  }
0x26d: {  	v1 =	vld [tilespmem:s30+$0x9430];
	v44 =	vadd.f32 v47, v45;
	v33 =	vadd.f32 v37, v33  }
0x26e: {  	v61 =	vld [tilespmem:s30+$0x9030];
	v45 =	vadd.f32 v53, v49;
	v46 =	vadd.f32 v48, v46  }
0x26f: {  	v62 =	vld [tilespmem:s30+$0x8030];
	v49 =	vadd.f32 v57, v51;
	v38 =	vadd.f32 v22, v38  }
0x270: {  	v48 =	vld [tilespmem:s30+$0x8430];
	v34 =	vadd.f32 v24, v34;
	v0 =	vmul.f32 v54, v5;
	v30 =	vmul.f32 v55, v4  }
0x271: {  	v58 =	vld [tilespmem:s30+$0x8830];
	v35 =	vadd.f32 v19, v35;
	v63 =	vmul.f32 v50, v3;
	v57 =	vmul.f32 v52, v3  }
0x272: {  	s0 =	sshra.s32 s31, $0x2;
	v22 =	vld [tilespmem:s30+$0x8C30];
	v60 =	vadd.f32 v27, v40;
	v59 =	vmul.f32 v56, v3;
	v1 =	vmul.f32 v1, v3  }
0x273: {  	v24 =	vld [tilespmem:s0+$0xFC30];
	v19 =	vmul.f32 v61, v3;
	v61 =	vadd.f32 v23, v41;
	v0 =	vadd.f32 v30, v0  }
0x274: {  	v27 =	vmul.f32 v62, v3;
	v23 =	vld [tilespmem:s0+$0xF430];
	v62 =	vadd.f32 v63, v42;
	v63 =	vadd.f32 v26, v43  }
0x275: {  	v30 =	vld [tilespmem:s0+$0xF830];
	v48 =	vmul.f32 v48, v3;
	v2 =	vadd.f32 v59, v2;
	v52 =	vadd.f32 v57, v31  }
0x276: {  	v26 =	vld [tilespmem:s0+$0xF030];
	v31 =	vmul.f32 v58, v3;
	v1 =	vadd.f32 v1, v33;
	v0 =	vadd.f32 v27, v0  }
0x277: {  	v22 =	vmul.f32 v22, v3;
	v58 =	vld [tilespmem:s0+$0xB430];
	v54 =	vadd.f32 v19, v44;
	v53 =	vadd.f32 v48, v49  }
0x278: {  	v19 =	vld [tilespmem:s0+$0xBC30];
	v55 =	vadd.f32 v31, v45;
	v0 =	vadd.f32 v0, v0  }
0x279: {  	v27 =	vld [tilespmem:s0+$0xEC30];
	v56 =	vadd.f32 v22, v46;
	v33 =	vadd.f32 v53, v53  }
0x27a: {  	v31 =	vld [tilespmem:s0+$0xE830];
	v43 =	vadd.f32 v55, v55;
	v0 =	vsub.f32 v32, v0  }
0x27b: {  	v22 =	vld [tilespmem:s0+$0xB830];
	v57 =	vadd.f32 v56, v56;
	v29 =	vsub.f32 v29, v33  }
0x27c: {  	v41 =	vadd.f32 v54, v54;
	v32 =	vld [tilespmem:s0+$0xE430];
	v28 =	vsub.f32 v28, v43;
	[tilespmem:s30+$0x10230] =	vst v0;
	v0 =	vmin.f32 v0, $3.000000010e+38  }
0x27d: {  	v1 =	vadd.f32 v1, v1;
	v25 =	vsub.f32 v25, v57;
	v59 =	vld [tilespmem:s0+$0x3C30];
	[tilespmem:s30+$0x10630] =	vst v29;
	v0 =	vmin.f32 v0, v29  }
0x27e: {  	v2 =	vadd.f32 v2, v2;
	v29 =	vld [tilespmem:s0+$0x7C30];
	[tilespmem:s30+$0x10A30] =	vst v28;
	v0 =	vmin.f32 v0, v28;
	v28 =	vsub.f32 v21, v41  }
0x27f: {  	v1 =	vsub.f32 v18, v1;
	v18 =	vadd.f32 v52, v52;
	v21 =	vld [tilespmem:s0+$0xE030];
	[tilespmem:s30+$0x10E30] =	vst v25;
	v0 =	vmin.f32 v0, v25  }
0x280: {  	v2 =	vsub.f32 v17, v2;
	v17 =	vadd.f32 v62, v62;
	v25 =	vld [tilespmem:s0+$0xB030];
	[tilespmem:s30+$0x11230] =	vst v28;
	v0 =	vmin.f32 v0, v28  }
0x281: {  	v28 =	vld [tilespmem:s0+$0x3830];
	[tilespmem:s30+$0x11630] =	vst v1;
	v0 =	vmin.f32 v0, v1;
	v1 =	vsub.f32 v16, v18;
	v16 =	vadd.f32 v63, v63  }
0x282: {  	v18 =	vld [tilespmem:s0+$0x7830];
	[tilespmem:s30+$0x11A30] =	vst v2;
	v0 =	vmin.f32 v0, v2;
	v2 =	vsub.f32 v15, v17;
	v15 =	vadd.f32 v60, v60  }
0x283: {  	v17 =	vld [tilespmem:s0+$0xDC30];
	[tilespmem:s30+$0x11E30] =	vst v1;
	v0 =	vmin.f32 v0, v1;
	v1 =	vsub.f32 v14, v16;
	v14 =	vadd.f32 v61, v61  }
0x284: {  	v16 =	vld [tilespmem:s0+$0xAC30];
	[tilespmem:s30+$0x12230] =	vst v2;
	v0 =	vmin.f32 v0, v2;
	v2 =	vsub.f32 v13, v15  }
0x285: {  	v13 =	vadd.f32 v34, v34;
	v15 =	vld [tilespmem:s0+$0x3430];
	[tilespmem:s30+$0x12630] =	vst v1;
	v0 =	vmin.f32 v0, v1;
	v1 =	vsub.f32 v12, v14  }
0x286: {  	v14 =	vld [tilespmem:s0+$0x7430];
	[tilespmem:s30+$0x12A30] =	vst v2  }
0x287: {  	v12 =	vadd.f32 v35, v35;
	v0 =	vmin.f32 v0, v2;
	v2 =	vsub.f32 v11, v13;
	v33 =	vld [tilespmem:s0+$0xD830];
	[tilespmem:s30+$0x12E30] =	vst v1  }
0x288: {  	v0 =	vmin.f32 v0, v1;
	v34 =	vld [tilespmem:s0+$0xA830]  }
0x289: {  	v1 =	vsub.f32 v10, v12;
	[tilespmem:s30+$0x13230] =	vst v2;
	v0 =	vmin.f32 v0, v2;
	v2 =	vld [tilespmem:$0x1FF50]  }
0x28a: {  	v60 =	vld [tilespmem:s0+$0x3030]  }
0x28b: {  	[tilespmem:s30+$0x13630] =	vst v1;
	v0 =	vmin.f32 v0, v1;
	v1 =	vld [tilespmem:$0x1FF40]  }
0x28c: {  	v20 =	vadd.f32 v20, v39  }
0x28d: {  	v11 =	vadd.f32 v38, v38  }
0x28e: {  	v10 =	vadd.f32 v20, v20  }
0x28f: {  	v2 =	vsub.f32 v2, v11  }
0x290: {  	v1 =	vsub.f32 v1, v10  }
0x291: {  	v61 =	vld [tilespmem:s0+$0x7030];
	[tilespmem:s30+$0x13A30] =	vst v2;
	v0 =	vmin.f32 v0, v2  }
0x292: {  	v2 =	vld [tilespmem:s0+$0xD430];
	[tilespmem:s30+$0x13E30] =	vst v1;
	v0 =	vmin.f32 v0, v1  }
0x293: {  	v1 =	vld [tilespmem:s0+$0xA430];
	[tilespmem:s30+$0x14230] =	vst v0;
	s30 =	smov.u32 s0  }
0x294: {  	v7 =	vmin.f32 v7, v0;
	v0 =	vld [tilespmem:s30+$0x2C30]  }
0x295: {  	v62 =	vld [tilespmem:s30+$0x6C30]  }
0x296: {  	v38 =	vld [tilespmem:s30+$0xD030]  }
0x297: {  	v63 =	vld [tilespmem:s30+$0x2830]  }
0x298: {  	v40 =	vld [tilespmem:s30+$0x6830]  }
0x299: {  	v41 =	vld [tilespmem:s30+$0xCC30]  }
0x29a: {  	v42 =	vld [tilespmem:s30+$0x2430]  }
0x29b: {  	v45 =	vld [tilespmem:s30+$0x6430]  }
0x29c: {  	v46 =	vld [tilespmem:s30+$0xC830]  }
0x29d: {  	v47 =	vld [tilespmem:s30+$0x2030]  }
0x29e: {  	v48 =	vld [tilespmem:s30+$0x6030]  }
0x29f: {  	v22 =	vmul.f32 v22, v3;
	v43 =	vmul.f32 v59, v5;
	v49 =	vld [tilespmem:s30+$0xC430]  }
0x2a0: {  	v8 =	vadd.f32 v24, v6;
	v51 =	vmul.f32 v29, v4;
	v24 =	vmul.f32 v25, v3;
	v50 =	vld [tilespmem:s30+$0x1C30]  }
0x2a1: {  	v53 =	vmul.f32 v28, v5;
	v20 =	vmul.f32 v19, v3;
	v44 =	vld [tilespmem:s30+$0x5C30]  }
0x2a2: {  	v13 =	vadd.f32 v31, v6;
	v19 =	vmul.f32 v58, v3;
	v56 =	vmul.f32 v18, v4;
	v52 =	vld [tilespmem:s30+$0xC030]  }
0x2a3: {  	v12 =	vadd.f32 v27, v6;
	[tilespmem:$0x1FF40] =	vst v8;
	v8 =	vadd.f32 v30, v6;
	v57 =	vmul.f32 v15, v5;
	v28 =	vld [tilespmem:s30+$0x1830]  }
0x2a4: {  	v15 =	vadd.f32 v21, v6;
	v58 =	vmul.f32 v14, v4;
	v27 =	vmul.f32 v34, v3;
	v29 =	vld [tilespmem:s30+$0x5830]  }
0x2a5: {  	v10 =	vadd.f32 v23, v6;
	v23 =	vmul.f32 v16, v3;
	v34 =	vmul.f32 v60, v5;
	v54 =	vld [tilespmem:s30+$0x1430]  }
0x2a6: {  	v11 =	vadd.f32 v26, v6;
	v35 =	vld [tilespmem:s30+$0x5430];
	v26 =	vmul.f32 v1, v3;
	v1 =	vmul.f32 v61, v4  }
0x2a7: {  	v14 =	vadd.f32 v32, v6;
	v32 =	vld [tilespmem:s30+$0x1030];
	v0 =	vmul.f32 v0, v5;
	v59 =	vmul.f32 v62, v4  }
0x2a8: {  	v16 =	vadd.f32 v17, v6;
	v55 =	vld [tilespmem:s30+$0x5030];
	v60 =	vmul.f32 v63, v5;
	v40 =	vmul.f32 v40, v4  }
0x2a9: {  	v17 =	vadd.f32 v33, v6;
	v39 =	vld [tilespmem:s30+$0xC30];
	v61 =	vmul.f32 v42, v5;
	v62 =	vmul.f32 v45, v4  }
0x2aa: {  	[tilespmem:$0x1FF50] =	vst v8;
	v8 =	vld [tilespmem:s30+$0x830];
	v18 =	vadd.f32 v2, v6;
	v2 =	vmul.f32 v47, v5;
	v63 =	vmul.f32 v48, v4  }
0x2ab: {  	v9 =	vld [tilespmem:s30+$0x4430];
	v21 =	vadd.f32 v38, v6;
	v30 =	vmul.f32 v50, v5;
	v31 =	vmul.f32 v44, v4  }
0x2ac: {  	v42 =	vld [tilespmem:s30+$0x4C30];
	v25 =	vadd.f32 v41, v6;
	v36 =	vmul.f32 v28, v5;
	v44 =	vmul.f32 v29, v4  }
0x2ad: {  	v50 =	vld [tilespmem:s30+$0x4830];
	v28 =	vadd.f32 v46, v6;
	v33 =	vmul.f32 v54, v5;
	v37 =	vmul.f32 v35, v4  }
0x2ae: {  	p0 =	sne.s32 s31, $0xF00;
	v41 =	vld [tilespmem:s30+$0x430];
	v29 =	vadd.f32 v49, v6;
	v45 =	vmul.f32 v32, v5;
	v47 =	vmul.f32 v55, v4  }
.Ltmp3:
0x2af: {  	v54 =	vld [tilespmem:s30+$0x30];
	v32 =	vadd.f32 v52, v6;
	v46 =	vmul.f32 v39, v5;
	v38 =	vadd.f32 v56, v53;
	(pc) =	sbr.rel @p0 .LBB2_9-.Ltmp3, $4  }
0x2b0: {  	v55 =	vld [tilespmem:s30+$0x4030];
	v49 =	vmul.f32 v8, v5;
	v39 =	vadd.f32 v51, v43;
	v35 =	vadd.f32 v58, v57  }
0x2b1: {  	v52 =	vld [tilespmem:s30+$0x9C30];
	v57 =	vmul.f32 v9, v4;
	v34 =	vadd.f32 v1, v34;
	v40 =	vadd.f32 v40, v60  }
0x2b2: {  	v56 =	vld [tilespmem:s30+$0x9830];
	v43 =	vadd.f32 v62, v61;
	v48 =	vmul.f32 v42, v4;
	v53 =	vmul.f32 v50, v4  }
0x2b3: {  	s31 =	sadd.s32 $0x100, s31;
	v50 =	vld [tilespmem:s30+$0xA030];
	v51 =	vmul.f32 v41, v5;
	v41 =	vadd.f32 v59, v0;
	v42 =	vadd.f32 v63, v2  }
0x2b4: {  	v0 =	vmul.f32 v54, v5;
	v2 =	vadd.f32 v44, v36;
	v5 =	vadd.f32 v31, v30  }
0x2b5: {  	v8 =	vadd.f32 v47, v45;
	v9 =	vadd.f32 v37, v33  }
0x2b6: {  	v53 =	vadd.f32 v53, v49;
	v54 =	vadd.f32 v48, v46  }
0x2b7: {  	v1 =	vld [tilespmem:s30+$0x9430];
	v24 =	vadd.f32 v24, v34;
	v19 =	vadd.f32 v19, v35  }
0x2b8: {  	v6 =	vld [tilespmem:s30+$0x9030];
	v27 =	vadd.f32 v27, v40;
	v26 =	vadd.f32 v26, v43  }
0x2b9: {  	v30 =	vld [tilespmem:s30+$0x8030];
	v4 =	vmul.f32 v55, v4;
	v59 =	vadd.f32 v57, v51;
	v23 =	vadd.f32 v23, v41  }
0x2ba: {  	v58 =	vld [tilespmem:s30+$0x8430];
	v60 =	vmul.f32 v52, v3;
	v49 =	vadd.f32 v26, v26;
	v51 =	vadd.f32 v27, v27  }
0x2bb: {  	v61 =	vld [tilespmem:s30+$0x8830];
	v57 =	vadd.f32 v19, v19;
	v0 =	vadd.f32 v4, v0  }
0x2bc: {  	v63 =	vld [tilespmem:s30+$0x8C30];
	v62 =	vmul.f32 v56, v3;
	v55 =	vmul.f32 v50, v3;
	v5 =	vadd.f32 v60, v5  }
0x2bd: {  	v52 =	vsub.f32 v14, v49;
	v60 =	vsub.f32 v10, v57;
	v1 =	vmul.f32 v1, v3  }
0x2be: {  	v6 =	vmul.f32 v6, v3;
	v30 =	vmul.f32 v30, v3;
	v2 =	vadd.f32 v62, v2  }
0x2bf: {  	v4 =	vmul.f32 v58, v3;
	v42 =	vadd.f32 v55, v42;
	v46 =	vadd.f32 v5, v5  }
0x2c0: {  	v43 =	vmul.f32 v61, v3;
	v55 =	vadd.f32 v24, v24;
	v0 =	vadd.f32 v30, v0  }
0x2c1: {  	v44 =	vmul.f32 v63, v3;
	v1 =	vadd.f32 v1, v9;
	v4 =	vadd.f32 v4, v59  }
0x2c2: {  	v6 =	vadd.f32 v6, v8;
	v8 =	vadd.f32 v43, v53  }
0x2c3: {  	v3 =	vadd.f32 v44, v54;
	v2 =	vadd.f32 v2, v2  }
0x2c4: {  	v53 =	vadd.f32 v23, v23;
	v0 =	vadd.f32 v0, v0  }
0x2c5: {  	v54 =	vsub.f32 v13, v51;
	v4 =	vadd.f32 v4, v4  }
0x2c6: {  	v8 =	vadd.f32 v8, v8;
	v0 =	vsub.f32 v32, v0  }
0x2c7: {  	v3 =	vadd.f32 v3, v3;
	v4 =	vsub.f32 v29, v4  }
0x2c8: {  	v6 =	vadd.f32 v6, v6;
	v8 =	vsub.f32 v28, v8;
	[tilespmem:s30+$0x10230] =	vst v0;
	v0 =	vmin.f32 v0, $3.000000010e+38  }
0x2c9: {  	[tilespmem:s30+$0x12630] =	vst v52;
	v1 =	vadd.f32 v1, v1;
	v3 =	vsub.f32 v25, v3;
	v0 =	vmin.f32 v0, v4  }
0x2ca: {  	[tilespmem:s30+$0x13630] =	vst v60;
	v48 =	vsub.f32 v16, v46;
	v45 =	vsub.f32 v21, v6;
	v0 =	vmin.f32 v0, v8  }
0x2cb: {  	v58 =	vsub.f32 v11, v55;
	[tilespmem:s30+$0x12A30] =	vst v54;
	v1 =	vsub.f32 v18, v1;
	v0 =	vmin.f32 v0, v3  }
0x2cc: {  	v47 =	vadd.f32 v42, v42;
	v2 =	vsub.f32 v17, v2;
	[tilespmem:s30+$0x11E30] =	vst v48;
	v0 =	vmin.f32 v0, v45  }
0x2cd: {  	v56 =	vsub.f32 v12, v53;
	[tilespmem:s30+$0x13230] =	vst v58;
	v0 =	vmin.f32 v0, v1  }
0x2ce: {  	v62 =	vld [tilespmem:$0x1FF50];
	v50 =	vsub.f32 v15, v47;
	[tilespmem:s30+$0x11A30] =	vst v2;
	v0 =	vmin.f32 v0, v2  }
0x2cf: {  	v63 =	vld [tilespmem:$0x1FF40];
	[tilespmem:s30+$0x12E30] =	vst v56;
	v0 =	vmin.f32 v0, v48  }
0x2d0: {  	v22 =	vadd.f32 v22, v38;
	v20 =	vadd.f32 v20, v39;
	[tilespmem:s30+$0x12230] =	vst v50;
	v0 =	vmin.f32 v0, v50  }
0x2d1: {  	[tilespmem:s30+$0x10630] =	vst v4;
	v0 =	vmin.f32 v0, v52  }
0x2d2: {  	v61 =	vadd.f32 v20, v20;
	v59 =	vadd.f32 v22, v22;
	[tilespmem:s30+$0x10A30] =	vst v8;
	v0 =	vmin.f32 v0, v54  }
0x2d3: {  	[tilespmem:s30+$0x10E30] =	vst v3;
	v0 =	vmin.f32 v0, v56  }
0x2d4: {  	[tilespmem:s30+$0x11630] =	vst v1;
	v1 =	vsub.f32 v63, v61;
	v2 =	vsub.f32 v62, v59;
	v0 =	vmin.f32 v0, v58  }
0x2d5: {  	[tilespmem:s30+$0x11230] =	vst v45;
	v0 =	vmin.f32 v0, v60  }
0x2d6: {  	[tilespmem:s30+$0x13E30] =	vst v1;
	v0 =	vmin.f32 v0, v2  }
0x2d7: {  	[tilespmem:s30+$0x13A30] =	vst v2;
	v0 =	vmin.f32 v0, v1  }
0x2d8: {  	[tilespmem:s30+$0x14230] =	vst v0;
	v0 =	vmin.f32 v7, v0  }
0x2d9: {  	s0 =	simm.s32 $0x0;
	v9 =	vimm.s32 $0x0;
	v16 =	vimm.f32 $3.000000010e+38;
	v17 =	vlaneseq.u32;
	v15 =	vld [tilespmem:$0x1FFF0];
	[tilespmem:$0x14630] =	vst v0  }
.LBB2_11:
0x2da: {  	v0 =	vld [tilespmem:$0x14600];
	_ =	sdelay $0x1  }
0x2db: {  	v1 =	vld [tilespmem:$0x14610];
	_ =	sdelay $0x1  }
0x2dc: {  	v2 =	vld [tilespmem:$0x14620]  }
0x2dd: {  	vm0 =	vlt.f32 v0, $3.000000010e+38  }
0x2de: {  	v3 =	vld [tilespmem:$0x14630];
	v0 =	vnsel vm0, $0x7F61B1E6, v0  }
0x2df: {  	vm0 =	vlt.f32 v1, v0  }
0x2e0: {  	v0 =	vsel vm0, v1, v0  }
0x2e1: {  	vm1 =	vlt.f32 v2, v0  }
0x2e2: {  	v0 =	vsel vm1, v2, v0  }
0x2e3: {  	vm2 =	vlt.f32 v3, v0  }
0x2e4: {  	v0 =	vsel vm2, v3, v0  }
0x2e5: {  	(xrf0) =	vmin.scan.msk.f32 $0xffff, v0;
	_ =	sdelay $0x5  }
0x2e6: {  	v4 =	vor.u32 $0x80000010, v17;
	v3 =	vor.u32 $0x80000000, v17;
	v1, _, _ =	vpop (xrf0)  }
0x2e7: {  	v5 =	vor.u32 $0x80000020, v17;
	v2 =	vsel vm0, v4, v3;
	v1 =	vbroadcast v1, $0xF  }
0x2e8: {  	v6 =	vor.u32 $0x80000030, v17;
	v2 =	vsel vm1, v5, v2  }
0x2e9: {  	vm11 =	veq.f32 v0, v1;
	v0 =	vsel vm2, v6, v2  }
0x2ea: {  	v0 =	vnsel vm11, $0x80000400, v0  }
0x2eb: {  	(xrf0) =	vmin.scan.msk.u32 $0xffff, v0;
	_ =	sdelay $0x5  }
0x2ec: {  	v0, _, _ =	vpop (xrf0)  }
0x2ed: {  	(v2sf) =	vpush v0, $0xF;
	_ =	sdelay $0xe  }
0x2ee: {  	v7 =	vmul.u32 $0x40, v17;
	s30 =	spop (v2sf)  }
0x2ef: {  	s31 =	sxor.u32 $0x80000000, s30  }
0x2f0: {  	v0 =	vadd.s32 s31, v7;
	_ =	sdelay $0x4  }
0x2f1: {  	v0 =	vld.idx.msk [tilespmem:v0+s23+$0x0], $0xffff;
	_ =	sdelay $0x4  }
0x2f2: {  	vm12 =	veq.f32 v0, v1  }
0x2f3: {  	v2 =	vmctz.xlane vm12;
	_ =	sdelay $0x1  }
0x2f4: {  	v8 =	vmul.u32 $0x400, v17;
	v10 =	vshll.u32 v2, $0x6  }
0x2f5: {  	v10 =	vadd.s32 s31, v10  }
0x2f6: {  	v11 =	vadd.s32 v8, v10;
	_ =	sdelay $0x4  }
0x2f7: {  	v11 =	vld.idx.msk [tilespmem:v11+s24+$0x0], $0xffff;
	_ =	sdelay $0x4  }
0x2f8: {  	vm13 =	veq.f32 v11, v1  }
0x2f9: {  	v1 =	vmctz.xlane vm13;
	_ =	sdelay $0x1  }
0x2fa: {  	vm0 =	veq.s32 v1, v17  }
0x2fb: {  	v11 =	vsel vm0, $0x7F61B1E6, v11  }
0x2fc: {  	(xrf0) =	vmin.scan.msk.f32 $0xffff, v11;
	_ =	sdelay $0x5  }
0x2fd: {  	v11, _, _ =	vpop (xrf0)  }
0x2fe: {  	v11 =	vbroadcast v11, $0xF  }
0x2ff: {  	vm14 =	veq.s32 v2, v17  }
0x300: {  	v0 =	vsel vm14, v11, v0  }
0x301: {  	(xrf0) =	vmin.scan.msk.f32 $0xffff, v0  }
0x302: {  	v0 =	vshll.u32 v1, $0xA  }
0x303: {  	v0 =	vadd.s32 v0, v10;
	_ =	sdelay $0x1  }
0x304: {  	p0 =	sne.s32 s0, $0xF;
	v12 =	vmov s31  }
.Ltmp4:
0x305: {  	v2 =	vshll.u32 v2, $0x4;
	(pc) =	sbr.rel @p0 .LBB2_11-.Ltmp4, $4  }
0x306: {  	v2 =	vadd.s32 v15, v2;
	v13, _, _ =	vpop (xrf0)  }
0x307: {  	v14 =	vmov s0;
	s30 =	sshll.u32 s30, $0x8;
	v1 =	vadd.s32 v1, v2;
	[tilespmem:v0+s24+$0x0] =	vst.idx.msk $0x1, v16;
	v0 =	vbroadcast v13, $0xF  }
0x308: {  	vm15 =	veq.s32 v14, v17;
	v1 =	vadd.s32 s30, v1;
	[tilespmem:v10+s23+$0x0] =	vst.idx.msk $0x1, v11  }
0x309: {  	s0 =	sadd.s32 $0x1, s0;
	v9 =	vsel vm15, v1, v9;
	[tilespmem:v12+s25+$0x0] =	vst.idx.msk $0x1, v0  }
0x30a: {  	s0 =	smul.u32 $0xC8, s29;
	_ =	sdelay $0x1  }
0x30b: {  	s30 =	sshra.s32 s0, $0x2  }
0x30c: {  	s0 =	simm.s32 $0x0;
	[tilespmem:s30+$0x14680] =	vst v9;
	v9 =	vimm.s32 $0x0  }
.LBB2_13:
0x30d: {  	v0 =	vld [tilespmem:$0x14600];
	_ =	sdelay $0x1  }
0x30e: {  	v1 =	vld [tilespmem:$0x14610];
	_ =	sdelay $0x1  }
0x30f: {  	v2 =	vld [tilespmem:$0x14620]  }
0x310: {  	vm0 =	vlt.f32 v0, $3.000000010e+38  }
0x311: {  	v10 =	vld [tilespmem:$0x14630];
	v0 =	vnsel vm0, $0x7F61B1E6, v0  }
0x312: {  	vm0 =	vlt.f32 v1, v0  }
0x313: {  	v0 =	vsel vm0, v1, v0  }
0x314: {  	vm1 =	vlt.f32 v2, v0  }
0x315: {  	v0 =	vsel vm1, v2, v0  }
0x316: {  	vm2 =	vlt.f32 v10, v0  }
0x317: {  	v0 =	vsel vm2, v10, v0  }
0x318: {  	(xrf0) =	vmin.scan.msk.f32 $0xffff, v0;
	_ =	sdelay $0x5  }
0x319: {  	v1, _, _ =	vpop (xrf0)  }
0x31a: {  	v2 =	vsel vm0, v4, v3;
	v1 =	vbroadcast v1, $0xF  }
0x31b: {  	v2 =	vsel vm1, v5, v2  }
0x31c: {  	vm11 =	veq.f32 v0, v1;
	v0 =	vsel vm2, v6, v2  }
0x31d: {  	v0 =	vnsel vm11, $0x80000400, v0  }
0x31e: {  	(xrf0) =	vmin.scan.msk.u32 $0xffff, v0;
	_ =	sdelay $0x5  }
0x31f: {  	v0, _, _ =	vpop (xrf0)  }
0x320: {  	(v2sf) =	vpush v0, $0xF;
	_ =	sdelay $0xe  }
0x321: {  	s31 =	spop (v2sf)  }
0x322: {  	s1 =	sxor.u32 $0x80000000, s31  }
0x323: {  	v0 =	vadd.s32 s1, v7;
	_ =	sdelay $0x4  }
0x324: {  	v0 =	vld.idx.msk [tilespmem:v0+s23+$0x0], $0xffff;
	_ =	sdelay $0x4  }
0x325: {  	vm12 =	veq.f32 v0, v1  }
0x326: {  	v2 =	vmctz.xlane vm12;
	_ =	sdelay $0x1  }
0x327: {  	v10 =	vshll.u32 v2, $0x6  }
0x328: {  	v10 =	vadd.s32 s1, v10  }
0x329: {  	v11 =	vadd.s32 v8, v10;
	_ =	sdelay $0x4  }
0x32a: {  	v11 =	vld.idx.msk [tilespmem:v11+s24+$0x0], $0xffff;
	_ =	sdelay $0x4  }
0x32b: {  	vm13 =	veq.f32 v11, v1  }
0x32c: {  	v1 =	vmctz.xlane vm13;
	_ =	sdelay $0x1  }
0x32d: {  	vm0 =	veq.s32 v1, v17  }
0x32e: {  	v11 =	vsel vm0, $0x7F61B1E6, v11  }
0x32f: {  	(xrf0) =	vmin.scan.msk.f32 $0xffff, v11;
	_ =	sdelay $0x5  }
0x330: {  	v11, _, _ =	vpop (xrf0)  }
0x331: {  	v11 =	vbroadcast v11, $0xF  }
0x332: {  	vm14 =	veq.s32 v2, v17  }
0x333: {  	v0 =	vsel vm14, v11, v0  }
0x334: {  	(xrf0) =	vmin.scan.msk.f32 $0xffff, v0  }
0x335: {  	v0 =	vshll.u32 v1, $0xA  }
0x336: {  	v0 =	vadd.s32 v0, v10;
	_ =	sdelay $0x1  }
0x337: {  	p0 =	sne.s32 s0, $0xF;
	v12 =	vmov s1  }
.Ltmp5:
0x338: {  	v2 =	vshll.u32 v2, $0x4;
	(pc) =	sbr.rel @p0 .LBB2_13-.Ltmp5, $4  }
0x339: {  	v2 =	vadd.s32 v15, v2;
	v13, _, _ =	vpop (xrf0)  }
0x33a: {  	v14 =	vmov s0;
	s31 =	sshll.u32 s31, $0x8;
	v1 =	vadd.s32 v1, v2;
	[tilespmem:v0+s24+$0x0] =	vst.idx.msk $0x1, v16;
	v0 =	vbroadcast v13, $0xF  }
0x33b: {  	vm15 =	veq.s32 v14, v17;
	v1 =	vadd.s32 s31, v1;
	[tilespmem:v10+s23+$0x0] =	vst.idx.msk $0x1, v11  }
0x33c: {  	s0 =	sadd.s32 $0x1, s0;
	v9 =	vsel vm15, v1, v9;
	[tilespmem:v12+s25+$0x0] =	vst.idx.msk $0x1, v0  }
0x33d: {  	[tilespmem:s30+$0x14690] =	vst v9;
	s0 =	simm.s32 $0x0;
	v9 =	vimm.s32 $0x0  }
.LBB2_15:
0x33e: {  	v0 =	vld [tilespmem:$0x14600];
	_ =	sdelay $0x1  }
0x33f: {  	v1 =	vld [tilespmem:$0x14610];
	_ =	sdelay $0x1  }
0x340: {  	v2 =	vld [tilespmem:$0x14620]  }
0x341: {  	vm0 =	vlt.f32 v0, $3.000000010e+38  }
0x342: {  	v10 =	vld [tilespmem:$0x14630];
	v0 =	vnsel vm0, $0x7F61B1E6, v0  }
0x343: {  	vm0 =	vlt.f32 v1, v0  }
0x344: {  	v0 =	vsel vm0, v1, v0  }
0x345: {  	vm1 =	vlt.f32 v2, v0  }
0x346: {  	v0 =	vsel vm1, v2, v0  }
0x347: {  	vm2 =	vlt.f32 v10, v0  }
0x348: {  	v0 =	vsel vm2, v10, v0  }
0x349: {  	(xrf0) =	vmin.scan.msk.f32 $0xffff, v0;
	_ =	sdelay $0x5  }
0x34a: {  	v1, _, _ =	vpop (xrf0)  }
0x34b: {  	v2 =	vsel vm0, v4, v3;
	v1 =	vbroadcast v1, $0xF  }
0x34c: {  	v2 =	vsel vm1, v5, v2  }
0x34d: {  	vm11 =	veq.f32 v0, v1;
	v0 =	vsel vm2, v6, v2  }
0x34e: {  	v0 =	vnsel vm11, $0x80000400, v0  }
0x34f: {  	(xrf0) =	vmin.scan.msk.u32 $0xffff, v0;
	_ =	sdelay $0x5  }
0x350: {  	v0, _, _ =	vpop (xrf0)  }
0x351: {  	(v2sf) =	vpush v0, $0xF;
	_ =	sdelay $0xe  }
0x352: {  	s1 =	spop (v2sf)  }
0x353: {  	s31 =	sxor.u32 $0x80000000, s1  }
0x354: {  	v0 =	vadd.s32 s31, v7;
	_ =	sdelay $0x4  }
0x355: {  	v0 =	vld.idx.msk [tilespmem:v0+s23+$0x0], $0xffff;
	_ =	sdelay $0x4  }
0x356: {  	vm12 =	veq.f32 v0, v1  }
0x357: {  	v2 =	vmctz.xlane vm12;
	_ =	sdelay $0x1  }
0x358: {  	v10 =	vshll.u32 v2, $0x6  }
0x359: {  	v10 =	vadd.s32 s31, v10  }
0x35a: {  	v11 =	vadd.s32 v8, v10;
	_ =	sdelay $0x4  }
0x35b: {  	v11 =	vld.idx.msk [tilespmem:v11+s24+$0x0], $0xffff;
	_ =	sdelay $0x4  }
0x35c: {  	vm13 =	veq.f32 v11, v1  }
0x35d: {  	v1 =	vmctz.xlane vm13;
	_ =	sdelay $0x1  }
0x35e: {  	vm0 =	veq.s32 v1, v17  }
0x35f: {  	v11 =	vsel vm0, $0x7F61B1E6, v11  }
0x360: {  	(xrf0) =	vmin.scan.msk.f32 $0xffff, v11;
	_ =	sdelay $0x5  }
0x361: {  	v11, _, _ =	vpop (xrf0)  }
0x362: {  	v11 =	vbroadcast v11, $0xF  }
0x363: {  	vm14 =	veq.s32 v2, v17  }
0x364: {  	v0 =	vsel vm14, v11, v0  }
0x365: {  	(xrf0) =	vmin.scan.msk.f32 $0xffff, v0  }
0x366: {  	v0 =	vshll.u32 v1, $0xA  }
0x367: {  	v0 =	vadd.s32 v0, v10;
	_ =	sdelay $0x1  }
0x368: {  	p0 =	sne.s32 s0, $0xF;
	v12 =	vmov s31  }
.Ltmp6:
0x369: {  	v2 =	vshll.u32 v2, $0x4;
	(pc) =	sbr.rel @p0 .LBB2_15-.Ltmp6, $4  }
0x36a: {  	v2 =	vadd.s32 v15, v2;
	v13, _, _ =	vpop (xrf0)  }
0x36b: {  	v14 =	vmov s0;
	s1 =	sshll.u32 s1, $0x8;
	v1 =	vadd.s32 v1, v2;
	[tilespmem:v0+s24+$0x0] =	vst.idx.msk $0x1, v16;
	v0 =	vbroadcast v13, $0xF  }
0x36c: {  	vm15 =	veq.s32 v14, v17;
	v1 =	vadd.s32 s1, v1;
	[tilespmem:v10+s23+$0x0] =	vst.idx.msk $0x1, v11  }
0x36d: {  	s0 =	sadd.s32 $0x1, s0;
	v9 =	vsel vm15, v1, v9;
	[tilespmem:v12+s25+$0x0] =	vst.idx.msk $0x1, v0  }
0x36e: {  	[tilespmem:s30+$0x146A0] =	vst v9;
	s0 =	simm.s32 $0x0;
	p0 =	por $0x1, $0x1;
	v9 =	vimm.s32 $0x0  }
.LBB2_17:
0x36f: {  	v0 =	vld [tilespmem:$0x14600];
	_ =	sdelay $0x1  }
0x370: {  	v1 =	vld [tilespmem:$0x14610];
	_ =	sdelay $0x1  }
0x371: {  	v2 =	vld [tilespmem:$0x14620]  }
0x372: {  	vm0 =	vlt.f32 v0, $3.000000010e+38  }
0x373: {  	v10 =	vld [tilespmem:$0x14630];
	v0 =	vnsel vm0, $0x7F61B1E6, v0  }
0x374: {  	vm0 =	vlt.f32 v1, v0  }
0x375: {  	v0 =	vsel vm0, v1, v0  }
0x376: {  	vm1 =	vlt.f32 v2, v0  }
0x377: {  	v0 =	vsel vm1, v2, v0  }
0x378: {  	vm2 =	vlt.f32 v10, v0  }
0x379: {  	v0 =	vsel vm2, v10, v0  }
0x37a: {  	(xrf0) =	vmin.scan.msk.f32 $0xffff, v0;
	_ =	sdelay $0x5  }
0x37b: {  	v1, _, _ =	vpop (xrf0)  }
0x37c: {  	v2 =	vsel vm0, v4, v3;
	v1 =	vbroadcast v1, $0xF  }
0x37d: {  	v2 =	vsel vm1, v5, v2  }
0x37e: {  	vm11 =	veq.f32 v0, v1;
	v0 =	vsel vm2, v6, v2  }
0x37f: {  	v0 =	vnsel vm11, $0x80000400, v0  }
0x380: {  	(xrf0) =	vmin.scan.msk.u32 $0xffff, v0;
	_ =	sdelay $0x5  }
0x381: {  	v0, _, _ =	vpop (xrf0)  }
0x382: {  	(v2sf) =	vpush v0, $0xF;
	_ =	sdelay $0xe  }
0x383: {  	s1 =	spop (v2sf)  }
0x384: {  	s31 =	sxor.u32 $0x80000000, s1  }
0x385: {  	v0 =	vadd.s32 s31, v7;
	_ =	sdelay $0x4  }
0x386: {  	v0 =	vld.idx.msk [tilespmem:v0+s23+$0x0], $0xffff;
	_ =	sdelay $0x4  }
0x387: {  	vm12 =	veq.f32 v0, v1  }
0x388: {  	v2 =	vmctz.xlane vm12;
	_ =	sdelay $0x1  }
0x389: {  	v10 =	vshll.u32 v2, $0x6  }
0x38a: {  	v10 =	vadd.s32 s31, v10  }
0x38b: {  	v11 =	vadd.s32 v8, v10;
	_ =	sdelay $0x4  }
0x38c: {  	v11 =	vld.idx.msk [tilespmem:v11+s24+$0x0], $0xffff;
	_ =	sdelay $0x4  }
0x38d: {  	vm13 =	veq.f32 v11, v1  }
0x38e: {  	v1 =	vmctz.xlane vm13;
	_ =	sdelay $0x1  }
0x38f: {  	vm0 =	veq.s32 v1, v17  }
0x390: {  	v11 =	vsel vm0, $0x7F61B1E6, v11  }
0x391: {  	(xrf0) =	vmin.scan.msk.f32 $0xffff, v11;
	_ =	sdelay $0x5  }
0x392: {  	v11, _, _ =	vpop (xrf0)  }
0x393: {  	v11 =	vbroadcast v11, $0xF  }
0x394: {  	vm14 =	veq.s32 v2, v17  }
0x395: {  	v0 =	vsel vm14, v11, v0  }
0x396: {  	(xrf0) =	vmin.scan.msk.f32 $0xffff, v0  }
0x397: {  	v0 =	vshll.u32 v1, $0xA  }
0x398: {  	v0 =	vadd.s32 v0, v10;
	_ =	sdelay $0x1  }
0x399: {  	p1 =	por p0, p0;
	v12 =	vmov s31  }
.Ltmp7:
0x39a: {  	v2 =	vshll.u32 v2, $0x4;
	(pc) =	sbr.rel @p1 .LBB2_17-.Ltmp7, $4  }
0x39b: {  	v2 =	vadd.s32 v15, v2;
	v13, _, _ =	vpop (xrf0)  }
0x39c: {  	v14 =	vmov s0;
	s1 =	sshll.u32 s1, $0x8;
	v1 =	vadd.s32 v1, v2;
	[tilespmem:v0+s24+$0x0] =	vst.idx.msk $0x1, v16;
	v0 =	vbroadcast v13, $0xF  }
0x39d: {  	vm15 =	veq.s32 v14, v17;
	v1 =	vadd.s32 s1, v1;
	[tilespmem:v10+s23+$0x0] =	vst.idx.msk $0x1, v11  }
0x39e: {  	s0 =	simm.s32 $0x1;
	p0 =	por $0x0, $0x0;
	v9 =	vsel vm15, v1, v9;
	[tilespmem:v12+s25+$0x0] =	vst.idx.msk $0x1, v0  }
0x39f: {  	s29 =	sadd.s32 $0x1, s29  }
0x3a0: {  	p0 =	sne.s32 s29, $0x40  }
.Ltmp8:
0x3a1: {  	_ = 	snop;
	(pc) =	sbr.rel @p0 .LBB2_2-.Ltmp8, $2  }
0x3a2: {  	_ =	sdelay $0x2  }
0x3a3: {  	[tilespmem:s30+$0x146B0] =	vst.msk $0x3, v9  }
0x3a4: {  	s28 =	sadd.s32 $0x1, s28  }
0x3a5: {  	p0 =	sne.s32 s28, s12  }
.Ltmp9:
0x3a6: {  	_ = 	snop;
	(pc) =	sbr.rel @p0 .LBB2_1-.Ltmp9, $4  }
0x3a7: {  	[hbm4b:s11+s2] =	stream.linear.scatter [tilespmem:s26], [sflag:$0x1], $0xC80, $0x38;
	[tilespmem:$0x15380] =	vst v63  }
0x3a8: {  	_ =	swait.ge [sflag:s15], $0xC80  }
0x3a9: {  	[sflag:s15] =	ssyncset.done $0x0  }
0x3aa: {  	[sflag:s15] =	ssyncadd.s32 $0xFFFFF380  }
0x3ab: {  	_ =	sfence.sel $0x180000  }
0x3ac: {  	[bflag:$0x0] =	sbarrier.arrive $0xFFFF  }
0x3ad: {  	_ =	strace $0x90000047  }
0x3ae: {  	s0 =	stileid.u32;
	[bflag:$0x2] =	sbarrier.arrive $0xFFFF  }
0x3af: {  	p0 =	sne.s32 s0, $0x0;
	s0 =	rddreg [dreg:$0x2]  }
0x3b0: {  	s0 =	sadd.s32 @!p0 $0x100000, s0  }
0x3b1: {  	[sflag:s0] =	ssyncadd.tile.s32 @!p0 $0x1;
	_ =	shalt  }
.Lfunc_end2:
_tile_overlayer_lowered:
.L_overlay_start_2:
0x3b2: {  	(tag) =	ssettag $0x2  }
0x3b3: {  	s0 =	rddreg [dreg:$0x0];
	s2 =	stileid.u32  }
0x3b4: {  	s1 =	rddreg [dreg:$0x1];
	p0 =	sne.s32 s2, $0x0  }
0x3b5: {  	s3 =	rddreg [dreg:$0x2];
	[bflag:$0x3] =	sbarrier.arrive $0xFFFF;
	s2 =	simm.s32 @!p0 $0x1C01  }
0x3b6: {  	[timem:s3], [sflag:s2] =	dma.local @!p0 [hbm:s0], s1  }
0x3b7: {  	s0 =	simm.s32 @!p0 $0x1  }
0x3b8: {  	_ =	swait.ge @!p0 [sflag:s0], s1  }
0x3b9: {  	s1 =	ssub.s32 @!p0 $0x0, s1;
	[sflag:s0] =	ssyncset.done @!p0 $0x0  }
0x3ba: {  	[sflag:s0] =	ssyncadd.s32 @!p0 s1  }
0x3bb: {  	[bflag:$0x3] =	sbarrier.arrive $0xFFFF  }
0x3bc: {  	_ =	shalt  }

// kernel: sparse-core-data-format-call.cloned.1.call-start
scs
called_computation_lowered:
.L_overlay_start_0:
0x0: {  	s2 =	sld [smem:$0x3FD9]  }
0x1: {  	s3 =	sld [smem:$0x3FFE];
	_ =	sdelay $0x1  }
0x2: {  	s1 =	srdreg.scid  }
0x3: {  	s0 =	sand.u32 $0x1, s1  }
0x4: {  	s18 =	sshll.u32 s0, $0xA;
	s2 =	sadd.s32 s3, s2  }
0x5: {  	s2 =	sadd.s32 s2, s18  }
0x6: {  	[smem:$0x3FBD] =	sst s2  }
0x7: {  	_ = 	snop  }
0x8: {  	s2 =	sld [smem:$0x3FD0];
	(tm) =	ssettm $0x1  }
0x9: {  	s19 =	sld [smem:$0x3FFB];
	_ =	sdelay $0x3  }
0xa: {  	_ =	strace s19  }
0xb: {  	s3 =	sld [smem:$0x3FFC];
	_ =	sdelay $0x3  }
0xc: {  	_ =	strace s3  }
0xd: {  	s3 =	sld [smem:$0x3FFD];
	_ =	sdelay $0x3  }
0xe: {  	_ =	strace s3  }
0xf: {  	_ =	strace $0x8FFFFFFF  }
0x10: {  	s20 =	sld [smem:$0x3FDB];
	_ =	sdelay $0x1  }
0x11: {  	s4 =	simm.s32 $_scs_section_size  }
0x12: {  	s5 =	simm.s32 $_size__tile_overlayer_lowered;
	s6 =	simm.s32 $_tile_overlayer_lowered  }
0x13: {  	s23 =	simm.s32 $0x1BFF;
	s22 =	sshll.u32 s6, $0x1;
	s3 =	sadd.s32 s4, s20  }
0x14: {  	s7 =	simm.s32 $0x0;
	s21 =	sshll.u32 s5, $0x1;
	s5 =	sadd.s32 s22, s3  }
0x15: {  	[timem:s7], [sflag:s23] =	dma.local [hbm:s5], s21  }
0x16: {  	_ =	swait.ge [sflag:s23], s21  }
0x17: {  	s4 =	ssub.s32 $0x0, s21;
	[sflag:s23] =	ssyncset.done $0x0  }
0x18: {  	[sflag:s23] =	ssyncadd.s32 s4;
	_ =	sdelay $0x1  }
0x19: {  	s24 =	simm.s32 $0x1B8B  }
0x1a: {  	_ =	swait.ge [sflag:s24], $0x1  }
0x1b: {  	[sflag:s24] =	ssyncset.done $0x0  }
0x1c: {  	s26 =	simm.s32 $0x1B8E;
	s25 =	sld [smem:$0x3FFE];
	[sflag:s24] =	ssyncadd.s32 $0xFFFFFFFF  }
0x1d: {  	s27 =	simm.s32 $execute0_lowered;
	[smem:$0x3FD2] =	sst s26  }
0x1e: {  	s5 =	sshll.u32 s27, $0x1;
	_ =	strace $0x8000004C;
	[dreg:$0x1] =	wrdreg $0xFFFFFFFF  }
0x1f: {  	s28 =	simm.s32 $_size_execute0_lowered;
	s3 =	sadd.s32 s3, s5;
	[dreg:$0x0] =	wrdreg $0x0  }
0x20: {  	s5 =	sshll.u32 s28, $0x1;
	[dreg:$0x2] =	wrdreg s3  }
0x21: {  	[dreg:$0x3] =	wrdreg s5  }
0x22: {  	[dreg:$0x4] =	wrdreg $0xC0  }
0x23: {  	_ =	task [dreg:s7], $0x5FFFF  }
0x24: {  	[dreg:$0x1] =	wrdreg $0xFFFFFFFF  }
0x25: {  	[dreg:$0x0] =	wrdreg $0x60  }
0x26: {  	[dreg:$0x2] =	wrdreg s25  }
0x27: {  	[dreg:$0x3] =	wrdreg s2  }
0x28: {  	[dreg:$0x4] =	wrdreg $0x9  }
0x29: {  	_ =	task.clear_ibuf [dreg:s7], $0x5FFFF;
	_ =	strace $0x9000004C  }
0x2a: {  	s29 =	simm.s32 $0x9;
	_ =	strace $0x8000004E  }
0x2b: {  	_ =	swait.ge [sflag:s29], $0x1  }
0x2c: {  	[sflag:s29] =	ssyncadd.s32 $0xFFFFFFFF  }
0x2d: {  	_ =	strace $0x9000004E  }
0x2e: {  	_ =	sfence  }
0x2f: {  	s30 =	sld [smem:$0x0];
	_ =	sdelay $0x2  }
0x30: {  	s31 =	sshll.u32 s1, $0xD;
	s1 =	sshrl.u32 s1, $0x2  }
0x31: {  	s3 =	sand.u32 $0x4000, s31;
	s1 =	sadd.s32 s1, s30  }
0x32: {  	s0 =	sor.u32 s3, s0;
	s1 =	sshll.u32 s1, $0x11  }
0x33: {  	s0 =	sor.u32 s1, s0  }
0x34: {  	s0 =	sadd.s32 $0x8F2B, s0  }
0x35: {  	[sflag:s0] =	ssyncadd.remote.s32 $0x1  }
0x36: {  	_ =	sfence.sel $0xFFFF  }
0x37: {  	[dreg:$0x0] =	wrdreg $0xFFFFFFFF;
	(pc) =	sbr.abs _section_cstart, $3  }
0x38: {  	[dreg:$0x1] =	wrdreg $0xFFFFFFFF  }
0x39: {  	_ =	task.clear_ibuf [dreg:s7], $0x2FFFF;
	_ =	strace $0x9FFFFFFF  }
0x3a: {  	(tm) =	ssettm $0x7FFFFFFF  }
0x3b: {  	_ =	shalt  }
tec
execute0_lowered:
.L_overlay_start_1:
0x0: {  	(tag) =	ssettag $0x1  }
0x1: {  	s0 =	stileid.u32;
	s1 =	srdreg.scid  }
0x2: {  	s2 =	sshll.u32 s0, $0x5;
	s1 =	sshll.u32 s1, $0x9  }
0x3: {  	s1 =	sor.u32 s2, s1  }
0x4: {  	s7 =	rddreg [dreg:$0x0];
	s1 =	sand.u32 $0x3C0, s1  }
0x5: {  	s8 =	simm.s32 $0x2;
	s2 =	sand.u32 $0x1, s0;
	s3 =	ssub.s32 $0x400, s1  }
0x6: {  	s15 =	simm.s32 $0x0;
	s4 =	ssub.s32 $0x2, s2;
	s5 =	sand.u32 $0x3C0, s3  }
0x7: {  	s6 =	sshrl.u32 s4, $0x1;
	p0 =	sne.s32 s5, $0x0;
	s5 =	simm.s32 $0x1  }
0x8: {  	s4 =	sand.u32 $0x1, s4;
	s3 =	sshrl.u32 s3, $0xA;
	s5 =	simm.s32 @!p0 $0x0  }
0x9: {  	s9 =	simm.s32 $0x2000;
	s6 =	sadd.s32 s4, s6;
	s3 =	sadd.s32 s5, s3  }
0xa: {  	s10 =	simm.s32 $0x20000;
	s16 =	simm.s32 $0x0;
	s6 =	smul.u32 s3, s6  }
.Ltmp0:
0xb: {  	s17 =	simm.s32 $0x0;
	s11 =	simm.s32 $0x0;
	(pc) =	sbr.rel .LBB1_1-.Ltmp0, $4  }
0xc: {  	s14 =	simm.s32 $0x0;
	s4 =	rddreg [dreg:$0x1];
	s5 =	simm.s32 $0x1  }
0xd: {  	s3 =	rddreg [dreg:$0x2];
	_ =	strace $0x8000004D;
	s6 =	smul.u32 $0x19, s6  }
0xe: {  	s7 =	sadd.s32 $0x1E00, s7;
	s13 =	smov.u32 s2;
	[sflag:s5] =	ssyncpa.u1 $0x0  }
0xf: {  	s12 =	smov.u32 s1;
	[sflag:s8] =	ssyncpa.u1 $0x0;
	s8 =	sadd.s32 $0x1, s6  }
.LBB1_7:
0x10: {  	s18 =	sadd.s32 $0x2, s11  }
0x11: {  	s15 =	sadd.s32 $0x400, s12;
	s19 =	smov.u32 s12;
	p1 =	sgt.s32 s18, $0x31  }
0x12: {  	s19 =	smov.u32 @p1 s15  }
0x13: {  	s21 =	smov.u32 s13;
	s15 =	sadd.s32 $0x2, s13;
	p2 =	sgt.s32 s19, $0x3FF  }
0x14: {  	s21 =	smov.u32 @p2 s15  }
0x15: {  	s18 =	simm.s32 @p1 $0x0;
	p1 =	sgt.s32 s21, $0x1  }
0x16: {  	p0 =	slt.u32 s14, $0x2;
	s21 =	smov.u32 @p1 s2;
	p1 =	sne.s32 s14, s8  }
.Ltmp1:
0x17: {  	s20 =	simm.s32 @!p0 $0x2;
	(pc) =	sbr.rel @!p1 .LBB1_8-.Ltmp1, $4  }
0x18: {  	s16 =	smov.u32 s12;
	_ =	swait.ge @!p0 [sflag:s20], $0x4000  }
0x19: {  	s17 =	smov.u32 s13;
	[sflag:s20] =	ssyncset.done @!p0 $0x0;
	s19 =	smov.u32 @p2 s1  }
0x1a: {  	s15 =	smov.u32 s11;
	[sflag:s20] =	ssyncadd.s32 @!p0 $0xFFFFC000;
	s11 =	smov.u32 s18  }
0x1b: {  	s12 =	smov.u32 s19;
	s14 =	sadd.s32 $0x1, s14;
	s13 =	smov.u32 s21  }
.LBB1_1:
0x1c: {  	p0 =	sge.u32 s14, s6  }
0x1d: {  	s18 =	sand.u32 @!p0 $0x1FFFFFF, s11;
	s20 =	smul.u32 @!p0 $0xE0000, s13  }
0x1e: {  	s19 =	smulhi.u32 @!p0 $0x4924925, s18  }
0x1f: {  	s22 =	smul.u32 @!p0 $0x380, s12  }
0x20: {  	s19 =	smul.u32 @!p0 $0x38, s19  }
0x21: {  	s31 =	sadd.s32 $0xFFFFFFFF, s14;
	s20 =	sadd.s32 @!p0 s7, s20  }
0x22: {  	s21 =	sxor.u32 @!p0 $0xFFFFFFFF, s14;
	s20 =	sadd.s32 @!p0 s22, s20;
	s18 =	ssub.s32 @!p0 s18, s19  }
0x23: {  	s19 =	sshll.u32 @!p0 s21, $0xE;
	s21 =	simm.s32 @!p0 $0x1C00;
	s18 =	sshll.u32 @!p0 s18, $0x4  }
0x24: {  	s19 =	sand.u32 @!p0 $0x4000, s19;
	s18 =	sadd.s32 @!p0 s18, s20;
	s20 =	simm.s32 @!p0 $0x100  }
0x25: {  	[tilespmem:s19], [sflag:$0x1] =	stream.strided.gather @!p0 [hbm4b:s18+s20], $0x4000, s21, s20, $0x38;
	[tilespmem:$0x10000] =	vst v63  }
0x26: {  	p0 =	sge.u32 s31, s6  }
.Ltmp2:
0x27: {  	_ = 	snop;
	(pc) =	sbr.rel @p0 .LBB1_7-.Ltmp2, $1  }
0x28: {  	_ =	sdelay $0x3  }
0x29: {  	_ =	swait.ge [sflag:s5], $0x4000;
	s18 =	sshll.u32 s14, $0xE  }
0x2a: {  	[sflag:s5] =	ssyncset.done $0x0;
	s19 =	sand.u32 $0x4000, s18  }
0x2b: {  	s20 =	simm.s32 $0x0;
	[sflag:s5] =	ssyncadd.s32 $0xFFFFC000;
	s18 =	sor.u32 $0x8000, s19  }
.LBB1_3:
0x2c: {  	s21 =	sshll.u32 s20, $0x8  }
0x2d: {  	s21 =	sand.u32 $0x3FFFFF00, s21  }
0x2e: {  	s22 =	sshll.u32 s20, $0x7;
	s21 =	sadd.s32 s21, s19  }
0x2f: {  	s22 =	sand.u32 $0x3FFFFF80, s22;
	v0 =	vmov s21  }
0x30: {  	s22 =	sadd.s32 s22, s18  }
0x31: {  	p0 =	por $0x1, $0x1;
	v1 =	vmov s22;
	s21 =	simm.s32 $0x0  }
.LBB1_4:
0x32: {  	s22 =	sshll.u32 s21, $0x7  }
0x33: {  	s22 =	sand.u32 $0x3FFFFF80, s22  }
0x34: {  	v2 =	vld.idx.msk [tilespmem:v0+s22+$0x0 ss:$0x1], $0xffff  }
0x35: {  	v3 =	vld.idx.msk [tilespmem:v0+s22+$0x10 ss:$0x1], $0xffff  }
0x36: {  	v4 =	vld.idx.msk [tilespmem:v0+s22+$0x20 ss:$0x1], $0xffff  }
0x37: {  	s31 =	sshll.u32 s21, $0xD;
	v5 =	vld.idx.msk [tilespmem:v0+s22+$0x30 ss:$0x1], $0xffff  }
0x38: {  	s21 =	sand.u32 $0x3FFFE000, s31;
	v6 =	vld.idx.msk [tilespmem:v0+s22+$0x40 ss:$0x1], $0xffff  }
0x39: {  	v63 =	vld.idx.msk [tilespmem:v0+s22+$0x70 ss:$0x1], $0xffff;
	[tilespmem:v1+s21+$0x0 ss:$0x1] =	vst.idx.msk $0xffff, v2  }
0x3a: {  	v2 =	vld.idx.msk [tilespmem:v0+s22+$0x50 ss:$0x1], $0xffff;
	[tilespmem:v1+s21+$0x10 ss:$0x1] =	vst.idx.msk $0xffff, v3  }
0x3b: {  	p1 =	por p0, p0;
	v3 =	vld.idx.msk [tilespmem:v0+s22+$0x60 ss:$0x1], $0xffff;
	[tilespmem:v1+s21+$0x20 ss:$0x1] =	vst.idx.msk $0xffff, v4  }
.Ltmp3:
0x3c: {  	[tilespmem:v1+s21+$0x30 ss:$0x1] =	vst.idx.msk $0xffff, v5;
	(pc) =	sbr.rel @p1 .LBB1_4-.Ltmp3, $4  }
0x3d: {  	[tilespmem:v1+s21+$0x40 ss:$0x1] =	vst.idx.msk $0xffff, v6  }
0x3e: {  	[tilespmem:v1+s21+$0x70 ss:$0x1] =	vst.idx.msk $0xffff, v63  }
0x3f: {  	[tilespmem:v1+s21+$0x50 ss:$0x1] =	vst.idx.msk $0xffff, v2  }
0x40: {  	p0 =	por $0x0, $0x0;
	[tilespmem:v1+s21+$0x60 ss:$0x1] =	vst.idx.msk $0xffff, v3;
	s21 =	simm.s32 $0x1  }
0x41: {  	s20 =	sadd.s32 $0x1, s20  }
0x42: {  	p0 =	sne.s32 s20, $0x40  }
.Ltmp4:
0x43: {  	_ = 	snop;
	(pc) =	sbr.rel @p0 .LBB1_3-.Ltmp4, $1  }
0x44: {  	_ =	sdelay $0x3  }
0x45: {  	s17 =	smul.u32 $0xC8000, s17  }
.Ltmp5:
0x46: {  	_ = 	snop;
	(pc) =	sbr.rel .LBB1_7-.Ltmp5, $4  }
0x47: {  	s15 =	sshll.u32 s15, $0xE;
	s16 =	sshll.u32 s16, $0x4;
	s17 =	sadd.s32 s4, s17  }
0x48: {  	s16 =	sand.u32 $0x3FF0, s16;
	s15 =	sadd.s32 s15, s17  }
0x49: {  	s15 =	sadd.s32 s16, s15  }
0x4a: {  	[hbm4b:s15+s9] =	stream.strided.scatter [tilespmem:s18], [sflag:$0x2], $0x4000, s10, s9, $0x38;
	[tilespmem:$0x10000] =	vst v63  }
.LBB1_8:
0x4b: {  	_ =	sfence.sel $0x180000  }
0x4c: {  	s1 =	simm.s32 $0x1;
	[bflag:$0x0] =	sbarrier.arrive $0xFFFF  }
0x4d: {  	s31 =	simm.s32 $0x2;
	[sflag:s1] =	ssyncpa.u1 $0x1  }
0x4e: {  	[sflag:s31] =	ssyncpa.u1 $0x1  }
0x4f: {  	p0 =	sne.s32 s0, $0x0;
	_ =	strace $0x9000004D  }
0x50: {  	s0 =	sadd.s32 @!p0 $0x100000, s3;
	[bflag:$0x2] =	sbarrier.arrive $0xFFFF  }
0x51: {  	[sflag:s0] =	ssyncadd.tile.s32 @!p0 $0x1;
	_ =	shalt  }
.Lfunc_end1:
_tile_overlayer_lowered:
.L_overlay_start_2:
0x52: {  	(tag) =	ssettag $0x2  }
0x53: {  	s0 =	rddreg [dreg:$0x0];
	s2 =	stileid.u32  }
0x54: {  	s1 =	rddreg [dreg:$0x1];
	p0 =	sne.s32 s2, $0x0  }
0x55: {  	s3 =	rddreg [dreg:$0x2];
	[bflag:$0x3] =	sbarrier.arrive $0xFFFF;
	s2 =	simm.s32 @!p0 $0x1C01  }
0x56: {  	[timem:s3], [sflag:s2] =	dma.local @!p0 [hbm:s0], s1  }
0x57: {  	s0 =	simm.s32 @!p0 $0x1  }
0x58: {  	_ =	swait.ge @!p0 [sflag:s0], s1  }
0x59: {  	s1 =	ssub.s32 @!p0 $0x0, s1;
	[sflag:s0] =	ssyncset.done @!p0 $0x0  }
0x5a: {  	[sflag:s0] =	ssyncadd.s32 @!p0 s1  }
0x5b: {  	[bflag:$0x3] =	sbarrier.arrive $0xFFFF  }
0x5c: {  	_ =	shalt  }

</sc_bundles>
